<compile_context>
chip_gen: v7x
topology: tpu7x:2x2x1
jax: 0.10.2.dev20260603
libtpu: 0.0.44.dev20260713+nightly
codegen_flags: <defaults>
</compile_context>

<pallas_src>
import functools

import jax
import jax.numpy as jnp
from jax import lax
from jax.experimental import pallas as pl
from jax.experimental.pallas import tpu as pltpu
from jax.experimental.pallas import tpu_sc as plsc

F32 = jnp.float32

N_NODES = 100000
IN_D = 128
D = 32
HALF = 16

R = 4000

CH = 128
WV = 4
BLK = 40
N_TILES = 16
ACC_ROWS = 102400
WROWS = 6256
OUT_N = N_TILES * WROWS


def _relu(x):
    return jnp.maximum(x, 0.0)


def _dot(a, b):
    return jnp.dot(a, b, preferred_element_type=F32)


def _logaddexp0(x):
    return jnp.maximum(x, 0.0) + jnp.log1p(jnp.exp(-jnp.abs(x)))


def _full(shape):
    return pl.BlockSpec(shape, lambda i: tuple(0 for _ in shape))


def _stage_a_body(f_ref, p_ref, e0W, e0b, e1W, e1b, d0W, d0b, d1W, d1b,
                  w1, b1, w2, b2, w3, b3,
                  h2_ref, sse_ref, spos_ref):
    i = pl.program_id(0)
    f = f_ref[...]
    h = _relu(_dot(f, e0W[...]) + e0b[...])
    h = _relu(_dot(h, e1W[...]) + e1b[...])
    h2_ref[0] = h[:, :HALF]
    h2_ref[1] = h[:, HALF:]
    out = _relu(_dot(h, d0W[...]) + d0b[...])
    out = _relu(_dot(out, d1W[...]) + d1b[...])
    t = _relu(_dot(p_ref[...], w1[...]) + b1[...])
    t = _relu(_dot(t, w2[...]) + b2[...])
    x = _dot(t, w3[...]) + b3[...]

    @pl.when(i == 0)
    def _():
        sse_ref[...] = jnp.zeros_like(sse_ref)
        spos_ref[...] = jnp.zeros_like(spos_ref)

    d = out - f
    sse_ref[...] = sse_ref[...] + jnp.sum(d * d)
    spos_ref[...] = spos_ref[...] + jnp.sum(_logaddexp0(x) - x)


def _stage_a(features, pos, ae, disc):
    grid = (N_NODES // R,)
    out_shapes = (
        jax.ShapeDtypeStruct((2, N_NODES, HALF), F32),
        jax.ShapeDtypeStruct((1, 1), F32),
        jax.ShapeDtypeStruct((1, 1), F32),
    )
    in_specs = [
        pl.BlockSpec((R, IN_D), lambda i: (i, 0)),
        pl.BlockSpec((R, D), lambda i: (i, 0)),
        _full((IN_D, D)), _full((1, D)),
        _full((D, D)), _full((1, D)),
        _full((D, D)), _full((1, D)),
        _full((D, IN_D)), _full((1, IN_D)),
        _full((D, D)), _full((1, D)),
        _full((D, D)), _full((1, D)),
        _full((D, 1)), _full((1, 1)),
    ]
    out_specs = (
        pl.BlockSpec((2, R, HALF), lambda i: (0, i, 0)),
        pl.BlockSpec((1, 1), lambda i: (0, 0)),
        pl.BlockSpec((1, 1), lambda i: (0, 0)),
    )
    return pl.pallas_call(
        _stage_a_body, grid=grid, in_specs=in_specs, out_specs=out_specs,
        out_shape=out_shapes)(
            features, pos,
            ae['e0W'], ae['e0b'].reshape(1, D),
            ae['e1W'], ae['e1b'].reshape(1, D),
            ae['d0W'], ae['d0b'].reshape(1, D),
            ae['d1W'], ae['d1b'].reshape(1, IN_D),
            disc['W1'], disc['b1'].reshape(1, D),
            disc['W2'], disc['b2'].reshape(1, D),
            disc['W3'], disc['b3'].reshape(1, 1))


def _gin1_body(hlo, hhi, alo, ahi, eps, W1, b1, t_ref, s1_ref, s2_ref):
    i = pl.program_id(0)
    e = 1.0 + eps[0, 0]
    z = jnp.concatenate(
        [e * hlo[0] + alo[0], e * hhi[0] + ahi[0]], axis=1)
    t = _dot(z, W1[...]) + b1[...]
    t_ref[...] = t

    @pl.when(i == 0)
    def _():
        s1_ref[...] = jnp.zeros_like(s1_ref)
        s2_ref[...] = jnp.zeros_like(s2_ref)

    s1_ref[...] += jnp.sum(t, axis=0, keepdims=True)
    s2_ref[...] += jnp.sum(t * t, axis=0, keepdims=True)


def _gin_stage1(h2, agg2, eps, W1, b1):
    grid = (N_NODES // R,)
    half_lo = pl.BlockSpec((1, R, HALF), lambda i: (0, i, 0))
    half_hi = pl.BlockSpec((1, R, HALF), lambda i: (1, i, 0))
    in_specs = [half_lo, half_hi, half_lo, half_hi,
                _full((1, 1)), _full((D, D)), _full((1, D))]
    out_shapes = (
        jax.ShapeDtypeStruct((N_NODES, D), F32),
        jax.ShapeDtypeStruct((1, D), F32),
        jax.ShapeDtypeStruct((1, D), F32),
    )
    out_specs = (
        pl.BlockSpec((R, D), lambda i: (i, 0)),
        pl.BlockSpec((1, D), lambda i: (0, 0)),
        pl.BlockSpec((1, D), lambda i: (0, 0)),
    )
    return pl.pallas_call(
        _gin1_body, grid=grid, in_specs=in_specs, out_specs=out_specs,
        out_shape=out_shapes)(
            h2, h2, agg2, agg2, eps.reshape(1, 1), W1, b1.reshape(1, D))


def _gin2_body(t_ref, s1, s2, g, bt, W2, b2, o_ref):
    mean = s1[...] * (1.0 / N_NODES)
    var = s2[...] * (1.0 / N_NODES) - mean * mean
    inv = lax.rsqrt(var + 1e-5) * g[...]
    h = _relu((t_ref[...] - mean) * inv + bt[...])
    o = _dot(h, W2[...]) + b2[...]
    o_ref[0] = o[:, :HALF]
    o_ref[1] = o[:, HALF:]


def _gin_stage2(t, s1, s2, g, bt, W2, b2):
    grid = (N_NODES // R,)
    in_specs = [pl.BlockSpec((R, D), lambda i: (i, 0)),
                _full((1, D)), _full((1, D)), _full((1, D)), _full((1, D)),
                _full((D, D)), _full((1, D))]
    out_spec = pl.BlockSpec((2, R, HALF), lambda i: (0, i, 0))
    return pl.pallas_call(
        _gin2_body, grid=grid, in_specs=in_specs, out_specs=out_spec,
        out_shape=jax.ShapeDtypeStruct((2, N_NODES, HALF), F32))(
            t, s1, s2, g.reshape(1, D), bt.reshape(1, D), W2,
            b2.reshape(1, D))


def _gin2d_body(t_ref, s1, s2, g, bt, W2, b2, w1, b1, w2, b2d, w3, b3,
                s1_ref, s2_ref):
    i = pl.program_id(0)
    mean = s1[...] * (1.0 / N_NODES)
    var = s2[...] * (1.0 / N_NODES) - mean * mean
    inv = lax.rsqrt(var + 1e-5) * g[...]
    h = _relu((t_ref[...] - mean) * inv + bt[...])
    hg = _dot(h, W2[...]) + b2[...]
    t = _relu(_dot(hg, w1[...]) + b1[...])
    t = _relu(_dot(t, w2[...]) + b2d[...])
    x = _dot(t, w3[...]) + b3[...]

    @pl.when(i == 0)
    def _():
        s1_ref[...] = jnp.zeros_like(s1_ref)
        s2_ref[...] = jnp.zeros_like(s2_ref)

    s1_ref[...] = s1_ref[...] + jnp.sum(_logaddexp0(x))
    s2_ref[...] = s2_ref[...] + jnp.sum(x)


def _gin_stage2_disc(t, s1, s2, g, bt, W2, b2, disc):
    grid = (N_NODES // R,)
    in_specs = [pl.BlockSpec((R, D), lambda i: (i, 0)),
                _full((1, D)), _full((1, D)), _full((1, D)), _full((1, D)),
                _full((D, D)), _full((1, D)),
                _full((D, D)), _full((1, D)),
                _full((D, D)), _full((1, D)),
                _full((D, 1)), _full((1, 1))]
    out_shapes = (jax.ShapeDtypeStruct((1, 1), F32),
                  jax.ShapeDtypeStruct((1, 1), F32))
    out_specs = (pl.BlockSpec((1, 1), lambda i: (0, 0)),
                 pl.BlockSpec((1, 1), lambda i: (0, 0)))
    return pl.pallas_call(
        _gin2d_body, grid=grid, in_specs=in_specs, out_specs=out_specs,
        out_shape=out_shapes)(
            t, s1, s2, g.reshape(1, D), bt.reshape(1, D), W2,
            b2.reshape(1, D),
            disc['W1'], disc['b1'].reshape(1, D),
            disc['W2'], disc['b2'].reshape(1, D),
            disc['W3'], disc['b3'].reshape(1, 1))


def _seg_sum_sc(h_packed, src_both, dst2d, zeros_hbm):
    n_rows_total = dst2d.shape[0]
    rows_per_tile = n_rows_total // N_TILES
    n_blocks = rows_per_tile // BLK
    n_pairs = BLK // (2 * WV)
    wrows = WROWS

    mesh = plsc.VectorSubcoreMesh(core_axis_name="c", subcore_axis_name="s")

    @functools.partial(
        pl.kernel,
        out_type=jax.ShapeDtypeStruct((2 * OUT_N, HALF), F32),
        mesh=mesh,
        compiler_params=pltpu.CompilerParams(use_tc_tiling_on_sc=False),
        scratch_types=[
            pltpu.VMEM((BLK, CH), jnp.int32),
            pltpu.VMEM((BLK, CH), jnp.int32),
            pltpu.VMEM((2 * WV, CH, HALF), F32),
            pltpu.VMEM_SHARED((ACC_ROWS, HALF), F32),
            pltpu.SemaphoreType.DMA,
        ],
    )
    def seg(h_hbm, src_hbm, dst_hbm, z_hbm, out_hbm, src_v, dst_v, rows_v,
            acc, sem):
        c = lax.axis_index("c")
        s = lax.axis_index("s")

        zrows = ACC_ROWS // N_TILES
        pltpu.sync_copy(z_hbm, acc.at[pl.ds(s * zrows, zrows)])
        plsc.subcore_barrier()

        tile_row0 = s * rows_per_tile

        def fire(j0, half):
            return [
                pltpu.async_copy(h_hbm.at[src_v.at[j0 + r]],
                                 rows_v.at[half * WV + r], sem)
                for r in range(WV)
            ]

        def drain(descs):
            for d in descs:
                d.wait()

        def scat(j0, half):
            for r in range(WV):
                pltpu.sync_copy(rows_v.at[half * WV + r],
                                acc.at[dst_v.at[j0 + r]], add=True)

        def block(b, _):
            row0 = tile_row0 + b * BLK
            dsi = pltpu.async_copy(
                src_hbm.at[pl.ds(c * n_rows_total + row0, BLK)], src_v, sem)
            ddi = pltpu.async_copy(dst_hbm.at[pl.ds(row0, BLK)], dst_v, sem)
            dsi.wait()
            ddi.wait()

            drain(fire(0, 0))

            def pair(p, _):
                j0 = p * 2 * WV
                db = fire(j0 + WV, 1)
                scat(j0, 0)
                drain(db)
                da = fire(j0 + 2 * WV, 0)
                scat(j0 + WV, 1)
                drain(da)
                return 0
            lax.fori_loop(0, n_pairs - 1, pair, 0)

            j0 = (n_pairs - 1) * 2 * WV
            db = fire(j0 + WV, 1)
            scat(j0, 0)
            drain(db)
            scat(j0 + WV, 1)
            return 0
        lax.fori_loop(0, n_blocks, block, 0)
        plsc.subcore_barrier()

        pltpu.sync_copy(acc.at[pl.ds(s * wrows, wrows)],
                        out_hbm.at[pl.ds(c * OUT_N + s * wrows, wrows)])

    return seg(h_packed, src_both, dst2d, zeros_hbm)


def kernel(features, pos, params, edge_index):
    ae = params['ae']
    gin0 = params['gin0']
    gin1 = params['gin1']
    disc = params['disc']

    e = edge_index.shape[1]
    chunk = N_TILES * BLK * CH
    e_pad = ((e + chunk - 1) // chunk) * chunk
    src1 = jnp.concatenate(
        [edge_index[0], jnp.zeros((e_pad - e,), jnp.int32)]).reshape(-1, CH)
    src = jnp.concatenate([src1, src1 + N_NODES])
    dst = jnp.concatenate(
        [edge_index[1],
         jnp.full((e_pad - e,), N_NODES, jnp.int32)]).reshape(-1, CH)

    zeros_acc = jnp.zeros((ACC_ROWS // N_TILES, HALF), F32)

    h2, sse, spos = _stage_a(features, pos, ae, disc)

    def gin_agg(h2_in, p):
        agg = _seg_sum_sc(h2_in.reshape(2 * N_NODES, HALF), src, dst,
                          zeros_acc)
        agg2 = agg.reshape(2, OUT_N, HALF)[:, :N_NODES, :]
        m = p['mlp']
        return _gin_stage1(h2_in, agg2, p['eps'], m['W1'], m['b1'])

    t0, s1_0, s2_0 = gin_agg(h2, gin0)
    m0 = gin0['mlp']
    hg2 = _gin_stage2(t0, s1_0, s2_0, m0['g'], m0['bt'], m0['W2'], m0['b2'])

    t1, s1_1, s2_1 = gin_agg(hg2, gin1)
    m1 = gin1['mlp']
    s1d, s2d = _gin_stage2_disc(t1, s1_1, s2_1, m1['g'], m1['bt'],
                                m1['W2'], m1['b2'], disc)

    inv_n = 1.0 / N_NODES
    loss_ae = sse[0, 0] / (N_NODES * IN_D)
    loss_g = (s1d[0, 0] - s2d[0, 0]) * inv_n
    loss_d = 0.5 * (spos[0, 0] * inv_n + s1d[0, 0] * inv_n)
    return (loss_ae, loss_g, loss_d)

# --- scband reference (transcript-rebuilt; emitter-appended) ---
"""Pipeline reference for scband-arhol-60000693125210 (READ-ONLY COPY).

The authoritative reference and input builder live on the scoring server;
editing this copy changes nothing except your own understanding.
"""

import jax, jax.numpy as jnp
import numpy as np

N = 100000
E = 1600000
IN_DIM = 128
HID = 32
OUT_DIM = 32
POS_DIM = 32


def _lin_init(key, fan_in, fan_out):
    k1, k2 = jax.random.split(key)
    lim = 1.0 / np.sqrt(fan_in)
    W = jax.random.uniform(k1, (fan_in, fan_out), jnp.float32, -lim, lim)
    b = jax.random.uniform(k2, (fan_out,), jnp.float32, -lim, lim)
    return W, b


def setup_inputs(seed: int = 0):
    key = jax.random.key(seed)
    ks = jax.random.split(key, 24)
    features = jax.random.normal(ks[0], (N, IN_DIM), jnp.float32)
    pos = jax.random.normal(ks[1], (N, POS_DIM), jnp.float32)
    edge_index = jax.random.randint(ks[2], (2, E), 0, N, jnp.int32)
    ae = {}
    ae['e0W'], ae['e0b'] = _lin_init(ks[3], IN_DIM, HID)
    ae['e1W'], ae['e1b'] = _lin_init(ks[4], HID, OUT_DIM)
    ae['d0W'], ae['d0b'] = _lin_init(ks[5], OUT_DIM, HID)
    ae['d1W'], ae['d1b'] = _lin_init(ks[6], HID, IN_DIM)

    def gin_params(k, din, dout):
        k1, k2 = jax.random.split(k)
        W1, b1 = _lin_init(k1, din, HID)
        W2, b2 = _lin_init(k2, HID, dout)
        return {'eps': jnp.zeros((), jnp.float32),
                'mlp': {'W1': W1, 'b1': b1,
                        'g': jnp.ones((HID,), jnp.float32),
                        'bt': jnp.zeros((HID,), jnp.float32),
                        'W2': W2, 'b2': b2}}

    gin0 = gin_params(ks[7], OUT_DIM, HID)
    gin1 = gin_params(ks[8], HID, POS_DIM)
    disc = {}
    disc['W1'], disc['b1'] = _lin_init(ks[9], POS_DIM, HID)
    disc['W2'], disc['b2'] = _lin_init(ks[10], HID, HID)
    disc['W3'], disc['b3'] = _lin_init(ks[11], HID, 1)
    params = {'ae': ae, 'gin0': gin0, 'gin1': gin1, 'disc': disc}
    return {'features': features, 'pos': pos, 'params': params, 'edge_index': edge_index}


def _linear(x, W, b):
    return x @ W + b


def _mlp(p, x):
    h = _linear(x, p['W1'], p['b1'])
    mean = jnp.mean(h, axis=0)
    var = jnp.var(h, axis=0)
    h = (h - mean) / jnp.sqrt(var + 1e-5) * p['g'] + p['bt']
    h = jax.nn.relu(h)
    return _linear(h, p['W2'], p['b2'])


def _gin_layer(p, h, src, dst, n):
    # sum aggregation of neighbor messages (DGL GINConv with 'sum')
    agg = jax.ops.segment_sum(h[src], dst, num_segments=n)
    return _mlp(p['mlp'], (1.0 + p['eps']) * h + agg)


def _disc(p, x):
    h = jax.nn.relu(_linear(x, p['W1'], p['b1']))
    h = jax.nn.relu(_linear(h, p['W2'], p['b2']))
    return _linear(h, p['W3'], p['b3'])


def _bce_logits(x, z):
    return jnp.mean(jnp.logaddexp(0.0, x) - x * z)


def _forward(features, pos, params, src, dst):
    n = features.shape[0]
    # AE encode
    h = jax.nn.relu(_linear(features, params['ae']['e0W'], params['ae']['e0b']))
    h = jax.nn.relu(_linear(h, params['ae']['e1W'], params['ae']['e1b']))
    # AE decode
    out = jax.nn.relu(_linear(h, params['ae']['d0W'], params['ae']['d0b']))
    out = jax.nn.relu(_linear(out, params['ae']['d1W'], params['ae']['d1b']))
    pos_lbl = _disc(params['disc'], pos)
    hg = _gin_layer(params['gin0'], h, src, dst, n)
    hg = _gin_layer(params['gin1'], hg, src, dst, n)
    neg_lbl = _disc(params['disc'], jax.lax.stop_gradient(hg))
    loss_ae = jnp.mean((out - features) ** 2)
    loss_d = 0.5 * (_bce_logits(pos_lbl, jnp.ones_like(pos_lbl)) +
                    _bce_logits(neg_lbl, jnp.zeros_like(neg_lbl)))
    loss_g = _bce_logits(_disc(params['disc'], hg), jnp.ones_like(neg_lbl))
    return (loss_ae, loss_g, loss_d)


def reference(features, pos, params, edge_index):
    src = edge_index[0]
    dst = edge_index[1]
    return _forward(features, pos, params, src, dst)

if __name__ == "__main__":
    import jax
    _d = setup_inputs()
    print(jax.jit(kernel)(*tuple(_d.values())))

</pallas_src>

<mosaic_0001>
#map = affine_map<(d0, d1) -> (0, 0)>
module attributes {stable_mosaic.version = 14 : i64} {
  func.func @seg(%arg0: i32, %arg1: i32, %arg2: memref<200000x16xf32, #tpu.memory_space<hbm>>, %arg3: memref<25600x128xi32, #tpu.memory_space<hbm>>, %arg4: memref<12800x128xi32, #tpu.memory_space<hbm>>, %arg5: memref<6400x16xf32, #tpu.memory_space<hbm>>, %arg6: memref<200192x16xf32, #tpu.memory_space<hbm>>, %arg7: memref<40x128xi32, #tpu.memory_space<vmem>>, %arg8: memref<40x128xi32, #tpu.memory_space<vmem>>, %arg9: memref<8x128x16xf32, #tpu.memory_space<vmem>>, %arg10: memref<102400x16xf32, #tpu.memory_space<vmem_shared>>, %arg11: memref<!tpu.dma_semaphore, #tpu.memory_space<semaphore_mem>>) attributes {dimension_semantics = [#tpu.dimension_semantics<core_parallel>, #tpu.dimension_semantics<subcore_parallel>], iteration_bounds = array<i64: 2, 16>, scalar_prefetch = 0 : i64, scratch_operands = 5 : i64, tpu.core_type = #tpu.core_type<sc_vector_subcore>, window_params = [{transform_indices = #map}, {transform_indices = #map}, {transform_indices = #map}, {transform_indices = #map}, {transform_indices = #map}]} {
    %mul3A = arith.constant 6400 : i32
    %mul3A_0 = arith.muli %arg1, %mul3A : i32
    "tpu.region"() ({
      %run_scoped3A = tpu.sem_alloc : memref<!tpu.dma_semaphore, #tpu.memory_space<semaphore_mem>>
      %dma_start3A = arith.constant 0 : i32
      %dma_start3A_16 = tpu.memref_slice %arg10[%mul3A_0, %dma_start3A] : memref<102400x16xf32, #tpu.memory_space<vmem_shared>> -> memref<6400x16xf32, #tpu.memory_space<vmem_shared>>
      tpu.enqueue_dma source(%arg5 : memref<6400x16xf32, #tpu.memory_space<hbm>>) target(%dma_start3A_16 : memref<6400x16xf32, #tpu.memory_space<vmem_shared>>) target_semaphore(%run_scoped3A : memref<!tpu.dma_semaphore, #tpu.memory_space<semaphore_mem>>)
      %dma_wait3A = arith.constant 0 : i32
      %dma_wait3A_17 = tpu.memref_slice %arg10[%mul3A_0, %dma_wait3A] : memref<102400x16xf32, #tpu.memory_space<vmem_shared>> -> memref<6400x16xf32, #tpu.memory_space<vmem_shared>>
      tpu.wait_dma2 semaphore(%run_scoped3A : memref<!tpu.dma_semaphore, #tpu.memory_space<semaphore_mem>>) src(%arg5 : memref<6400x16xf32, #tpu.memory_space<hbm>>) dst(%dma_wait3A_17 : memref<6400x16xf32, #tpu.memory_space<vmem_shared>>)
      tpu.yield
    }) : () -> ()
    %barrier3A = arith.constant 0 : index
    tpu.barrier barrier_id(%barrier3A)
    %mul3A_1 = arith.constant 800 : i32
    %mul3A_2 = arith.muli %arg1, %mul3A_1 : i32
    %scan3A = arith.constant 0 : i32
    %scan3A_3 = arith.constant 0 : i32
    %scan3A_4 = arith.constant 20 : i32
    %scan3A_5 = arith.addi %scan3A_3, %scan3A_4 : i32
    %scan3A_6 = arith.constant 1 : i32
    %scan3A_7 = scf.for %scan3A_16 = %scan3A_3 to %scan3A_5 step %scan3A_6 iter_args(%scan3A_17 = %scan3A) -> (i32)  : i32 {
      %mul3A_18 = arith.constant 40 : i32
      %mul3A_19 = arith.muli %scan3A_16, %mul3A_18 : i32
      %add3A_20 = arith.addi %mul3A_2, %mul3A_19 : i32
      %mul3A_21 = arith.constant 12800 : i32
      %mul3A_22 = arith.muli %arg0, %mul3A_21 : i32
      %add3A_23 = arith.addi %mul3A_22, %add3A_20 : i32
      %dma_start3A = arith.constant 0 : i32
      %dma_start3A_24 = tpu.memref_slice %arg3[%add3A_23, %dma_start3A] : memref<25600x128xi32, #tpu.memory_space<hbm>> -> memref<40x128xi32, #tpu.memory_space<hbm>>
      %dma_start3A_25 = arith.constant 0 : i32
      %dma_start3A_26 = tpu.memref_slice %arg3[%add3A_23, %dma_start3A_25] : memref<25600x128xi32, #tpu.memory_space<hbm>> -> memref<40x128xi32, #tpu.memory_space<hbm>>
      tpu.enqueue_dma source(%dma_start3A_26 : memref<40x128xi32, #tpu.memory_space<hbm>>) target(%arg7 : memref<40x128xi32, #tpu.memory_space<vmem>>) target_semaphore(%arg11 : memref<!tpu.dma_semaphore, #tpu.memory_space<semaphore_mem>>)
      %dma_start3A_27 = arith.constant 0 : i32
      %dma_start3A_28 = tpu.memref_slice %arg4[%add3A_20, %dma_start3A_27] : memref<12800x128xi32, #tpu.memory_space<hbm>> -> memref<40x128xi32, #tpu.memory_space<hbm>>
      %dma_start3A_29 = arith.constant 0 : i32
      %dma_start3A_30 = tpu.memref_slice %arg4[%add3A_20, %dma_start3A_29] : memref<12800x128xi32, #tpu.memory_space<hbm>> -> memref<40x128xi32, #tpu.memory_space<hbm>>
      tpu.enqueue_dma source(%dma_start3A_30 : memref<40x128xi32, #tpu.memory_space<hbm>>) target(%arg8 : memref<40x128xi32, #tpu.memory_space<vmem>>) target_semaphore(%arg11 : memref<!tpu.dma_semaphore, #tpu.memory_space<semaphore_mem>>)
      %dma_wait3A = arith.constant 0 : i32
      %dma_wait3A_31 = tpu.memref_slice %arg3[%add3A_23, %dma_wait3A] : memref<25600x128xi32, #tpu.memory_space<hbm>> -> memref<40x128xi32, #tpu.memory_space<hbm>>
      %dma_wait3A_32 = arith.constant 0 : i32
      %dma_wait3A_33 = tpu.memref_slice %arg3[%add3A_23, %dma_wait3A_32] : memref<25600x128xi32, #tpu.memory_space<hbm>> -> memref<40x128xi32, #tpu.memory_space<hbm>>
      tpu.wait_dma2 semaphore(%arg11 : memref<!tpu.dma_semaphore, #tpu.memory_space<semaphore_mem>>) src(%dma_wait3A_33 : memref<40x128xi32, #tpu.memory_space<hbm>>) dst(%arg7 : memref<40x128xi32, #tpu.memory_space<vmem>>)
      %dma_wait3A_34 = arith.constant 0 : i32
      %dma_wait3A_35 = tpu.memref_slice %arg4[%add3A_20, %dma_wait3A_34] : memref<12800x128xi32, #tpu.memory_space<hbm>> -> memref<40x128xi32, #tpu.memory_space<hbm>>
      %dma_wait3A_36 = arith.constant 0 : i32
      %dma_wait3A_37 = tpu.memref_slice %arg4[%add3A_20, %dma_wait3A_36] : memref<12800x128xi32, #tpu.memory_space<hbm>> -> memref<40x128xi32, #tpu.memory_space<hbm>>
      tpu.wait_dma2 semaphore(%arg11 : memref<!tpu.dma_semaphore, #tpu.memory_space<semaphore_mem>>) src(%dma_wait3A_37 : memref<40x128xi32, #tpu.memory_space<hbm>>) dst(%arg8 : memref<40x128xi32, #tpu.memory_space<vmem>>)
      %dma_start3A_38 = arith.constant 0 : i32
      %dma_start3A_39 = arith.constant 0 : i32
      %dma_start3A_40 = arith.constant 0 : i32
      %dma_start3A_41 = arith.constant 0 : i32
      %dma_start3A_42 = tpu.memref_slice %arg9[%dma_start3A_39, %dma_start3A_40, %dma_start3A_41] : memref<8x128x16xf32, #tpu.memory_space<vmem>> -> memref<1x128x16xf32, #tpu.memory_space<vmem>>
      %dma_start3A_43 = tpu.memref_squeeze %dma_start3A_42 : memref<1x128x16xf32, #tpu.memory_space<vmem>> -> memref<128x16xf32, #tpu.memory_space<vmem>>
      %dma_start3A_44 = arith.constant 0 : i32
      %dma_start3A_45 = tpu.memref_slice %arg7[%dma_start3A_38, %dma_start3A_44] : memref<40x128xi32, #tpu.memory_space<vmem>> -> memref<1x128xi32, #tpu.memory_space<vmem>>
      %dma_start3A_46 = tpu.memref_squeeze %dma_start3A_45 : memref<1x128xi32, #tpu.memory_space<vmem>> -> memref<128xi32, #tpu.memory_space<vmem>>
      %dma_start3A_47 = arith.constant 0 : i32
      %dma_start3A_48 = arith.constant 0 : i32
      %dma_start3A_49 = tpu.memref_slice %arg2[%dma_start3A_47, %dma_start3A_48] : memref<200000x16xf32, #tpu.memory_space<hbm>> -> memref<200000x16xf32, #tpu.memory_space<hbm>>
      tpu.enqueue_indirect_dma source(%dma_start3A_49 : memref<200000x16xf32, #tpu.memory_space<hbm>>) target(%dma_start3A_43 : memref<128x16xf32, #tpu.memory_space<vmem>>) offsets(%dma_start3A_46 : memref<128xi32, #tpu.memory_space<vmem>>) semaphore(%arg11 : memref<!tpu.dma_semaphore, #tpu.memory_space<semaphore_mem>>)
      %dma_start3A_50 = arith.constant 1 : i32
      %dma_start3A_51 = arith.constant 1 : i32
      %dma_start3A_52 = arith.constant 0 : i32
      %dma_start3A_53 = arith.constant 0 : i32
      %dma_start3A_54 = tpu.memref_slice %arg9[%dma_start3A_51, %dma_start3A_52, %dma_start3A_53] : memref<8x128x16xf32, #tpu.memory_space<vmem>> -> memref<1x128x16xf32, #tpu.memory_space<vmem>>
      %dma_start3A_55 = tpu.memref_squeeze %dma_start3A_54 : memref<1x128x16xf32, #tpu.memory_space<vmem>> -> memref<128x16xf32, #tpu.memory_space<vmem>>
      %dma_start3A_56 = arith.constant 0 : i32
      %dma_start3A_57 = tpu.memref_slice %arg7[%dma_start3A_50, %dma_start3A_56] : memref<40x128xi32, #tpu.memory_space<vmem>> -> memref<1x128xi32, #tpu.memory_space<vmem>>
      %dma_start3A_58 = tpu.memref_squeeze %dma_start3A_57 : memref<1x128xi32, #tpu.memory_space<vmem>> -> memref<128xi32, #tpu.memory_space<vmem>>
      %dma_start3A_59 = arith.constant 0 : i32
      %dma_start3A_60 = arith.constant 0 : i32
      %dma_start3A_61 = tpu.memref_slice %arg2[%dma_start3A_59, %dma_start3A_60] : memref<200000x16xf32, #tpu.memory_space<hbm>> -> memref<200000x16xf32, #tpu.memory_space<hbm>>
      tpu.enqueue_indirect_dma source(%dma_start3A_61 : memref<200000x16xf32, #tpu.memory_space<hbm>>) target(%dma_start3A_55 : memref<128x16xf32, #tpu.memory_space<vmem>>) offsets(%dma_start3A_58 : memref<128xi32, #tpu.memory_space<vmem>>) semaphore(%arg11 : memref<!tpu.dma_semaphore, #tpu.memory_space<semaphore_mem>>)
      %dma_start3A_62 = arith.constant 2 : i32
      %dma_start3A_63 = arith.constant 2 : i32
      %dma_start3A_64 = arith.constant 0 : i32
      %dma_start3A_65 = arith.constant 0 : i32
      %dma_start3A_66 = tpu.memref_slice %arg9[%dma_start3A_63, %dma_start3A_64, %dma_start3A_65] : memref<8x128x16xf32, #tpu.memory_space<vmem>> -> memref<1x128x16xf32, #tpu.memory_space<vmem>>
      %dma_start3A_67 = tpu.memref_squeeze %dma_start3A_66 : memref<1x128x16xf32, #tpu.memory_space<vmem>> -> memref<128x16xf32, #tpu.memory_space<vmem>>
      %dma_start3A_68 = arith.constant 0 : i32
      %dma_start3A_69 = tpu.memref_slice %arg7[%dma_start3A_62, %dma_start3A_68] : memref<40x128xi32, #tpu.memory_space<vmem>> -> memref<1x128xi32, #tpu.memory_space<vmem>>
      %dma_start3A_70 = tpu.memref_squeeze %dma_start3A_69 : memref<1x128xi32, #tpu.memory_space<vmem>> -> memref<128xi32, #tpu.memory_space<vmem>>
      %dma_start3A_71 = arith.constant 0 : i32
      %dma_start3A_72 = arith.constant 0 : i32
      %dma_start3A_73 = tpu.memref_slice %arg2[%dma_start3A_71, %dma_start3A_72] : memref<200000x16xf32, #tpu.memory_space<hbm>> -> memref<200000x16xf32, #tpu.memory_space<hbm>>
      tpu.enqueue_indirect_dma source(%dma_start3A_73 : memref<200000x16xf32, #tpu.memory_space<hbm>>) target(%dma_start3A_67 : memref<128x16xf32, #tpu.memory_space<vmem>>) offsets(%dma_start3A_70 : memref<128xi32, #tpu.memory_space<vmem>>) semaphore(%arg11 : memref<!tpu.dma_semaphore, #tpu.memory_space<semaphore_mem>>)
      %dma_start3A_74 = arith.constant 3 : i32
      %dma_start3A_75 = arith.constant 3 : i32
      %dma_start3A_76 = arith.constant 0 : i32
      %dma_start3A_77 = arith.constant 0 : i32
      %dma_start3A_78 = tpu.memref_slice %arg9[%dma_start3A_75, %dma_start3A_76, %dma_start3A_77] : memref<8x128x16xf32, #tpu.memory_space<vmem>> -> memref<1x128x16xf32, #tpu.memory_space<vmem>>
      %dma_start3A_79 = tpu.memref_squeeze %dma_start3A_78 : memref<1x128x16xf32, #tpu.memory_space<vmem>> -> memref<128x16xf32, #tpu.memory_space<vmem>>
      %dma_start3A_80 = arith.constant 0 : i32
      %dma_start3A_81 = tpu.memref_slice %arg7[%dma_start3A_74, %dma_start3A_80] : memref<40x128xi32, #tpu.memory_space<vmem>> -> memref<1x128xi32, #tpu.memory_space<vmem>>
      %dma_start3A_82 = tpu.memref_squeeze %dma_start3A_81 : memref<1x128xi32, #tpu.memory_space<vmem>> -> memref<128xi32, #tpu.memory_space<vmem>>
      %dma_start3A_83 = arith.constant 0 : i32
      %dma_start3A_84 = arith.constant 0 : i32
      %dma_start3A_85 = tpu.memref_slice %arg2[%dma_start3A_83, %dma_start3A_84] : memref<200000x16xf32, #tpu.memory_space<hbm>> -> memref<200000x16xf32, #tpu.memory_space<hbm>>
      tpu.enqueue_indirect_dma source(%dma_start3A_85 : memref<200000x16xf32, #tpu.memory_space<hbm>>) target(%dma_start3A_79 : memref<128x16xf32, #tpu.memory_space<vmem>>) offsets(%dma_start3A_82 : memref<128xi32, #tpu.memory_space<vmem>>) semaphore(%arg11 : memref<!tpu.dma_semaphore, #tpu.memory_space<semaphore_mem>>)
      %dma_wait3A_86 = arith.constant 0 : i32
      %dma_wait3A_87 = arith.constant 0 : i32
      %dma_wait3A_88 = arith.constant 0 : i32
      %dma_wait3A_89 = arith.constant 0 : i32
      %dma_wait3A_90 = tpu.memref_slice %arg9[%dma_wait3A_87, %dma_wait3A_88, %dma_wait3A_89] : memref<8x128x16xf32, #tpu.memory_space<vmem>> -> memref<1x128x16xf32, #tpu.memory_space<vmem>>
      %dma_wait3A_91 = tpu.memref_squeeze %dma_wait3A_90 : memref<1x128x16xf32, #tpu.memory_space<vmem>> -> memref<128x16xf32, #tpu.memory_space<vmem>>
      %dma_wait3A_92 = arith.constant 0 : i32
      %dma_wait3A_93 = tpu.memref_slice %arg7[%dma_wait3A_86, %dma_wait3A_92] : memref<40x128xi32, #tpu.memory_space<vmem>> -> memref<1x128xi32, #tpu.memory_space<vmem>>
      %dma_wait3A_94 = tpu.memref_squeeze %dma_wait3A_93 : memref<1x128xi32, #tpu.memory_space<vmem>> -> memref<128xi32, #tpu.memory_space<vmem>>
      %dma_wait3A_95 = arith.constant 0 : i32
      %dma_wait3A_96 = arith.constant 0 : i32
      %dma_wait3A_97 = tpu.memref_slice %arg2[%dma_wait3A_95, %dma_wait3A_96] : memref<200000x16xf32, #tpu.memory_space<hbm>> -> memref<200000x16xf32, #tpu.memory_space<hbm>>
      tpu.wait_indirect_dma semaphore(%arg11 : memref<!tpu.dma_semaphore, #tpu.memory_space<semaphore_mem>>) src(%dma_wait3A_97 : memref<200000x16xf32, #tpu.memory_space<hbm>>) dst(%dma_wait3A_91 : memref<128x16xf32, #tpu.memory_space<vmem>>)
      %dma_wait3A_98 = arith.constant 1 : i32
      %dma_wait3A_99 = arith.constant 1 : i32
      %dma_wait3A_100 = arith.constant 0 : i32
      %dma_wait3A_101 = arith.constant 0 : i32
      %dma_wait3A_102 = tpu.memref_slice %arg9[%dma_wait3A_99, %dma_wait3A_100, %dma_wait3A_101] : memref<8x128x16xf32, #tpu.memory_space<vmem>> -> memref<1x128x16xf32, #tpu.memory_space<vmem>>
      %dma_wait3A_103 = tpu.memref_squeeze %dma_wait3A_102 : memref<1x128x16xf32, #tpu.memory_space<vmem>> -> memref<128x16xf32, #tpu.memory_space<vmem>>
      %dma_wait3A_104 = arith.constant 0 : i32
      %dma_wait3A_105 = tpu.memref_slice %arg7[%dma_wait3A_98, %dma_wait3A_104] : memref<40x128xi32, #tpu.memory_space<vmem>> -> memref<1x128xi32, #tpu.memory_space<vmem>>
      %dma_wait3A_106 = tpu.memref_squeeze %dma_wait3A_105 : memref<1x128xi32, #tpu.memory_space<vmem>> -> memref<128xi32, #tpu.memory_space<vmem>>
      %dma_wait3A_107 = arith.constant 0 : i32
      %dma_wait3A_108 = arith.constant 0 : i32
      %dma_wait3A_109 = tpu.memref_slice %arg2[%dma_wait3A_107, %dma_wait3A_108] : memref<200000x16xf32, #tpu.memory_space<hbm>> -> memref<200000x16xf32, #tpu.memory_space<hbm>>
      tpu.wait_indirect_dma semaphore(%arg11 : memref<!tpu.dma_semaphore, #tpu.memory_space<semaphore_mem>>) src(%dma_wait3A_109 : memref<200000x16xf32, #tpu.memory_space<hbm>>) dst(%dma_wait3A_103 : memref<128x16xf32, #tpu.memory_space<vmem>>)
      %dma_wait3A_110 = arith.constant 2 : i32
      %dma_wait3A_111 = arith.constant 2 : i32
      %dma_wait3A_112 = arith.constant 0 : i32
      %dma_wait3A_113 = arith.constant 0 : i32
      %dma_wait3A_114 = tpu.memref_slice %arg9[%dma_wait3A_111, %dma_wait3A_112, %dma_wait3A_113] : memref<8x128x16xf32, #tpu.memory_space<vmem>> -> memref<1x128x16xf32, #tpu.memory_space<vmem>>
      %dma_wait3A_115 = tpu.memref_squeeze %dma_wait3A_114 : memref<1x128x16xf32, #tpu.memory_space<vmem>> -> memref<128x16xf32, #tpu.memory_space<vmem>>
      %dma_wait3A_116 = arith.constant 0 : i32
      %dma_wait3A_117 = tpu.memref_slice %arg7[%dma_wait3A_110, %dma_wait3A_116] : memref<40x128xi32, #tpu.memory_space<vmem>> -> memref<1x128xi32, #tpu.memory_space<vmem>>
      %dma_wait3A_118 = tpu.memref_squeeze %dma_wait3A_117 : memref<1x128xi32, #tpu.memory_space<vmem>> -> memref<128xi32, #tpu.memory_space<vmem>>
      %dma_wait3A_119 = arith.constant 0 : i32
      %dma_wait3A_120 = arith.constant 0 : i32
      %dma_wait3A_121 = tpu.memref_slice %arg2[%dma_wait3A_119, %dma_wait3A_120] : memref<200000x16xf32, #tpu.memory_space<hbm>> -> memref<200000x16xf32, #tpu.memory_space<hbm>>
      tpu.wait_indirect_dma semaphore(%arg11 : memref<!tpu.dma_semaphore, #tpu.memory_space<semaphore_mem>>) src(%dma_wait3A_121 : memref<200000x16xf32, #tpu.memory_space<hbm>>) dst(%dma_wait3A_115 : memref<128x16xf32, #tpu.memory_space<vmem>>)
      %dma_wait3A_122 = arith.constant 3 : i32
      %dma_wait3A_123 = arith.constant 3 : i32
      %dma_wait3A_124 = arith.constant 0 : i32
      %dma_wait3A_125 = arith.constant 0 : i32
      %dma_wait3A_126 = tpu.memref_slice %arg9[%dma_wait3A_123, %dma_wait3A_124, %dma_wait3A_125] : memref<8x128x16xf32, #tpu.memory_space<vmem>> -> memref<1x128x16xf32, #tpu.memory_space<vmem>>
      %dma_wait3A_127 = tpu.memref_squeeze %dma_wait3A_126 : memref<1x128x16xf32, #tpu.memory_space<vmem>> -> memref<128x16xf32, #tpu.memory_space<vmem>>
      %dma_wait3A_128 = arith.constant 0 : i32
      %dma_wait3A_129 = tpu.memref_slice %arg7[%dma_wait3A_122, %dma_wait3A_128] : memref<40x128xi32, #tpu.memory_space<vmem>> -> memref<1x128xi32, #tpu.memory_space<vmem>>
      %dma_wait3A_130 = tpu.memref_squeeze %dma_wait3A_129 : memref<1x128xi32, #tpu.memory_space<vmem>> -> memref<128xi32, #tpu.memory_space<vmem>>
      %dma_wait3A_131 = arith.constant 0 : i32
      %dma_wait3A_132 = arith.constant 0 : i32
      %dma_wait3A_133 = tpu.memref_slice %arg2[%dma_wait3A_131, %dma_wait3A_132] : memref<200000x16xf32, #tpu.memory_space<hbm>> -> memref<200000x16xf32, #tpu.memory_space<hbm>>
      tpu.wait_indirect_dma semaphore(%arg11 : memref<!tpu.dma_semaphore, #tpu.memory_space<semaphore_mem>>) src(%dma_wait3A_133 : memref<200000x16xf32, #tpu.memory_space<hbm>>) dst(%dma_wait3A_127 : memref<128x16xf32, #tpu.memory_space<vmem>>)
      %scan3A_134 = arith.constant 0 : i32
      %scan3A_135 = arith.constant 0 : i32
      %scan3A_136 = arith.constant 4 : i32
      %scan3A_137 = arith.addi %scan3A_135, %scan3A_136 : i32
      %scan3A_138 = arith.constant 1 : i32
      %scan3A_139 = scf.for %scan3A_253 = %scan3A_135 to %scan3A_137 step %scan3A_138 iter_args(%scan3A_254 = %scan3A_134) -> (i32)  : i32 {
        %mul3A_255 = arith.constant 2 : i32
        %mul3A_256 = arith.muli %scan3A_253, %mul3A_255 : i32
        %mul3A_257 = arith.constant 4 : i32
        %mul3A_258 = arith.muli %mul3A_256, %mul3A_257 : i32
        %add3A_259 = arith.constant 4 : i32
        %add3A_260 = arith.addi %mul3A_258, %add3A_259 : i32
        %add3A_261 = arith.constant 0 : i32
        %add3A_262 = arith.addi %add3A_260, %add3A_261 : i32
        %dma_start3A_263 = arith.constant 4 : i32
        %dma_start3A_264 = arith.constant 0 : i32
        %dma_start3A_265 = arith.constant 0 : i32
        %dma_start3A_266 = tpu.memref_slice %arg9[%dma_start3A_263, %dma_start3A_264, %dma_start3A_265] : memref<8x128x16xf32, #tpu.memory_space<vmem>> -> memref<1x128x16xf32, #tpu.memory_space<vmem>>
        %dma_start3A_267 = tpu.memref_squeeze %dma_start3A_266 : memref<1x128x16xf32, #tpu.memory_space<vmem>> -> memref<128x16xf32, #tpu.memory_space<vmem>>
        %dma_start3A_268 = arith.constant 0 : i32
        %dma_start3A_269 = tpu.memref_slice %arg7[%add3A_262, %dma_start3A_268] : memref<40x128xi32, #tpu.memory_space<vmem>> -> memref<1x128xi32, #tpu.memory_space<vmem>>
        %dma_start3A_270 = tpu.memref_squeeze %dma_start3A_269 : memref<1x128xi32, #tpu.memory_space<vmem>> -> memref<128xi32, #tpu.memory_space<vmem>>
        %dma_start3A_271 = arith.constant 0 : i32
        %dma_start3A_272 = arith.constant 0 : i32
        %dma_start3A_273 = tpu.memref_slice %arg2[%dma_start3A_271, %dma_start3A_272] : memref<200000x16xf32, #tpu.memory_space<hbm>> -> memref<200000x16xf32, #tpu.memory_space<hbm>>
        tpu.enqueue_indirect_dma source(%dma_start3A_273 : memref<200000x16xf32, #tpu.memory_space<hbm>>) target(%dma_start3A_267 : memref<128x16xf32, #tpu.memory_space<vmem>>) offsets(%dma_start3A_270 : memref<128xi32, #tpu.memory_space<vmem>>) semaphore(%arg11 : memref<!tpu.dma_semaphore, #tpu.memory_space<semaphore_mem>>)
        %add3A_274 = arith.constant 1 : i32
        %add3A_275 = arith.addi %add3A_260, %add3A_274 : i32
        %dma_start3A_276 = arith.constant 5 : i32
        %dma_start3A_277 = arith.constant 0 : i32
        %dma_start3A_278 = arith.constant 0 : i32
        %dma_start3A_279 = tpu.memref_slice %arg9[%dma_start3A_276, %dma_start3A_277, %dma_start3A_278] : memref<8x128x16xf32, #tpu.memory_space<vmem>> -> memref<1x128x16xf32, #tpu.memory_space<vmem>>
        %dma_start3A_280 = tpu.memref_squeeze %dma_start3A_279 : memref<1x128x16xf32, #tpu.memory_space<vmem>> -> memref<128x16xf32, #tpu.memory_space<vmem>>
        %dma_start3A_281 = arith.constant 0 : i32
        %dma_start3A_282 = tpu.memref_slice %arg7[%add3A_275, %dma_start3A_281] : memref<40x128xi32, #tpu.memory_space<vmem>> -> memref<1x128xi32, #tpu.memory_space<vmem>>
        %dma_start3A_283 = tpu.memref_squeeze %dma_start3A_282 : memref<1x128xi32, #tpu.memory_space<vmem>> -> memref<128xi32, #tpu.memory_space<vmem>>
        %dma_start3A_284 = arith.constant 0 : i32
        %dma_start3A_285 = arith.constant 0 : i32
        %dma_start3A_286 = tpu.memref_slice %arg2[%dma_start3A_284, %dma_start3A_285] : memref<200000x16xf32, #tpu.memory_space<hbm>> -> memref<200000x16xf32, #tpu.memory_space<hbm>>
        tpu.enqueue_indirect_dma source(%dma_start3A_286 : memref<200000x16xf32, #tpu.memory_space<hbm>>) target(%dma_start3A_280 : memref<128x16xf32, #tpu.memory_space<vmem>>) offsets(%dma_start3A_283 : memref<128xi32, #tpu.memory_space<vmem>>) semaphore(%arg11 : memref<!tpu.dma_semaphore, #tpu.memory_space<semaphore_mem>>)
        %add3A_287 = arith.constant 2 : i32
        %add3A_288 = arith.addi %add3A_260, %add3A_287 : i32
        %dma_start3A_289 = arith.constant 6 : i32
        %dma_start3A_290 = arith.constant 0 : i32
        %dma_start3A_291 = arith.constant 0 : i32
        %dma_start3A_292 = tpu.memref_slice %arg9[%dma_start3A_289, %dma_start3A_290, %dma_start3A_291] : memref<8x128x16xf32, #tpu.memory_space<vmem>> -> memref<1x128x16xf32, #tpu.memory_space<vmem>>
        %dma_start3A_293 = tpu.memref_squeeze %dma_start3A_292 : memref<1x128x16xf32, #tpu.memory_space<vmem>> -> memref<128x16xf32, #tpu.memory_space<vmem>>
        %dma_start3A_294 = arith.constant 0 : i32
        %dma_start3A_295 = tpu.memref_slice %arg7[%add3A_288, %dma_start3A_294] : memref<40x128xi32, #tpu.memory_space<vmem>> -> memref<1x128xi32, #tpu.memory_space<vmem>>
        %dma_start3A_296 = tpu.memref_squeeze %dma_start3A_295 : memref<1x128xi32, #tpu.memory_space<vmem>> -> memref<128xi32, #tpu.memory_space<vmem>>
        %dma_start3A_297 = arith.constant 0 : i32
        %dma_start3A_298 = arith.constant 0 : i32
        %dma_start3A_299 = tpu.memref_slice %arg2[%dma_start3A_297, %dma_start3A_298] : memref<200000x16xf32, #tpu.memory_space<hbm>> -> memref<200000x16xf32, #tpu.memory_space<hbm>>
        tpu.enqueue_indirect_dma source(%dma_start3A_299 : memref<200000x16xf32, #tpu.memory_space<hbm>>) target(%dma_start3A_293 : memref<128x16xf32, #tpu.memory_space<vmem>>) offsets(%dma_start3A_296 : memref<128xi32, #tpu.memory_space<vmem>>) semaphore(%arg11 : memref<!tpu.dma_semaphore, #tpu.memory_space<semaphore_mem>>)
        %add3A_300 = arith.constant 3 : i32
        %add3A_301 = arith.addi %add3A_260, %add3A_300 : i32
        %dma_start3A_302 = arith.constant 7 : i32
        %dma_start3A_303 = arith.constant 0 : i32
        %dma_start3A_304 = arith.constant 0 : i32
        %dma_start3A_305 = tpu.memref_slice %arg9[%dma_start3A_302, %dma_start3A_303, %dma_start3A_304] : memref<8x128x16xf32, #tpu.memory_space<vmem>> -> memref<1x128x16xf32, #tpu.memory_space<vmem>>
        %dma_start3A_306 = tpu.memref_squeeze %dma_start3A_305 : memref<1x128x16xf32, #tpu.memory_space<vmem>> -> memref<128x16xf32, #tpu.memory_space<vmem>>
        %dma_start3A_307 = arith.constant 0 : i32
        %dma_start3A_308 = tpu.memref_slice %arg7[%add3A_301, %dma_start3A_307] : memref<40x128xi32, #tpu.memory_space<vmem>> -> memref<1x128xi32, #tpu.memory_space<vmem>>
        %dma_start3A_309 = tpu.memref_squeeze %dma_start3A_308 : memref<1x128xi32, #tpu.memory_space<vmem>> -> memref<128xi32, #tpu.memory_space<vmem>>
        %dma_start3A_310 = arith.constant 0 : i32
        %dma_start3A_311 = arith.constant 0 : i32
        %dma_start3A_312 = tpu.memref_slice %arg2[%dma_start3A_310, %dma_start3A_311] : memref<200000x16xf32, #tpu.memory_space<hbm>> -> memref<200000x16xf32, #tpu.memory_space<hbm>>
        tpu.enqueue_indirect_dma source(%dma_start3A_312 : memref<200000x16xf32, #tpu.memory_space<hbm>>) target(%dma_start3A_306 : memref<128x16xf32, #tpu.memory_space<vmem>>) offsets(%dma_start3A_309 : memref<128xi32, #tpu.memory_space<vmem>>) semaphore(%arg11 : memref<!tpu.dma_semaphore, #tpu.memory_space<semaphore_mem>>)
        %add3A_313 = arith.constant 0 : i32
        %add3A_314 = arith.addi %mul3A_258, %add3A_313 : i32
        %run_scoped3A_315 = arith.constant 0 : i32
        "tpu.region"() ({
          %run_scoped3A_482 = tpu.sem_alloc : memref<!tpu.dma_semaphore, #tpu.memory_space<semaphore_mem>>
          %dma_start3A_483 = arith.constant 0 : i32
          %dma_start3A_484 = arith.constant 0 : i32
          %dma_start3A_485 = tpu.memref_slice %arg9[%run_scoped3A_315, %dma_start3A_483, %dma_start3A_484] : memref<8x128x16xf32, #tpu.memory_space<vmem>> -> memref<1x128x16xf32, #tpu.memory_space<vmem>>
          %dma_start3A_486 = tpu.memref_squeeze %dma_start3A_485 : memref<1x128x16xf32, #tpu.memory_space<vmem>> -> memref<128x16xf32, #tpu.memory_space<vmem>>
          %dma_start3A_487 = arith.constant 0 : i32
          %dma_start3A_488 = tpu.memref_slice %arg8[%add3A_314, %dma_start3A_487] : memref<40x128xi32, #tpu.memory_space<vmem>> -> memref<1x128xi32, #tpu.memory_space<vmem>>
          %dma_start3A_489 = tpu.memref_squeeze %dma_start3A_488 : memref<1x128xi32, #tpu.memory_space<vmem>> -> memref<128xi32, #tpu.memory_space<vmem>>
          %dma_start3A_490 = arith.constant 0 : i32
          %dma_start3A_491 = arith.constant 0 : i32
          %dma_start3A_492 = tpu.memref_slice %arg10[%dma_start3A_490, %dma_start3A_491] : memref<102400x16xf32, #tpu.memory_space<vmem_shared>> -> memref<102400x16xf32, #tpu.memory_space<vmem_shared>>
          tpu.enqueue_indirect_dma source(%dma_start3A_486 : memref<128x16xf32, #tpu.memory_space<vmem>>) target(%dma_start3A_492 : memref<102400x16xf32, #tpu.memory_space<vmem_shared>>) offsets(%dma_start3A_489 : memref<128xi32, #tpu.memory_space<vmem>>) semaphore(%run_scoped3A_482 : memref<!tpu.dma_semaphore, #tpu.memory_space<semaphore_mem>>) {add = true}
          %dma_wait3A_493 = arith.constant 0 : i32
          %dma_wait3A_494 = arith.constant 0 : i32
          %dma_wait3A_495 = tpu.memref_slice %arg9[%run_scoped3A_315, %dma_wait3A_493, %dma_wait3A_494] : memref<8x128x16xf32, #tpu.memory_space<vmem>> -> memref<1x128x16xf32, #tpu.memory_space<vmem>>
          %dma_wait3A_496 = tpu.memref_squeeze %dma_wait3A_495 : memref<1x128x16xf32, #tpu.memory_space<vmem>> -> memref<128x16xf32, #tpu.memory_space<vmem>>
          %dma_wait3A_497 = arith.constant 0 : i32
          %dma_wait3A_498 = tpu.memref_slice %arg8[%add3A_314, %dma_wait3A_497] : memref<40x128xi32, #tpu.memory_space<vmem>> -> memref<1x128xi32, #tpu.memory_space<vmem>>
          %dma_wait3A_499 = tpu.memref_squeeze %dma_wait3A_498 : memref<1x128xi32, #tpu.memory_space<vmem>> -> memref<128xi32, #tpu.memory_space<vmem>>
          %dma_wait3A_500 = arith.constant 0 : i32
          %dma_wait3A_501 = arith.constant 0 : i32
          %dma_wait3A_502 = tpu.memref_slice %arg10[%dma_wait3A_500, %dma_wait3A_501] : memref<102400x16xf32, #tpu.memory_space<vmem_shared>> -> memref<102400x16xf32, #tpu.memory_space<vmem_shared>>
          tpu.wait_indirect_dma semaphore(%run_scoped3A_482 : memref<!tpu.dma_semaphore, #tpu.memory_space<semaphore_mem>>) src(%dma_wait3A_496 : memref<128x16xf32, #tpu.memory_space<vmem>>) dst(%dma_wait3A_502 : memref<102400x16xf32, #tpu.memory_space<vmem_shared>>)
          tpu.yield
        }) : () -> ()
        %add3A_316 = arith.constant 1 : i32
        %add3A_317 = arith.addi %mul3A_258, %add3A_316 : i32
        %run_scoped3A_318 = arith.constant 1 : i32
        "tpu.region"() ({
          %run_scoped3A_482 = tpu.sem_alloc : memref<!tpu.dma_semaphore, #tpu.memory_space<semaphore_mem>>
          %dma_start3A_483 = arith.constant 0 : i32
          %dma_start3A_484 = arith.constant 0 : i32
          %dma_start3A_485 = tpu.memref_slice %arg9[%run_scoped3A_318, %dma_start3A_483, %dma_start3A_484] : memref<8x128x16xf32, #tpu.memory_space<vmem>> -> memref<1x128x16xf32, #tpu.memory_space<vmem>>
          %dma_start3A_486 = tpu.memref_squeeze %dma_start3A_485 : memref<1x128x16xf32, #tpu.memory_space<vmem>> -> memref<128x16xf32, #tpu.memory_space<vmem>>
          %dma_start3A_487 = arith.constant 0 : i32
          %dma_start3A_488 = tpu.memref_slice %arg8[%add3A_317, %dma_start3A_487] : memref<40x128xi32, #tpu.memory_space<vmem>> -> memref<1x128xi32, #tpu.memory_space<vmem>>
          %dma_start3A_489 = tpu.memref_squeeze %dma_start3A_488 : memref<1x128xi32, #tpu.memory_space<vmem>> -> memref<128xi32, #tpu.memory_space<vmem>>
          %dma_start3A_490 = arith.constant 0 : i32
          %dma_start3A_491 = arith.constant 0 : i32
          %dma_start3A_492 = tpu.memref_slice %arg10[%dma_start3A_490, %dma_start3A_491] : memref<102400x16xf32, #tpu.memory_space<vmem_shared>> -> memref<102400x16xf32, #tpu.memory_space<vmem_shared>>
          tpu.enqueue_indirect_dma source(%dma_start3A_486 : memref<128x16xf32, #tpu.memory_space<vmem>>) target(%dma_start3A_492 : memref<102400x16xf32, #tpu.memory_space<vmem_shared>>) offsets(%dma_start3A_489 : memref<128xi32, #tpu.memory_space<vmem>>) semaphore(%run_scoped3A_482 : memref<!tpu.dma_semaphore, #tpu.memory_space<semaphore_mem>>) {add = true}
          %dma_wait3A_493 = arith.constant 0 : i32
          %dma_wait3A_494 = arith.constant 0 : i32
          %dma_wait3A_495 = tpu.memref_slice %arg9[%run_scoped3A_318, %dma_wait3A_493, %dma_wait3A_494] : memref<8x128x16xf32, #tpu.memory_space<vmem>> -> memref<1x128x16xf32, #tpu.memory_space<vmem>>
          %dma_wait3A_496 = tpu.memref_squeeze %dma_wait3A_495 : memref<1x128x16xf32, #tpu.memory_space<vmem>> -> memref<128x16xf32, #tpu.memory_space<vmem>>
          %dma_wait3A_497 = arith.constant 0 : i32
          %dma_wait3A_498 = tpu.memref_slice %arg8[%add3A_317, %dma_wait3A_497] : memref<40x128xi32, #tpu.memory_space<vmem>> -> memref<1x128xi32, #tpu.memory_space<vmem>>
          %dma_wait3A_499 = tpu.memref_squeeze %dma_wait3A_498 : memref<1x128xi32, #tpu.memory_space<vmem>> -> memref<128xi32, #tpu.memory_space<vmem>>
          %dma_wait3A_500 = arith.constant 0 : i32
          %dma_wait3A_501 = arith.constant 0 : i32
          %dma_wait3A_502 = tpu.memref_slice %arg10[%dma_wait3A_500, %dma_wait3A_501] : memref<102400x16xf32, #tpu.memory_space<vmem_shared>> -> memref<102400x16xf32, #tpu.memory_space<vmem_shared>>
          tpu.wait_indirect_dma semaphore(%run_scoped3A_482 : memref<!tpu.dma_semaphore, #tpu.memory_space<semaphore_mem>>) src(%dma_wait3A_496 : memref<128x16xf32, #tpu.memory_space<vmem>>) dst(%dma_wait3A_502 : memref<102400x16xf32, #tpu.memory_space<vmem_shared>>)
          tpu.yield
        }) : () -> ()
        %add3A_319 = arith.constant 2 : i32
        %add3A_320 = arith.addi %mul3A_258, %add3A_319 : i32
        %run_scoped3A_321 = arith.constant 2 : i32
        "tpu.region"() ({
          %run_scoped3A_482 = tpu.sem_alloc : memref<!tpu.dma_semaphore, #tpu.memory_space<semaphore_mem>>
          %dma_start3A_483 = arith.constant 0 : i32
          %dma_start3A_484 = arith.constant 0 : i32
          %dma_start3A_485 = tpu.memref_slice %arg9[%run_scoped3A_321, %dma_start3A_483, %dma_start3A_484] : memref<8x128x16xf32, #tpu.memory_space<vmem>> -> memref<1x128x16xf32, #tpu.memory_space<vmem>>
          %dma_start3A_486 = tpu.memref_squeeze %dma_start3A_485 : memref<1x128x16xf32, #tpu.memory_space<vmem>> -> memref<128x16xf32, #tpu.memory_space<vmem>>
          %dma_start3A_487 = arith.constant 0 : i32
          %dma_start3A_488 = tpu.memref_slice %arg8[%add3A_320, %dma_start3A_487] : memref<40x128xi32, #tpu.memory_space<vmem>> -> memref<1x128xi32, #tpu.memory_space<vmem>>
          %dma_start3A_489 = tpu.memref_squeeze %dma_start3A_488 : memref<1x128xi32, #tpu.memory_space<vmem>> -> memref<128xi32, #tpu.memory_space<vmem>>
          %dma_start3A_490 = arith.constant 0 : i32
          %dma_start3A_491 = arith.constant 0 : i32
          %dma_start3A_492 = tpu.memref_slice %arg10[%dma_start3A_490, %dma_start3A_491] : memref<102400x16xf32, #tpu.memory_space<vmem_shared>> -> memref<102400x16xf32, #tpu.memory_space<vmem_shared>>
          tpu.enqueue_indirect_dma source(%dma_start3A_486 : memref<128x16xf32, #tpu.memory_space<vmem>>) target(%dma_start3A_492 : memref<102400x16xf32, #tpu.memory_space<vmem_shared>>) offsets(%dma_start3A_489 : memref<128xi32, #tpu.memory_space<vmem>>) semaphore(%run_scoped3A_482 : memref<!tpu.dma_semaphore, #tpu.memory_space<semaphore_mem>>) {add = true}
          %dma_wait3A_493 = arith.constant 0 : i32
          %dma_wait3A_494 = arith.constant 0 : i32
          %dma_wait3A_495 = tpu.memref_slice %arg9[%run_scoped3A_321, %dma_wait3A_493, %dma_wait3A_494] : memref<8x128x16xf32, #tpu.memory_space<vmem>> -> memref<1x128x16xf32, #tpu.memory_space<vmem>>
          %dma_wait3A_496 = tpu.memref_squeeze %dma_wait3A_495 : memref<1x128x16xf32, #tpu.memory_space<vmem>> -> memref<128x16xf32, #tpu.memory_space<vmem>>
          %dma_wait3A_497 = arith.constant 0 : i32
          %dma_wait3A_498 = tpu.memref_slice %arg8[%add3A_320, %dma_wait3A_497] : memref<40x128xi32, #tpu.memory_space<vmem>> -> memref<1x128xi32, #tpu.memory_space<vmem>>
          %dma_wait3A_499 = tpu.memref_squeeze %dma_wait3A_498 : memref<1x128xi32, #tpu.memory_space<vmem>> -> memref<128xi32, #tpu.memory_space<vmem>>
          %dma_wait3A_500 = arith.constant 0 : i32
          %dma_wait3A_501 = arith.constant 0 : i32
          %dma_wait3A_502 = tpu.memref_slice %arg10[%dma_wait3A_500, %dma_wait3A_501] : memref<102400x16xf32, #tpu.memory_space<vmem_shared>> -> memref<102400x16xf32, #tpu.memory_space<vmem_shared>>
          tpu.wait_indirect_dma semaphore(%run_scoped3A_482 : memref<!tpu.dma_semaphore, #tpu.memory_space<semaphore_mem>>) src(%dma_wait3A_496 : memref<128x16xf32, #tpu.memory_space<vmem>>) dst(%dma_wait3A_502 : memref<102400x16xf32, #tpu.memory_space<vmem_shared>>)
          tpu.yield
        }) : () -> ()
        %add3A_322 = arith.constant 3 : i32
        %add3A_323 = arith.addi %mul3A_258, %add3A_322 : i32
        %run_scoped3A_324 = arith.constant 3 : i32
        "tpu.region"() ({
          %run_scoped3A_482 = tpu.sem_alloc : memref<!tpu.dma_semaphore, #tpu.memory_space<semaphore_mem>>
          %dma_start3A_483 = arith.constant 0 : i32
          %dma_start3A_484 = arith.constant 0 : i32
          %dma_start3A_485 = tpu.memref_slice %arg9[%run_scoped3A_324, %dma_start3A_483, %dma_start3A_484] : memref<8x128x16xf32, #tpu.memory_space<vmem>> -> memref<1x128x16xf32, #tpu.memory_space<vmem>>
          %dma_start3A_486 = tpu.memref_squeeze %dma_start3A_485 : memref<1x128x16xf32, #tpu.memory_space<vmem>> -> memref<128x16xf32, #tpu.memory_space<vmem>>
          %dma_start3A_487 = arith.constant 0 : i32
          %dma_start3A_488 = tpu.memref_slice %arg8[%add3A_323, %dma_start3A_487] : memref<40x128xi32, #tpu.memory_space<vmem>> -> memref<1x128xi32, #tpu.memory_space<vmem>>
          %dma_start3A_489 = tpu.memref_squeeze %dma_start3A_488 : memref<1x128xi32, #tpu.memory_space<vmem>> -> memref<128xi32, #tpu.memory_space<vmem>>
          %dma_start3A_490 = arith.constant 0 : i32
          %dma_start3A_491 = arith.constant 0 : i32
          %dma_start3A_492 = tpu.memref_slice %arg10[%dma_start3A_490, %dma_start3A_491] : memref<102400x16xf32, #tpu.memory_space<vmem_shared>> -> memref<102400x16xf32, #tpu.memory_space<vmem_shared>>
          tpu.enqueue_indirect_dma source(%dma_start3A_486 : memref<128x16xf32, #tpu.memory_space<vmem>>) target(%dma_start3A_492 : memref<102400x16xf32, #tpu.memory_space<vmem_shared>>) offsets(%dma_start3A_489 : memref<128xi32, #tpu.memory_space<vmem>>) semaphore(%run_scoped3A_482 : memref<!tpu.dma_semaphore, #tpu.memory_space<semaphore_mem>>) {add = true}
          %dma_wait3A_493 = arith.constant 0 : i32
          %dma_wait3A_494 = arith.constant 0 : i32
          %dma_wait3A_495 = tpu.memref_slice %arg9[%run_scoped3A_324, %dma_wait3A_493, %dma_wait3A_494] : memref<8x128x16xf32, #tpu.memory_space<vmem>> -> memref<1x128x16xf32, #tpu.memory_space<vmem>>
          %dma_wait3A_496 = tpu.memref_squeeze %dma_wait3A_495 : memref<1x128x16xf32, #tpu.memory_space<vmem>> -> memref<128x16xf32, #tpu.memory_space<vmem>>
          %dma_wait3A_497 = arith.constant 0 : i32
          %dma_wait3A_498 = tpu.memref_slice %arg8[%add3A_323, %dma_wait3A_497] : memref<40x128xi32, #tpu.memory_space<vmem>> -> memref<1x128xi32, #tpu.memory_space<vmem>>
          %dma_wait3A_499 = tpu.memref_squeeze %dma_wait3A_498 : memref<1x128xi32, #tpu.memory_space<vmem>> -> memref<128xi32, #tpu.memory_space<vmem>>
          %dma_wait3A_500 = arith.constant 0 : i32
          %dma_wait3A_501 = arith.constant 0 : i32
          %dma_wait3A_502 = tpu.memref_slice %arg10[%dma_wait3A_500, %dma_wait3A_501] : memref<102400x16xf32, #tpu.memory_space<vmem_shared>> -> memref<102400x16xf32, #tpu.memory_space<vmem_shared>>
          tpu.wait_indirect_dma semaphore(%run_scoped3A_482 : memref<!tpu.dma_semaphore, #tpu.memory_space<semaphore_mem>>) src(%dma_wait3A_496 : memref<128x16xf32, #tpu.memory_space<vmem>>) dst(%dma_wait3A_502 : memref<102400x16xf32, #tpu.memory_space<vmem_shared>>)
          tpu.yield
        }) : () -> ()
        %dma_wait3A_325 = arith.constant 4 : i32
        %dma_wait3A_326 = arith.constant 0 : i32
        %dma_wait3A_327 = arith.constant 0 : i32
        %dma_wait3A_328 = tpu.memref_slice %arg9[%dma_wait3A_325, %dma_wait3A_326, %dma_wait3A_327] : memref<8x128x16xf32, #tpu.memory_space<vmem>> -> memref<1x128x16xf32, #tpu.memory_space<vmem>>
        %dma_wait3A_329 = tpu.memref_squeeze %dma_wait3A_328 : memref<1x128x16xf32, #tpu.memory_space<vmem>> -> memref<128x16xf32, #tpu.memory_space<vmem>>
        %dma_wait3A_330 = arith.constant 0 : i32
        %dma_wait3A_331 = tpu.memref_slice %arg7[%add3A_262, %dma_wait3A_330] : memref<40x128xi32, #tpu.memory_space<vmem>> -> memref<1x128xi32, #tpu.memory_space<vmem>>
        %dma_wait3A_332 = tpu.memref_squeeze %dma_wait3A_331 : memref<1x128xi32, #tpu.memory_space<vmem>> -> memref<128xi32, #tpu.memory_space<vmem>>
        %dma_wait3A_333 = arith.constant 0 : i32
        %dma_wait3A_334 = arith.constant 0 : i32
        %dma_wait3A_335 = tpu.memref_slice %arg2[%dma_wait3A_333, %dma_wait3A_334] : memref<200000x16xf32, #tpu.memory_space<hbm>> -> memref<200000x16xf32, #tpu.memory_space<hbm>>
        tpu.wait_indirect_dma semaphore(%arg11 : memref<!tpu.dma_semaphore, #tpu.memory_space<semaphore_mem>>) src(%dma_wait3A_335 : memref<200000x16xf32, #tpu.memory_space<hbm>>) dst(%dma_wait3A_329 : memref<128x16xf32, #tpu.memory_space<vmem>>)
        %dma_wait3A_336 = arith.constant 5 : i32
        %dma_wait3A_337 = arith.constant 0 : i32
        %dma_wait3A_338 = arith.constant 0 : i32
        %dma_wait3A_339 = tpu.memref_slice %arg9[%dma_wait3A_336, %dma_wait3A_337, %dma_wait3A_338] : memref<8x128x16xf32, #tpu.memory_space<vmem>> -> memref<1x128x16xf32, #tpu.memory_space<vmem>>
        %dma_wait3A_340 = tpu.memref_squeeze %dma_wait3A_339 : memref<1x128x16xf32, #tpu.memory_space<vmem>> -> memref<128x16xf32, #tpu.memory_space<vmem>>
        %dma_wait3A_341 = arith.constant 0 : i32
        %dma_wait3A_342 = tpu.memref_slice %arg7[%add3A_275, %dma_wait3A_341] : memref<40x128xi32, #tpu.memory_space<vmem>> -> memref<1x128xi32, #tpu.memory_space<vmem>>
        %dma_wait3A_343 = tpu.memref_squeeze %dma_wait3A_342 : memref<1x128xi32, #tpu.memory_space<vmem>> -> memref<128xi32, #tpu.memory_space<vmem>>
        %dma_wait3A_344 = arith.constant 0 : i32
        %dma_wait3A_345 = arith.constant 0 : i32
        %dma_wait3A_346 = tpu.memref_slice %arg2[%dma_wait3A_344, %dma_wait3A_345] : memref<200000x16xf32, #tpu.memory_space<hbm>> -> memref<200000x16xf32, #tpu.memory_space<hbm>>
        tpu.wait_indirect_dma semaphore(%arg11 : memref<!tpu.dma_semaphore, #tpu.memory_space<semaphore_mem>>) src(%dma_wait3A_346 : memref<200000x16xf32, #tpu.memory_space<hbm>>) dst(%dma_wait3A_340 : memref<128x16xf32, #tpu.memory_space<vmem>>)
        %dma_wait3A_347 = arith.constant 6 : i32
        %dma_wait3A_348 = arith.constant 0 : i32
        %dma_wait3A_349 = arith.constant 0 : i32
        %dma_wait3A_350 = tpu.memref_slice %arg9[%dma_wait3A_347, %dma_wait3A_348, %dma_wait3A_349] : memref<8x128x16xf32, #tpu.memory_space<vmem>> -> memref<1x128x16xf32, #tpu.memory_space<vmem>>
        %dma_wait3A_351 = tpu.memref_squeeze %dma_wait3A_350 : memref<1x128x16xf32, #tpu.memory_space<vmem>> -> memref<128x16xf32, #tpu.memory_space<vmem>>
        %dma_wait3A_352 = arith.constant 0 : i32
        %dma_wait3A_353 = tpu.memref_slice %arg7[%add3A_288, %dma_wait3A_352] : memref<40x128xi32, #tpu.memory_space<vmem>> -> memref<1x128xi32, #tpu.memory_space<vmem>>
        %dma_wait3A_354 = tpu.memref_squeeze %dma_wait3A_353 : memref<1x128xi32, #tpu.memory_space<vmem>> -> memref<128xi32, #tpu.memory_space<vmem>>
        %dma_wait3A_355 = arith.constant 0 : i32
        %dma_wait3A_356 = arith.constant 0 : i32
        %dma_wait3A_357 = tpu.memref_slice %arg2[%dma_wait3A_355, %dma_wait3A_356] : memref<200000x16xf32, #tpu.memory_space<hbm>> -> memref<200000x16xf32, #tpu.memory_space<hbm>>
        tpu.wait_indirect_dma semaphore(%arg11 : memref<!tpu.dma_semaphore, #tpu.memory_space<semaphore_mem>>) src(%dma_wait3A_357 : memref<200000x16xf32, #tpu.memory_space<hbm>>) dst(%dma_wait3A_351 : memref<128x16xf32, #tpu.memory_space<vmem>>)
        %dma_wait3A_358 = arith.constant 7 : i32
        %dma_wait3A_359 = arith.constant 0 : i32
        %dma_wait3A_360 = arith.constant 0 : i32
        %dma_wait3A_361 = tpu.memref_slice %arg9[%dma_wait3A_358, %dma_wait3A_359, %dma_wait3A_360] : memref<8x128x16xf32, #tpu.memory_space<vmem>> -> memref<1x128x16xf32, #tpu.memory_space<vmem>>
        %dma_wait3A_362 = tpu.memref_squeeze %dma_wait3A_361 : memref<1x128x16xf32, #tpu.memory_space<vmem>> -> memref<128x16xf32, #tpu.memory_space<vmem>>
        %dma_wait3A_363 = arith.constant 0 : i32
        %dma_wait3A_364 = tpu.memref_slice %arg7[%add3A_301, %dma_wait3A_363] : memref<40x128xi32, #tpu.memory_space<vmem>> -> memref<1x128xi32, #tpu.memory_space<vmem>>
        %dma_wait3A_365 = tpu.memref_squeeze %dma_wait3A_364 : memref<1x128xi32, #tpu.memory_space<vmem>> -> memref<128xi32, #tpu.memory_space<vmem>>
        %dma_wait3A_366 = arith.constant 0 : i32
        %dma_wait3A_367 = arith.constant 0 : i32
        %dma_wait3A_368 = tpu.memref_slice %arg2[%dma_wait3A_366, %dma_wait3A_367] : memref<200000x16xf32, #tpu.memory_space<hbm>> -> memref<200000x16xf32, #tpu.memory_space<hbm>>
        tpu.wait_indirect_dma semaphore(%arg11 : memref<!tpu.dma_semaphore, #tpu.memory_space<semaphore_mem>>) src(%dma_wait3A_368 : memref<200000x16xf32, #tpu.memory_space<hbm>>) dst(%dma_wait3A_362 : memref<128x16xf32, #tpu.memory_space<vmem>>)
        %add3A_369 = arith.constant 8 : i32
        %add3A_370 = arith.addi %mul3A_258, %add3A_369 : i32
        %add3A_371 = arith.constant 0 : i32
        %add3A_372 = arith.addi %add3A_370, %add3A_371 : i32
        %dma_start3A_373 = arith.constant 0 : i32
        %dma_start3A_374 = arith.constant 0 : i32
        %dma_start3A_375 = arith.constant 0 : i32
        %dma_start3A_376 = tpu.memref_slice %arg9[%dma_start3A_373, %dma_start3A_374, %dma_start3A_375] : memref<8x128x16xf32, #tpu.memory_space<vmem>> -> memref<1x128x16xf32, #tpu.memory_space<vmem>>
        %dma_start3A_377 = tpu.memref_squeeze %dma_start3A_376 : memref<1x128x16xf32, #tpu.memory_space<vmem>> -> memref<128x16xf32, #tpu.memory_space<vmem>>
        %dma_start3A_378 = arith.constant 0 : i32
        %dma_start3A_379 = tpu.memref_slice %arg7[%add3A_372, %dma_start3A_378] : memref<40x128xi32, #tpu.memory_space<vmem>> -> memref<1x128xi32, #tpu.memory_space<vmem>>
        %dma_start3A_380 = tpu.memref_squeeze %dma_start3A_379 : memref<1x128xi32, #tpu.memory_space<vmem>> -> memref<128xi32, #tpu.memory_space<vmem>>
        %dma_start3A_381 = arith.constant 0 : i32
        %dma_start3A_382 = arith.constant 0 : i32
        %dma_start3A_383 = tpu.memref_slice %arg2[%dma_start3A_381, %dma_start3A_382] : memref<200000x16xf32, #tpu.memory_space<hbm>> -> memref<200000x16xf32, #tpu.memory_space<hbm>>
        tpu.enqueue_indirect_dma source(%dma_start3A_383 : memref<200000x16xf32, #tpu.memory_space<hbm>>) target(%dma_start3A_377 : memref<128x16xf32, #tpu.memory_space<vmem>>) offsets(%dma_start3A_380 : memref<128xi32, #tpu.memory_space<vmem>>) semaphore(%arg11 : memref<!tpu.dma_semaphore, #tpu.memory_space<semaphore_mem>>)
        %add3A_384 = arith.constant 1 : i32
        %add3A_385 = arith.addi %add3A_370, %add3A_384 : i32
        %dma_start3A_386 = arith.constant 1 : i32
        %dma_start3A_387 = arith.constant 0 : i32
        %dma_start3A_388 = arith.constant 0 : i32
        %dma_start3A_389 = tpu.memref_slice %arg9[%dma_start3A_386, %dma_start3A_387, %dma_start3A_388] : memref<8x128x16xf32, #tpu.memory_space<vmem>> -> memref<1x128x16xf32, #tpu.memory_space<vmem>>
        %dma_start3A_390 = tpu.memref_squeeze %dma_start3A_389 : memref<1x128x16xf32, #tpu.memory_space<vmem>> -> memref<128x16xf32, #tpu.memory_space<vmem>>
        %dma_start3A_391 = arith.constant 0 : i32
        %dma_start3A_392 = tpu.memref_slice %arg7[%add3A_385, %dma_start3A_391] : memref<40x128xi32, #tpu.memory_space<vmem>> -> memref<1x128xi32, #tpu.memory_space<vmem>>
        %dma_start3A_393 = tpu.memref_squeeze %dma_start3A_392 : memref<1x128xi32, #tpu.memory_space<vmem>> -> memref<128xi32, #tpu.memory_space<vmem>>
        %dma_start3A_394 = arith.constant 0 : i32
        %dma_start3A_395 = arith.constant 0 : i32
        %dma_start3A_396 = tpu.memref_slice %arg2[%dma_start3A_394, %dma_start3A_395] : memref<200000x16xf32, #tpu.memory_space<hbm>> -> memref<200000x16xf32, #tpu.memory_space<hbm>>
        tpu.enqueue_indirect_dma source(%dma_start3A_396 : memref<200000x16xf32, #tpu.memory_space<hbm>>) target(%dma_start3A_390 : memref<128x16xf32, #tpu.memory_space<vmem>>) offsets(%dma_start3A_393 : memref<128xi32, #tpu.memory_space<vmem>>) semaphore(%arg11 : memref<!tpu.dma_semaphore, #tpu.memory_space<semaphore_mem>>)
        %add3A_397 = arith.constant 2 : i32
        %add3A_398 = arith.addi %add3A_370, %add3A_397 : i32
        %dma_start3A_399 = arith.constant 2 : i32
        %dma_start3A_400 = arith.constant 0 : i32
        %dma_start3A_401 = arith.constant 0 : i32
        %dma_start3A_402 = tpu.memref_slice %arg9[%dma_start3A_399, %dma_start3A_400, %dma_start3A_401] : memref<8x128x16xf32, #tpu.memory_space<vmem>> -> memref<1x128x16xf32, #tpu.memory_space<vmem>>
        %dma_start3A_403 = tpu.memref_squeeze %dma_start3A_402 : memref<1x128x16xf32, #tpu.memory_space<vmem>> -> memref<128x16xf32, #tpu.memory_space<vmem>>
        %dma_start3A_404 = arith.constant 0 : i32
        %dma_start3A_405 = tpu.memref_slice %arg7[%add3A_398, %dma_start3A_404] : memref<40x128xi32, #tpu.memory_space<vmem>> -> memref<1x128xi32, #tpu.memory_space<vmem>>
        %dma_start3A_406 = tpu.memref_squeeze %dma_start3A_405 : memref<1x128xi32, #tpu.memory_space<vmem>> -> memref<128xi32, #tpu.memory_space<vmem>>
        %dma_start3A_407 = arith.constant 0 : i32
        %dma_start3A_408 = arith.constant 0 : i32
        %dma_start3A_409 = tpu.memref_slice %arg2[%dma_start3A_407, %dma_start3A_408] : memref<200000x16xf32, #tpu.memory_space<hbm>> -> memref<200000x16xf32, #tpu.memory_space<hbm>>
        tpu.enqueue_indirect_dma source(%dma_start3A_409 : memref<200000x16xf32, #tpu.memory_space<hbm>>) target(%dma_start3A_403 : memref<128x16xf32, #tpu.memory_space<vmem>>) offsets(%dma_start3A_406 : memref<128xi32, #tpu.memory_space<vmem>>) semaphore(%arg11 : memref<!tpu.dma_semaphore, #tpu.memory_space<semaphore_mem>>)
        %add3A_410 = arith.constant 3 : i32
        %add3A_411 = arith.addi %add3A_370, %add3A_410 : i32
        %dma_start3A_412 = arith.constant 3 : i32
        %dma_start3A_413 = arith.constant 0 : i32
        %dma_start3A_414 = arith.constant 0 : i32
        %dma_start3A_415 = tpu.memref_slice %arg9[%dma_start3A_412, %dma_start3A_413, %dma_start3A_414] : memref<8x128x16xf32, #tpu.memory_space<vmem>> -> memref<1x128x16xf32, #tpu.memory_space<vmem>>
        %dma_start3A_416 = tpu.memref_squeeze %dma_start3A_415 : memref<1x128x16xf32, #tpu.memory_space<vmem>> -> memref<128x16xf32, #tpu.memory_space<vmem>>
        %dma_start3A_417 = arith.constant 0 : i32
        %dma_start3A_418 = tpu.memref_slice %arg7[%add3A_411, %dma_start3A_417] : memref<40x128xi32, #tpu.memory_space<vmem>> -> memref<1x128xi32, #tpu.memory_space<vmem>>
        %dma_start3A_419 = tpu.memref_squeeze %dma_start3A_418 : memref<1x128xi32, #tpu.memory_space<vmem>> -> memref<128xi32, #tpu.memory_space<vmem>>
        %dma_start3A_420 = arith.constant 0 : i32
        %dma_start3A_421 = arith.constant 0 : i32
        %dma_start3A_422 = tpu.memref_slice %arg2[%dma_start3A_420, %dma_start3A_421] : memref<200000x16xf32, #tpu.memory_space<hbm>> -> memref<200000x16xf32, #tpu.memory_space<hbm>>
        tpu.enqueue_indirect_dma source(%dma_start3A_422 : memref<200000x16xf32, #tpu.memory_space<hbm>>) target(%dma_start3A_416 : memref<128x16xf32, #tpu.memory_space<vmem>>) offsets(%dma_start3A_419 : memref<128xi32, #tpu.memory_space<vmem>>) semaphore(%arg11 : memref<!tpu.dma_semaphore, #tpu.memory_space<semaphore_mem>>)
        %add3A_423 = arith.constant 4 : i32
        %add3A_424 = arith.addi %mul3A_258, %add3A_423 : i32
        %add3A_425 = arith.constant 0 : i32
        %add3A_426 = arith.addi %add3A_424, %add3A_425 : i32
        %run_scoped3A_427 = arith.constant 4 : i32
        "tpu.region"() ({
          %run_scoped3A_482 = tpu.sem_alloc : memref<!tpu.dma_semaphore, #tpu.memory_space<semaphore_mem>>
          %dma_start3A_483 = arith.constant 0 : i32
          %dma_start3A_484 = arith.constant 0 : i32
          %dma_start3A_485 = tpu.memref_slice %arg9[%run_scoped3A_427, %dma_start3A_483, %dma_start3A_484] : memref<8x128x16xf32, #tpu.memory_space<vmem>> -> memref<1x128x16xf32, #tpu.memory_space<vmem>>
          %dma_start3A_486 = tpu.memref_squeeze %dma_start3A_485 : memref<1x128x16xf32, #tpu.memory_space<vmem>> -> memref<128x16xf32, #tpu.memory_space<vmem>>
          %dma_start3A_487 = arith.constant 0 : i32
          %dma_start3A_488 = tpu.memref_slice %arg8[%add3A_426, %dma_start3A_487] : memref<40x128xi32, #tpu.memory_space<vmem>> -> memref<1x128xi32, #tpu.memory_space<vmem>>
          %dma_start3A_489 = tpu.memref_squeeze %dma_start3A_488 : memref<1x128xi32, #tpu.memory_space<vmem>> -> memref<128xi32, #tpu.memory_space<vmem>>
          %dma_start3A_490 = arith.constant 0 : i32
          %dma_start3A_491 = arith.constant 0 : i32
          %dma_start3A_492 = tpu.memref_slice %arg10[%dma_start3A_490, %dma_start3A_491] : memref<102400x16xf32, #tpu.memory_space<vmem_shared>> -> memref<102400x16xf32, #tpu.memory_space<vmem_shared>>
          tpu.enqueue_indirect_dma source(%dma_start3A_486 : memref<128x16xf32, #tpu.memory_space<vmem>>) target(%dma_start3A_492 : memref<102400x16xf32, #tpu.memory_space<vmem_shared>>) offsets(%dma_start3A_489 : memref<128xi32, #tpu.memory_space<vmem>>) semaphore(%run_scoped3A_482 : memref<!tpu.dma_semaphore, #tpu.memory_space<semaphore_mem>>) {add = true}
          %dma_wait3A_493 = arith.constant 0 : i32
          %dma_wait3A_494 = arith.constant 0 : i32
          %dma_wait3A_495 = tpu.memref_slice %arg9[%run_scoped3A_427, %dma_wait3A_493, %dma_wait3A_494] : memref<8x128x16xf32, #tpu.memory_space<vmem>> -> memref<1x128x16xf32, #tpu.memory_space<vmem>>
          %dma_wait3A_496 = tpu.memref_squeeze %dma_wait3A_495 : memref<1x128x16xf32, #tpu.memory_space<vmem>> -> memref<128x16xf32, #tpu.memory_space<vmem>>
          %dma_wait3A_497 = arith.constant 0 : i32
          %dma_wait3A_498 = tpu.memref_slice %arg8[%add3A_426, %dma_wait3A_497] : memref<40x128xi32, #tpu.memory_space<vmem>> -> memref<1x128xi32, #tpu.memory_space<vmem>>
          %dma_wait3A_499 = tpu.memref_squeeze %dma_wait3A_498 : memref<1x128xi32, #tpu.memory_space<vmem>> -> memref<128xi32, #tpu.memory_space<vmem>>
          %dma_wait3A_500 = arith.constant 0 : i32
          %dma_wait3A_501 = arith.constant 0 : i32
          %dma_wait3A_502 = tpu.memref_slice %arg10[%dma_wait3A_500, %dma_wait3A_501] : memref<102400x16xf32, #tpu.memory_space<vmem_shared>> -> memref<102400x16xf32, #tpu.memory_space<vmem_shared>>
          tpu.wait_indirect_dma semaphore(%run_scoped3A_482 : memref<!tpu.dma_semaphore, #tpu.memory_space<semaphore_mem>>) src(%dma_wait3A_496 : memref<128x16xf32, #tpu.memory_space<vmem>>) dst(%dma_wait3A_502 : memref<102400x16xf32, #tpu.memory_space<vmem_shared>>)
          tpu.yield
        }) : () -> ()
        %add3A_428 = arith.constant 1 : i32
        %add3A_429 = arith.addi %add3A_424, %add3A_428 : i32
        %run_scoped3A_430 = arith.constant 5 : i32
        "tpu.region"() ({
          %run_scoped3A_482 = tpu.sem_alloc : memref<!tpu.dma_semaphore, #tpu.memory_space<semaphore_mem>>
          %dma_start3A_483 = arith.constant 0 : i32
          %dma_start3A_484 = arith.constant 0 : i32
          %dma_start3A_485 = tpu.memref_slice %arg9[%run_scoped3A_430, %dma_start3A_483, %dma_start3A_484] : memref<8x128x16xf32, #tpu.memory_space<vmem>> -> memref<1x128x16xf32, #tpu.memory_space<vmem>>
          %dma_start3A_486 = tpu.memref_squeeze %dma_start3A_485 : memref<1x128x16xf32, #tpu.memory_space<vmem>> -> memref<128x16xf32, #tpu.memory_space<vmem>>
          %dma_start3A_487 = arith.constant 0 : i32
          %dma_start3A_488 = tpu.memref_slice %arg8[%add3A_429, %dma_start3A_487] : memref<40x128xi32, #tpu.memory_space<vmem>> -> memref<1x128xi32, #tpu.memory_space<vmem>>
          %dma_start3A_489 = tpu.memref_squeeze %dma_start3A_488 : memref<1x128xi32, #tpu.memory_space<vmem>> -> memref<128xi32, #tpu.memory_space<vmem>>
          %dma_start3A_490 = arith.constant 0 : i32
          %dma_start3A_491 = arith.constant 0 : i32
          %dma_start3A_492 = tpu.memref_slice %arg10[%dma_start3A_490, %dma_start3A_491] : memref<102400x16xf32, #tpu.memory_space<vmem_shared>> -> memref<102400x16xf32, #tpu.memory_space<vmem_shared>>
          tpu.enqueue_indirect_dma source(%dma_start3A_486 : memref<128x16xf32, #tpu.memory_space<vmem>>) target(%dma_start3A_492 : memref<102400x16xf32, #tpu.memory_space<vmem_shared>>) offsets(%dma_start3A_489 : memref<128xi32, #tpu.memory_space<vmem>>) semaphore(%run_scoped3A_482 : memref<!tpu.dma_semaphore, #tpu.memory_space<semaphore_mem>>) {add = true}
          %dma_wait3A_493 = arith.constant 0 : i32
          %dma_wait3A_494 = arith.constant 0 : i32
          %dma_wait3A_495 = tpu.memref_slice %arg9[%run_scoped3A_430, %dma_wait3A_493, %dma_wait3A_494] : memref<8x128x16xf32, #tpu.memory_space<vmem>> -> memref<1x128x16xf32, #tpu.memory_space<vmem>>
          %dma_wait3A_496 = tpu.memref_squeeze %dma_wait3A_495 : memref<1x128x16xf32, #tpu.memory_space<vmem>> -> memref<128x16xf32, #tpu.memory_space<vmem>>
          %dma_wait3A_497 = arith.constant 0 : i32
          %dma_wait3A_498 = tpu.memref_slice %arg8[%add3A_429, %dma_wait3A_497] : memref<40x128xi32, #tpu.memory_space<vmem>> -> memref<1x128xi32, #tpu.memory_space<vmem>>
          %dma_wait3A_499 = tpu.memref_squeeze %dma_wait3A_498 : memref<1x128xi32, #tpu.memory_space<vmem>> -> memref<128xi32, #tpu.memory_space<vmem>>
          %dma_wait3A_500 = arith.constant 0 : i32
          %dma_wait3A_501 = arith.constant 0 : i32
          %dma_wait3A_502 = tpu.memref_slice %arg10[%dma_wait3A_500, %dma_wait3A_501] : memref<102400x16xf32, #tpu.memory_space<vmem_shared>> -> memref<102400x16xf32, #tpu.memory_space<vmem_shared>>
          tpu.wait_indirect_dma semaphore(%run_scoped3A_482 : memref<!tpu.dma_semaphore, #tpu.memory_space<semaphore_mem>>) src(%dma_wait3A_496 : memref<128x16xf32, #tpu.memory_space<vmem>>) dst(%dma_wait3A_502 : memref<102400x16xf32, #tpu.memory_space<vmem_shared>>)
          tpu.yield
        }) : () -> ()
        %add3A_431 = arith.constant 2 : i32
        %add3A_432 = arith.addi %add3A_424, %add3A_431 : i32
        %run_scoped3A_433 = arith.constant 6 : i32
        "tpu.region"() ({
          %run_scoped3A_482 = tpu.sem_alloc : memref<!tpu.dma_semaphore, #tpu.memory_space<semaphore_mem>>
          %dma_start3A_483 = arith.constant 0 : i32
          %dma_start3A_484 = arith.constant 0 : i32
          %dma_start3A_485 = tpu.memref_slice %arg9[%run_scoped3A_433, %dma_start3A_483, %dma_start3A_484] : memref<8x128x16xf32, #tpu.memory_space<vmem>> -> memref<1x128x16xf32, #tpu.memory_space<vmem>>
          %dma_start3A_486 = tpu.memref_squeeze %dma_start3A_485 : memref<1x128x16xf32, #tpu.memory_space<vmem>> -> memref<128x16xf32, #tpu.memory_space<vmem>>
          %dma_start3A_487 = arith.constant 0 : i32
          %dma_start3A_488 = tpu.memref_slice %arg8[%add3A_432, %dma_start3A_487] : memref<40x128xi32, #tpu.memory_space<vmem>> -> memref<1x128xi32, #tpu.memory_space<vmem>>
          %dma_start3A_489 = tpu.memref_squeeze %dma_start3A_488 : memref<1x128xi32, #tpu.memory_space<vmem>> -> memref<128xi32, #tpu.memory_space<vmem>>
          %dma_start3A_490 = arith.constant 0 : i32
          %dma_start3A_491 = arith.constant 0 : i32
          %dma_start3A_492 = tpu.memref_slice %arg10[%dma_start3A_490, %dma_start3A_491] : memref<102400x16xf32, #tpu.memory_space<vmem_shared>> -> memref<102400x16xf32, #tpu.memory_space<vmem_shared>>
          tpu.enqueue_indirect_dma source(%dma_start3A_486 : memref<128x16xf32, #tpu.memory_space<vmem>>) target(%dma_start3A_492 : memref<102400x16xf32, #tpu.memory_space<vmem_shared>>) offsets(%dma_start3A_489 : memref<128xi32, #tpu.memory_space<vmem>>) semaphore(%run_scoped3A_482 : memref<!tpu.dma_semaphore, #tpu.memory_space<semaphore_mem>>) {add = true}
          %dma_wait3A_493 = arith.constant 0 : i32
          %dma_wait3A_494 = arith.constant 0 : i32
          %dma_wait3A_495 = tpu.memref_slice %arg9[%run_scoped3A_433, %dma_wait3A_493, %dma_wait3A_494] : memref<8x128x16xf32, #tpu.memory_space<vmem>> -> memref<1x128x16xf32, #tpu.memory_space<vmem>>
          %dma_wait3A_496 = tpu.memref_squeeze %dma_wait3A_495 : memref<1x128x16xf32, #tpu.memory_space<vmem>> -> memref<128x16xf32, #tpu.memory_space<vmem>>
          %dma_wait3A_497 = arith.constant 0 : i32
          %dma_wait3A_498 = tpu.memref_slice %arg8[%add3A_432, %dma_wait3A_497] : memref<40x128xi32, #tpu.memory_space<vmem>> -> memref<1x128xi32, #tpu.memory_space<vmem>>
          %dma_wait3A_499 = tpu.memref_squeeze %dma_wait3A_498 : memref<1x128xi32, #tpu.memory_space<vmem>> -> memref<128xi32, #tpu.memory_space<vmem>>
          %dma_wait3A_500 = arith.constant 0 : i32
          %dma_wait3A_501 = arith.constant 0 : i32
          %dma_wait3A_502 = tpu.memref_slice %arg10[%dma_wait3A_500, %dma_wait3A_501] : memref<102400x16xf32, #tpu.memory_space<vmem_shared>> -> memref<102400x16xf32, #tpu.memory_space<vmem_shared>>
          tpu.wait_indirect_dma semaphore(%run_scoped3A_482 : memref<!tpu.dma_semaphore, #tpu.memory_space<semaphore_mem>>) src(%dma_wait3A_496 : memref<128x16xf32, #tpu.memory_space<vmem>>) dst(%dma_wait3A_502 : memref<102400x16xf32, #tpu.memory_space<vmem_shared>>)
          tpu.yield
        }) : () -> ()
        %add3A_434 = arith.constant 3 : i32
        %add3A_435 = arith.addi %add3A_424, %add3A_434 : i32
        %run_scoped3A_436 = arith.constant 7 : i32
        "tpu.region"() ({
          %run_scoped3A_482 = tpu.sem_alloc : memref<!tpu.dma_semaphore, #tpu.memory_space<semaphore_mem>>
          %dma_start3A_483 = arith.constant 0 : i32
          %dma_start3A_484 = arith.constant 0 : i32
          %dma_start3A_485 = tpu.memref_slice %arg9[%run_scoped3A_436, %dma_start3A_483, %dma_start3A_484] : memref<8x128x16xf32, #tpu.memory_space<vmem>> -> memref<1x128x16xf32, #tpu.memory_space<vmem>>
          %dma_start3A_486 = tpu.memref_squeeze %dma_start3A_485 : memref<1x128x16xf32, #tpu.memory_space<vmem>> -> memref<128x16xf32, #tpu.memory_space<vmem>>
          %dma_start3A_487 = arith.constant 0 : i32
          %dma_start3A_488 = tpu.memref_slice %arg8[%add3A_435, %dma_start3A_487] : memref<40x128xi32, #tpu.memory_space<vmem>> -> memref<1x128xi32, #tpu.memory_space<vmem>>
          %dma_start3A_489 = tpu.memref_squeeze %dma_start3A_488 : memref<1x128xi32, #tpu.memory_space<vmem>> -> memref<128xi32, #tpu.memory_space<vmem>>
          %dma_start3A_490 = arith.constant 0 : i32
          %dma_start3A_491 = arith.constant 0 : i32
          %dma_start3A_492 = tpu.memref_slice %arg10[%dma_start3A_490, %dma_start3A_491] : memref<102400x16xf32, #tpu.memory_space<vmem_shared>> -> memref<102400x16xf32, #tpu.memory_space<vmem_shared>>
          tpu.enqueue_indirect_dma source(%dma_start3A_486 : memref<128x16xf32, #tpu.memory_space<vmem>>) target(%dma_start3A_492 : memref<102400x16xf32, #tpu.memory_space<vmem_shared>>) offsets(%dma_start3A_489 : memref<128xi32, #tpu.memory_space<vmem>>) semaphore(%run_scoped3A_482 : memref<!tpu.dma_semaphore, #tpu.memory_space<semaphore_mem>>) {add = true}
          %dma_wait3A_493 = arith.constant 0 : i32
          %dma_wait3A_494 = arith.constant 0 : i32
          %dma_wait3A_495 = tpu.memref_slice %arg9[%run_scoped3A_436, %dma_wait3A_493, %dma_wait3A_494] : memref<8x128x16xf32, #tpu.memory_space<vmem>> -> memref<1x128x16xf32, #tpu.memory_space<vmem>>
          %dma_wait3A_496 = tpu.memref_squeeze %dma_wait3A_495 : memref<1x128x16xf32, #tpu.memory_space<vmem>> -> memref<128x16xf32, #tpu.memory_space<vmem>>
          %dma_wait3A_497 = arith.constant 0 : i32
          %dma_wait3A_498 = tpu.memref_slice %arg8[%add3A_435, %dma_wait3A_497] : memref<40x128xi32, #tpu.memory_space<vmem>> -> memref<1x128xi32, #tpu.memory_space<vmem>>
          %dma_wait3A_499 = tpu.memref_squeeze %dma_wait3A_498 : memref<1x128xi32, #tpu.memory_space<vmem>> -> memref<128xi32, #tpu.memory_space<vmem>>
          %dma_wait3A_500 = arith.constant 0 : i32
          %dma_wait3A_501 = arith.constant 0 : i32
          %dma_wait3A_502 = tpu.memref_slice %arg10[%dma_wait3A_500, %dma_wait3A_501] : memref<102400x16xf32, #tpu.memory_space<vmem_shared>> -> memref<102400x16xf32, #tpu.memory_space<vmem_shared>>
          tpu.wait_indirect_dma semaphore(%run_scoped3A_482 : memref<!tpu.dma_semaphore, #tpu.memory_space<semaphore_mem>>) src(%dma_wait3A_496 : memref<128x16xf32, #tpu.memory_space<vmem>>) dst(%dma_wait3A_502 : memref<102400x16xf32, #tpu.memory_space<vmem_shared>>)
          tpu.yield
        }) : () -> ()
        %dma_wait3A_437 = arith.constant 0 : i32
        %dma_wait3A_438 = arith.constant 0 : i32
        %dma_wait3A_439 = arith.constant 0 : i32
        %dma_wait3A_440 = tpu.memref_slice %arg9[%dma_wait3A_437, %dma_wait3A_438, %dma_wait3A_439] : memref<8x128x16xf32, #tpu.memory_space<vmem>> -> memref<1x128x16xf32, #tpu.memory_space<vmem>>
        %dma_wait3A_441 = tpu.memref_squeeze %dma_wait3A_440 : memref<1x128x16xf32, #tpu.memory_space<vmem>> -> memref<128x16xf32, #tpu.memory_space<vmem>>
        %dma_wait3A_442 = arith.constant 0 : i32
        %dma_wait3A_443 = tpu.memref_slice %arg7[%add3A_372, %dma_wait3A_442] : memref<40x128xi32, #tpu.memory_space<vmem>> -> memref<1x128xi32, #tpu.memory_space<vmem>>
        %dma_wait3A_444 = tpu.memref_squeeze %dma_wait3A_443 : memref<1x128xi32, #tpu.memory_space<vmem>> -> memref<128xi32, #tpu.memory_space<vmem>>
        %dma_wait3A_445 = arith.constant 0 : i32
        %dma_wait3A_446 = arith.constant 0 : i32
        %dma_wait3A_447 = tpu.memref_slice %arg2[%dma_wait3A_445, %dma_wait3A_446] : memref<200000x16xf32, #tpu.memory_space<hbm>> -> memref<200000x16xf32, #tpu.memory_space<hbm>>
        tpu.wait_indirect_dma semaphore(%arg11 : memref<!tpu.dma_semaphore, #tpu.memory_space<semaphore_mem>>) src(%dma_wait3A_447 : memref<200000x16xf32, #tpu.memory_space<hbm>>) dst(%dma_wait3A_441 : memref<128x16xf32, #tpu.memory_space<vmem>>)
        %dma_wait3A_448 = arith.constant 1 : i32
        %dma_wait3A_449 = arith.constant 0 : i32
        %dma_wait3A_450 = arith.constant 0 : i32
        %dma_wait3A_451 = tpu.memref_slice %arg9[%dma_wait3A_448, %dma_wait3A_449, %dma_wait3A_450] : memref<8x128x16xf32, #tpu.memory_space<vmem>> -> memref<1x128x16xf32, #tpu.memory_space<vmem>>
        %dma_wait3A_452 = tpu.memref_squeeze %dma_wait3A_451 : memref<1x128x16xf32, #tpu.memory_space<vmem>> -> memref<128x16xf32, #tpu.memory_space<vmem>>
        %dma_wait3A_453 = arith.constant 0 : i32
        %dma_wait3A_454 = tpu.memref_slice %arg7[%add3A_385, %dma_wait3A_453] : memref<40x128xi32, #tpu.memory_space<vmem>> -> memref<1x128xi32, #tpu.memory_space<vmem>>
        %dma_wait3A_455 = tpu.memref_squeeze %dma_wait3A_454 : memref<1x128xi32, #tpu.memory_space<vmem>> -> memref<128xi32, #tpu.memory_space<vmem>>
        %dma_wait3A_456 = arith.constant 0 : i32
        %dma_wait3A_457 = arith.constant 0 : i32
        %dma_wait3A_458 = tpu.memref_slice %arg2[%dma_wait3A_456, %dma_wait3A_457] : memref<200000x16xf32, #tpu.memory_space<hbm>> -> memref<200000x16xf32, #tpu.memory_space<hbm>>
        tpu.wait_indirect_dma semaphore(%arg11 : memref<!tpu.dma_semaphore, #tpu.memory_space<semaphore_mem>>) src(%dma_wait3A_458 : memref<200000x16xf32, #tpu.memory_space<hbm>>) dst(%dma_wait3A_452 : memref<128x16xf32, #tpu.memory_space<vmem>>)
        %dma_wait3A_459 = arith.constant 2 : i32
        %dma_wait3A_460 = arith.constant 0 : i32
        %dma_wait3A_461 = arith.constant 0 : i32
        %dma_wait3A_462 = tpu.memref_slice %arg9[%dma_wait3A_459, %dma_wait3A_460, %dma_wait3A_461] : memref<8x128x16xf32, #tpu.memory_space<vmem>> -> memref<1x128x16xf32, #tpu.memory_space<vmem>>
        %dma_wait3A_463 = tpu.memref_squeeze %dma_wait3A_462 : memref<1x128x16xf32, #tpu.memory_space<vmem>> -> memref<128x16xf32, #tpu.memory_space<vmem>>
        %dma_wait3A_464 = arith.constant 0 : i32
        %dma_wait3A_465 = tpu.memref_slice %arg7[%add3A_398, %dma_wait3A_464] : memref<40x128xi32, #tpu.memory_space<vmem>> -> memref<1x128xi32, #tpu.memory_space<vmem>>
        %dma_wait3A_466 = tpu.memref_squeeze %dma_wait3A_465 : memref<1x128xi32, #tpu.memory_space<vmem>> -> memref<128xi32, #tpu.memory_space<vmem>>
        %dma_wait3A_467 = arith.constant 0 : i32
        %dma_wait3A_468 = arith.constant 0 : i32
        %dma_wait3A_469 = tpu.memref_slice %arg2[%dma_wait3A_467, %dma_wait3A_468] : memref<200000x16xf32, #tpu.memory_space<hbm>> -> memref<200000x16xf32, #tpu.memory_space<hbm>>
        tpu.wait_indirect_dma semaphore(%arg11 : memref<!tpu.dma_semaphore, #tpu.memory_space<semaphore_mem>>) src(%dma_wait3A_469 : memref<200000x16xf32, #tpu.memory_space<hbm>>) dst(%dma_wait3A_463 : memref<128x16xf32, #tpu.memory_space<vmem>>)
        %dma_wait3A_470 = arith.constant 3 : i32
        %dma_wait3A_471 = arith.constant 0 : i32
        %dma_wait3A_472 = arith.constant 0 : i32
        %dma_wait3A_473 = tpu.memref_slice %arg9[%dma_wait3A_470, %dma_wait3A_471, %dma_wait3A_472] : memref<8x128x16xf32, #tpu.memory_space<vmem>> -> memref<1x128x16xf32, #tpu.memory_space<vmem>>
        %dma_wait3A_474 = tpu.memref_squeeze %dma_wait3A_473 : memref<1x128x16xf32, #tpu.memory_space<vmem>> -> memref<128x16xf32, #tpu.memory_space<vmem>>
        %dma_wait3A_475 = arith.constant 0 : i32
        %dma_wait3A_476 = tpu.memref_slice %arg7[%add3A_411, %dma_wait3A_475] : memref<40x128xi32, #tpu.memory_space<vmem>> -> memref<1x128xi32, #tpu.memory_space<vmem>>
        %dma_wait3A_477 = tpu.memref_squeeze %dma_wait3A_476 : memref<1x128xi32, #tpu.memory_space<vmem>> -> memref<128xi32, #tpu.memory_space<vmem>>
        %dma_wait3A_478 = arith.constant 0 : i32
        %dma_wait3A_479 = arith.constant 0 : i32
        %dma_wait3A_480 = tpu.memref_slice %arg2[%dma_wait3A_478, %dma_wait3A_479] : memref<200000x16xf32, #tpu.memory_space<hbm>> -> memref<200000x16xf32, #tpu.memory_space<hbm>>
        tpu.wait_indirect_dma semaphore(%arg11 : memref<!tpu.dma_semaphore, #tpu.memory_space<semaphore_mem>>) src(%dma_wait3A_480 : memref<200000x16xf32, #tpu.memory_space<hbm>>) dst(%dma_wait3A_474 : memref<128x16xf32, #tpu.memory_space<vmem>>)
        %scan3A_481 = arith.constant 0 : i32
        scf.yield %scan3A_481 : i32
      }
      %scan3A_140 = arith.constant 4 : i32
      %dma_start3A_141 = arith.constant 36 : i32
      %dma_start3A_142 = arith.constant 4 : i32
      %dma_start3A_143 = arith.constant 0 : i32
      %dma_start3A_144 = arith.constant 0 : i32
      %dma_start3A_145 = tpu.memref_slice %arg9[%dma_start3A_142, %dma_start3A_143, %dma_start3A_144] : memref<8x128x16xf32, #tpu.memory_space<vmem>> -> memref<1x128x16xf32, #tpu.memory_space<vmem>>
      %dma_start3A_146 = tpu.memref_squeeze %dma_start3A_145 : memref<1x128x16xf32, #tpu.memory_space<vmem>> -> memref<128x16xf32, #tpu.memory_space<vmem>>
      %dma_start3A_147 = arith.constant 0 : i32
      %dma_start3A_148 = tpu.memref_slice %arg7[%dma_start3A_141, %dma_start3A_147] : memref<40x128xi32, #tpu.memory_space<vmem>> -> memref<1x128xi32, #tpu.memory_space<vmem>>
      %dma_start3A_149 = tpu.memref_squeeze %dma_start3A_148 : memref<1x128xi32, #tpu.memory_space<vmem>> -> memref<128xi32, #tpu.memory_space<vmem>>
      %dma_start3A_150 = arith.constant 0 : i32
      %dma_start3A_151 = arith.constant 0 : i32
      %dma_start3A_152 = tpu.memref_slice %arg2[%dma_start3A_150, %dma_start3A_151] : memref<200000x16xf32, #tpu.memory_space<hbm>> -> memref<200000x16xf32, #tpu.memory_space<hbm>>
      tpu.enqueue_indirect_dma source(%dma_start3A_152 : memref<200000x16xf32, #tpu.memory_space<hbm>>) target(%dma_start3A_146 : memref<128x16xf32, #tpu.memory_space<vmem>>) offsets(%dma_start3A_149 : memref<128xi32, #tpu.memory_space<vmem>>) semaphore(%arg11 : memref<!tpu.dma_semaphore, #tpu.memory_space<semaphore_mem>>)
      %dma_start3A_153 = arith.constant 37 : i32
      %dma_start3A_154 = arith.constant 5 : i32
      %dma_start3A_155 = arith.constant 0 : i32
      %dma_start3A_156 = arith.constant 0 : i32
      %dma_start3A_157 = tpu.memref_slice %arg9[%dma_start3A_154, %dma_start3A_155, %dma_start3A_156] : memref<8x128x16xf32, #tpu.memory_space<vmem>> -> memref<1x128x16xf32, #tpu.memory_space<vmem>>
      %dma_start3A_158 = tpu.memref_squeeze %dma_start3A_157 : memref<1x128x16xf32, #tpu.memory_space<vmem>> -> memref<128x16xf32, #tpu.memory_space<vmem>>
      %dma_start3A_159 = arith.constant 0 : i32
      %dma_start3A_160 = tpu.memref_slice %arg7[%dma_start3A_153, %dma_start3A_159] : memref<40x128xi32, #tpu.memory_space<vmem>> -> memref<1x128xi32, #tpu.memory_space<vmem>>
      %dma_start3A_161 = tpu.memref_squeeze %dma_start3A_160 : memref<1x128xi32, #tpu.memory_space<vmem>> -> memref<128xi32, #tpu.memory_space<vmem>>
      %dma_start3A_162 = arith.constant 0 : i32
      %dma_start3A_163 = arith.constant 0 : i32
      %dma_start3A_164 = tpu.memref_slice %arg2[%dma_start3A_162, %dma_start3A_163] : memref<200000x16xf32, #tpu.memory_space<hbm>> -> memref<200000x16xf32, #tpu.memory_space<hbm>>
      tpu.enqueue_indirect_dma source(%dma_start3A_164 : memref<200000x16xf32, #tpu.memory_space<hbm>>) target(%dma_start3A_158 : memref<128x16xf32, #tpu.memory_space<vmem>>) offsets(%dma_start3A_161 : memref<128xi32, #tpu.memory_space<vmem>>) semaphore(%arg11 : memref<!tpu.dma_semaphore, #tpu.memory_space<semaphore_mem>>)
      %dma_start3A_165 = arith.constant 38 : i32
      %dma_start3A_166 = arith.constant 6 : i32
      %dma_start3A_167 = arith.constant 0 : i32
      %dma_start3A_168 = arith.constant 0 : i32
      %dma_start3A_169 = tpu.memref_slice %arg9[%dma_start3A_166, %dma_start3A_167, %dma_start3A_168] : memref<8x128x16xf32, #tpu.memory_space<vmem>> -> memref<1x128x16xf32, #tpu.memory_space<vmem>>
      %dma_start3A_170 = tpu.memref_squeeze %dma_start3A_169 : memref<1x128x16xf32, #tpu.memory_space<vmem>> -> memref<128x16xf32, #tpu.memory_space<vmem>>
      %dma_start3A_171 = arith.constant 0 : i32
      %dma_start3A_172 = tpu.memref_slice %arg7[%dma_start3A_165, %dma_start3A_171] : memref<40x128xi32, #tpu.memory_space<vmem>> -> memref<1x128xi32, #tpu.memory_space<vmem>>
      %dma_start3A_173 = tpu.memref_squeeze %dma_start3A_172 : memref<1x128xi32, #tpu.memory_space<vmem>> -> memref<128xi32, #tpu.memory_space<vmem>>
      %dma_start3A_174 = arith.constant 0 : i32
      %dma_start3A_175 = arith.constant 0 : i32
      %dma_start3A_176 = tpu.memref_slice %arg2[%dma_start3A_174, %dma_start3A_175] : memref<200000x16xf32, #tpu.memory_space<hbm>> -> memref<200000x16xf32, #tpu.memory_space<hbm>>
      tpu.enqueue_indirect_dma source(%dma_start3A_176 : memref<200000x16xf32, #tpu.memory_space<hbm>>) target(%dma_start3A_170 : memref<128x16xf32, #tpu.memory_space<vmem>>) offsets(%dma_start3A_173 : memref<128xi32, #tpu.memory_space<vmem>>) semaphore(%arg11 : memref<!tpu.dma_semaphore, #tpu.memory_space<semaphore_mem>>)
      %dma_start3A_177 = arith.constant 39 : i32
      %dma_start3A_178 = arith.constant 7 : i32
      %dma_start3A_179 = arith.constant 0 : i32
      %dma_start3A_180 = arith.constant 0 : i32
      %dma_start3A_181 = tpu.memref_slice %arg9[%dma_start3A_178, %dma_start3A_179, %dma_start3A_180] : memref<8x128x16xf32, #tpu.memory_space<vmem>> -> memref<1x128x16xf32, #tpu.memory_space<vmem>>
      %dma_start3A_182 = tpu.memref_squeeze %dma_start3A_181 : memref<1x128x16xf32, #tpu.memory_space<vmem>> -> memref<128x16xf32, #tpu.memory_space<vmem>>
      %dma_start3A_183 = arith.constant 0 : i32
      %dma_start3A_184 = tpu.memref_slice %arg7[%dma_start3A_177, %dma_start3A_183] : memref<40x128xi32, #tpu.memory_space<vmem>> -> memref<1x128xi32, #tpu.memory_space<vmem>>
      %dma_start3A_185 = tpu.memref_squeeze %dma_start3A_184 : memref<1x128xi32, #tpu.memory_space<vmem>> -> memref<128xi32, #tpu.memory_space<vmem>>
      %dma_start3A_186 = arith.constant 0 : i32
      %dma_start3A_187 = arith.constant 0 : i32
      %dma_start3A_188 = tpu.memref_slice %arg2[%dma_start3A_186, %dma_start3A_187] : memref<200000x16xf32, #tpu.memory_space<hbm>> -> memref<200000x16xf32, #tpu.memory_space<hbm>>
      tpu.enqueue_indirect_dma source(%dma_start3A_188 : memref<200000x16xf32, #tpu.memory_space<hbm>>) target(%dma_start3A_182 : memref<128x16xf32, #tpu.memory_space<vmem>>) offsets(%dma_start3A_185 : memref<128xi32, #tpu.memory_space<vmem>>) semaphore(%arg11 : memref<!tpu.dma_semaphore, #tpu.memory_space<semaphore_mem>>)
      %run_scoped3A = arith.constant 0 : i32
      %run_scoped3A_189 = arith.constant 32 : i32
      "tpu.region"() ({
        %run_scoped3A_253 = tpu.sem_alloc : memref<!tpu.dma_semaphore, #tpu.memory_space<semaphore_mem>>
        %dma_start3A_254 = arith.constant 0 : i32
        %dma_start3A_255 = arith.constant 0 : i32
        %dma_start3A_256 = tpu.memref_slice %arg9[%run_scoped3A, %dma_start3A_254, %dma_start3A_255] : memref<8x128x16xf32, #tpu.memory_space<vmem>> -> memref<1x128x16xf32, #tpu.memory_space<vmem>>
        %dma_start3A_257 = tpu.memref_squeeze %dma_start3A_256 : memref<1x128x16xf32, #tpu.memory_space<vmem>> -> memref<128x16xf32, #tpu.memory_space<vmem>>
        %dma_start3A_258 = arith.constant 0 : i32
        %dma_start3A_259 = tpu.memref_slice %arg8[%run_scoped3A_189, %dma_start3A_258] : memref<40x128xi32, #tpu.memory_space<vmem>> -> memref<1x128xi32, #tpu.memory_space<vmem>>
        %dma_start3A_260 = tpu.memref_squeeze %dma_start3A_259 : memref<1x128xi32, #tpu.memory_space<vmem>> -> memref<128xi32, #tpu.memory_space<vmem>>
        %dma_start3A_261 = arith.constant 0 : i32
        %dma_start3A_262 = arith.constant 0 : i32
        %dma_start3A_263 = tpu.memref_slice %arg10[%dma_start3A_261, %dma_start3A_262] : memref<102400x16xf32, #tpu.memory_space<vmem_shared>> -> memref<102400x16xf32, #tpu.memory_space<vmem_shared>>
        tpu.enqueue_indirect_dma source(%dma_start3A_257 : memref<128x16xf32, #tpu.memory_space<vmem>>) target(%dma_start3A_263 : memref<102400x16xf32, #tpu.memory_space<vmem_shared>>) offsets(%dma_start3A_260 : memref<128xi32, #tpu.memory_space<vmem>>) semaphore(%run_scoped3A_253 : memref<!tpu.dma_semaphore, #tpu.memory_space<semaphore_mem>>) {add = true}
        %dma_wait3A_264 = arith.constant 0 : i32
        %dma_wait3A_265 = arith.constant 0 : i32
        %dma_wait3A_266 = tpu.memref_slice %arg9[%run_scoped3A, %dma_wait3A_264, %dma_wait3A_265] : memref<8x128x16xf32, #tpu.memory_space<vmem>> -> memref<1x128x16xf32, #tpu.memory_space<vmem>>
        %dma_wait3A_267 = tpu.memref_squeeze %dma_wait3A_266 : memref<1x128x16xf32, #tpu.memory_space<vmem>> -> memref<128x16xf32, #tpu.memory_space<vmem>>
        %dma_wait3A_268 = arith.constant 0 : i32
        %dma_wait3A_269 = tpu.memref_slice %arg8[%run_scoped3A_189, %dma_wait3A_268] : memref<40x128xi32, #tpu.memory_space<vmem>> -> memref<1x128xi32, #tpu.memory_space<vmem>>
        %dma_wait3A_270 = tpu.memref_squeeze %dma_wait3A_269 : memref<1x128xi32, #tpu.memory_space<vmem>> -> memref<128xi32, #tpu.memory_space<vmem>>
        %dma_wait3A_271 = arith.constant 0 : i32
        %dma_wait3A_272 = arith.constant 0 : i32
        %dma_wait3A_273 = tpu.memref_slice %arg10[%dma_wait3A_271, %dma_wait3A_272] : memref<102400x16xf32, #tpu.memory_space<vmem_shared>> -> memref<102400x16xf32, #tpu.memory_space<vmem_shared>>
        tpu.wait_indirect_dma semaphore(%run_scoped3A_253 : memref<!tpu.dma_semaphore, #tpu.memory_space<semaphore_mem>>) src(%dma_wait3A_267 : memref<128x16xf32, #tpu.memory_space<vmem>>) dst(%dma_wait3A_273 : memref<102400x16xf32, #tpu.memory_space<vmem_shared>>)
        tpu.yield
      }) : () -> ()
      %run_scoped3A_190 = arith.constant 1 : i32
      %run_scoped3A_191 = arith.constant 33 : i32
      "tpu.region"() ({
        %run_scoped3A_253 = tpu.sem_alloc : memref<!tpu.dma_semaphore, #tpu.memory_space<semaphore_mem>>
        %dma_start3A_254 = arith.constant 0 : i32
        %dma_start3A_255 = arith.constant 0 : i32
        %dma_start3A_256 = tpu.memref_slice %arg9[%run_scoped3A_190, %dma_start3A_254, %dma_start3A_255] : memref<8x128x16xf32, #tpu.memory_space<vmem>> -> memref<1x128x16xf32, #tpu.memory_space<vmem>>
        %dma_start3A_257 = tpu.memref_squeeze %dma_start3A_256 : memref<1x128x16xf32, #tpu.memory_space<vmem>> -> memref<128x16xf32, #tpu.memory_space<vmem>>
        %dma_start3A_258 = arith.constant 0 : i32
        %dma_start3A_259 = tpu.memref_slice %arg8[%run_scoped3A_191, %dma_start3A_258] : memref<40x128xi32, #tpu.memory_space<vmem>> -> memref<1x128xi32, #tpu.memory_space<vmem>>
        %dma_start3A_260 = tpu.memref_squeeze %dma_start3A_259 : memref<1x128xi32, #tpu.memory_space<vmem>> -> memref<128xi32, #tpu.memory_space<vmem>>
        %dma_start3A_261 = arith.constant 0 : i32
        %dma_start3A_262 = arith.constant 0 : i32
        %dma_start3A_263 = tpu.memref_slice %arg10[%dma_start3A_261, %dma_start3A_262] : memref<102400x16xf32, #tpu.memory_space<vmem_shared>> -> memref<102400x16xf32, #tpu.memory_space<vmem_shared>>
        tpu.enqueue_indirect_dma source(%dma_start3A_257 : memref<128x16xf32, #tpu.memory_space<vmem>>) target(%dma_start3A_263 : memref<102400x16xf32, #tpu.memory_space<vmem_shared>>) offsets(%dma_start3A_260 : memref<128xi32, #tpu.memory_space<vmem>>) semaphore(%run_scoped3A_253 : memref<!tpu.dma_semaphore, #tpu.memory_space<semaphore_mem>>) {add = true}
        %dma_wait3A_264 = arith.constant 0 : i32
        %dma_wait3A_265 = arith.constant 0 : i32
        %dma_wait3A_266 = tpu.memref_slice %arg9[%run_scoped3A_190, %dma_wait3A_264, %dma_wait3A_265] : memref<8x128x16xf32, #tpu.memory_space<vmem>> -> memref<1x128x16xf32, #tpu.memory_space<vmem>>
        %dma_wait3A_267 = tpu.memref_squeeze %dma_wait3A_266 : memref<1x128x16xf32, #tpu.memory_space<vmem>> -> memref<128x16xf32, #tpu.memory_space<vmem>>
        %dma_wait3A_268 = arith.constant 0 : i32
        %dma_wait3A_269 = tpu.memref_slice %arg8[%run_scoped3A_191, %dma_wait3A_268] : memref<40x128xi32, #tpu.memory_space<vmem>> -> memref<1x128xi32, #tpu.memory_space<vmem>>
        %dma_wait3A_270 = tpu.memref_squeeze %dma_wait3A_269 : memref<1x128xi32, #tpu.memory_space<vmem>> -> memref<128xi32, #tpu.memory_space<vmem>>
        %dma_wait3A_271 = arith.constant 0 : i32
        %dma_wait3A_272 = arith.constant 0 : i32
        %dma_wait3A_273 = tpu.memref_slice %arg10[%dma_wait3A_271, %dma_wait3A_272] : memref<102400x16xf32, #tpu.memory_space<vmem_shared>> -> memref<102400x16xf32, #tpu.memory_space<vmem_shared>>
        tpu.wait_indirect_dma semaphore(%run_scoped3A_253 : memref<!tpu.dma_semaphore, #tpu.memory_space<semaphore_mem>>) src(%dma_wait3A_267 : memref<128x16xf32, #tpu.memory_space<vmem>>) dst(%dma_wait3A_273 : memref<102400x16xf32, #tpu.memory_space<vmem_shared>>)
        tpu.yield
      }) : () -> ()
      %run_scoped3A_192 = arith.constant 2 : i32
      %run_scoped3A_193 = arith.constant 34 : i32
      "tpu.region"() ({
        %run_scoped3A_253 = tpu.sem_alloc : memref<!tpu.dma_semaphore, #tpu.memory_space<semaphore_mem>>
        %dma_start3A_254 = arith.constant 0 : i32
        %dma_start3A_255 = arith.constant 0 : i32
        %dma_start3A_256 = tpu.memref_slice %arg9[%run_scoped3A_192, %dma_start3A_254, %dma_start3A_255] : memref<8x128x16xf32, #tpu.memory_space<vmem>> -> memref<1x128x16xf32, #tpu.memory_space<vmem>>
        %dma_start3A_257 = tpu.memref_squeeze %dma_start3A_256 : memref<1x128x16xf32, #tpu.memory_space<vmem>> -> memref<128x16xf32, #tpu.memory_space<vmem>>
        %dma_start3A_258 = arith.constant 0 : i32
        %dma_start3A_259 = tpu.memref_slice %arg8[%run_scoped3A_193, %dma_start3A_258] : memref<40x128xi32, #tpu.memory_space<vmem>> -> memref<1x128xi32, #tpu.memory_space<vmem>>
        %dma_start3A_260 = tpu.memref_squeeze %dma_start3A_259 : memref<1x128xi32, #tpu.memory_space<vmem>> -> memref<128xi32, #tpu.memory_space<vmem>>
        %dma_start3A_261 = arith.constant 0 : i32
        %dma_start3A_262 = arith.constant 0 : i32
        %dma_start3A_263 = tpu.memref_slice %arg10[%dma_start3A_261, %dma_start3A_262] : memref<102400x16xf32, #tpu.memory_space<vmem_shared>> -> memref<102400x16xf32, #tpu.memory_space<vmem_shared>>
        tpu.enqueue_indirect_dma source(%dma_start3A_257 : memref<128x16xf32, #tpu.memory_space<vmem>>) target(%dma_start3A_263 : memref<102400x16xf32, #tpu.memory_space<vmem_shared>>) offsets(%dma_start3A_260 : memref<128xi32, #tpu.memory_space<vmem>>) semaphore(%run_scoped3A_253 : memref<!tpu.dma_semaphore, #tpu.memory_space<semaphore_mem>>) {add = true}
        %dma_wait3A_264 = arith.constant 0 : i32
        %dma_wait3A_265 = arith.constant 0 : i32
        %dma_wait3A_266 = tpu.memref_slice %arg9[%run_scoped3A_192, %dma_wait3A_264, %dma_wait3A_265] : memref<8x128x16xf32, #tpu.memory_space<vmem>> -> memref<1x128x16xf32, #tpu.memory_space<vmem>>
        %dma_wait3A_267 = tpu.memref_squeeze %dma_wait3A_266 : memref<1x128x16xf32, #tpu.memory_space<vmem>> -> memref<128x16xf32, #tpu.memory_space<vmem>>
        %dma_wait3A_268 = arith.constant 0 : i32
        %dma_wait3A_269 = tpu.memref_slice %arg8[%run_scoped3A_193, %dma_wait3A_268] : memref<40x128xi32, #tpu.memory_space<vmem>> -> memref<1x128xi32, #tpu.memory_space<vmem>>
        %dma_wait3A_270 = tpu.memref_squeeze %dma_wait3A_269 : memref<1x128xi32, #tpu.memory_space<vmem>> -> memref<128xi32, #tpu.memory_space<vmem>>
        %dma_wait3A_271 = arith.constant 0 : i32
        %dma_wait3A_272 = arith.constant 0 : i32
        %dma_wait3A_273 = tpu.memref_slice %arg10[%dma_wait3A_271, %dma_wait3A_272] : memref<102400x16xf32, #tpu.memory_space<vmem_shared>> -> memref<102400x16xf32, #tpu.memory_space<vmem_shared>>
        tpu.wait_indirect_dma semaphore(%run_scoped3A_253 : memref<!tpu.dma_semaphore, #tpu.memory_space<semaphore_mem>>) src(%dma_wait3A_267 : memref<128x16xf32, #tpu.memory_space<vmem>>) dst(%dma_wait3A_273 : memref<102400x16xf32, #tpu.memory_space<vmem_shared>>)
        tpu.yield
      }) : () -> ()
      %run_scoped3A_194 = arith.constant 3 : i32
      %run_scoped3A_195 = arith.constant 35 : i32
      "tpu.region"() ({
        %run_scoped3A_253 = tpu.sem_alloc : memref<!tpu.dma_semaphore, #tpu.memory_space<semaphore_mem>>
        %dma_start3A_254 = arith.constant 0 : i32
        %dma_start3A_255 = arith.constant 0 : i32
        %dma_start3A_256 = tpu.memref_slice %arg9[%run_scoped3A_194, %dma_start3A_254, %dma_start3A_255] : memref<8x128x16xf32, #tpu.memory_space<vmem>> -> memref<1x128x16xf32, #tpu.memory_space<vmem>>
        %dma_start3A_257 = tpu.memref_squeeze %dma_start3A_256 : memref<1x128x16xf32, #tpu.memory_space<vmem>> -> memref<128x16xf32, #tpu.memory_space<vmem>>
        %dma_start3A_258 = arith.constant 0 : i32
        %dma_start3A_259 = tpu.memref_slice %arg8[%run_scoped3A_195, %dma_start3A_258] : memref<40x128xi32, #tpu.memory_space<vmem>> -> memref<1x128xi32, #tpu.memory_space<vmem>>
        %dma_start3A_260 = tpu.memref_squeeze %dma_start3A_259 : memref<1x128xi32, #tpu.memory_space<vmem>> -> memref<128xi32, #tpu.memory_space<vmem>>
        %dma_start3A_261 = arith.constant 0 : i32
        %dma_start3A_262 = arith.constant 0 : i32
        %dma_start3A_263 = tpu.memref_slice %arg10[%dma_start3A_261, %dma_start3A_262] : memref<102400x16xf32, #tpu.memory_space<vmem_shared>> -> memref<102400x16xf32, #tpu.memory_space<vmem_shared>>
        tpu.enqueue_indirect_dma source(%dma_start3A_257 : memref<128x16xf32, #tpu.memory_space<vmem>>) target(%dma_start3A_263 : memref<102400x16xf32, #tpu.memory_space<vmem_shared>>) offsets(%dma_start3A_260 : memref<128xi32, #tpu.memory_space<vmem>>) semaphore(%run_scoped3A_253 : memref<!tpu.dma_semaphore, #tpu.memory_space<semaphore_mem>>) {add = true}
        %dma_wait3A_264 = arith.constant 0 : i32
        %dma_wait3A_265 = arith.constant 0 : i32
        %dma_wait3A_266 = tpu.memref_slice %arg9[%run_scoped3A_194, %dma_wait3A_264, %dma_wait3A_265] : memref<8x128x16xf32, #tpu.memory_space<vmem>> -> memref<1x128x16xf32, #tpu.memory_space<vmem>>
        %dma_wait3A_267 = tpu.memref_squeeze %dma_wait3A_266 : memref<1x128x16xf32, #tpu.memory_space<vmem>> -> memref<128x16xf32, #tpu.memory_space<vmem>>
        %dma_wait3A_268 = arith.constant 0 : i32
        %dma_wait3A_269 = tpu.memref_slice %arg8[%run_scoped3A_195, %dma_wait3A_268] : memref<40x128xi32, #tpu.memory_space<vmem>> -> memref<1x128xi32, #tpu.memory_space<vmem>>
        %dma_wait3A_270 = tpu.memref_squeeze %dma_wait3A_269 : memref<1x128xi32, #tpu.memory_space<vmem>> -> memref<128xi32, #tpu.memory_space<vmem>>
        %dma_wait3A_271 = arith.constant 0 : i32
        %dma_wait3A_272 = arith.constant 0 : i32
        %dma_wait3A_273 = tpu.memref_slice %arg10[%dma_wait3A_271, %dma_wait3A_272] : memref<102400x16xf32, #tpu.memory_space<vmem_shared>> -> memref<102400x16xf32, #tpu.memory_space<vmem_shared>>
        tpu.wait_indirect_dma semaphore(%run_scoped3A_253 : memref<!tpu.dma_semaphore, #tpu.memory_space<semaphore_mem>>) src(%dma_wait3A_267 : memref<128x16xf32, #tpu.memory_space<vmem>>) dst(%dma_wait3A_273 : memref<102400x16xf32, #tpu.memory_space<vmem_shared>>)
        tpu.yield
      }) : () -> ()
      %dma_wait3A_196 = arith.constant 36 : i32
      %dma_wait3A_197 = arith.constant 4 : i32
      %dma_wait3A_198 = arith.constant 0 : i32
      %dma_wait3A_199 = arith.constant 0 : i32
      %dma_wait3A_200 = tpu.memref_slice %arg9[%dma_wait3A_197, %dma_wait3A_198, %dma_wait3A_199] : memref<8x128x16xf32, #tpu.memory_space<vmem>> -> memref<1x128x16xf32, #tpu.memory_space<vmem>>
      %dma_wait3A_201 = tpu.memref_squeeze %dma_wait3A_200 : memref<1x128x16xf32, #tpu.memory_space<vmem>> -> memref<128x16xf32, #tpu.memory_space<vmem>>
      %dma_wait3A_202 = arith.constant 0 : i32
      %dma_wait3A_203 = tpu.memref_slice %arg7[%dma_wait3A_196, %dma_wait3A_202] : memref<40x128xi32, #tpu.memory_space<vmem>> -> memref<1x128xi32, #tpu.memory_space<vmem>>
      %dma_wait3A_204 = tpu.memref_squeeze %dma_wait3A_203 : memref<1x128xi32, #tpu.memory_space<vmem>> -> memref<128xi32, #tpu.memory_space<vmem>>
      %dma_wait3A_205 = arith.constant 0 : i32
      %dma_wait3A_206 = arith.constant 0 : i32
      %dma_wait3A_207 = tpu.memref_slice %arg2[%dma_wait3A_205, %dma_wait3A_206] : memref<200000x16xf32, #tpu.memory_space<hbm>> -> memref<200000x16xf32, #tpu.memory_space<hbm>>
      tpu.wait_indirect_dma semaphore(%arg11 : memref<!tpu.dma_semaphore, #tpu.memory_space<semaphore_mem>>) src(%dma_wait3A_207 : memref<200000x16xf32, #tpu.memory_space<hbm>>) dst(%dma_wait3A_201 : memref<128x16xf32, #tpu.memory_space<vmem>>)
      %dma_wait3A_208 = arith.constant 37 : i32
      %dma_wait3A_209 = arith.constant 5 : i32
      %dma_wait3A_210 = arith.constant 0 : i32
      %dma_wait3A_211 = arith.constant 0 : i32
      %dma_wait3A_212 = tpu.memref_slice %arg9[%dma_wait3A_209, %dma_wait3A_210, %dma_wait3A_211] : memref<8x128x16xf32, #tpu.memory_space<vmem>> -> memref<1x128x16xf32, #tpu.memory_space<vmem>>
      %dma_wait3A_213 = tpu.memref_squeeze %dma_wait3A_212 : memref<1x128x16xf32, #tpu.memory_space<vmem>> -> memref<128x16xf32, #tpu.memory_space<vmem>>
      %dma_wait3A_214 = arith.constant 0 : i32
      %dma_wait3A_215 = tpu.memref_slice %arg7[%dma_wait3A_208, %dma_wait3A_214] : memref<40x128xi32, #tpu.memory_space<vmem>> -> memref<1x128xi32, #tpu.memory_space<vmem>>
      %dma_wait3A_216 = tpu.memref_squeeze %dma_wait3A_215 : memref<1x128xi32, #tpu.memory_space<vmem>> -> memref<128xi32, #tpu.memory_space<vmem>>
      %dma_wait3A_217 = arith.constant 0 : i32
      %dma_wait3A_218 = arith.constant 0 : i32
      %dma_wait3A_219 = tpu.memref_slice %arg2[%dma_wait3A_217, %dma_wait3A_218] : memref<200000x16xf32, #tpu.memory_space<hbm>> -> memref<200000x16xf32, #tpu.memory_space<hbm>>
      tpu.wait_indirect_dma semaphore(%arg11 : memref<!tpu.dma_semaphore, #tpu.memory_space<semaphore_mem>>) src(%dma_wait3A_219 : memref<200000x16xf32, #tpu.memory_space<hbm>>) dst(%dma_wait3A_213 : memref<128x16xf32, #tpu.memory_space<vmem>>)
      %dma_wait3A_220 = arith.constant 38 : i32
      %dma_wait3A_221 = arith.constant 6 : i32
      %dma_wait3A_222 = arith.constant 0 : i32
      %dma_wait3A_223 = arith.constant 0 : i32
      %dma_wait3A_224 = tpu.memref_slice %arg9[%dma_wait3A_221, %dma_wait3A_222, %dma_wait3A_223] : memref<8x128x16xf32, #tpu.memory_space<vmem>> -> memref<1x128x16xf32, #tpu.memory_space<vmem>>
      %dma_wait3A_225 = tpu.memref_squeeze %dma_wait3A_224 : memref<1x128x16xf32, #tpu.memory_space<vmem>> -> memref<128x16xf32, #tpu.memory_space<vmem>>
      %dma_wait3A_226 = arith.constant 0 : i32
      %dma_wait3A_227 = tpu.memref_slice %arg7[%dma_wait3A_220, %dma_wait3A_226] : memref<40x128xi32, #tpu.memory_space<vmem>> -> memref<1x128xi32, #tpu.memory_space<vmem>>
      %dma_wait3A_228 = tpu.memref_squeeze %dma_wait3A_227 : memref<1x128xi32, #tpu.memory_space<vmem>> -> memref<128xi32, #tpu.memory_space<vmem>>
      %dma_wait3A_229 = arith.constant 0 : i32
      %dma_wait3A_230 = arith.constant 0 : i32
      %dma_wait3A_231 = tpu.memref_slice %arg2[%dma_wait3A_229, %dma_wait3A_230] : memref<200000x16xf32, #tpu.memory_space<hbm>> -> memref<200000x16xf32, #tpu.memory_space<hbm>>
      tpu.wait_indirect_dma semaphore(%arg11 : memref<!tpu.dma_semaphore, #tpu.memory_space<semaphore_mem>>) src(%dma_wait3A_231 : memref<200000x16xf32, #tpu.memory_space<hbm>>) dst(%dma_wait3A_225 : memref<128x16xf32, #tpu.memory_space<vmem>>)
      %dma_wait3A_232 = arith.constant 39 : i32
      %dma_wait3A_233 = arith.constant 7 : i32
      %dma_wait3A_234 = arith.constant 0 : i32
      %dma_wait3A_235 = arith.constant 0 : i32
      %dma_wait3A_236 = tpu.memref_slice %arg9[%dma_wait3A_233, %dma_wait3A_234, %dma_wait3A_235] : memref<8x128x16xf32, #tpu.memory_space<vmem>> -> memref<1x128x16xf32, #tpu.memory_space<vmem>>
      %dma_wait3A_237 = tpu.memref_squeeze %dma_wait3A_236 : memref<1x128x16xf32, #tpu.memory_space<vmem>> -> memref<128x16xf32, #tpu.memory_space<vmem>>
      %dma_wait3A_238 = arith.constant 0 : i32
      %dma_wait3A_239 = tpu.memref_slice %arg7[%dma_wait3A_232, %dma_wait3A_238] : memref<40x128xi32, #tpu.memory_space<vmem>> -> memref<1x128xi32, #tpu.memory_space<vmem>>
      %dma_wait3A_240 = tpu.memref_squeeze %dma_wait3A_239 : memref<1x128xi32, #tpu.memory_space<vmem>> -> memref<128xi32, #tpu.memory_space<vmem>>
      %dma_wait3A_241 = arith.constant 0 : i32
      %dma_wait3A_242 = arith.constant 0 : i32
      %dma_wait3A_243 = tpu.memref_slice %arg2[%dma_wait3A_241, %dma_wait3A_242] : memref<200000x16xf32, #tpu.memory_space<hbm>> -> memref<200000x16xf32, #tpu.memory_space<hbm>>
      tpu.wait_indirect_dma semaphore(%arg11 : memref<!tpu.dma_semaphore, #tpu.memory_space<semaphore_mem>>) src(%dma_wait3A_243 : memref<200000x16xf32, #tpu.memory_space<hbm>>) dst(%dma_wait3A_237 : memref<128x16xf32, #tpu.memory_space<vmem>>)
      %run_scoped3A_244 = arith.constant 4 : i32
      %run_scoped3A_245 = arith.constant 36 : i32
      "tpu.region"() ({
        %run_scoped3A_253 = tpu.sem_alloc : memref<!tpu.dma_semaphore, #tpu.memory_space<semaphore_mem>>
        %dma_start3A_254 = arith.constant 0 : i32
        %dma_start3A_255 = arith.constant 0 : i32
        %dma_start3A_256 = tpu.memref_slice %arg9[%run_scoped3A_244, %dma_start3A_254, %dma_start3A_255] : memref<8x128x16xf32, #tpu.memory_space<vmem>> -> memref<1x128x16xf32, #tpu.memory_space<vmem>>
        %dma_start3A_257 = tpu.memref_squeeze %dma_start3A_256 : memref<1x128x16xf32, #tpu.memory_space<vmem>> -> memref<128x16xf32, #tpu.memory_space<vmem>>
        %dma_start3A_258 = arith.constant 0 : i32
        %dma_start3A_259 = tpu.memref_slice %arg8[%run_scoped3A_245, %dma_start3A_258] : memref<40x128xi32, #tpu.memory_space<vmem>> -> memref<1x128xi32, #tpu.memory_space<vmem>>
        %dma_start3A_260 = tpu.memref_squeeze %dma_start3A_259 : memref<1x128xi32, #tpu.memory_space<vmem>> -> memref<128xi32, #tpu.memory_space<vmem>>
        %dma_start3A_261 = arith.constant 0 : i32
        %dma_start3A_262 = arith.constant 0 : i32
        %dma_start3A_263 = tpu.memref_slice %arg10[%dma_start3A_261, %dma_start3A_262] : memref<102400x16xf32, #tpu.memory_space<vmem_shared>> -> memref<102400x16xf32, #tpu.memory_space<vmem_shared>>
        tpu.enqueue_indirect_dma source(%dma_start3A_257 : memref<128x16xf32, #tpu.memory_space<vmem>>) target(%dma_start3A_263 : memref<102400x16xf32, #tpu.memory_space<vmem_shared>>) offsets(%dma_start3A_260 : memref<128xi32, #tpu.memory_space<vmem>>) semaphore(%run_scoped3A_253 : memref<!tpu.dma_semaphore, #tpu.memory_space<semaphore_mem>>) {add = true}
        %dma_wait3A_264 = arith.constant 0 : i32
        %dma_wait3A_265 = arith.constant 0 : i32
        %dma_wait3A_266 = tpu.memref_slice %arg9[%run_scoped3A_244, %dma_wait3A_264, %dma_wait3A_265] : memref<8x128x16xf32, #tpu.memory_space<vmem>> -> memref<1x128x16xf32, #tpu.memory_space<vmem>>
        %dma_wait3A_267 = tpu.memref_squeeze %dma_wait3A_266 : memref<1x128x16xf32, #tpu.memory_space<vmem>> -> memref<128x16xf32, #tpu.memory_space<vmem>>
        %dma_wait3A_268 = arith.constant 0 : i32
        %dma_wait3A_269 = tpu.memref_slice %arg8[%run_scoped3A_245, %dma_wait3A_268] : memref<40x128xi32, #tpu.memory_space<vmem>> -> memref<1x128xi32, #tpu.memory_space<vmem>>
        %dma_wait3A_270 = tpu.memref_squeeze %dma_wait3A_269 : memref<1x128xi32, #tpu.memory_space<vmem>> -> memref<128xi32, #tpu.memory_space<vmem>>
        %dma_wait3A_271 = arith.constant 0 : i32
        %dma_wait3A_272 = arith.constant 0 : i32
        %dma_wait3A_273 = tpu.memref_slice %arg10[%dma_wait3A_271, %dma_wait3A_272] : memref<102400x16xf32, #tpu.memory_space<vmem_shared>> -> memref<102400x16xf32, #tpu.memory_space<vmem_shared>>
        tpu.wait_indirect_dma semaphore(%run_scoped3A_253 : memref<!tpu.dma_semaphore, #tpu.memory_space<semaphore_mem>>) src(%dma_wait3A_267 : memref<128x16xf32, #tpu.memory_space<vmem>>) dst(%dma_wait3A_273 : memref<102400x16xf32, #tpu.memory_space<vmem_shared>>)
        tpu.yield
      }) : () -> ()
      %run_scoped3A_246 = arith.constant 5 : i32
      %run_scoped3A_247 = arith.constant 37 : i32
      "tpu.region"() ({
        %run_scoped3A_253 = tpu.sem_alloc : memref<!tpu.dma_semaphore, #tpu.memory_space<semaphore_mem>>
        %dma_start3A_254 = arith.constant 0 : i32
        %dma_start3A_255 = arith.constant 0 : i32
        %dma_start3A_256 = tpu.memref_slice %arg9[%run_scoped3A_246, %dma_start3A_254, %dma_start3A_255] : memref<8x128x16xf32, #tpu.memory_space<vmem>> -> memref<1x128x16xf32, #tpu.memory_space<vmem>>
        %dma_start3A_257 = tpu.memref_squeeze %dma_start3A_256 : memref<1x128x16xf32, #tpu.memory_space<vmem>> -> memref<128x16xf32, #tpu.memory_space<vmem>>
        %dma_start3A_258 = arith.constant 0 : i32
        %dma_start3A_259 = tpu.memref_slice %arg8[%run_scoped3A_247, %dma_start3A_258] : memref<40x128xi32, #tpu.memory_space<vmem>> -> memref<1x128xi32, #tpu.memory_space<vmem>>
        %dma_start3A_260 = tpu.memref_squeeze %dma_start3A_259 : memref<1x128xi32, #tpu.memory_space<vmem>> -> memref<128xi32, #tpu.memory_space<vmem>>
        %dma_start3A_261 = arith.constant 0 : i32
        %dma_start3A_262 = arith.constant 0 : i32
        %dma_start3A_263 = tpu.memref_slice %arg10[%dma_start3A_261, %dma_start3A_262] : memref<102400x16xf32, #tpu.memory_space<vmem_shared>> -> memref<102400x16xf32, #tpu.memory_space<vmem_shared>>
        tpu.enqueue_indirect_dma source(%dma_start3A_257 : memref<128x16xf32, #tpu.memory_space<vmem>>) target(%dma_start3A_263 : memref<102400x16xf32, #tpu.memory_space<vmem_shared>>) offsets(%dma_start3A_260 : memref<128xi32, #tpu.memory_space<vmem>>) semaphore(%run_scoped3A_253 : memref<!tpu.dma_semaphore, #tpu.memory_space<semaphore_mem>>) {add = true}
        %dma_wait3A_264 = arith.constant 0 : i32
        %dma_wait3A_265 = arith.constant 0 : i32
        %dma_wait3A_266 = tpu.memref_slice %arg9[%run_scoped3A_246, %dma_wait3A_264, %dma_wait3A_265] : memref<8x128x16xf32, #tpu.memory_space<vmem>> -> memref<1x128x16xf32, #tpu.memory_space<vmem>>
        %dma_wait3A_267 = tpu.memref_squeeze %dma_wait3A_266 : memref<1x128x16xf32, #tpu.memory_space<vmem>> -> memref<128x16xf32, #tpu.memory_space<vmem>>
        %dma_wait3A_268 = arith.constant 0 : i32
        %dma_wait3A_269 = tpu.memref_slice %arg8[%run_scoped3A_247, %dma_wait3A_268] : memref<40x128xi32, #tpu.memory_space<vmem>> -> memref<1x128xi32, #tpu.memory_space<vmem>>
        %dma_wait3A_270 = tpu.memref_squeeze %dma_wait3A_269 : memref<1x128xi32, #tpu.memory_space<vmem>> -> memref<128xi32, #tpu.memory_space<vmem>>
        %dma_wait3A_271 = arith.constant 0 : i32
        %dma_wait3A_272 = arith.constant 0 : i32
        %dma_wait3A_273 = tpu.memref_slice %arg10[%dma_wait3A_271, %dma_wait3A_272] : memref<102400x16xf32, #tpu.memory_space<vmem_shared>> -> memref<102400x16xf32, #tpu.memory_space<vmem_shared>>
        tpu.wait_indirect_dma semaphore(%run_scoped3A_253 : memref<!tpu.dma_semaphore, #tpu.memory_space<semaphore_mem>>) src(%dma_wait3A_267 : memref<128x16xf32, #tpu.memory_space<vmem>>) dst(%dma_wait3A_273 : memref<102400x16xf32, #tpu.memory_space<vmem_shared>>)
        tpu.yield
      }) : () -> ()
      %run_scoped3A_248 = arith.constant 6 : i32
      %run_scoped3A_249 = arith.constant 38 : i32
      "tpu.region"() ({
        %run_scoped3A_253 = tpu.sem_alloc : memref<!tpu.dma_semaphore, #tpu.memory_space<semaphore_mem>>
        %dma_start3A_254 = arith.constant 0 : i32
        %dma_start3A_255 = arith.constant 0 : i32
        %dma_start3A_256 = tpu.memref_slice %arg9[%run_scoped3A_248, %dma_start3A_254, %dma_start3A_255] : memref<8x128x16xf32, #tpu.memory_space<vmem>> -> memref<1x128x16xf32, #tpu.memory_space<vmem>>
        %dma_start3A_257 = tpu.memref_squeeze %dma_start3A_256 : memref<1x128x16xf32, #tpu.memory_space<vmem>> -> memref<128x16xf32, #tpu.memory_space<vmem>>
        %dma_start3A_258 = arith.constant 0 : i32
        %dma_start3A_259 = tpu.memref_slice %arg8[%run_scoped3A_249, %dma_start3A_258] : memref<40x128xi32, #tpu.memory_space<vmem>> -> memref<1x128xi32, #tpu.memory_space<vmem>>
        %dma_start3A_260 = tpu.memref_squeeze %dma_start3A_259 : memref<1x128xi32, #tpu.memory_space<vmem>> -> memref<128xi32, #tpu.memory_space<vmem>>
        %dma_start3A_261 = arith.constant 0 : i32
        %dma_start3A_262 = arith.constant 0 : i32
        %dma_start3A_263 = tpu.memref_slice %arg10[%dma_start3A_261, %dma_start3A_262] : memref<102400x16xf32, #tpu.memory_space<vmem_shared>> -> memref<102400x16xf32, #tpu.memory_space<vmem_shared>>
        tpu.enqueue_indirect_dma source(%dma_start3A_257 : memref<128x16xf32, #tpu.memory_space<vmem>>) target(%dma_start3A_263 : memref<102400x16xf32, #tpu.memory_space<vmem_shared>>) offsets(%dma_start3A_260 : memref<128xi32, #tpu.memory_space<vmem>>) semaphore(%run_scoped3A_253 : memref<!tpu.dma_semaphore, #tpu.memory_space<semaphore_mem>>) {add = true}
        %dma_wait3A_264 = arith.constant 0 : i32
        %dma_wait3A_265 = arith.constant 0 : i32
        %dma_wait3A_266 = tpu.memref_slice %arg9[%run_scoped3A_248, %dma_wait3A_264, %dma_wait3A_265] : memref<8x128x16xf32, #tpu.memory_space<vmem>> -> memref<1x128x16xf32, #tpu.memory_space<vmem>>
        %dma_wait3A_267 = tpu.memref_squeeze %dma_wait3A_266 : memref<1x128x16xf32, #tpu.memory_space<vmem>> -> memref<128x16xf32, #tpu.memory_space<vmem>>
        %dma_wait3A_268 = arith.constant 0 : i32
        %dma_wait3A_269 = tpu.memref_slice %arg8[%run_scoped3A_249, %dma_wait3A_268] : memref<40x128xi32, #tpu.memory_space<vmem>> -> memref<1x128xi32, #tpu.memory_space<vmem>>
        %dma_wait3A_270 = tpu.memref_squeeze %dma_wait3A_269 : memref<1x128xi32, #tpu.memory_space<vmem>> -> memref<128xi32, #tpu.memory_space<vmem>>
        %dma_wait3A_271 = arith.constant 0 : i32
        %dma_wait3A_272 = arith.constant 0 : i32
        %dma_wait3A_273 = tpu.memref_slice %arg10[%dma_wait3A_271, %dma_wait3A_272] : memref<102400x16xf32, #tpu.memory_space<vmem_shared>> -> memref<102400x16xf32, #tpu.memory_space<vmem_shared>>
        tpu.wait_indirect_dma semaphore(%run_scoped3A_253 : memref<!tpu.dma_semaphore, #tpu.memory_space<semaphore_mem>>) src(%dma_wait3A_267 : memref<128x16xf32, #tpu.memory_space<vmem>>) dst(%dma_wait3A_273 : memref<102400x16xf32, #tpu.memory_space<vmem_shared>>)
        tpu.yield
      }) : () -> ()
      %run_scoped3A_250 = arith.constant 7 : i32
      %run_scoped3A_251 = arith.constant 39 : i32
      "tpu.region"() ({
        %run_scoped3A_253 = tpu.sem_alloc : memref<!tpu.dma_semaphore, #tpu.memory_space<semaphore_mem>>
        %dma_start3A_254 = arith.constant 0 : i32
        %dma_start3A_255 = arith.constant 0 : i32
        %dma_start3A_256 = tpu.memref_slice %arg9[%run_scoped3A_250, %dma_start3A_254, %dma_start3A_255] : memref<8x128x16xf32, #tpu.memory_space<vmem>> -> memref<1x128x16xf32, #tpu.memory_space<vmem>>
        %dma_start3A_257 = tpu.memref_squeeze %dma_start3A_256 : memref<1x128x16xf32, #tpu.memory_space<vmem>> -> memref<128x16xf32, #tpu.memory_space<vmem>>
        %dma_start3A_258 = arith.constant 0 : i32
        %dma_start3A_259 = tpu.memref_slice %arg8[%run_scoped3A_251, %dma_start3A_258] : memref<40x128xi32, #tpu.memory_space<vmem>> -> memref<1x128xi32, #tpu.memory_space<vmem>>
        %dma_start3A_260 = tpu.memref_squeeze %dma_start3A_259 : memref<1x128xi32, #tpu.memory_space<vmem>> -> memref<128xi32, #tpu.memory_space<vmem>>
        %dma_start3A_261 = arith.constant 0 : i32
        %dma_start3A_262 = arith.constant 0 : i32
        %dma_start3A_263 = tpu.memref_slice %arg10[%dma_start3A_261, %dma_start3A_262] : memref<102400x16xf32, #tpu.memory_space<vmem_shared>> -> memref<102400x16xf32, #tpu.memory_space<vmem_shared>>
        tpu.enqueue_indirect_dma source(%dma_start3A_257 : memref<128x16xf32, #tpu.memory_space<vmem>>) target(%dma_start3A_263 : memref<102400x16xf32, #tpu.memory_space<vmem_shared>>) offsets(%dma_start3A_260 : memref<128xi32, #tpu.memory_space<vmem>>) semaphore(%run_scoped3A_253 : memref<!tpu.dma_semaphore, #tpu.memory_space<semaphore_mem>>) {add = true}
        %dma_wait3A_264 = arith.constant 0 : i32
        %dma_wait3A_265 = arith.constant 0 : i32
        %dma_wait3A_266 = tpu.memref_slice %arg9[%run_scoped3A_250, %dma_wait3A_264, %dma_wait3A_265] : memref<8x128x16xf32, #tpu.memory_space<vmem>> -> memref<1x128x16xf32, #tpu.memory_space<vmem>>
        %dma_wait3A_267 = tpu.memref_squeeze %dma_wait3A_266 : memref<1x128x16xf32, #tpu.memory_space<vmem>> -> memref<128x16xf32, #tpu.memory_space<vmem>>
        %dma_wait3A_268 = arith.constant 0 : i32
        %dma_wait3A_269 = tpu.memref_slice %arg8[%run_scoped3A_251, %dma_wait3A_268] : memref<40x128xi32, #tpu.memory_space<vmem>> -> memref<1x128xi32, #tpu.memory_space<vmem>>
        %dma_wait3A_270 = tpu.memref_squeeze %dma_wait3A_269 : memref<1x128xi32, #tpu.memory_space<vmem>> -> memref<128xi32, #tpu.memory_space<vmem>>
        %dma_wait3A_271 = arith.constant 0 : i32
        %dma_wait3A_272 = arith.constant 0 : i32
        %dma_wait3A_273 = tpu.memref_slice %arg10[%dma_wait3A_271, %dma_wait3A_272] : memref<102400x16xf32, #tpu.memory_space<vmem_shared>> -> memref<102400x16xf32, #tpu.memory_space<vmem_shared>>
        tpu.wait_indirect_dma semaphore(%run_scoped3A_253 : memref<!tpu.dma_semaphore, #tpu.memory_space<semaphore_mem>>) src(%dma_wait3A_267 : memref<128x16xf32, #tpu.memory_space<vmem>>) dst(%dma_wait3A_273 : memref<102400x16xf32, #tpu.memory_space<vmem_shared>>)
        tpu.yield
      }) : () -> ()
      %scan3A_252 = arith.constant 0 : i32
      scf.yield %scan3A_252 : i32
    }
    %scan3A_8 = arith.constant 20 : i32
    %barrier3A_9 = arith.constant 0 : index
    tpu.barrier barrier_id(%barrier3A_9)
    %mul3A_10 = arith.constant 6256 : i32
    %mul3A_11 = arith.muli %arg1, %mul3A_10 : i32
    %mul3A_12 = arith.constant 100096 : i32
    %mul3A_13 = arith.muli %arg0, %mul3A_12 : i32
    %mul3A_14 = arith.constant 6256 : i32
    %mul3A_15 = arith.muli %arg1, %mul3A_14 : i32
    %add3A = arith.addi %mul3A_13, %mul3A_15 : i32
    "tpu.region"() ({
      %run_scoped3A = tpu.sem_alloc : memref<!tpu.dma_semaphore, #tpu.memory_space<semaphore_mem>>
      %dma_start3A = arith.constant 0 : i32
      %dma_start3A_16 = tpu.memref_slice %arg6[%add3A, %dma_start3A] : memref<200192x16xf32, #tpu.memory_space<hbm>> -> memref<6256x16xf32, #tpu.memory_space<hbm>>
      %dma_start3A_17 = arith.constant 0 : i32
      %dma_start3A_18 = tpu.memref_slice %arg10[%mul3A_11, %dma_start3A_17] : memref<102400x16xf32, #tpu.memory_space<vmem_shared>> -> memref<6256x16xf32, #tpu.memory_space<vmem_shared>>
      tpu.enqueue_dma source(%dma_start3A_18 : memref<6256x16xf32, #tpu.memory_space<vmem_shared>>) target(%dma_start3A_16 : memref<6256x16xf32, #tpu.memory_space<hbm>>) target_semaphore(%run_scoped3A : memref<!tpu.dma_semaphore, #tpu.memory_space<semaphore_mem>>)
      %dma_wait3A = arith.constant 0 : i32
      %dma_wait3A_19 = tpu.memref_slice %arg6[%add3A, %dma_wait3A] : memref<200192x16xf32, #tpu.memory_space<hbm>> -> memref<6256x16xf32, #tpu.memory_space<hbm>>
      %dma_wait3A_20 = arith.constant 0 : i32
      %dma_wait3A_21 = tpu.memref_slice %arg10[%mul3A_11, %dma_wait3A_20] : memref<102400x16xf32, #tpu.memory_space<vmem_shared>> -> memref<6256x16xf32, #tpu.memory_space<vmem_shared>>
      tpu.wait_dma2 semaphore(%run_scoped3A : memref<!tpu.dma_semaphore, #tpu.memory_space<semaphore_mem>>) src(%dma_wait3A_21 : memref<6256x16xf32, #tpu.memory_space<vmem_shared>>) dst(%dma_wait3A_19 : memref<6256x16xf32, #tpu.memory_space<hbm>>)
      tpu.yield
    }) : () -> ()
    return
  }
}

#map = affine_map<(d0, d1) -> (0, 0)>
module attributes {stable_mosaic.version = 14 : i64} {
  func.func @seg(%arg0: i32, %arg1: i32, %arg2: memref<200000x16xf32, #tpu.memory_space<hbm>>, %arg3: memref<25600x128xi32, #tpu.memory_space<hbm>>, %arg4: memref<12800x128xi32, #tpu.memory_space<hbm>>, %arg5: memref<6400x16xf32, #tpu.memory_space<hbm>>, %arg6: memref<200192x16xf32, #tpu.memory_space<hbm>>, %arg7: memref<40x128xi32, #tpu.memory_space<vmem>>, %arg8: memref<40x128xi32, #tpu.memory_space<vmem>>, %arg9: memref<8x128x16xf32, #tpu.memory_space<vmem>>, %arg10: memref<102400x16xf32, #tpu.memory_space<vmem_shared>>, %arg11: memref<!tpu.dma_semaphore, #tpu.memory_space<semaphore_mem>>) attributes {dimension_semantics = [#tpu.dimension_semantics<core_parallel>, #tpu.dimension_semantics<subcore_parallel>], iteration_bounds = array<i64: 2, 16>, scalar_prefetch = 0 : i64, scratch_operands = 5 : i64, tpu.core_type = #tpu.core_type<sc_vector_subcore>, window_params = [{transform_indices = #map}, {transform_indices = #map}, {transform_indices = #map}, {transform_indices = #map}, {transform_indices = #map}]} {
    %mul3A = arith.constant 6400 : i32
    %mul3A_0 = arith.muli %arg1, %mul3A : i32
    "tpu.region"() ({
      %run_scoped3A = tpu.sem_alloc : memref<!tpu.dma_semaphore, #tpu.memory_space<semaphore_mem>>
      %dma_start3A = arith.constant 0 : i32
      %dma_start3A_16 = tpu.memref_slice %arg10[%mul3A_0, %dma_start3A] : memref<102400x16xf32, #tpu.memory_space<vmem_shared>> -> memref<6400x16xf32, #tpu.memory_space<vmem_shared>>
      tpu.enqueue_dma source(%arg5 : memref<6400x16xf32, #tpu.memory_space<hbm>>) target(%dma_start3A_16 : memref<6400x16xf32, #tpu.memory_space<vmem_shared>>) target_semaphore(%run_scoped3A : memref<!tpu.dma_semaphore, #tpu.memory_space<semaphore_mem>>)
      %dma_wait3A = arith.constant 0 : i32
      %dma_wait3A_17 = tpu.memref_slice %arg10[%mul3A_0, %dma_wait3A] : memref<102400x16xf32, #tpu.memory_space<vmem_shared>> -> memref<6400x16xf32, #tpu.memory_space<vmem_shared>>
      tpu.wait_dma2 semaphore(%run_scoped3A : memref<!tpu.dma_semaphore, #tpu.memory_space<semaphore_mem>>) src(%arg5 : memref<6400x16xf32, #tpu.memory_space<hbm>>) dst(%dma_wait3A_17 : memref<6400x16xf32, #tpu.memory_space<vmem_shared>>)
      tpu.yield
    }) : () -> ()
    %barrier3A = arith.constant 0 : index
    tpu.barrier barrier_id(%barrier3A)
    %mul3A_1 = arith.constant 800 : i32
    %mul3A_2 = arith.muli %arg1, %mul3A_1 : i32
    %scan3A = arith.constant 0 : i32
    %scan3A_3 = arith.constant 0 : i32
    %scan3A_4 = arith.constant 20 : i32
    %scan3A_5 = arith.addi %scan3A_3, %scan3A_4 : i32
    %scan3A_6 = arith.constant 1 : i32
    %scan3A_7 = scf.for %scan3A_16 = %scan3A_3 to %scan3A_5 step %scan3A_6 iter_args(%scan3A_17 = %scan3A) -> (i32)  : i32 {
      %mul3A_18 = arith.constant 40 : i32
      %mul3A_19 = arith.muli %scan3A_16, %mul3A_18 : i32
      %add3A_20 = arith.addi %mul3A_2, %mul3A_19 : i32
      %mul3A_21 = arith.constant 12800 : i32
      %mul3A_22 = arith.muli %arg0, %mul3A_21 : i32
      %add3A_23 = arith.addi %mul3A_22, %add3A_20 : i32
      %dma_start3A = arith.constant 0 : i32
      %dma_start3A_24 = tpu.memref_slice %arg3[%add3A_23, %dma_start3A] : memref<25600x128xi32, #tpu.memory_space<hbm>> -> memref<40x128xi32, #tpu.memory_space<hbm>>
      %dma_start3A_25 = arith.constant 0 : i32
      %dma_start3A_26 = tpu.memref_slice %arg3[%add3A_23, %dma_start3A_25] : memref<25600x128xi32, #tpu.memory_space<hbm>> -> memref<40x128xi32, #tpu.memory_space<hbm>>
      tpu.enqueue_dma source(%dma_start3A_26 : memref<40x128xi32, #tpu.memory_space<hbm>>) target(%arg7 : memref<40x128xi32, #tpu.memory_space<vmem>>) target_semaphore(%arg11 : memref<!tpu.dma_semaphore, #tpu.memory_space<semaphore_mem>>)
      %dma_start3A_27 = arith.constant 0 : i32
      %dma_start3A_28 = tpu.memref_slice %arg4[%add3A_20, %dma_start3A_27] : memref<12800x128xi32, #tpu.memory_space<hbm>> -> memref<40x128xi32, #tpu.memory_space<hbm>>
      %dma_start3A_29 = arith.constant 0 : i32
      %dma_start3A_30 = tpu.memref_slice %arg4[%add3A_20, %dma_start3A_29] : memref<12800x128xi32, #tpu.memory_space<hbm>> -> memref<40x128xi32, #tpu.memory_space<hbm>>
      tpu.enqueue_dma source(%dma_start3A_30 : memref<40x128xi32, #tpu.memory_space<hbm>>) target(%arg8 : memref<40x128xi32, #tpu.memory_space<vmem>>) target_semaphore(%arg11 : memref<!tpu.dma_semaphore, #tpu.memory_space<semaphore_mem>>)
      %dma_wait3A = arith.constant 0 : i32
      %dma_wait3A_31 = tpu.memref_slice %arg3[%add3A_23, %dma_wait3A] : memref<25600x128xi32, #tpu.memory_space<hbm>> -> memref<40x128xi32, #tpu.memory_space<hbm>>
      %dma_wait3A_32 = arith.constant 0 : i32
      %dma_wait3A_33 = tpu.memref_slice %arg3[%add3A_23, %dma_wait3A_32] : memref<25600x128xi32, #tpu.memory_space<hbm>> -> memref<40x128xi32, #tpu.memory_space<hbm>>
      tpu.wait_dma2 semaphore(%arg11 : memref<!tpu.dma_semaphore, #tpu.memory_space<semaphore_mem>>) src(%dma_wait3A_33 : memref<40x128xi32, #tpu.memory_space<hbm>>) dst(%arg7 : memref<40x128xi32, #tpu.memory_space<vmem>>)
      %dma_wait3A_34 = arith.constant 0 : i32
      %dma_wait3A_35 = tpu.memref_slice %arg4[%add3A_20, %dma_wait3A_34] : memref<12800x128xi32, #tpu.memory_space<hbm>> -> memref<40x128xi32, #tpu.memory_space<hbm>>
      %dma_wait3A_36 = arith.constant 0 : i32
      %dma_wait3A_37 = tpu.memref_slice %arg4[%add3A_20, %dma_wait3A_36] : memref<12800x128xi32, #tpu.memory_space<hbm>> -> memref<40x128xi32, #tpu.memory_space<hbm>>
      tpu.wait_dma2 semaphore(%arg11 : memref<!tpu.dma_semaphore, #tpu.memory_space<semaphore_mem>>) src(%dma_wait3A_37 : memref<40x128xi32, #tpu.memory_space<hbm>>) dst(%arg8 : memref<40x128xi32, #tpu.memory_space<vmem>>)
      %dma_start3A_38 = arith.constant 0 : i32
      %dma_start3A_39 = arith.constant 0 : i32
      %dma_start3A_40 = arith.constant 0 : i32
      %dma_start3A_41 = arith.constant 0 : i32
      %dma_start3A_42 = tpu.memref_slice %arg9[%dma_start3A_39, %dma_start3A_40, %dma_start3A_41] : memref<8x128x16xf32, #tpu.memory_space<vmem>> -> memref<1x128x16xf32, #tpu.memory_space<vmem>>
      %dma_start3A_43 = tpu.memref_squeeze %dma_start3A_42 : memref<1x128x16xf32, #tpu.memory_space<vmem>> -> memref<128x16xf32, #tpu.memory_space<vmem>>
      %dma_start3A_44 = arith.constant 0 : i32
      %dma_start3A_45 = tpu.memref_slice %arg7[%dma_start3A_38, %dma_start3A_44] : memref<40x128xi32, #tpu.memory_space<vmem>> -> memref<1x128xi32, #tpu.memory_space<vmem>>
      %dma_start3A_46 = tpu.memref_squeeze %dma_start3A_45 : memref<1x128xi32, #tpu.memory_space<vmem>> -> memref<128xi32, #tpu.memory_space<vmem>>
      %dma_start3A_47 = arith.constant 0 : i32
      %dma_start3A_48 = arith.constant 0 : i32
      %dma_start3A_49 = tpu.memref_slice %arg2[%dma_start3A_47, %dma_start3A_48] : memref<200000x16xf32, #tpu.memory_space<hbm>> -> memref<200000x16xf32, #tpu.memory_space<hbm>>
      tpu.enqueue_indirect_dma source(%dma_start3A_49 : memref<200000x16xf32, #tpu.memory_space<hbm>>) target(%dma_start3A_43 : memref<128x16xf32, #tpu.memory_space<vmem>>) offsets(%dma_start3A_46 : memref<128xi32, #tpu.memory_space<vmem>>) semaphore(%arg11 : memref<!tpu.dma_semaphore, #tpu.memory_space<semaphore_mem>>)
      %dma_start3A_50 = arith.constant 1 : i32
      %dma_start3A_51 = arith.constant 1 : i32
      %dma_start3A_52 = arith.constant 0 : i32
      %dma_start3A_53 = arith.constant 0 : i32
      %dma_start3A_54 = tpu.memref_slice %arg9[%dma_start3A_51, %dma_start3A_52, %dma_start3A_53] : memref<8x128x16xf32, #tpu.memory_space<vmem>> -> memref<1x128x16xf32, #tpu.memory_space<vmem>>
      %dma_start3A_55 = tpu.memref_squeeze %dma_start3A_54 : memref<1x128x16xf32, #tpu.memory_space<vmem>> -> memref<128x16xf32, #tpu.memory_space<vmem>>
      %dma_start3A_56 = arith.constant 0 : i32
      %dma_start3A_57 = tpu.memref_slice %arg7[%dma_start3A_50, %dma_start3A_56] : memref<40x128xi32, #tpu.memory_space<vmem>> -> memref<1x128xi32, #tpu.memory_space<vmem>>
      %dma_start3A_58 = tpu.memref_squeeze %dma_start3A_57 : memref<1x128xi32, #tpu.memory_space<vmem>> -> memref<128xi32, #tpu.memory_space<vmem>>
      %dma_start3A_59 = arith.constant 0 : i32
      %dma_start3A_60 = arith.constant 0 : i32
      %dma_start3A_61 = tpu.memref_slice %arg2[%dma_start3A_59, %dma_start3A_60] : memref<200000x16xf32, #tpu.memory_space<hbm>> -> memref<200000x16xf32, #tpu.memory_space<hbm>>
      tpu.enqueue_indirect_dma source(%dma_start3A_61 : memref<200000x16xf32, #tpu.memory_space<hbm>>) target(%dma_start3A_55 : memref<128x16xf32, #tpu.memory_space<vmem>>) offsets(%dma_start3A_58 : memref<128xi32, #tpu.memory_space<vmem>>) semaphore(%arg11 : memref<!tpu.dma_semaphore, #tpu.memory_space<semaphore_mem>>)
      %dma_start3A_62 = arith.constant 2 : i32
      %dma_start3A_63 = arith.constant 2 : i32
      %dma_start3A_64 = arith.constant 0 : i32
      %dma_start3A_65 = arith.constant 0 : i32
      %dma_start3A_66 = tpu.memref_slice %arg9[%dma_start3A_63, %dma_start3A_64, %dma_start3A_65] : memref<8x128x16xf32, #tpu.memory_space<vmem>> -> memref<1x128x16xf32, #tpu.memory_space<vmem>>
      %dma_start3A_67 = tpu.memref_squeeze %dma_start3A_66 : memref<1x128x16xf32, #tpu.memory_space<vmem>> -> memref<128x16xf32, #tpu.memory_space<vmem>>
      %dma_start3A_68 = arith.constant 0 : i32
      %dma_start3A_69 = tpu.memref_slice %arg7[%dma_start3A_62, %dma_start3A_68] : memref<40x128xi32, #tpu.memory_space<vmem>> -> memref<1x128xi32, #tpu.memory_space<vmem>>
      %dma_start3A_70 = tpu.memref_squeeze %dma_start3A_69 : memref<1x128xi32, #tpu.memory_space<vmem>> -> memref<128xi32, #tpu.memory_space<vmem>>
      %dma_start3A_71 = arith.constant 0 : i32
      %dma_start3A_72 = arith.constant 0 : i32
      %dma_start3A_73 = tpu.memref_slice %arg2[%dma_start3A_71, %dma_start3A_72] : memref<200000x16xf32, #tpu.memory_space<hbm>> -> memref<200000x16xf32, #tpu.memory_space<hbm>>
      tpu.enqueue_indirect_dma source(%dma_start3A_73 : memref<200000x16xf32, #tpu.memory_space<hbm>>) target(%dma_start3A_67 : memref<128x16xf32, #tpu.memory_space<vmem>>) offsets(%dma_start3A_70 : memref<128xi32, #tpu.memory_space<vmem>>) semaphore(%arg11 : memref<!tpu.dma_semaphore, #tpu.memory_space<semaphore_mem>>)
      %dma_start3A_74 = arith.constant 3 : i32
      %dma_start3A_75 = arith.constant 3 : i32
      %dma_start3A_76 = arith.constant 0 : i32
      %dma_start3A_77 = arith.constant 0 : i32
      %dma_start3A_78 = tpu.memref_slice %arg9[%dma_start3A_75, %dma_start3A_76, %dma_start3A_77] : memref<8x128x16xf32, #tpu.memory_space<vmem>> -> memref<1x128x16xf32, #tpu.memory_space<vmem>>
      %dma_start3A_79 = tpu.memref_squeeze %dma_start3A_78 : memref<1x128x16xf32, #tpu.memory_space<vmem>> -> memref<128x16xf32, #tpu.memory_space<vmem>>
      %dma_start3A_80 = arith.constant 0 : i32
      %dma_start3A_81 = tpu.memref_slice %arg7[%dma_start3A_74, %dma_start3A_80] : memref<40x128xi32, #tpu.memory_space<vmem>> -> memref<1x128xi32, #tpu.memory_space<vmem>>
      %dma_start3A_82 = tpu.memref_squeeze %dma_start3A_81 : memref<1x128xi32, #tpu.memory_space<vmem>> -> memref<128xi32, #tpu.memory_space<vmem>>
      %dma_start3A_83 = arith.constant 0 : i32
      %dma_start3A_84 = arith.constant 0 : i32
      %dma_start3A_85 = tpu.memref_slice %arg2[%dma_start3A_83, %dma_start3A_84] : memref<200000x16xf32, #tpu.memory_space<hbm>> -> memref<200000x16xf32, #tpu.memory_space<hbm>>
      tpu.enqueue_indirect_dma source(%dma_start3A_85 : memref<200000x16xf32, #tpu.memory_space<hbm>>) target(%dma_start3A_79 : memref<128x16xf32, #tpu.memory_space<vmem>>) offsets(%dma_start3A_82 : memref<128xi32, #tpu.memory_space<vmem>>) semaphore(%arg11 : memref<!tpu.dma_semaphore, #tpu.memory_space<semaphore_mem>>)
      %dma_wait3A_86 = arith.constant 0 : i32
      %dma_wait3A_87 = arith.constant 0 : i32
      %dma_wait3A_88 = arith.constant 0 : i32
      %dma_wait3A_89 = arith.constant 0 : i32
      %dma_wait3A_90 = tpu.memref_slice %arg9[%dma_wait3A_87, %dma_wait3A_88, %dma_wait3A_89] : memref<8x128x16xf32, #tpu.memory_space<vmem>> -> memref<1x128x16xf32, #tpu.memory_space<vmem>>
      %dma_wait3A_91 = tpu.memref_squeeze %dma_wait3A_90 : memref<1x128x16xf32, #tpu.memory_space<vmem>> -> memref<128x16xf32, #tpu.memory_space<vmem>>
      %dma_wait3A_92 = arith.constant 0 : i32
      %dma_wait3A_93 = tpu.memref_slice %arg7[%dma_wait3A_86, %dma_wait3A_92] : memref<40x128xi32, #tpu.memory_space<vmem>> -> memref<1x128xi32, #tpu.memory_space<vmem>>
      %dma_wait3A_94 = tpu.memref_squeeze %dma_wait3A_93 : memref<1x128xi32, #tpu.memory_space<vmem>> -> memref<128xi32, #tpu.memory_space<vmem>>
      %dma_wait3A_95 = arith.constant 0 : i32
      %dma_wait3A_96 = arith.constant 0 : i32
      %dma_wait3A_97 = tpu.memref_slice %arg2[%dma_wait3A_95, %dma_wait3A_96] : memref<200000x16xf32, #tpu.memory_space<hbm>> -> memref<200000x16xf32, #tpu.memory_space<hbm>>
      tpu.wait_indirect_dma semaphore(%arg11 : memref<!tpu.dma_semaphore, #tpu.memory_space<semaphore_mem>>) src(%dma_wait3A_97 : memref<200000x16xf32, #tpu.memory_space<hbm>>) dst(%dma_wait3A_91 : memref<128x16xf32, #tpu.memory_space<vmem>>)
      %dma_wait3A_98 = arith.constant 1 : i32
      %dma_wait3A_99 = arith.constant 1 : i32
      %dma_wait3A_100 = arith.constant 0 : i32
      %dma_wait3A_101 = arith.constant 0 : i32
      %dma_wait3A_102 = tpu.memref_slice %arg9[%dma_wait3A_99, %dma_wait3A_100, %dma_wait3A_101] : memref<8x128x16xf32, #tpu.memory_space<vmem>> -> memref<1x128x16xf32, #tpu.memory_space<vmem>>
      %dma_wait3A_103 = tpu.memref_squeeze %dma_wait3A_102 : memref<1x128x16xf32, #tpu.memory_space<vmem>> -> memref<128x16xf32, #tpu.memory_space<vmem>>
      %dma_wait3A_104 = arith.constant 0 : i32
      %dma_wait3A_105 = tpu.memref_slice %arg7[%dma_wait3A_98, %dma_wait3A_104] : memref<40x128xi32, #tpu.memory_space<vmem>> -> memref<1x128xi32, #tpu.memory_space<vmem>>
      %dma_wait3A_106 = tpu.memref_squeeze %dma_wait3A_105 : memref<1x128xi32, #tpu.memory_space<vmem>> -> memref<128xi32, #tpu.memory_space<vmem>>
      %dma_wait3A_107 = arith.constant 0 : i32
      %dma_wait3A_108 = arith.constant 0 : i32
      %dma_wait3A_109 = tpu.memref_slice %arg2[%dma_wait3A_107, %dma_wait3A_108] : memref<200000x16xf32, #tpu.memory_space<hbm>> -> memref<200000x16xf32, #tpu.memory_space<hbm>>
      tpu.wait_indirect_dma semaphore(%arg11 : memref<!tpu.dma_semaphore, #tpu.memory_space<semaphore_mem>>) src(%dma_wait3A_109 : memref<200000x16xf32, #tpu.memory_space<hbm>>) dst(%dma_wait3A_103 : memref<128x16xf32, #tpu.memory_space<vmem>>)
      %dma_wait3A_110 = arith.constant 2 : i32
      %dma_wait3A_111 = arith.constant 2 : i32
      %dma_wait3A_112 = arith.constant 0 : i32
      %dma_wait3A_113 = arith.constant 0 : i32
      %dma_wait3A_114 = tpu.memref_slice %arg9[%dma_wait3A_111, %dma_wait3A_112, %dma_wait3A_113] : memref<8x128x16xf32, #tpu.memory_space<vmem>> -> memref<1x128x16xf32, #tpu.memory_space<vmem>>
      %dma_wait3A_115 = tpu.memref_squeeze %dma_wait3A_114 : memref<1x128x16xf32, #tpu.memory_space<vmem>> -> memref<128x16xf32, #tpu.memory_space<vmem>>
      %dma_wait3A_116 = arith.constant 0 : i32
      %dma_wait3A_117 = tpu.memref_slice %arg7[%dma_wait3A_110, %dma_wait3A_116] : memref<40x128xi32, #tpu.memory_space<vmem>> -> memref<1x128xi32, #tpu.memory_space<vmem>>
      %dma_wait3A_118 = tpu.memref_squeeze %dma_wait3A_117 : memref<1x128xi32, #tpu.memory_space<vmem>> -> memref<128xi32, #tpu.memory_space<vmem>>
      %dma_wait3A_119 = arith.constant 0 : i32
      %dma_wait3A_120 = arith.constant 0 : i32
      %dma_wait3A_121 = tpu.memref_slice %arg2[%dma_wait3A_119, %dma_wait3A_120] : memref<200000x16xf32, #tpu.memory_space<hbm>> -> memref<200000x16xf32, #tpu.memory_space<hbm>>
      tpu.wait_indirect_dma semaphore(%arg11 : memref<!tpu.dma_semaphore, #tpu.memory_space<semaphore_mem>>) src(%dma_wait3A_121 : memref<200000x16xf32, #tpu.memory_space<hbm>>) dst(%dma_wait3A_115 : memref<128x16xf32, #tpu.memory_space<vmem>>)
      %dma_wait3A_122 = arith.constant 3 : i32
      %dma_wait3A_123 = arith.constant 3 : i32
      %dma_wait3A_124 = arith.constant 0 : i32
      %dma_wait3A_125 = arith.constant 0 : i32
      %dma_wait3A_126 = tpu.memref_slice %arg9[%dma_wait3A_123, %dma_wait3A_124, %dma_wait3A_125] : memref<8x128x16xf32, #tpu.memory_space<vmem>> -> memref<1x128x16xf32, #tpu.memory_space<vmem>>
      %dma_wait3A_127 = tpu.memref_squeeze %dma_wait3A_126 : memref<1x128x16xf32, #tpu.memory_space<vmem>> -> memref<128x16xf32, #tpu.memory_space<vmem>>
      %dma_wait3A_128 = arith.constant 0 : i32
      %dma_wait3A_129 = tpu.memref_slice %arg7[%dma_wait3A_122, %dma_wait3A_128] : memref<40x128xi32, #tpu.memory_space<vmem>> -> memref<1x128xi32, #tpu.memory_space<vmem>>
      %dma_wait3A_130 = tpu.memref_squeeze %dma_wait3A_129 : memref<1x128xi32, #tpu.memory_space<vmem>> -> memref<128xi32, #tpu.memory_space<vmem>>
      %dma_wait3A_131 = arith.constant 0 : i32
      %dma_wait3A_132 = arith.constant 0 : i32
      %dma_wait3A_133 = tpu.memref_slice %arg2[%dma_wait3A_131, %dma_wait3A_132] : memref<200000x16xf32, #tpu.memory_space<hbm>> -> memref<200000x16xf32, #tpu.memory_space<hbm>>
      tpu.wait_indirect_dma semaphore(%arg11 : memref<!tpu.dma_semaphore, #tpu.memory_space<semaphore_mem>>) src(%dma_wait3A_133 : memref<200000x16xf32, #tpu.memory_space<hbm>>) dst(%dma_wait3A_127 : memref<128x16xf32, #tpu.memory_space<vmem>>)
      %scan3A_134 = arith.constant 0 : i32
      %scan3A_135 = arith.constant 0 : i32
      %scan3A_136 = arith.constant 4 : i32
      %scan3A_137 = arith.addi %scan3A_135, %scan3A_136 : i32
      %scan3A_138 = arith.constant 1 : i32
      %scan3A_139 = scf.for %scan3A_253 = %scan3A_135 to %scan3A_137 step %scan3A_138 iter_args(%scan3A_254 = %scan3A_134) -> (i32)  : i32 {
        %mul3A_255 = arith.constant 2 : i32
        %mul3A_256 = arith.muli %scan3A_253, %mul3A_255 : i32
        %mul3A_257 = arith.constant 4 : i32
        %mul3A_258 = arith.muli %mul3A_256, %mul3A_257 : i32
        %add3A_259 = arith.constant 4 : i32
        %add3A_260 = arith.addi %mul3A_258, %add3A_259 : i32
        %add3A_261 = arith.constant 0 : i32
        %add3A_262 = arith.addi %add3A_260, %add3A_261 : i32
        %dma_start3A_263 = arith.constant 4 : i32
        %dma_start3A_264 = arith.constant 0 : i32
        %dma_start3A_265 = arith.constant 0 : i32
        %dma_start3A_266 = tpu.memref_slice %arg9[%dma_start3A_263, %dma_start3A_264, %dma_start3A_265] : memref<8x128x16xf32, #tpu.memory_space<vmem>> -> memref<1x128x16xf32, #tpu.memory_space<vmem>>
        %dma_start3A_267 = tpu.memref_squeeze %dma_start3A_266 : memref<1x128x16xf32, #tpu.memory_space<vmem>> -> memref<128x16xf32, #tpu.memory_space<vmem>>
        %dma_start3A_268 = arith.constant 0 : i32
        %dma_start3A_269 = tpu.memref_slice %arg7[%add3A_262, %dma_start3A_268] : memref<40x128xi32, #tpu.memory_space<vmem>> -> memref<1x128xi32, #tpu.memory_space<vmem>>
        %dma_start3A_270 = tpu.memref_squeeze %dma_start3A_269 : memref<1x128xi32, #tpu.memory_space<vmem>> -> memref<128xi32, #tpu.memory_space<vmem>>
        %dma_start3A_271 = arith.constant 0 : i32
        %dma_start3A_272 = arith.constant 0 : i32
        %dma_start3A_273 = tpu.memref_slice %arg2[%dma_start3A_271, %dma_start3A_272] : memref<200000x16xf32, #tpu.memory_space<hbm>> -> memref<200000x16xf32, #tpu.memory_space<hbm>>
        tpu.enqueue_indirect_dma source(%dma_start3A_273 : memref<200000x16xf32, #tpu.memory_space<hbm>>) target(%dma_start3A_267 : memref<128x16xf32, #tpu.memory_space<vmem>>) offsets(%dma_start3A_270 : memref<128xi32, #tpu.memory_space<vmem>>) semaphore(%arg11 : memref<!tpu.dma_semaphore, #tpu.memory_space<semaphore_mem>>)
        %add3A_274 = arith.constant 1 : i32
        %add3A_275 = arith.addi %add3A_260, %add3A_274 : i32
        %dma_start3A_276 = arith.constant 5 : i32
        %dma_start3A_277 = arith.constant 0 : i32
        %dma_start3A_278 = arith.constant 0 : i32
        %dma_start3A_279 = tpu.memref_slice %arg9[%dma_start3A_276, %dma_start3A_277, %dma_start3A_278] : memref<8x128x16xf32, #tpu.memory_space<vmem>> -> memref<1x128x16xf32, #tpu.memory_space<vmem>>
        %dma_start3A_280 = tpu.memref_squeeze %dma_start3A_279 : memref<1x128x16xf32, #tpu.memory_space<vmem>> -> memref<128x16xf32, #tpu.memory_space<vmem>>
        %dma_start3A_281 = arith.constant 0 : i32
        %dma_start3A_282 = tpu.memref_slice %arg7[%add3A_275, %dma_start3A_281] : memref<40x128xi32, #tpu.memory_space<vmem>> -> memref<1x128xi32, #tpu.memory_space<vmem>>
        %dma_start3A_283 = tpu.memref_squeeze %dma_start3A_282 : memref<1x128xi32, #tpu.memory_space<vmem>> -> memref<128xi32, #tpu.memory_space<vmem>>
        %dma_start3A_284 = arith.constant 0 : i32
        %dma_start3A_285 = arith.constant 0 : i32
        %dma_start3A_286 = tpu.memref_slice %arg2[%dma_start3A_284, %dma_start3A_285] : memref<200000x16xf32, #tpu.memory_space<hbm>> -> memref<200000x16xf32, #tpu.memory_space<hbm>>
        tpu.enqueue_indirect_dma source(%dma_start3A_286 : memref<200000x16xf32, #tpu.memory_space<hbm>>) target(%dma_start3A_280 : memref<128x16xf32, #tpu.memory_space<vmem>>) offsets(%dma_start3A_283 : memref<128xi32, #tpu.memory_space<vmem>>) semaphore(%arg11 : memref<!tpu.dma_semaphore, #tpu.memory_space<semaphore_mem>>)
        %add3A_287 = arith.constant 2 : i32
        %add3A_288 = arith.addi %add3A_260, %add3A_287 : i32
        %dma_start3A_289 = arith.constant 6 : i32
        %dma_start3A_290 = arith.constant 0 : i32
        %dma_start3A_291 = arith.constant 0 : i32
        %dma_start3A_292 = tpu.memref_slice %arg9[%dma_start3A_289, %dma_start3A_290, %dma_start3A_291] : memref<8x128x16xf32, #tpu.memory_space<vmem>> -> memref<1x128x16xf32, #tpu.memory_space<vmem>>
        %dma_start3A_293 = tpu.memref_squeeze %dma_start3A_292 : memref<1x128x16xf32, #tpu.memory_space<vmem>> -> memref<128x16xf32, #tpu.memory_space<vmem>>
        %dma_start3A_294 = arith.constant 0 : i32
        %dma_start3A_295 = tpu.memref_slice %arg7[%add3A_288, %dma_start3A_294] : memref<40x128xi32, #tpu.memory_space<vmem>> -> memref<1x128xi32, #tpu.memory_space<vmem>>
        %dma_start3A_296 = tpu.memref_squeeze %dma_start3A_295 : memref<1x128xi32, #tpu.memory_space<vmem>> -> memref<128xi32, #tpu.memory_space<vmem>>
        %dma_start3A_297 = arith.constant 0 : i32
        %dma_start3A_298 = arith.constant 0 : i32
        %dma_start3A_299 = tpu.memref_slice %arg2[%dma_start3A_297, %dma_start3A_298] : memref<200000x16xf32, #tpu.memory_space<hbm>> -> memref<200000x16xf32, #tpu.memory_space<hbm>>
        tpu.enqueue_indirect_dma source(%dma_start3A_299 : memref<200000x16xf32, #tpu.memory_space<hbm>>) target(%dma_start3A_293 : memref<128x16xf32, #tpu.memory_space<vmem>>) offsets(%dma_start3A_296 : memref<128xi32, #tpu.memory_space<vmem>>) semaphore(%arg11 : memref<!tpu.dma_semaphore, #tpu.memory_space<semaphore_mem>>)
        %add3A_300 = arith.constant 3 : i32
        %add3A_301 = arith.addi %add3A_260, %add3A_300 : i32
        %dma_start3A_302 = arith.constant 7 : i32
        %dma_start3A_303 = arith.constant 0 : i32
        %dma_start3A_304 = arith.constant 0 : i32
        %dma_start3A_305 = tpu.memref_slice %arg9[%dma_start3A_302, %dma_start3A_303, %dma_start3A_304] : memref<8x128x16xf32, #tpu.memory_space<vmem>> -> memref<1x128x16xf32, #tpu.memory_space<vmem>>
        %dma_start3A_306 = tpu.memref_squeeze %dma_start3A_305 : memref<1x128x16xf32, #tpu.memory_space<vmem>> -> memref<128x16xf32, #tpu.memory_space<vmem>>
        %dma_start3A_307 = arith.constant 0 : i32
        %dma_start3A_308 = tpu.memref_slice %arg7[%add3A_301, %dma_start3A_307] : memref<40x128xi32, #tpu.memory_space<vmem>> -> memref<1x128xi32, #tpu.memory_space<vmem>>
        %dma_start3A_309 = tpu.memref_squeeze %dma_start3A_308 : memref<1x128xi32, #tpu.memory_space<vmem>> -> memref<128xi32, #tpu.memory_space<vmem>>
        %dma_start3A_310 = arith.constant 0 : i32
        %dma_start3A_311 = arith.constant 0 : i32
        %dma_start3A_312 = tpu.memref_slice %arg2[%dma_start3A_310, %dma_start3A_311] : memref<200000x16xf32, #tpu.memory_space<hbm>> -> memref<200000x16xf32, #tpu.memory_space<hbm>>
        tpu.enqueue_indirect_dma source(%dma_start3A_312 : memref<200000x16xf32, #tpu.memory_space<hbm>>) target(%dma_start3A_306 : memref<128x16xf32, #tpu.memory_space<vmem>>) offsets(%dma_start3A_309 : memref<128xi32, #tpu.memory_space<vmem>>) semaphore(%arg11 : memref<!tpu.dma_semaphore, #tpu.memory_space<semaphore_mem>>)
        %add3A_313 = arith.constant 0 : i32
        %add3A_314 = arith.addi %mul3A_258, %add3A_313 : i32
        %run_scoped3A_315 = arith.constant 0 : i32
        "tpu.region"() ({
          %run_scoped3A_482 = tpu.sem_alloc : memref<!tpu.dma_semaphore, #tpu.memory_space<semaphore_mem>>
          %dma_start3A_483 = arith.constant 0 : i32
          %dma_start3A_484 = arith.constant 0 : i32
          %dma_start3A_485 = tpu.memref_slice %arg9[%run_scoped3A_315, %dma_start3A_483, %dma_start3A_484] : memref<8x128x16xf32, #tpu.memory_space<vmem>> -> memref<1x128x16xf32, #tpu.memory_space<vmem>>
          %dma_start3A_486 = tpu.memref_squeeze %dma_start3A_485 : memref<1x128x16xf32, #tpu.memory_space<vmem>> -> memref<128x16xf32, #tpu.memory_space<vmem>>
          %dma_start3A_487 = arith.constant 0 : i32
          %dma_start3A_488 = tpu.memref_slice %arg8[%add3A_314, %dma_start3A_487] : memref<40x128xi32, #tpu.memory_space<vmem>> -> memref<1x128xi32, #tpu.memory_space<vmem>>
          %dma_start3A_489 = tpu.memref_squeeze %dma_start3A_488 : memref<1x128xi32, #tpu.memory_space<vmem>> -> memref<128xi32, #tpu.memory_space<vmem>>
          %dma_start3A_490 = arith.constant 0 : i32
          %dma_start3A_491 = arith.constant 0 : i32
          %dma_start3A_492 = tpu.memref_slice %arg10[%dma_start3A_490, %dma_start3A_491] : memref<102400x16xf32, #tpu.memory_space<vmem_shared>> -> memref<102400x16xf32, #tpu.memory_space<vmem_shared>>
          tpu.enqueue_indirect_dma source(%dma_start3A_486 : memref<128x16xf32, #tpu.memory_space<vmem>>) target(%dma_start3A_492 : memref<102400x16xf32, #tpu.memory_space<vmem_shared>>) offsets(%dma_start3A_489 : memref<128xi32, #tpu.memory_space<vmem>>) semaphore(%run_scoped3A_482 : memref<!tpu.dma_semaphore, #tpu.memory_space<semaphore_mem>>) {add = true}
          %dma_wait3A_493 = arith.constant 0 : i32
          %dma_wait3A_494 = arith.constant 0 : i32
          %dma_wait3A_495 = tpu.memref_slice %arg9[%run_scoped3A_315, %dma_wait3A_493, %dma_wait3A_494] : memref<8x128x16xf32, #tpu.memory_space<vmem>> -> memref<1x128x16xf32, #tpu.memory_space<vmem>>
          %dma_wait3A_496 = tpu.memref_squeeze %dma_wait3A_495 : memref<1x128x16xf32, #tpu.memory_space<vmem>> -> memref<128x16xf32, #tpu.memory_space<vmem>>
          %dma_wait3A_497 = arith.constant 0 : i32
          %dma_wait3A_498 = tpu.memref_slice %arg8[%add3A_314, %dma_wait3A_497] : memref<40x128xi32, #tpu.memory_space<vmem>> -> memref<1x128xi32, #tpu.memory_space<vmem>>
          %dma_wait3A_499 = tpu.memref_squeeze %dma_wait3A_498 : memref<1x128xi32, #tpu.memory_space<vmem>> -> memref<128xi32, #tpu.memory_space<vmem>>
          %dma_wait3A_500 = arith.constant 0 : i32
          %dma_wait3A_501 = arith.constant 0 : i32
          %dma_wait3A_502 = tpu.memref_slice %arg10[%dma_wait3A_500, %dma_wait3A_501] : memref<102400x16xf32, #tpu.memory_space<vmem_shared>> -> memref<102400x16xf32, #tpu.memory_space<vmem_shared>>
          tpu.wait_indirect_dma semaphore(%run_scoped3A_482 : memref<!tpu.dma_semaphore, #tpu.memory_space<semaphore_mem>>) src(%dma_wait3A_496 : memref<128x16xf32, #tpu.memory_space<vmem>>) dst(%dma_wait3A_502 : memref<102400x16xf32, #tpu.memory_space<vmem_shared>>)
          tpu.yield
        }) : () -> ()
        %add3A_316 = arith.constant 1 : i32
        %add3A_317 = arith.addi %mul3A_258, %add3A_316 : i32
        %run_scoped3A_318 = arith.constant 1 : i32
        "tpu.region"() ({
          %run_scoped3A_482 = tpu.sem_alloc : memref<!tpu.dma_semaphore, #tpu.memory_space<semaphore_mem>>
          %dma_start3A_483 = arith.constant 0 : i32
          %dma_start3A_484 = arith.constant 0 : i32
          %dma_start3A_485 = tpu.memref_slice %arg9[%run_scoped3A_318, %dma_start3A_483, %dma_start3A_484] : memref<8x128x16xf32, #tpu.memory_space<vmem>> -> memref<1x128x16xf32, #tpu.memory_space<vmem>>
          %dma_start3A_486 = tpu.memref_squeeze %dma_start3A_485 : memref<1x128x16xf32, #tpu.memory_space<vmem>> -> memref<128x16xf32, #tpu.memory_space<vmem>>
          %dma_start3A_487 = arith.constant 0 : i32
          %dma_start3A_488 = tpu.memref_slice %arg8[%add3A_317, %dma_start3A_487] : memref<40x128xi32, #tpu.memory_space<vmem>> -> memref<1x128xi32, #tpu.memory_space<vmem>>
          %dma_start3A_489 = tpu.memref_squeeze %dma_start3A_488 : memref<1x128xi32, #tpu.memory_space<vmem>> -> memref<128xi32, #tpu.memory_space<vmem>>
          %dma_start3A_490 = arith.constant 0 : i32
          %dma_start3A_491 = arith.constant 0 : i32
          %dma_start3A_492 = tpu.memref_slice %arg10[%dma_start3A_490, %dma_start3A_491] : memref<102400x16xf32, #tpu.memory_space<vmem_shared>> -> memref<102400x16xf32, #tpu.memory_space<vmem_shared>>
          tpu.enqueue_indirect_dma source(%dma_start3A_486 : memref<128x16xf32, #tpu.memory_space<vmem>>) target(%dma_start3A_492 : memref<102400x16xf32, #tpu.memory_space<vmem_shared>>) offsets(%dma_start3A_489 : memref<128xi32, #tpu.memory_space<vmem>>) semaphore(%run_scoped3A_482 : memref<!tpu.dma_semaphore, #tpu.memory_space<semaphore_mem>>) {add = true}
          %dma_wait3A_493 = arith.constant 0 : i32
          %dma_wait3A_494 = arith.constant 0 : i32
          %dma_wait3A_495 = tpu.memref_slice %arg9[%run_scoped3A_318, %dma_wait3A_493, %dma_wait3A_494] : memref<8x128x16xf32, #tpu.memory_space<vmem>> -> memref<1x128x16xf32, #tpu.memory_space<vmem>>
          %dma_wait3A_496 = tpu.memref_squeeze %dma_wait3A_495 : memref<1x128x16xf32, #tpu.memory_space<vmem>> -> memref<128x16xf32, #tpu.memory_space<vmem>>
          %dma_wait3A_497 = arith.constant 0 : i32
          %dma_wait3A_498 = tpu.memref_slice %arg8[%add3A_317, %dma_wait3A_497] : memref<40x128xi32, #tpu.memory_space<vmem>> -> memref<1x128xi32, #tpu.memory_space<vmem>>
          %dma_wait3A_499 = tpu.memref_squeeze %dma_wait3A_498 : memref<1x128xi32, #tpu.memory_space<vmem>> -> memref<128xi32, #tpu.memory_space<vmem>>
          %dma_wait3A_500 = arith.constant 0 : i32
          %dma_wait3A_501 = arith.constant 0 : i32
          %dma_wait3A_502 = tpu.memref_slice %arg10[%dma_wait3A_500, %dma_wait3A_501] : memref<102400x16xf32, #tpu.memory_space<vmem_shared>> -> memref<102400x16xf32, #tpu.memory_space<vmem_shared>>
          tpu.wait_indirect_dma semaphore(%run_scoped3A_482 : memref<!tpu.dma_semaphore, #tpu.memory_space<semaphore_mem>>) src(%dma_wait3A_496 : memref<128x16xf32, #tpu.memory_space<vmem>>) dst(%dma_wait3A_502 : memref<102400x16xf32, #tpu.memory_space<vmem_shared>>)
          tpu.yield
        }) : () -> ()
        %add3A_319 = arith.constant 2 : i32
        %add3A_320 = arith.addi %mul3A_258, %add3A_319 : i32
        %run_scoped3A_321 = arith.constant 2 : i32
        "tpu.region"() ({
          %run_scoped3A_482 = tpu.sem_alloc : memref<!tpu.dma_semaphore, #tpu.memory_space<semaphore_mem>>
          %dma_start3A_483 = arith.constant 0 : i32
          %dma_start3A_484 = arith.constant 0 : i32
          %dma_start3A_485 = tpu.memref_slice %arg9[%run_scoped3A_321, %dma_start3A_483, %dma_start3A_484] : memref<8x128x16xf32, #tpu.memory_space<vmem>> -> memref<1x128x16xf32, #tpu.memory_space<vmem>>
          %dma_start3A_486 = tpu.memref_squeeze %dma_start3A_485 : memref<1x128x16xf32, #tpu.memory_space<vmem>> -> memref<128x16xf32, #tpu.memory_space<vmem>>
          %dma_start3A_487 = arith.constant 0 : i32
          %dma_start3A_488 = tpu.memref_slice %arg8[%add3A_320, %dma_start3A_487] : memref<40x128xi32, #tpu.memory_space<vmem>> -> memref<1x128xi32, #tpu.memory_space<vmem>>
          %dma_start3A_489 = tpu.memref_squeeze %dma_start3A_488 : memref<1x128xi32, #tpu.memory_space<vmem>> -> memref<128xi32, #tpu.memory_space<vmem>>
          %dma_start3A_490 = arith.constant 0 : i32
          %dma_start3A_491 = arith.constant 0 : i32
          %dma_start3A_492 = tpu.memref_slice %arg10[%dma_start3A_490, %dma_start3A_491] : memref<102400x16xf32, #tpu.memory_space<vmem_shared>> -> memref<102400x16xf32, #tpu.memory_space<vmem_shared>>
          tpu.enqueue_indirect_dma source(%dma_start3A_486 : memref<128x16xf32, #tpu.memory_space<vmem>>) target(%dma_start3A_492 : memref<102400x16xf32, #tpu.memory_space<vmem_shared>>) offsets(%dma_start3A_489 : memref<128xi32, #tpu.memory_space<vmem>>) semaphore(%run_scoped3A_482 : memref<!tpu.dma_semaphore, #tpu.memory_space<semaphore_mem>>) {add = true}
          %dma_wait3A_493 = arith.constant 0 : i32
          %dma_wait3A_494 = arith.constant 0 : i32
          %dma_wait3A_495 = tpu.memref_slice %arg9[%run_scoped3A_321, %dma_wait3A_493, %dma_wait3A_494] : memref<8x128x16xf32, #tpu.memory_space<vmem>> -> memref<1x128x16xf32, #tpu.memory_space<vmem>>
          %dma_wait3A_496 = tpu.memref_squeeze %dma_wait3A_495 : memref<1x128x16xf32, #tpu.memory_space<vmem>> -> memref<128x16xf32, #tpu.memory_space<vmem>>
          %dma_wait3A_497 = arith.constant 0 : i32
          %dma_wait3A_498 = tpu.memref_slice %arg8[%add3A_320, %dma_wait3A_497] : memref<40x128xi32, #tpu.memory_space<vmem>> -> memref<1x128xi32, #tpu.memory_space<vmem>>
          %dma_wait3A_499 = tpu.memref_squeeze %dma_wait3A_498 : memref<1x128xi32, #tpu.memory_space<vmem>> -> memref<128xi32, #tpu.memory_space<vmem>>
          %dma_wait3A_500 = arith.constant 0 : i32
          %dma_wait3A_501 = arith.constant 0 : i32
          %dma_wait3A_502 = tpu.memref_slice %arg10[%dma_wait3A_500, %dma_wait3A_501] : memref<102400x16xf32, #tpu.memory_space<vmem_shared>> -> memref<102400x16xf32, #tpu.memory_space<vmem_shared>>
          tpu.wait_indirect_dma semaphore(%run_scoped3A_482 : memref<!tpu.dma_semaphore, #tpu.memory_space<semaphore_mem>>) src(%dma_wait3A_496 : memref<128x16xf32, #tpu.memory_space<vmem>>) dst(%dma_wait3A_502 : memref<102400x16xf32, #tpu.memory_space<vmem_shared>>)
          tpu.yield
        }) : () -> ()
        %add3A_322 = arith.constant 3 : i32
        %add3A_323 = arith.addi %mul3A_258, %add3A_322 : i32
        %run_scoped3A_324 = arith.constant 3 : i32
        "tpu.region"() ({
          %run_scoped3A_482 = tpu.sem_alloc : memref<!tpu.dma_semaphore, #tpu.memory_space<semaphore_mem>>
          %dma_start3A_483 = arith.constant 0 : i32
          %dma_start3A_484 = arith.constant 0 : i32
          %dma_start3A_485 = tpu.memref_slice %arg9[%run_scoped3A_324, %dma_start3A_483, %dma_start3A_484] : memref<8x128x16xf32, #tpu.memory_space<vmem>> -> memref<1x128x16xf32, #tpu.memory_space<vmem>>
          %dma_start3A_486 = tpu.memref_squeeze %dma_start3A_485 : memref<1x128x16xf32, #tpu.memory_space<vmem>> -> memref<128x16xf32, #tpu.memory_space<vmem>>
          %dma_start3A_487 = arith.constant 0 : i32
          %dma_start3A_488 = tpu.memref_slice %arg8[%add3A_323, %dma_start3A_487] : memref<40x128xi32, #tpu.memory_space<vmem>> -> memref<1x128xi32, #tpu.memory_space<vmem>>
          %dma_start3A_489 = tpu.memref_squeeze %dma_start3A_488 : memref<1x128xi32, #tpu.memory_space<vmem>> -> memref<128xi32, #tpu.memory_space<vmem>>
          %dma_start3A_490 = arith.constant 0 : i32
          %dma_start3A_491 = arith.constant 0 : i32
          %dma_start3A_492 = tpu.memref_slice %arg10[%dma_start3A_490, %dma_start3A_491] : memref<102400x16xf32, #tpu.memory_space<vmem_shared>> -> memref<102400x16xf32, #tpu.memory_space<vmem_shared>>
          tpu.enqueue_indirect_dma source(%dma_start3A_486 : memref<128x16xf32, #tpu.memory_space<vmem>>) target(%dma_start3A_492 : memref<102400x16xf32, #tpu.memory_space<vmem_shared>>) offsets(%dma_start3A_489 : memref<128xi32, #tpu.memory_space<vmem>>) semaphore(%run_scoped3A_482 : memref<!tpu.dma_semaphore, #tpu.memory_space<semaphore_mem>>) {add = true}
          %dma_wait3A_493 = arith.constant 0 : i32
          %dma_wait3A_494 = arith.constant 0 : i32
          %dma_wait3A_495 = tpu.memref_slice %arg9[%run_scoped3A_324, %dma_wait3A_493, %dma_wait3A_494] : memref<8x128x16xf32, #tpu.memory_space<vmem>> -> memref<1x128x16xf32, #tpu.memory_space<vmem>>
          %dma_wait3A_496 = tpu.memref_squeeze %dma_wait3A_495 : memref<1x128x16xf32, #tpu.memory_space<vmem>> -> memref<128x16xf32, #tpu.memory_space<vmem>>
          %dma_wait3A_497 = arith.constant 0 : i32
          %dma_wait3A_498 = tpu.memref_slice %arg8[%add3A_323, %dma_wait3A_497] : memref<40x128xi32, #tpu.memory_space<vmem>> -> memref<1x128xi32, #tpu.memory_space<vmem>>
          %dma_wait3A_499 = tpu.memref_squeeze %dma_wait3A_498 : memref<1x128xi32, #tpu.memory_space<vmem>> -> memref<128xi32, #tpu.memory_space<vmem>>
          %dma_wait3A_500 = arith.constant 0 : i32
          %dma_wait3A_501 = arith.constant 0 : i32
          %dma_wait3A_502 = tpu.memref_slice %arg10[%dma_wait3A_500, %dma_wait3A_501] : memref<102400x16xf32, #tpu.memory_space<vmem_shared>> -> memref<102400x16xf32, #tpu.memory_space<vmem_shared>>
          tpu.wait_indirect_dma semaphore(%run_scoped3A_482 : memref<!tpu.dma_semaphore, #tpu.memory_space<semaphore_mem>>) src(%dma_wait3A_496 : memref<128x16xf32, #tpu.memory_space<vmem>>) dst(%dma_wait3A_502 : memref<102400x16xf32, #tpu.memory_space<vmem_shared>>)
          tpu.yield
        }) : () -> ()
        %dma_wait3A_325 = arith.constant 4 : i32
        %dma_wait3A_326 = arith.constant 0 : i32
        %dma_wait3A_327 = arith.constant 0 : i32
        %dma_wait3A_328 = tpu.memref_slice %arg9[%dma_wait3A_325, %dma_wait3A_326, %dma_wait3A_327] : memref<8x128x16xf32, #tpu.memory_space<vmem>> -> memref<1x128x16xf32, #tpu.memory_space<vmem>>
        %dma_wait3A_329 = tpu.memref_squeeze %dma_wait3A_328 : memref<1x128x16xf32, #tpu.memory_space<vmem>> -> memref<128x16xf32, #tpu.memory_space<vmem>>
        %dma_wait3A_330 = arith.constant 0 : i32
        %dma_wait3A_331 = tpu.memref_slice %arg7[%add3A_262, %dma_wait3A_330] : memref<40x128xi32, #tpu.memory_space<vmem>> -> memref<1x128xi32, #tpu.memory_space<vmem>>
        %dma_wait3A_332 = tpu.memref_squeeze %dma_wait3A_331 : memref<1x128xi32, #tpu.memory_space<vmem>> -> memref<128xi32, #tpu.memory_space<vmem>>
        %dma_wait3A_333 = arith.constant 0 : i32
        %dma_wait3A_334 = arith.constant 0 : i32
        %dma_wait3A_335 = tpu.memref_slice %arg2[%dma_wait3A_333, %dma_wait3A_334] : memref<200000x16xf32, #tpu.memory_space<hbm>> -> memref<200000x16xf32, #tpu.memory_space<hbm>>
        tpu.wait_indirect_dma semaphore(%arg11 : memref<!tpu.dma_semaphore, #tpu.memory_space<semaphore_mem>>) src(%dma_wait3A_335 : memref<200000x16xf32, #tpu.memory_space<hbm>>) dst(%dma_wait3A_329 : memref<128x16xf32, #tpu.memory_space<vmem>>)
        %dma_wait3A_336 = arith.constant 5 : i32
        %dma_wait3A_337 = arith.constant 0 : i32
        %dma_wait3A_338 = arith.constant 0 : i32
        %dma_wait3A_339 = tpu.memref_slice %arg9[%dma_wait3A_336, %dma_wait3A_337, %dma_wait3A_338] : memref<8x128x16xf32, #tpu.memory_space<vmem>> -> memref<1x128x16xf32, #tpu.memory_space<vmem>>
        %dma_wait3A_340 = tpu.memref_squeeze %dma_wait3A_339 : memref<1x128x16xf32, #tpu.memory_space<vmem>> -> memref<128x16xf32, #tpu.memory_space<vmem>>
        %dma_wait3A_341 = arith.constant 0 : i32
        %dma_wait3A_342 = tpu.memref_slice %arg7[%add3A_275, %dma_wait3A_341] : memref<40x128xi32, #tpu.memory_space<vmem>> -> memref<1x128xi32, #tpu.memory_space<vmem>>
        %dma_wait3A_343 = tpu.memref_squeeze %dma_wait3A_342 : memref<1x128xi32, #tpu.memory_space<vmem>> -> memref<128xi32, #tpu.memory_space<vmem>>
        %dma_wait3A_344 = arith.constant 0 : i32
        %dma_wait3A_345 = arith.constant 0 : i32
        %dma_wait3A_346 = tpu.memref_slice %arg2[%dma_wait3A_344, %dma_wait3A_345] : memref<200000x16xf32, #tpu.memory_space<hbm>> -> memref<200000x16xf32, #tpu.memory_space<hbm>>
        tpu.wait_indirect_dma semaphore(%arg11 : memref<!tpu.dma_semaphore, #tpu.memory_space<semaphore_mem>>) src(%dma_wait3A_346 : memref<200000x16xf32, #tpu.memory_space<hbm>>) dst(%dma_wait3A_340 : memref<128x16xf32, #tpu.memory_space<vmem>>)
        %dma_wait3A_347 = arith.constant 6 : i32
        %dma_wait3A_348 = arith.constant 0 : i32
        %dma_wait3A_349 = arith.constant 0 : i32
        %dma_wait3A_350 = tpu.memref_slice %arg9[%dma_wait3A_347, %dma_wait3A_348, %dma_wait3A_349] : memref<8x128x16xf32, #tpu.memory_space<vmem>> -> memref<1x128x16xf32, #tpu.memory_space<vmem>>
        %dma_wait3A_351 = tpu.memref_squeeze %dma_wait3A_350 : memref<1x128x16xf32, #tpu.memory_space<vmem>> -> memref<128x16xf32, #tpu.memory_space<vmem>>
        %dma_wait3A_352 = arith.constant 0 : i32
        %dma_wait3A_353 = tpu.memref_slice %arg7[%add3A_288, %dma_wait3A_352] : memref<40x128xi32, #tpu.memory_space<vmem>> -> memref<1x128xi32, #tpu.memory_space<vmem>>
        %dma_wait3A_354 = tpu.memref_squeeze %dma_wait3A_353 : memref<1x128xi32, #tpu.memory_space<vmem>> -> memref<128xi32, #tpu.memory_space<vmem>>
        %dma_wait3A_355 = arith.constant 0 : i32
        %dma_wait3A_356 = arith.constant 0 : i32
        %dma_wait3A_357 = tpu.memref_slice %arg2[%dma_wait3A_355, %dma_wait3A_356] : memref<200000x16xf32, #tpu.memory_space<hbm>> -> memref<200000x16xf32, #tpu.memory_space<hbm>>
        tpu.wait_indirect_dma semaphore(%arg11 : memref<!tpu.dma_semaphore, #tpu.memory_space<semaphore_mem>>) src(%dma_wait3A_357 : memref<200000x16xf32, #tpu.memory_space<hbm>>) dst(%dma_wait3A_351 : memref<128x16xf32, #tpu.memory_space<vmem>>)
        %dma_wait3A_358 = arith.constant 7 : i32
        %dma_wait3A_359 = arith.constant 0 : i32
        %dma_wait3A_360 = arith.constant 0 : i32
        %dma_wait3A_361 = tpu.memref_slice %arg9[%dma_wait3A_358, %dma_wait3A_359, %dma_wait3A_360] : memref<8x128x16xf32, #tpu.memory_space<vmem>> -> memref<1x128x16xf32, #tpu.memory_space<vmem>>
        %dma_wait3A_362 = tpu.memref_squeeze %dma_wait3A_361 : memref<1x128x16xf32, #tpu.memory_space<vmem>> -> memref<128x16xf32, #tpu.memory_space<vmem>>
        %dma_wait3A_363 = arith.constant 0 : i32
        %dma_wait3A_364 = tpu.memref_slice %arg7[%add3A_301, %dma_wait3A_363] : memref<40x128xi32, #tpu.memory_space<vmem>> -> memref<1x128xi32, #tpu.memory_space<vmem>>
        %dma_wait3A_365 = tpu.memref_squeeze %dma_wait3A_364 : memref<1x128xi32, #tpu.memory_space<vmem>> -> memref<128xi32, #tpu.memory_space<vmem>>
        %dma_wait3A_366 = arith.constant 0 : i32
        %dma_wait3A_367 = arith.constant 0 : i32
        %dma_wait3A_368 = tpu.memref_slice %arg2[%dma_wait3A_366, %dma_wait3A_367] : memref<200000x16xf32, #tpu.memory_space<hbm>> -> memref<200000x16xf32, #tpu.memory_space<hbm>>
        tpu.wait_indirect_dma semaphore(%arg11 : memref<!tpu.dma_semaphore, #tpu.memory_space<semaphore_mem>>) src(%dma_wait3A_368 : memref<200000x16xf32, #tpu.memory_space<hbm>>) dst(%dma_wait3A_362 : memref<128x16xf32, #tpu.memory_space<vmem>>)
        %add3A_369 = arith.constant 8 : i32
        %add3A_370 = arith.addi %mul3A_258, %add3A_369 : i32
        %add3A_371 = arith.constant 0 : i32
        %add3A_372 = arith.addi %add3A_370, %add3A_371 : i32
        %dma_start3A_373 = arith.constant 0 : i32
        %dma_start3A_374 = arith.constant 0 : i32
        %dma_start3A_375 = arith.constant 0 : i32
        %dma_start3A_376 = tpu.memref_slice %arg9[%dma_start3A_373, %dma_start3A_374, %dma_start3A_375] : memref<8x128x16xf32, #tpu.memory_space<vmem>> -> memref<1x128x16xf32, #tpu.memory_space<vmem>>
        %dma_start3A_377 = tpu.memref_squeeze %dma_start3A_376 : memref<1x128x16xf32, #tpu.memory_space<vmem>> -> memref<128x16xf32, #tpu.memory_space<vmem>>
        %dma_start3A_378 = arith.constant 0 : i32
        %dma_start3A_379 = tpu.memref_slice %arg7[%add3A_372, %dma_start3A_378] : memref<40x128xi32, #tpu.memory_space<vmem>> -> memref<1x128xi32, #tpu.memory_space<vmem>>
        %dma_start3A_380 = tpu.memref_squeeze %dma_start3A_379 : memref<1x128xi32, #tpu.memory_space<vmem>> -> memref<128xi32, #tpu.memory_space<vmem>>
        %dma_start3A_381 = arith.constant 0 : i32
        %dma_start3A_382 = arith.constant 0 : i32
        %dma_start3A_383 = tpu.memref_slice %arg2[%dma_start3A_381, %dma_start3A_382] : memref<200000x16xf32, #tpu.memory_space<hbm>> -> memref<200000x16xf32, #tpu.memory_space<hbm>>
        tpu.enqueue_indirect_dma source(%dma_start3A_383 : memref<200000x16xf32, #tpu.memory_space<hbm>>) target(%dma_start3A_377 : memref<128x16xf32, #tpu.memory_space<vmem>>) offsets(%dma_start3A_380 : memref<128xi32, #tpu.memory_space<vmem>>) semaphore(%arg11 : memref<!tpu.dma_semaphore, #tpu.memory_space<semaphore_mem>>)
        %add3A_384 = arith.constant 1 : i32
        %add3A_385 = arith.addi %add3A_370, %add3A_384 : i32
        %dma_start3A_386 = arith.constant 1 : i32
        %dma_start3A_387 = arith.constant 0 : i32
        %dma_start3A_388 = arith.constant 0 : i32
        %dma_start3A_389 = tpu.memref_slice %arg9[%dma_start3A_386, %dma_start3A_387, %dma_start3A_388] : memref<8x128x16xf32, #tpu.memory_space<vmem>> -> memref<1x128x16xf32, #tpu.memory_space<vmem>>
        %dma_start3A_390 = tpu.memref_squeeze %dma_start3A_389 : memref<1x128x16xf32, #tpu.memory_space<vmem>> -> memref<128x16xf32, #tpu.memory_space<vmem>>
        %dma_start3A_391 = arith.constant 0 : i32
        %dma_start3A_392 = tpu.memref_slice %arg7[%add3A_385, %dma_start3A_391] : memref<40x128xi32, #tpu.memory_space<vmem>> -> memref<1x128xi32, #tpu.memory_space<vmem>>
        %dma_start3A_393 = tpu.memref_squeeze %dma_start3A_392 : memref<1x128xi32, #tpu.memory_space<vmem>> -> memref<128xi32, #tpu.memory_space<vmem>>
        %dma_start3A_394 = arith.constant 0 : i32
        %dma_start3A_395 = arith.constant 0 : i32
        %dma_start3A_396 = tpu.memref_slice %arg2[%dma_start3A_394, %dma_start3A_395] : memref<200000x16xf32, #tpu.memory_space<hbm>> -> memref<200000x16xf32, #tpu.memory_space<hbm>>
        tpu.enqueue_indirect_dma source(%dma_start3A_396 : memref<200000x16xf32, #tpu.memory_space<hbm>>) target(%dma_start3A_390 : memref<128x16xf32, #tpu.memory_space<vmem>>) offsets(%dma_start3A_393 : memref<128xi32, #tpu.memory_space<vmem>>) semaphore(%arg11 : memref<!tpu.dma_semaphore, #tpu.memory_space<semaphore_mem>>)
        %add3A_397 = arith.constant 2 : i32
        %add3A_398 = arith.addi %add3A_370, %add3A_397 : i32
        %dma_start3A_399 = arith.constant 2 : i32
        %dma_start3A_400 = arith.constant 0 : i32
        %dma_start3A_401 = arith.constant 0 : i32
        %dma_start3A_402 = tpu.memref_slice %arg9[%dma_start3A_399, %dma_start3A_400, %dma_start3A_401] : memref<8x128x16xf32, #tpu.memory_space<vmem>> -> memref<1x128x16xf32, #tpu.memory_space<vmem>>
        %dma_start3A_403 = tpu.memref_squeeze %dma_start3A_402 : memref<1x128x16xf32, #tpu.memory_space<vmem>> -> memref<128x16xf32, #tpu.memory_space<vmem>>
        %dma_start3A_404 = arith.constant 0 : i32
        %dma_start3A_405 = tpu.memref_slice %arg7[%add3A_398, %dma_start3A_404] : memref<40x128xi32, #tpu.memory_space<vmem>> -> memref<1x128xi32, #tpu.memory_space<vmem>>
        %dma_start3A_406 = tpu.memref_squeeze %dma_start3A_405 : memref<1x128xi32, #tpu.memory_space<vmem>> -> memref<128xi32, #tpu.memory_space<vmem>>
        %dma_start3A_407 = arith.constant 0 : i32
        %dma_start3A_408 = arith.constant 0 : i32
        %dma_start3A_409 = tpu.memref_slice %arg2[%dma_start3A_407, %dma_start3A_408] : memref<200000x16xf32, #tpu.memory_space<hbm>> -> memref<200000x16xf32, #tpu.memory_space<hbm>>
        tpu.enqueue_indirect_dma source(%dma_start3A_409 : memref<200000x16xf32, #tpu.memory_space<hbm>>) target(%dma_start3A_403 : memref<128x16xf32, #tpu.memory_space<vmem>>) offsets(%dma_start3A_406 : memref<128xi32, #tpu.memory_space<vmem>>) semaphore(%arg11 : memref<!tpu.dma_semaphore, #tpu.memory_space<semaphore_mem>>)
        %add3A_410 = arith.constant 3 : i32
        %add3A_411 = arith.addi %add3A_370, %add3A_410 : i32
        %dma_start3A_412 = arith.constant 3 : i32
        %dma_start3A_413 = arith.constant 0 : i32
        %dma_start3A_414 = arith.constant 0 : i32
        %dma_start3A_415 = tpu.memref_slice %arg9[%dma_start3A_412, %dma_start3A_413, %dma_start3A_414] : memref<8x128x16xf32, #tpu.memory_space<vmem>> -> memref<1x128x16xf32, #tpu.memory_space<vmem>>
        %dma_start3A_416 = tpu.memref_squeeze %dma_start3A_415 : memref<1x128x16xf32, #tpu.memory_space<vmem>> -> memref<128x16xf32, #tpu.memory_space<vmem>>
        %dma_start3A_417 = arith.constant 0 : i32
        %dma_start3A_418 = tpu.memref_slice %arg7[%add3A_411, %dma_start3A_417] : memref<40x128xi32, #tpu.memory_space<vmem>> -> memref<1x128xi32, #tpu.memory_space<vmem>>
        %dma_start3A_419 = tpu.memref_squeeze %dma_start3A_418 : memref<1x128xi32, #tpu.memory_space<vmem>> -> memref<128xi32, #tpu.memory_space<vmem>>
        %dma_start3A_420 = arith.constant 0 : i32
        %dma_start3A_421 = arith.constant 0 : i32
        %dma_start3A_422 = tpu.memref_slice %arg2[%dma_start3A_420, %dma_start3A_421] : memref<200000x16xf32, #tpu.memory_space<hbm>> -> memref<200000x16xf32, #tpu.memory_space<hbm>>
        tpu.enqueue_indirect_dma source(%dma_start3A_422 : memref<200000x16xf32, #tpu.memory_space<hbm>>) target(%dma_start3A_416 : memref<128x16xf32, #tpu.memory_space<vmem>>) offsets(%dma_start3A_419 : memref<128xi32, #tpu.memory_space<vmem>>) semaphore(%arg11 : memref<!tpu.dma_semaphore, #tpu.memory_space<semaphore_mem>>)
        %add3A_423 = arith.constant 4 : i32
        %add3A_424 = arith.addi %mul3A_258, %add3A_423 : i32
        %add3A_425 = arith.constant 0 : i32
        %add3A_426 = arith.addi %add3A_424, %add3A_425 : i32
        %run_scoped3A_427 = arith.constant 4 : i32
        "tpu.region"() ({
          %run_scoped3A_482 = tpu.sem_alloc : memref<!tpu.dma_semaphore, #tpu.memory_space<semaphore_mem>>
          %dma_start3A_483 = arith.constant 0 : i32
          %dma_start3A_484 = arith.constant 0 : i32
          %dma_start3A_485 = tpu.memref_slice %arg9[%run_scoped3A_427, %dma_start3A_483, %dma_start3A_484] : memref<8x128x16xf32, #tpu.memory_space<vmem>> -> memref<1x128x16xf32, #tpu.memory_space<vmem>>
          %dma_start3A_486 = tpu.memref_squeeze %dma_start3A_485 : memref<1x128x16xf32, #tpu.memory_space<vmem>> -> memref<128x16xf32, #tpu.memory_space<vmem>>
          %dma_start3A_487 = arith.constant 0 : i32
          %dma_start3A_488 = tpu.memref_slice %arg8[%add3A_426, %dma_start3A_487] : memref<40x128xi32, #tpu.memory_space<vmem>> -> memref<1x128xi32, #tpu.memory_space<vmem>>
          %dma_start3A_489 = tpu.memref_squeeze %dma_start3A_488 : memref<1x128xi32, #tpu.memory_space<vmem>> -> memref<128xi32, #tpu.memory_space<vmem>>
          %dma_start3A_490 = arith.constant 0 : i32
          %dma_start3A_491 = arith.constant 0 : i32
          %dma_start3A_492 = tpu.memref_slice %arg10[%dma_start3A_490, %dma_start3A_491] : memref<102400x16xf32, #tpu.memory_space<vmem_shared>> -> memref<102400x16xf32, #tpu.memory_space<vmem_shared>>
          tpu.enqueue_indirect_dma source(%dma_start3A_486 : memref<128x16xf32, #tpu.memory_space<vmem>>) target(%dma_start3A_492 : memref<102400x16xf32, #tpu.memory_space<vmem_shared>>) offsets(%dma_start3A_489 : memref<128xi32, #tpu.memory_space<vmem>>) semaphore(%run_scoped3A_482 : memref<!tpu.dma_semaphore, #tpu.memory_space<semaphore_mem>>) {add = true}
          %dma_wait3A_493 = arith.constant 0 : i32
          %dma_wait3A_494 = arith.constant 0 : i32
          %dma_wait3A_495 = tpu.memref_slice %arg9[%run_scoped3A_427, %dma_wait3A_493, %dma_wait3A_494] : memref<8x128x16xf32, #tpu.memory_space<vmem>> -> memref<1x128x16xf32, #tpu.memory_space<vmem>>
          %dma_wait3A_496 = tpu.memref_squeeze %dma_wait3A_495 : memref<1x128x16xf32, #tpu.memory_space<vmem>> -> memref<128x16xf32, #tpu.memory_space<vmem>>
          %dma_wait3A_497 = arith.constant 0 : i32
          %dma_wait3A_498 = tpu.memref_slice %arg8[%add3A_426, %dma_wait3A_497] : memref<40x128xi32, #tpu.memory_space<vmem>> -> memref<1x128xi32, #tpu.memory_space<vmem>>
          %dma_wait3A_499 = tpu.memref_squeeze %dma_wait3A_498 : memref<1x128xi32, #tpu.memory_space<vmem>> -> memref<128xi32, #tpu.memory_space<vmem>>
          %dma_wait3A_500 = arith.constant 0 : i32
          %dma_wait3A_501 = arith.constant 0 : i32
          %dma_wait3A_502 = tpu.memref_slice %arg10[%dma_wait3A_500, %dma_wait3A_501] : memref<102400x16xf32, #tpu.memory_space<vmem_shared>> -> memref<102400x16xf32, #tpu.memory_space<vmem_shared>>
          tpu.wait_indirect_dma semaphore(%run_scoped3A_482 : memref<!tpu.dma_semaphore, #tpu.memory_space<semaphore_mem>>) src(%dma_wait3A_496 : memref<128x16xf32, #tpu.memory_space<vmem>>) dst(%dma_wait3A_502 : memref<102400x16xf32, #tpu.memory_space<vmem_shared>>)
          tpu.yield
        }) : () -> ()
        %add3A_428 = arith.constant 1 : i32
        %add3A_429 = arith.addi %add3A_424, %add3A_428 : i32
        %run_scoped3A_430 = arith.constant 5 : i32
        "tpu.region"() ({
          %run_scoped3A_482 = tpu.sem_alloc : memref<!tpu.dma_semaphore, #tpu.memory_space<semaphore_mem>>
          %dma_start3A_483 = arith.constant 0 : i32
          %dma_start3A_484 = arith.constant 0 : i32
          %dma_start3A_485 = tpu.memref_slice %arg9[%run_scoped3A_430, %dma_start3A_483, %dma_start3A_484] : memref<8x128x16xf32, #tpu.memory_space<vmem>> -> memref<1x128x16xf32, #tpu.memory_space<vmem>>
          %dma_start3A_486 = tpu.memref_squeeze %dma_start3A_485 : memref<1x128x16xf32, #tpu.memory_space<vmem>> -> memref<128x16xf32, #tpu.memory_space<vmem>>
          %dma_start3A_487 = arith.constant 0 : i32
          %dma_start3A_488 = tpu.memref_slice %arg8[%add3A_429, %dma_start3A_487] : memref<40x128xi32, #tpu.memory_space<vmem>> -> memref<1x128xi32, #tpu.memory_space<vmem>>
          %dma_start3A_489 = tpu.memref_squeeze %dma_start3A_488 : memref<1x128xi32, #tpu.memory_space<vmem>> -> memref<128xi32, #tpu.memory_space<vmem>>
          %dma_start3A_490 = arith.constant 0 : i32
          %dma_start3A_491 = arith.constant 0 : i32
          %dma_start3A_492 = tpu.memref_slice %arg10[%dma_start3A_490, %dma_start3A_491] : memref<102400x16xf32, #tpu.memory_space<vmem_shared>> -> memref<102400x16xf32, #tpu.memory_space<vmem_shared>>
          tpu.enqueue_indirect_dma source(%dma_start3A_486 : memref<128x16xf32, #tpu.memory_space<vmem>>) target(%dma_start3A_492 : memref<102400x16xf32, #tpu.memory_space<vmem_shared>>) offsets(%dma_start3A_489 : memref<128xi32, #tpu.memory_space<vmem>>) semaphore(%run_scoped3A_482 : memref<!tpu.dma_semaphore, #tpu.memory_space<semaphore_mem>>) {add = true}
          %dma_wait3A_493 = arith.constant 0 : i32
          %dma_wait3A_494 = arith.constant 0 : i32
          %dma_wait3A_495 = tpu.memref_slice %arg9[%run_scoped3A_430, %dma_wait3A_493, %dma_wait3A_494] : memref<8x128x16xf32, #tpu.memory_space<vmem>> -> memref<1x128x16xf32, #tpu.memory_space<vmem>>
          %dma_wait3A_496 = tpu.memref_squeeze %dma_wait3A_495 : memref<1x128x16xf32, #tpu.memory_space<vmem>> -> memref<128x16xf32, #tpu.memory_space<vmem>>
          %dma_wait3A_497 = arith.constant 0 : i32
          %dma_wait3A_498 = tpu.memref_slice %arg8[%add3A_429, %dma_wait3A_497] : memref<40x128xi32, #tpu.memory_space<vmem>> -> memref<1x128xi32, #tpu.memory_space<vmem>>
          %dma_wait3A_499 = tpu.memref_squeeze %dma_wait3A_498 : memref<1x128xi32, #tpu.memory_space<vmem>> -> memref<128xi32, #tpu.memory_space<vmem>>
          %dma_wait3A_500 = arith.constant 0 : i32
          %dma_wait3A_501 = arith.constant 0 : i32
          %dma_wait3A_502 = tpu.memref_slice %arg10[%dma_wait3A_500, %dma_wait3A_501] : memref<102400x16xf32, #tpu.memory_space<vmem_shared>> -> memref<102400x16xf32, #tpu.memory_space<vmem_shared>>
          tpu.wait_indirect_dma semaphore(%run_scoped3A_482 : memref<!tpu.dma_semaphore, #tpu.memory_space<semaphore_mem>>) src(%dma_wait3A_496 : memref<128x16xf32, #tpu.memory_space<vmem>>) dst(%dma_wait3A_502 : memref<102400x16xf32, #tpu.memory_space<vmem_shared>>)
          tpu.yield
        }) : () -> ()
        %add3A_431 = arith.constant 2 : i32
        %add3A_432 = arith.addi %add3A_424, %add3A_431 : i32
        %run_scoped3A_433 = arith.constant 6 : i32
        "tpu.region"() ({
          %run_scoped3A_482 = tpu.sem_alloc : memref<!tpu.dma_semaphore, #tpu.memory_space<semaphore_mem>>
          %dma_start3A_483 = arith.constant 0 : i32
          %dma_start3A_484 = arith.constant 0 : i32
          %dma_start3A_485 = tpu.memref_slice %arg9[%run_scoped3A_433, %dma_start3A_483, %dma_start3A_484] : memref<8x128x16xf32, #tpu.memory_space<vmem>> -> memref<1x128x16xf32, #tpu.memory_space<vmem>>
          %dma_start3A_486 = tpu.memref_squeeze %dma_start3A_485 : memref<1x128x16xf32, #tpu.memory_space<vmem>> -> memref<128x16xf32, #tpu.memory_space<vmem>>
          %dma_start3A_487 = arith.constant 0 : i32
          %dma_start3A_488 = tpu.memref_slice %arg8[%add3A_432, %dma_start3A_487] : memref<40x128xi32, #tpu.memory_space<vmem>> -> memref<1x128xi32, #tpu.memory_space<vmem>>
          %dma_start3A_489 = tpu.memref_squeeze %dma_start3A_488 : memref<1x128xi32, #tpu.memory_space<vmem>> -> memref<128xi32, #tpu.memory_space<vmem>>
          %dma_start3A_490 = arith.constant 0 : i32
          %dma_start3A_491 = arith.constant 0 : i32
          %dma_start3A_492 = tpu.memref_slice %arg10[%dma_start3A_490, %dma_start3A_491] : memref<102400x16xf32, #tpu.memory_space<vmem_shared>> -> memref<102400x16xf32, #tpu.memory_space<vmem_shared>>
          tpu.enqueue_indirect_dma source(%dma_start3A_486 : memref<128x16xf32, #tpu.memory_space<vmem>>) target(%dma_start3A_492 : memref<102400x16xf32, #tpu.memory_space<vmem_shared>>) offsets(%dma_start3A_489 : memref<128xi32, #tpu.memory_space<vmem>>) semaphore(%run_scoped3A_482 : memref<!tpu.dma_semaphore, #tpu.memory_space<semaphore_mem>>) {add = true}
          %dma_wait3A_493 = arith.constant 0 : i32
          %dma_wait3A_494 = arith.constant 0 : i32
          %dma_wait3A_495 = tpu.memref_slice %arg9[%run_scoped3A_433, %dma_wait3A_493, %dma_wait3A_494] : memref<8x128x16xf32, #tpu.memory_space<vmem>> -> memref<1x128x16xf32, #tpu.memory_space<vmem>>
          %dma_wait3A_496 = tpu.memref_squeeze %dma_wait3A_495 : memref<1x128x16xf32, #tpu.memory_space<vmem>> -> memref<128x16xf32, #tpu.memory_space<vmem>>
          %dma_wait3A_497 = arith.constant 0 : i32
          %dma_wait3A_498 = tpu.memref_slice %arg8[%add3A_432, %dma_wait3A_497] : memref<40x128xi32, #tpu.memory_space<vmem>> -> memref<1x128xi32, #tpu.memory_space<vmem>>
          %dma_wait3A_499 = tpu.memref_squeeze %dma_wait3A_498 : memref<1x128xi32, #tpu.memory_space<vmem>> -> memref<128xi32, #tpu.memory_space<vmem>>
          %dma_wait3A_500 = arith.constant 0 : i32
          %dma_wait3A_501 = arith.constant 0 : i32
          %dma_wait3A_502 = tpu.memref_slice %arg10[%dma_wait3A_500, %dma_wait3A_501] : memref<102400x16xf32, #tpu.memory_space<vmem_shared>> -> memref<102400x16xf32, #tpu.memory_space<vmem_shared>>
          tpu.wait_indirect_dma semaphore(%run_scoped3A_482 : memref<!tpu.dma_semaphore, #tpu.memory_space<semaphore_mem>>) src(%dma_wait3A_496 : memref<128x16xf32, #tpu.memory_space<vmem>>) dst(%dma_wait3A_502 : memref<102400x16xf32, #tpu.memory_space<vmem_shared>>)
          tpu.yield
        }) : () -> ()
        %add3A_434 = arith.constant 3 : i32
        %add3A_435 = arith.addi %add3A_424, %add3A_434 : i32
        %run_scoped3A_436 = arith.constant 7 : i32
        "tpu.region"() ({
          %run_scoped3A_482 = tpu.sem_alloc : memref<!tpu.dma_semaphore, #tpu.memory_space<semaphore_mem>>
          %dma_start3A_483 = arith.constant 0 : i32
          %dma_start3A_484 = arith.constant 0 : i32
          %dma_start3A_485 = tpu.memref_slice %arg9[%run_scoped3A_436, %dma_start3A_483, %dma_start3A_484] : memref<8x128x16xf32, #tpu.memory_space<vmem>> -> memref<1x128x16xf32, #tpu.memory_space<vmem>>
          %dma_start3A_486 = tpu.memref_squeeze %dma_start3A_485 : memref<1x128x16xf32, #tpu.memory_space<vmem>> -> memref<128x16xf32, #tpu.memory_space<vmem>>
          %dma_start3A_487 = arith.constant 0 : i32
          %dma_start3A_488 = tpu.memref_slice %arg8[%add3A_435, %dma_start3A_487] : memref<40x128xi32, #tpu.memory_space<vmem>> -> memref<1x128xi32, #tpu.memory_space<vmem>>
          %dma_start3A_489 = tpu.memref_squeeze %dma_start3A_488 : memref<1x128xi32, #tpu.memory_space<vmem>> -> memref<128xi32, #tpu.memory_space<vmem>>
          %dma_start3A_490 = arith.constant 0 : i32
          %dma_start3A_491 = arith.constant 0 : i32
          %dma_start3A_492 = tpu.memref_slice %arg10[%dma_start3A_490, %dma_start3A_491] : memref<102400x16xf32, #tpu.memory_space<vmem_shared>> -> memref<102400x16xf32, #tpu.memory_space<vmem_shared>>
          tpu.enqueue_indirect_dma source(%dma_start3A_486 : memref<128x16xf32, #tpu.memory_space<vmem>>) target(%dma_start3A_492 : memref<102400x16xf32, #tpu.memory_space<vmem_shared>>) offsets(%dma_start3A_489 : memref<128xi32, #tpu.memory_space<vmem>>) semaphore(%run_scoped3A_482 : memref<!tpu.dma_semaphore, #tpu.memory_space<semaphore_mem>>) {add = true}
          %dma_wait3A_493 = arith.constant 0 : i32
          %dma_wait3A_494 = arith.constant 0 : i32
          %dma_wait3A_495 = tpu.memref_slice %arg9[%run_scoped3A_436, %dma_wait3A_493, %dma_wait3A_494] : memref<8x128x16xf32, #tpu.memory_space<vmem>> -> memref<1x128x16xf32, #tpu.memory_space<vmem>>
          %dma_wait3A_496 = tpu.memref_squeeze %dma_wait3A_495 : memref<1x128x16xf32, #tpu.memory_space<vmem>> -> memref<128x16xf32, #tpu.memory_space<vmem>>
          %dma_wait3A_497 = arith.constant 0 : i32
          %dma_wait3A_498 = tpu.memref_slice %arg8[%add3A_435, %dma_wait3A_497] : memref<40x128xi32, #tpu.memory_space<vmem>> -> memref<1x128xi32, #tpu.memory_space<vmem>>
          %dma_wait3A_499 = tpu.memref_squeeze %dma_wait3A_498 : memref<1x128xi32, #tpu.memory_space<vmem>> -> memref<128xi32, #tpu.memory_space<vmem>>
          %dma_wait3A_500 = arith.constant 0 : i32
          %dma_wait3A_501 = arith.constant 0 : i32
          %dma_wait3A_502 = tpu.memref_slice %arg10[%dma_wait3A_500, %dma_wait3A_501] : memref<102400x16xf32, #tpu.memory_space<vmem_shared>> -> memref<102400x16xf32, #tpu.memory_space<vmem_shared>>
          tpu.wait_indirect_dma semaphore(%run_scoped3A_482 : memref<!tpu.dma_semaphore, #tpu.memory_space<semaphore_mem>>) src(%dma_wait3A_496 : memref<128x16xf32, #tpu.memory_space<vmem>>) dst(%dma_wait3A_502 : memref<102400x16xf32, #tpu.memory_space<vmem_shared>>)
          tpu.yield
        }) : () -> ()
        %dma_wait3A_437 = arith.constant 0 : i32
        %dma_wait3A_438 = arith.constant 0 : i32
        %dma_wait3A_439 = arith.constant 0 : i32
        %dma_wait3A_440 = tpu.memref_slice %arg9[%dma_wait3A_437, %dma_wait3A_438, %dma_wait3A_439] : memref<8x128x16xf32, #tpu.memory_space<vmem>> -> memref<1x128x16xf32, #tpu.memory_space<vmem>>
        %dma_wait3A_441 = tpu.memref_squeeze %dma_wait3A_440 : memref<1x128x16xf32, #tpu.memory_space<vmem>> -> memref<128x16xf32, #tpu.memory_space<vmem>>
        %dma_wait3A_442 = arith.constant 0 : i32
        %dma_wait3A_443 = tpu.memref_slice %arg7[%add3A_372, %dma_wait3A_442] : memref<40x128xi32, #tpu.memory_space<vmem>> -> memref<1x128xi32, #tpu.memory_space<vmem>>
        %dma_wait3A_444 = tpu.memref_squeeze %dma_wait3A_443 : memref<1x128xi32, #tpu.memory_space<vmem>> -> memref<128xi32, #tpu.memory_space<vmem>>
        %dma_wait3A_445 = arith.constant 0 : i32
        %dma_wait3A_446 = arith.constant 0 : i32
        %dma_wait3A_447 = tpu.memref_slice %arg2[%dma_wait3A_445, %dma_wait3A_446] : memref<200000x16xf32, #tpu.memory_space<hbm>> -> memref<200000x16xf32, #tpu.memory_space<hbm>>
        tpu.wait_indirect_dma semaphore(%arg11 : memref<!tpu.dma_semaphore, #tpu.memory_space<semaphore_mem>>) src(%dma_wait3A_447 : memref<200000x16xf32, #tpu.memory_space<hbm>>) dst(%dma_wait3A_441 : memref<128x16xf32, #tpu.memory_space<vmem>>)
        %dma_wait3A_448 = arith.constant 1 : i32
        %dma_wait3A_449 = arith.constant 0 : i32
        %dma_wait3A_450 = arith.constant 0 : i32
        %dma_wait3A_451 = tpu.memref_slice %arg9[%dma_wait3A_448, %dma_wait3A_449, %dma_wait3A_450] : memref<8x128x16xf32, #tpu.memory_space<vmem>> -> memref<1x128x16xf32, #tpu.memory_space<vmem>>
        %dma_wait3A_452 = tpu.memref_squeeze %dma_wait3A_451 : memref<1x128x16xf32, #tpu.memory_space<vmem>> -> memref<128x16xf32, #tpu.memory_space<vmem>>
        %dma_wait3A_453 = arith.constant 0 : i32
        %dma_wait3A_454 = tpu.memref_slice %arg7[%add3A_385, %dma_wait3A_453] : memref<40x128xi32, #tpu.memory_space<vmem>> -> memref<1x128xi32, #tpu.memory_space<vmem>>
        %dma_wait3A_455 = tpu.memref_squeeze %dma_wait3A_454 : memref<1x128xi32, #tpu.memory_space<vmem>> -> memref<128xi32, #tpu.memory_space<vmem>>
        %dma_wait3A_456 = arith.constant 0 : i32
        %dma_wait3A_457 = arith.constant 0 : i32
        %dma_wait3A_458 = tpu.memref_slice %arg2[%dma_wait3A_456, %dma_wait3A_457] : memref<200000x16xf32, #tpu.memory_space<hbm>> -> memref<200000x16xf32, #tpu.memory_space<hbm>>
        tpu.wait_indirect_dma semaphore(%arg11 : memref<!tpu.dma_semaphore, #tpu.memory_space<semaphore_mem>>) src(%dma_wait3A_458 : memref<200000x16xf32, #tpu.memory_space<hbm>>) dst(%dma_wait3A_452 : memref<128x16xf32, #tpu.memory_space<vmem>>)
        %dma_wait3A_459 = arith.constant 2 : i32
        %dma_wait3A_460 = arith.constant 0 : i32
        %dma_wait3A_461 = arith.constant 0 : i32
        %dma_wait3A_462 = tpu.memref_slice %arg9[%dma_wait3A_459, %dma_wait3A_460, %dma_wait3A_461] : memref<8x128x16xf32, #tpu.memory_space<vmem>> -> memref<1x128x16xf32, #tpu.memory_space<vmem>>
        %dma_wait3A_463 = tpu.memref_squeeze %dma_wait3A_462 : memref<1x128x16xf32, #tpu.memory_space<vmem>> -> memref<128x16xf32, #tpu.memory_space<vmem>>
        %dma_wait3A_464 = arith.constant 0 : i32
        %dma_wait3A_465 = tpu.memref_slice %arg7[%add3A_398, %dma_wait3A_464] : memref<40x128xi32, #tpu.memory_space<vmem>> -> memref<1x128xi32, #tpu.memory_space<vmem>>
        %dma_wait3A_466 = tpu.memref_squeeze %dma_wait3A_465 : memref<1x128xi32, #tpu.memory_space<vmem>> -> memref<128xi32, #tpu.memory_space<vmem>>
        %dma_wait3A_467 = arith.constant 0 : i32
        %dma_wait3A_468 = arith.constant 0 : i32
        %dma_wait3A_469 = tpu.memref_slice %arg2[%dma_wait3A_467, %dma_wait3A_468] : memref<200000x16xf32, #tpu.memory_space<hbm>> -> memref<200000x16xf32, #tpu.memory_space<hbm>>
        tpu.wait_indirect_dma semaphore(%arg11 : memref<!tpu.dma_semaphore, #tpu.memory_space<semaphore_mem>>) src(%dma_wait3A_469 : memref<200000x16xf32, #tpu.memory_space<hbm>>) dst(%dma_wait3A_463 : memref<128x16xf32, #tpu.memory_space<vmem>>)
        %dma_wait3A_470 = arith.constant 3 : i32
        %dma_wait3A_471 = arith.constant 0 : i32
        %dma_wait3A_472 = arith.constant 0 : i32
        %dma_wait3A_473 = tpu.memref_slice %arg9[%dma_wait3A_470, %dma_wait3A_471, %dma_wait3A_472] : memref<8x128x16xf32, #tpu.memory_space<vmem>> -> memref<1x128x16xf32, #tpu.memory_space<vmem>>
        %dma_wait3A_474 = tpu.memref_squeeze %dma_wait3A_473 : memref<1x128x16xf32, #tpu.memory_space<vmem>> -> memref<128x16xf32, #tpu.memory_space<vmem>>
        %dma_wait3A_475 = arith.constant 0 : i32
        %dma_wait3A_476 = tpu.memref_slice %arg7[%add3A_411, %dma_wait3A_475] : memref<40x128xi32, #tpu.memory_space<vmem>> -> memref<1x128xi32, #tpu.memory_space<vmem>>
        %dma_wait3A_477 = tpu.memref_squeeze %dma_wait3A_476 : memref<1x128xi32, #tpu.memory_space<vmem>> -> memref<128xi32, #tpu.memory_space<vmem>>
        %dma_wait3A_478 = arith.constant 0 : i32
        %dma_wait3A_479 = arith.constant 0 : i32
        %dma_wait3A_480 = tpu.memref_slice %arg2[%dma_wait3A_478, %dma_wait3A_479] : memref<200000x16xf32, #tpu.memory_space<hbm>> -> memref<200000x16xf32, #tpu.memory_space<hbm>>
        tpu.wait_indirect_dma semaphore(%arg11 : memref<!tpu.dma_semaphore, #tpu.memory_space<semaphore_mem>>) src(%dma_wait3A_480 : memref<200000x16xf32, #tpu.memory_space<hbm>>) dst(%dma_wait3A_474 : memref<128x16xf32, #tpu.memory_space<vmem>>)
        %scan3A_481 = arith.constant 0 : i32
        scf.yield %scan3A_481 : i32
      }
      %scan3A_140 = arith.constant 4 : i32
      %dma_start3A_141 = arith.constant 36 : i32
      %dma_start3A_142 = arith.constant 4 : i32
      %dma_start3A_143 = arith.constant 0 : i32
      %dma_start3A_144 = arith.constant 0 : i32
      %dma_start3A_145 = tpu.memref_slice %arg9[%dma_start3A_142, %dma_start3A_143, %dma_start3A_144] : memref<8x128x16xf32, #tpu.memory_space<vmem>> -> memref<1x128x16xf32, #tpu.memory_space<vmem>>
      %dma_start3A_146 = tpu.memref_squeeze %dma_start3A_145 : memref<1x128x16xf32, #tpu.memory_space<vmem>> -> memref<128x16xf32, #tpu.memory_space<vmem>>
      %dma_start3A_147 = arith.constant 0 : i32
      %dma_start3A_148 = tpu.memref_slice %arg7[%dma_start3A_141, %dma_start3A_147] : memref<40x128xi32, #tpu.memory_space<vmem>> -> memref<1x128xi32, #tpu.memory_space<vmem>>
      %dma_start3A_149 = tpu.memref_squeeze %dma_start3A_148 : memref<1x128xi32, #tpu.memory_space<vmem>> -> memref<128xi32, #tpu.memory_space<vmem>>
      %dma_start3A_150 = arith.constant 0 : i32
      %dma_start3A_151 = arith.constant 0 : i32
      %dma_start3A_152 = tpu.memref_slice %arg2[%dma_start3A_150, %dma_start3A_151] : memref<200000x16xf32, #tpu.memory_space<hbm>> -> memref<200000x16xf32, #tpu.memory_space<hbm>>
      tpu.enqueue_indirect_dma source(%dma_start3A_152 : memref<200000x16xf32, #tpu.memory_space<hbm>>) target(%dma_start3A_146 : memref<128x16xf32, #tpu.memory_space<vmem>>) offsets(%dma_start3A_149 : memref<128xi32, #tpu.memory_space<vmem>>) semaphore(%arg11 : memref<!tpu.dma_semaphore, #tpu.memory_space<semaphore_mem>>)
      %dma_start3A_153 = arith.constant 37 : i32
      %dma_start3A_154 = arith.constant 5 : i32
      %dma_start3A_155 = arith.constant 0 : i32
      %dma_start3A_156 = arith.constant 0 : i32
      %dma_start3A_157 = tpu.memref_slice %arg9[%dma_start3A_154, %dma_start3A_155, %dma_start3A_156] : memref<8x128x16xf32, #tpu.memory_space<vmem>> -> memref<1x128x16xf32, #tpu.memory_space<vmem>>
      %dma_start3A_158 = tpu.memref_squeeze %dma_start3A_157 : memref<1x128x16xf32, #tpu.memory_space<vmem>> -> memref<128x16xf32, #tpu.memory_space<vmem>>
      %dma_start3A_159 = arith.constant 0 : i32
      %dma_start3A_160 = tpu.memref_slice %arg7[%dma_start3A_153, %dma_start3A_159] : memref<40x128xi32, #tpu.memory_space<vmem>> -> memref<1x128xi32, #tpu.memory_space<vmem>>
      %dma_start3A_161 = tpu.memref_squeeze %dma_start3A_160 : memref<1x128xi32, #tpu.memory_space<vmem>> -> memref<128xi32, #tpu.memory_space<vmem>>
      %dma_start3A_162 = arith.constant 0 : i32
      %dma_start3A_163 = arith.constant 0 : i32
      %dma_start3A_164 = tpu.memref_slice %arg2[%dma_start3A_162, %dma_start3A_163] : memref<200000x16xf32, #tpu.memory_space<hbm>> -> memref<200000x16xf32, #tpu.memory_space<hbm>>
      tpu.enqueue_indirect_dma source(%dma_start3A_164 : memref<200000x16xf32, #tpu.memory_space<hbm>>) target(%dma_start3A_158 : memref<128x16xf32, #tpu.memory_space<vmem>>) offsets(%dma_start3A_161 : memref<128xi32, #tpu.memory_space<vmem>>) semaphore(%arg11 : memref<!tpu.dma_semaphore, #tpu.memory_space<semaphore_mem>>)
      %dma_start3A_165 = arith.constant 38 : i32
      %dma_start3A_166 = arith.constant 6 : i32
      %dma_start3A_167 = arith.constant 0 : i32
      %dma_start3A_168 = arith.constant 0 : i32
      %dma_start3A_169 = tpu.memref_slice %arg9[%dma_start3A_166, %dma_start3A_167, %dma_start3A_168] : memref<8x128x16xf32, #tpu.memory_space<vmem>> -> memref<1x128x16xf32, #tpu.memory_space<vmem>>
      %dma_start3A_170 = tpu.memref_squeeze %dma_start3A_169 : memref<1x128x16xf32, #tpu.memory_space<vmem>> -> memref<128x16xf32, #tpu.memory_space<vmem>>
      %dma_start3A_171 = arith.constant 0 : i32
      %dma_start3A_172 = tpu.memref_slice %arg7[%dma_start3A_165, %dma_start3A_171] : memref<40x128xi32, #tpu.memory_space<vmem>> -> memref<1x128xi32, #tpu.memory_space<vmem>>
      %dma_start3A_173 = tpu.memref_squeeze %dma_start3A_172 : memref<1x128xi32, #tpu.memory_space<vmem>> -> memref<128xi32, #tpu.memory_space<vmem>>
      %dma_start3A_174 = arith.constant 0 : i32
      %dma_start3A_175 = arith.constant 0 : i32
      %dma_start3A_176 = tpu.memref_slice %arg2[%dma_start3A_174, %dma_start3A_175] : memref<200000x16xf32, #tpu.memory_space<hbm>> -> memref<200000x16xf32, #tpu.memory_space<hbm>>
      tpu.enqueue_indirect_dma source(%dma_start3A_176 : memref<200000x16xf32, #tpu.memory_space<hbm>>) target(%dma_start3A_170 : memref<128x16xf32, #tpu.memory_space<vmem>>) offsets(%dma_start3A_173 : memref<128xi32, #tpu.memory_space<vmem>>) semaphore(%arg11 : memref<!tpu.dma_semaphore, #tpu.memory_space<semaphore_mem>>)
      %dma_start3A_177 = arith.constant 39 : i32
      %dma_start3A_178 = arith.constant 7 : i32
      %dma_start3A_179 = arith.constant 0 : i32
      %dma_start3A_180 = arith.constant 0 : i32
      %dma_start3A_181 = tpu.memref_slice %arg9[%dma_start3A_178, %dma_start3A_179, %dma_start3A_180] : memref<8x128x16xf32, #tpu.memory_space<vmem>> -> memref<1x128x16xf32, #tpu.memory_space<vmem>>
      %dma_start3A_182 = tpu.memref_squeeze %dma_start3A_181 : memref<1x128x16xf32, #tpu.memory_space<vmem>> -> memref<128x16xf32, #tpu.memory_space<vmem>>
      %dma_start3A_183 = arith.constant 0 : i32
      %dma_start3A_184 = tpu.memref_slice %arg7[%dma_start3A_177, %dma_start3A_183] : memref<40x128xi32, #tpu.memory_space<vmem>> -> memref<1x128xi32, #tpu.memory_space<vmem>>
      %dma_start3A_185 = tpu.memref_squeeze %dma_start3A_184 : memref<1x128xi32, #tpu.memory_space<vmem>> -> memref<128xi32, #tpu.memory_space<vmem>>
      %dma_start3A_186 = arith.constant 0 : i32
      %dma_start3A_187 = arith.constant 0 : i32
      %dma_start3A_188 = tpu.memref_slice %arg2[%dma_start3A_186, %dma_start3A_187] : memref<200000x16xf32, #tpu.memory_space<hbm>> -> memref<200000x16xf32, #tpu.memory_space<hbm>>
      tpu.enqueue_indirect_dma source(%dma_start3A_188 : memref<200000x16xf32, #tpu.memory_space<hbm>>) target(%dma_start3A_182 : memref<128x16xf32, #tpu.memory_space<vmem>>) offsets(%dma_start3A_185 : memref<128xi32, #tpu.memory_space<vmem>>) semaphore(%arg11 : memref<!tpu.dma_semaphore, #tpu.memory_space<semaphore_mem>>)
      %run_scoped3A = arith.constant 0 : i32
      %run_scoped3A_189 = arith.constant 32 : i32
      "tpu.region"() ({
        %run_scoped3A_253 = tpu.sem_alloc : memref<!tpu.dma_semaphore, #tpu.memory_space<semaphore_mem>>
        %dma_start3A_254 = arith.constant 0 : i32
        %dma_start3A_255 = arith.constant 0 : i32
        %dma_start3A_256 = tpu.memref_slice %arg9[%run_scoped3A, %dma_start3A_254, %dma_start3A_255] : memref<8x128x16xf32, #tpu.memory_space<vmem>> -> memref<1x128x16xf32, #tpu.memory_space<vmem>>
        %dma_start3A_257 = tpu.memref_squeeze %dma_start3A_256 : memref<1x128x16xf32, #tpu.memory_space<vmem>> -> memref<128x16xf32, #tpu.memory_space<vmem>>
        %dma_start3A_258 = arith.constant 0 : i32
        %dma_start3A_259 = tpu.memref_slice %arg8[%run_scoped3A_189, %dma_start3A_258] : memref<40x128xi32, #tpu.memory_space<vmem>> -> memref<1x128xi32, #tpu.memory_space<vmem>>
        %dma_start3A_260 = tpu.memref_squeeze %dma_start3A_259 : memref<1x128xi32, #tpu.memory_space<vmem>> -> memref<128xi32, #tpu.memory_space<vmem>>
        %dma_start3A_261 = arith.constant 0 : i32
        %dma_start3A_262 = arith.constant 0 : i32
        %dma_start3A_263 = tpu.memref_slice %arg10[%dma_start3A_261, %dma_start3A_262] : memref<102400x16xf32, #tpu.memory_space<vmem_shared>> -> memref<102400x16xf32, #tpu.memory_space<vmem_shared>>
        tpu.enqueue_indirect_dma source(%dma_start3A_257 : memref<128x16xf32, #tpu.memory_space<vmem>>) target(%dma_start3A_263 : memref<102400x16xf32, #tpu.memory_space<vmem_shared>>) offsets(%dma_start3A_260 : memref<128xi32, #tpu.memory_space<vmem>>) semaphore(%run_scoped3A_253 : memref<!tpu.dma_semaphore, #tpu.memory_space<semaphore_mem>>) {add = true}
        %dma_wait3A_264 = arith.constant 0 : i32
        %dma_wait3A_265 = arith.constant 0 : i32
        %dma_wait3A_266 = tpu.memref_slice %arg9[%run_scoped3A, %dma_wait3A_264, %dma_wait3A_265] : memref<8x128x16xf32, #tpu.memory_space<vmem>> -> memref<1x128x16xf32, #tpu.memory_space<vmem>>
        %dma_wait3A_267 = tpu.memref_squeeze %dma_wait3A_266 : memref<1x128x16xf32, #tpu.memory_space<vmem>> -> memref<128x16xf32, #tpu.memory_space<vmem>>
        %dma_wait3A_268 = arith.constant 0 : i32
        %dma_wait3A_269 = tpu.memref_slice %arg8[%run_scoped3A_189, %dma_wait3A_268] : memref<40x128xi32, #tpu.memory_space<vmem>> -> memref<1x128xi32, #tpu.memory_space<vmem>>
        %dma_wait3A_270 = tpu.memref_squeeze %dma_wait3A_269 : memref<1x128xi32, #tpu.memory_space<vmem>> -> memref<128xi32, #tpu.memory_space<vmem>>
        %dma_wait3A_271 = arith.constant 0 : i32
        %dma_wait3A_272 = arith.constant 0 : i32
        %dma_wait3A_273 = tpu.memref_slice %arg10[%dma_wait3A_271, %dma_wait3A_272] : memref<102400x16xf32, #tpu.memory_space<vmem_shared>> -> memref<102400x16xf32, #tpu.memory_space<vmem_shared>>
        tpu.wait_indirect_dma semaphore(%run_scoped3A_253 : memref<!tpu.dma_semaphore, #tpu.memory_space<semaphore_mem>>) src(%dma_wait3A_267 : memref<128x16xf32, #tpu.memory_space<vmem>>) dst(%dma_wait3A_273 : memref<102400x16xf32, #tpu.memory_space<vmem_shared>>)
        tpu.yield
      }) : () -> ()
      %run_scoped3A_190 = arith.constant 1 : i32
      %run_scoped3A_191 = arith.constant 33 : i32
      "tpu.region"() ({
        %run_scoped3A_253 = tpu.sem_alloc : memref<!tpu.dma_semaphore, #tpu.memory_space<semaphore_mem>>
        %dma_start3A_254 = arith.constant 0 : i32
        %dma_start3A_255 = arith.constant 0 : i32
        %dma_start3A_256 = tpu.memref_slice %arg9[%run_scoped3A_190, %dma_start3A_254, %dma_start3A_255] : memref<8x128x16xf32, #tpu.memory_space<vmem>> -> memref<1x128x16xf32, #tpu.memory_space<vmem>>
        %dma_start3A_257 = tpu.memref_squeeze %dma_start3A_256 : memref<1x128x16xf32, #tpu.memory_space<vmem>> -> memref<128x16xf32, #tpu.memory_space<vmem>>
        %dma_start3A_258 = arith.constant 0 : i32
        %dma_start3A_259 = tpu.memref_slice %arg8[%run_scoped3A_191, %dma_start3A_258] : memref<40x128xi32, #tpu.memory_space<vmem>> -> memref<1x128xi32, #tpu.memory_space<vmem>>
        %dma_start3A_260 = tpu.memref_squeeze %dma_start3A_259 : memref<1x128xi32, #tpu.memory_space<vmem>> -> memref<128xi32, #tpu.memory_space<vmem>>
        %dma_start3A_261 = arith.constant 0 : i32
        %dma_start3A_262 = arith.constant 0 : i32
        %dma_start3A_263 = tpu.memref_slice %arg10[%dma_start3A_261, %dma_start3A_262] : memref<102400x16xf32, #tpu.memory_space<vmem_shared>> -> memref<102400x16xf32, #tpu.memory_space<vmem_shared>>
        tpu.enqueue_indirect_dma source(%dma_start3A_257 : memref<128x16xf32, #tpu.memory_space<vmem>>) target(%dma_start3A_263 : memref<102400x16xf32, #tpu.memory_space<vmem_shared>>) offsets(%dma_start3A_260 : memref<128xi32, #tpu.memory_space<vmem>>) semaphore(%run_scoped3A_253 : memref<!tpu.dma_semaphore, #tpu.memory_space<semaphore_mem>>) {add = true}
        %dma_wait3A_264 = arith.constant 0 : i32
        %dma_wait3A_265 = arith.constant 0 : i32
        %dma_wait3A_266 = tpu.memref_slice %arg9[%run_scoped3A_190, %dma_wait3A_264, %dma_wait3A_265] : memref<8x128x16xf32, #tpu.memory_space<vmem>> -> memref<1x128x16xf32, #tpu.memory_space<vmem>>
        %dma_wait3A_267 = tpu.memref_squeeze %dma_wait3A_266 : memref<1x128x16xf32, #tpu.memory_space<vmem>> -> memref<128x16xf32, #tpu.memory_space<vmem>>
        %dma_wait3A_268 = arith.constant 0 : i32
        %dma_wait3A_269 = tpu.memref_slice %arg8[%run_scoped3A_191, %dma_wait3A_268] : memref<40x128xi32, #tpu.memory_space<vmem>> -> memref<1x128xi32, #tpu.memory_space<vmem>>
        %dma_wait3A_270 = tpu.memref_squeeze %dma_wait3A_269 : memref<1x128xi32, #tpu.memory_space<vmem>> -> memref<128xi32, #tpu.memory_space<vmem>>
        %dma_wait3A_271 = arith.constant 0 : i32
        %dma_wait3A_272 = arith.constant 0 : i32
        %dma_wait3A_273 = tpu.memref_slice %arg10[%dma_wait3A_271, %dma_wait3A_272] : memref<102400x16xf32, #tpu.memory_space<vmem_shared>> -> memref<102400x16xf32, #tpu.memory_space<vmem_shared>>
        tpu.wait_indirect_dma semaphore(%run_scoped3A_253 : memref<!tpu.dma_semaphore, #tpu.memory_space<semaphore_mem>>) src(%dma_wait3A_267 : memref<128x16xf32, #tpu.memory_space<vmem>>) dst(%dma_wait3A_273 : memref<102400x16xf32, #tpu.memory_space<vmem_shared>>)
        tpu.yield
      }) : () -> ()
      %run_scoped3A_192 = arith.constant 2 : i32
      %run_scoped3A_193 = arith.constant 34 : i32
      "tpu.region"() ({
        %run_scoped3A_253 = tpu.sem_alloc : memref<!tpu.dma_semaphore, #tpu.memory_space<semaphore_mem>>
        %dma_start3A_254 = arith.constant 0 : i32
        %dma_start3A_255 = arith.constant 0 : i32
        %dma_start3A_256 = tpu.memref_slice %arg9[%run_scoped3A_192, %dma_start3A_254, %dma_start3A_255] : memref<8x128x16xf32, #tpu.memory_space<vmem>> -> memref<1x128x16xf32, #tpu.memory_space<vmem>>
        %dma_start3A_257 = tpu.memref_squeeze %dma_start3A_256 : memref<1x128x16xf32, #tpu.memory_space<vmem>> -> memref<128x16xf32, #tpu.memory_space<vmem>>
        %dma_start3A_258 = arith.constant 0 : i32
        %dma_start3A_259 = tpu.memref_slice %arg8[%run_scoped3A_193, %dma_start3A_258] : memref<40x128xi32, #tpu.memory_space<vmem>> -> memref<1x128xi32, #tpu.memory_space<vmem>>
        %dma_start3A_260 = tpu.memref_squeeze %dma_start3A_259 : memref<1x128xi32, #tpu.memory_space<vmem>> -> memref<128xi32, #tpu.memory_space<vmem>>
        %dma_start3A_261 = arith.constant 0 : i32
        %dma_start3A_262 = arith.constant 0 : i32
        %dma_start3A_263 = tpu.memref_slice %arg10[%dma_start3A_261, %dma_start3A_262] : memref<102400x16xf32, #tpu.memory_space<vmem_shared>> -> memref<102400x16xf32, #tpu.memory_space<vmem_shared>>
        tpu.enqueue_indirect_dma source(%dma_start3A_257 : memref<128x16xf32, #tpu.memory_space<vmem>>) target(%dma_start3A_263 : memref<102400x16xf32, #tpu.memory_space<vmem_shared>>) offsets(%dma_start3A_260 : memref<128xi32, #tpu.memory_space<vmem>>) semaphore(%run_scoped3A_253 : memref<!tpu.dma_semaphore, #tpu.memory_space<semaphore_mem>>) {add = true}
        %dma_wait3A_264 = arith.constant 0 : i32
        %dma_wait3A_265 = arith.constant 0 : i32
        %dma_wait3A_266 = tpu.memref_slice %arg9[%run_scoped3A_192, %dma_wait3A_264, %dma_wait3A_265] : memref<8x128x16xf32, #tpu.memory_space<vmem>> -> memref<1x128x16xf32, #tpu.memory_space<vmem>>
        %dma_wait3A_267 = tpu.memref_squeeze %dma_wait3A_266 : memref<1x128x16xf32, #tpu.memory_space<vmem>> -> memref<128x16xf32, #tpu.memory_space<vmem>>
        %dma_wait3A_268 = arith.constant 0 : i32
        %dma_wait3A_269 = tpu.memref_slice %arg8[%run_scoped3A_193, %dma_wait3A_268] : memref<40x128xi32, #tpu.memory_space<vmem>> -> memref<1x128xi32, #tpu.memory_space<vmem>>
        %dma_wait3A_270 = tpu.memref_squeeze %dma_wait3A_269 : memref<1x128xi32, #tpu.memory_space<vmem>> -> memref<128xi32, #tpu.memory_space<vmem>>
        %dma_wait3A_271 = arith.constant 0 : i32
        %dma_wait3A_272 = arith.constant 0 : i32
        %dma_wait3A_273 = tpu.memref_slice %arg10[%dma_wait3A_271, %dma_wait3A_272] : memref<102400x16xf32, #tpu.memory_space<vmem_shared>> -> memref<102400x16xf32, #tpu.memory_space<vmem_shared>>
        tpu.wait_indirect_dma semaphore(%run_scoped3A_253 : memref<!tpu.dma_semaphore, #tpu.memory_space<semaphore_mem>>) src(%dma_wait3A_267 : memref<128x16xf32, #tpu.memory_space<vmem>>) dst(%dma_wait3A_273 : memref<102400x16xf32, #tpu.memory_space<vmem_shared>>)
        tpu.yield
      }) : () -> ()
      %run_scoped3A_194 = arith.constant 3 : i32
      %run_scoped3A_195 = arith.constant 35 : i32
      "tpu.region"() ({
        %run_scoped3A_253 = tpu.sem_alloc : memref<!tpu.dma_semaphore, #tpu.memory_space<semaphore_mem>>
        %dma_start3A_254 = arith.constant 0 : i32
        %dma_start3A_255 = arith.constant 0 : i32
        %dma_start3A_256 = tpu.memref_slice %arg9[%run_scoped3A_194, %dma_start3A_254, %dma_start3A_255] : memref<8x128x16xf32, #tpu.memory_space<vmem>> -> memref<1x128x16xf32, #tpu.memory_space<vmem>>
        %dma_start3A_257 = tpu.memref_squeeze %dma_start3A_256 : memref<1x128x16xf32, #tpu.memory_space<vmem>> -> memref<128x16xf32, #tpu.memory_space<vmem>>
        %dma_start3A_258 = arith.constant 0 : i32
        %dma_start3A_259 = tpu.memref_slice %arg8[%run_scoped3A_195, %dma_start3A_258] : memref<40x128xi32, #tpu.memory_space<vmem>> -> memref<1x128xi32, #tpu.memory_space<vmem>>
        %dma_start3A_260 = tpu.memref_squeeze %dma_start3A_259 : memref<1x128xi32, #tpu.memory_space<vmem>> -> memref<128xi32, #tpu.memory_space<vmem>>
        %dma_start3A_261 = arith.constant 0 : i32
        %dma_start3A_262 = arith.constant 0 : i32
        %dma_start3A_263 = tpu.memref_slice %arg10[%dma_start3A_261, %dma_start3A_262] : memref<102400x16xf32, #tpu.memory_space<vmem_shared>> -> memref<102400x16xf32, #tpu.memory_space<vmem_shared>>
        tpu.enqueue_indirect_dma source(%dma_start3A_257 : memref<128x16xf32, #tpu.memory_space<vmem>>) target(%dma_start3A_263 : memref<102400x16xf32, #tpu.memory_space<vmem_shared>>) offsets(%dma_start3A_260 : memref<128xi32, #tpu.memory_space<vmem>>) semaphore(%run_scoped3A_253 : memref<!tpu.dma_semaphore, #tpu.memory_space<semaphore_mem>>) {add = true}
        %dma_wait3A_264 = arith.constant 0 : i32
        %dma_wait3A_265 = arith.constant 0 : i32
        %dma_wait3A_266 = tpu.memref_slice %arg9[%run_scoped3A_194, %dma_wait3A_264, %dma_wait3A_265] : memref<8x128x16xf32, #tpu.memory_space<vmem>> -> memref<1x128x16xf32, #tpu.memory_space<vmem>>
        %dma_wait3A_267 = tpu.memref_squeeze %dma_wait3A_266 : memref<1x128x16xf32, #tpu.memory_space<vmem>> -> memref<128x16xf32, #tpu.memory_space<vmem>>
        %dma_wait3A_268 = arith.constant 0 : i32
        %dma_wait3A_269 = tpu.memref_slice %arg8[%run_scoped3A_195, %dma_wait3A_268] : memref<40x128xi32, #tpu.memory_space<vmem>> -> memref<1x128xi32, #tpu.memory_space<vmem>>
        %dma_wait3A_270 = tpu.memref_squeeze %dma_wait3A_269 : memref<1x128xi32, #tpu.memory_space<vmem>> -> memref<128xi32, #tpu.memory_space<vmem>>
        %dma_wait3A_271 = arith.constant 0 : i32
        %dma_wait3A_272 = arith.constant 0 : i32
        %dma_wait3A_273 = tpu.memref_slice %arg10[%dma_wait3A_271, %dma_wait3A_272] : memref<102400x16xf32, #tpu.memory_space<vmem_shared>> -> memref<102400x16xf32, #tpu.memory_space<vmem_shared>>
        tpu.wait_indirect_dma semaphore(%run_scoped3A_253 : memref<!tpu.dma_semaphore, #tpu.memory_space<semaphore_mem>>) src(%dma_wait3A_267 : memref<128x16xf32, #tpu.memory_space<vmem>>) dst(%dma_wait3A_273 : memref<102400x16xf32, #tpu.memory_space<vmem_shared>>)
        tpu.yield
      }) : () -> ()
      %dma_wait3A_196 = arith.constant 36 : i32
      %dma_wait3A_197 = arith.constant 4 : i32
      %dma_wait3A_198 = arith.constant 0 : i32
      %dma_wait3A_199 = arith.constant 0 : i32
      %dma_wait3A_200 = tpu.memref_slice %arg9[%dma_wait3A_197, %dma_wait3A_198, %dma_wait3A_199] : memref<8x128x16xf32, #tpu.memory_space<vmem>> -> memref<1x128x16xf32, #tpu.memory_space<vmem>>
      %dma_wait3A_201 = tpu.memref_squeeze %dma_wait3A_200 : memref<1x128x16xf32, #tpu.memory_space<vmem>> -> memref<128x16xf32, #tpu.memory_space<vmem>>
      %dma_wait3A_202 = arith.constant 0 : i32
      %dma_wait3A_203 = tpu.memref_slice %arg7[%dma_wait3A_196, %dma_wait3A_202] : memref<40x128xi32, #tpu.memory_space<vmem>> -> memref<1x128xi32, #tpu.memory_space<vmem>>
      %dma_wait3A_204 = tpu.memref_squeeze %dma_wait3A_203 : memref<1x128xi32, #tpu.memory_space<vmem>> -> memref<128xi32, #tpu.memory_space<vmem>>
      %dma_wait3A_205 = arith.constant 0 : i32
      %dma_wait3A_206 = arith.constant 0 : i32
      %dma_wait3A_207 = tpu.memref_slice %arg2[%dma_wait3A_205, %dma_wait3A_206] : memref<200000x16xf32, #tpu.memory_space<hbm>> -> memref<200000x16xf32, #tpu.memory_space<hbm>>
      tpu.wait_indirect_dma semaphore(%arg11 : memref<!tpu.dma_semaphore, #tpu.memory_space<semaphore_mem>>) src(%dma_wait3A_207 : memref<200000x16xf32, #tpu.memory_space<hbm>>) dst(%dma_wait3A_201 : memref<128x16xf32, #tpu.memory_space<vmem>>)
      %dma_wait3A_208 = arith.constant 37 : i32
      %dma_wait3A_209 = arith.constant 5 : i32
      %dma_wait3A_210 = arith.constant 0 : i32
      %dma_wait3A_211 = arith.constant 0 : i32
      %dma_wait3A_212 = tpu.memref_slice %arg9[%dma_wait3A_209, %dma_wait3A_210, %dma_wait3A_211] : memref<8x128x16xf32, #tpu.memory_space<vmem>> -> memref<1x128x16xf32, #tpu.memory_space<vmem>>
      %dma_wait3A_213 = tpu.memref_squeeze %dma_wait3A_212 : memref<1x128x16xf32, #tpu.memory_space<vmem>> -> memref<128x16xf32, #tpu.memory_space<vmem>>
      %dma_wait3A_214 = arith.constant 0 : i32
      %dma_wait3A_215 = tpu.memref_slice %arg7[%dma_wait3A_208, %dma_wait3A_214] : memref<40x128xi32, #tpu.memory_space<vmem>> -> memref<1x128xi32, #tpu.memory_space<vmem>>
      %dma_wait3A_216 = tpu.memref_squeeze %dma_wait3A_215 : memref<1x128xi32, #tpu.memory_space<vmem>> -> memref<128xi32, #tpu.memory_space<vmem>>
      %dma_wait3A_217 = arith.constant 0 : i32
      %dma_wait3A_218 = arith.constant 0 : i32
      %dma_wait3A_219 = tpu.memref_slice %arg2[%dma_wait3A_217, %dma_wait3A_218] : memref<200000x16xf32, #tpu.memory_space<hbm>> -> memref<200000x16xf32, #tpu.memory_space<hbm>>
      tpu.wait_indirect_dma semaphore(%arg11 : memref<!tpu.dma_semaphore, #tpu.memory_space<semaphore_mem>>) src(%dma_wait3A_219 : memref<200000x16xf32, #tpu.memory_space<hbm>>) dst(%dma_wait3A_213 : memref<128x16xf32, #tpu.memory_space<vmem>>)
      %dma_wait3A_220 = arith.constant 38 : i32
      %dma_wait3A_221 = arith.constant 6 : i32
      %dma_wait3A_222 = arith.constant 0 : i32
      %dma_wait3A_223 = arith.constant 0 : i32
      %dma_wait3A_224 = tpu.memref_slice %arg9[%dma_wait3A_221, %dma_wait3A_222, %dma_wait3A_223] : memref<8x128x16xf32, #tpu.memory_space<vmem>> -> memref<1x128x16xf32, #tpu.memory_space<vmem>>
      %dma_wait3A_225 = tpu.memref_squeeze %dma_wait3A_224 : memref<1x128x16xf32, #tpu.memory_space<vmem>> -> memref<128x16xf32, #tpu.memory_space<vmem>>
      %dma_wait3A_226 = arith.constant 0 : i32
      %dma_wait3A_227 = tpu.memref_slice %arg7[%dma_wait3A_220, %dma_wait3A_226] : memref<40x128xi32, #tpu.memory_space<vmem>> -> memref<1x128xi32, #tpu.memory_space<vmem>>
      %dma_wait3A_228 = tpu.memref_squeeze %dma_wait3A_227 : memref<1x128xi32, #tpu.memory_space<vmem>> -> memref<128xi32, #tpu.memory_space<vmem>>
      %dma_wait3A_229 = arith.constant 0 : i32
      %dma_wait3A_230 = arith.constant 0 : i32
      %dma_wait3A_231 = tpu.memref_slice %arg2[%dma_wait3A_229, %dma_wait3A_230] : memref<200000x16xf32, #tpu.memory_space<hbm>> -> memref<200000x16xf32, #tpu.memory_space<hbm>>
      tpu.wait_indirect_dma semaphore(%arg11 : memref<!tpu.dma_semaphore, #tpu.memory_space<semaphore_mem>>) src(%dma_wait3A_231 : memref<200000x16xf32, #tpu.memory_space<hbm>>) dst(%dma_wait3A_225 : memref<128x16xf32, #tpu.memory_space<vmem>>)
      %dma_wait3A_232 = arith.constant 39 : i32
      %dma_wait3A_233 = arith.constant 7 : i32
      %dma_wait3A_234 = arith.constant 0 : i32
      %dma_wait3A_235 = arith.constant 0 : i32
      %dma_wait3A_236 = tpu.memref_slice %arg9[%dma_wait3A_233, %dma_wait3A_234, %dma_wait3A_235] : memref<8x128x16xf32, #tpu.memory_space<vmem>> -> memref<1x128x16xf32, #tpu.memory_space<vmem>>
      %dma_wait3A_237 = tpu.memref_squeeze %dma_wait3A_236 : memref<1x128x16xf32, #tpu.memory_space<vmem>> -> memref<128x16xf32, #tpu.memory_space<vmem>>
      %dma_wait3A_238 = arith.constant 0 : i32
      %dma_wait3A_239 = tpu.memref_slice %arg7[%dma_wait3A_232, %dma_wait3A_238] : memref<40x128xi32, #tpu.memory_space<vmem>> -> memref<1x128xi32, #tpu.memory_space<vmem>>
      %dma_wait3A_240 = tpu.memref_squeeze %dma_wait3A_239 : memref<1x128xi32, #tpu.memory_space<vmem>> -> memref<128xi32, #tpu.memory_space<vmem>>
      %dma_wait3A_241 = arith.constant 0 : i32
      %dma_wait3A_242 = arith.constant 0 : i32
      %dma_wait3A_243 = tpu.memref_slice %arg2[%dma_wait3A_241, %dma_wait3A_242] : memref<200000x16xf32, #tpu.memory_space<hbm>> -> memref<200000x16xf32, #tpu.memory_space<hbm>>
      tpu.wait_indirect_dma semaphore(%arg11 : memref<!tpu.dma_semaphore, #tpu.memory_space<semaphore_mem>>) src(%dma_wait3A_243 : memref<200000x16xf32, #tpu.memory_space<hbm>>) dst(%dma_wait3A_237 : memref<128x16xf32, #tpu.memory_space<vmem>>)
      %run_scoped3A_244 = arith.constant 4 : i32
      %run_scoped3A_245 = arith.constant 36 : i32
      "tpu.region"() ({
        %run_scoped3A_253 = tpu.sem_alloc : memref<!tpu.dma_semaphore, #tpu.memory_space<semaphore_mem>>
        %dma_start3A_254 = arith.constant 0 : i32
        %dma_start3A_255 = arith.constant 0 : i32
        %dma_start3A_256 = tpu.memref_slice %arg9[%run_scoped3A_244, %dma_start3A_254, %dma_start3A_255] : memref<8x128x16xf32, #tpu.memory_space<vmem>> -> memref<1x128x16xf32, #tpu.memory_space<vmem>>
        %dma_start3A_257 = tpu.memref_squeeze %dma_start3A_256 : memref<1x128x16xf32, #tpu.memory_space<vmem>> -> memref<128x16xf32, #tpu.memory_space<vmem>>
        %dma_start3A_258 = arith.constant 0 : i32
        %dma_start3A_259 = tpu.memref_slice %arg8[%run_scoped3A_245, %dma_start3A_258] : memref<40x128xi32, #tpu.memory_space<vmem>> -> memref<1x128xi32, #tpu.memory_space<vmem>>
        %dma_start3A_260 = tpu.memref_squeeze %dma_start3A_259 : memref<1x128xi32, #tpu.memory_space<vmem>> -> memref<128xi32, #tpu.memory_space<vmem>>
        %dma_start3A_261 = arith.constant 0 : i32
        %dma_start3A_262 = arith.constant 0 : i32
        %dma_start3A_263 = tpu.memref_slice %arg10[%dma_start3A_261, %dma_start3A_262] : memref<102400x16xf32, #tpu.memory_space<vmem_shared>> -> memref<102400x16xf32, #tpu.memory_space<vmem_shared>>
        tpu.enqueue_indirect_dma source(%dma_start3A_257 : memref<128x16xf32, #tpu.memory_space<vmem>>) target(%dma_start3A_263 : memref<102400x16xf32, #tpu.memory_space<vmem_shared>>) offsets(%dma_start3A_260 : memref<128xi32, #tpu.memory_space<vmem>>) semaphore(%run_scoped3A_253 : memref<!tpu.dma_semaphore, #tpu.memory_space<semaphore_mem>>) {add = true}
        %dma_wait3A_264 = arith.constant 0 : i32
        %dma_wait3A_265 = arith.constant 0 : i32
        %dma_wait3A_266 = tpu.memref_slice %arg9[%run_scoped3A_244, %dma_wait3A_264, %dma_wait3A_265] : memref<8x128x16xf32, #tpu.memory_space<vmem>> -> memref<1x128x16xf32, #tpu.memory_space<vmem>>
        %dma_wait3A_267 = tpu.memref_squeeze %dma_wait3A_266 : memref<1x128x16xf32, #tpu.memory_space<vmem>> -> memref<128x16xf32, #tpu.memory_space<vmem>>
        %dma_wait3A_268 = arith.constant 0 : i32
        %dma_wait3A_269 = tpu.memref_slice %arg8[%run_scoped3A_245, %dma_wait3A_268] : memref<40x128xi32, #tpu.memory_space<vmem>> -> memref<1x128xi32, #tpu.memory_space<vmem>>
        %dma_wait3A_270 = tpu.memref_squeeze %dma_wait3A_269 : memref<1x128xi32, #tpu.memory_space<vmem>> -> memref<128xi32, #tpu.memory_space<vmem>>
        %dma_wait3A_271 = arith.constant 0 : i32
        %dma_wait3A_272 = arith.constant 0 : i32
        %dma_wait3A_273 = tpu.memref_slice %arg10[%dma_wait3A_271, %dma_wait3A_272] : memref<102400x16xf32, #tpu.memory_space<vmem_shared>> -> memref<102400x16xf32, #tpu.memory_space<vmem_shared>>
        tpu.wait_indirect_dma semaphore(%run_scoped3A_253 : memref<!tpu.dma_semaphore, #tpu.memory_space<semaphore_mem>>) src(%dma_wait3A_267 : memref<128x16xf32, #tpu.memory_space<vmem>>) dst(%dma_wait3A_273 : memref<102400x16xf32, #tpu.memory_space<vmem_shared>>)
        tpu.yield
      }) : () -> ()
      %run_scoped3A_246 = arith.constant 5 : i32
      %run_scoped3A_247 = arith.constant 37 : i32
      "tpu.region"() ({
        %run_scoped3A_253 = tpu.sem_alloc : memref<!tpu.dma_semaphore, #tpu.memory_space<semaphore_mem>>
        %dma_start3A_254 = arith.constant 0 : i32
        %dma_start3A_255 = arith.constant 0 : i32
        %dma_start3A_256 = tpu.memref_slice %arg9[%run_scoped3A_246, %dma_start3A_254, %dma_start3A_255] : memref<8x128x16xf32, #tpu.memory_space<vmem>> -> memref<1x128x16xf32, #tpu.memory_space<vmem>>
        %dma_start3A_257 = tpu.memref_squeeze %dma_start3A_256 : memref<1x128x16xf32, #tpu.memory_space<vmem>> -> memref<128x16xf32, #tpu.memory_space<vmem>>
        %dma_start3A_258 = arith.constant 0 : i32
        %dma_start3A_259 = tpu.memref_slice %arg8[%run_scoped3A_247, %dma_start3A_258] : memref<40x128xi32, #tpu.memory_space<vmem>> -> memref<1x128xi32, #tpu.memory_space<vmem>>
        %dma_start3A_260 = tpu.memref_squeeze %dma_start3A_259 : memref<1x128xi32, #tpu.memory_space<vmem>> -> memref<128xi32, #tpu.memory_space<vmem>>
        %dma_start3A_261 = arith.constant 0 : i32
        %dma_start3A_262 = arith.constant 0 : i32
        %dma_start3A_263 = tpu.memref_slice %arg10[%dma_start3A_261, %dma_start3A_262] : memref<102400x16xf32, #tpu.memory_space<vmem_shared>> -> memref<102400x16xf32, #tpu.memory_space<vmem_shared>>
        tpu.enqueue_indirect_dma source(%dma_start3A_257 : memref<128x16xf32, #tpu.memory_space<vmem>>) target(%dma_start3A_263 : memref<102400x16xf32, #tpu.memory_space<vmem_shared>>) offsets(%dma_start3A_260 : memref<128xi32, #tpu.memory_space<vmem>>) semaphore(%run_scoped3A_253 : memref<!tpu.dma_semaphore, #tpu.memory_space<semaphore_mem>>) {add = true}
        %dma_wait3A_264 = arith.constant 0 : i32
        %dma_wait3A_265 = arith.constant 0 : i32
        %dma_wait3A_266 = tpu.memref_slice %arg9[%run_scoped3A_246, %dma_wait3A_264, %dma_wait3A_265] : memref<8x128x16xf32, #tpu.memory_space<vmem>> -> memref<1x128x16xf32, #tpu.memory_space<vmem>>
        %dma_wait3A_267 = tpu.memref_squeeze %dma_wait3A_266 : memref<1x128x16xf32, #tpu.memory_space<vmem>> -> memref<128x16xf32, #tpu.memory_space<vmem>>
        %dma_wait3A_268 = arith.constant 0 : i32
        %dma_wait3A_269 = tpu.memref_slice %arg8[%run_scoped3A_247, %dma_wait3A_268] : memref<40x128xi32, #tpu.memory_space<vmem>> -> memref<1x128xi32, #tpu.memory_space<vmem>>
        %dma_wait3A_270 = tpu.memref_squeeze %dma_wait3A_269 : memref<1x128xi32, #tpu.memory_space<vmem>> -> memref<128xi32, #tpu.memory_space<vmem>>
        %dma_wait3A_271 = arith.constant 0 : i32
        %dma_wait3A_272 = arith.constant 0 : i32
        %dma_wait3A_273 = tpu.memref_slice %arg10[%dma_wait3A_271, %dma_wait3A_272] : memref<102400x16xf32, #tpu.memory_space<vmem_shared>> -> memref<102400x16xf32, #tpu.memory_space<vmem_shared>>
        tpu.wait_indirect_dma semaphore(%run_scoped3A_253 : memref<!tpu.dma_semaphore, #tpu.memory_space<semaphore_mem>>) src(%dma_wait3A_267 : memref<128x16xf32, #tpu.memory_space<vmem>>) dst(%dma_wait3A_273 : memref<102400x16xf32, #tpu.memory_space<vmem_shared>>)
        tpu.yield
      }) : () -> ()
      %run_scoped3A_248 = arith.constant 6 : i32
      %run_scoped3A_249 = arith.constant 38 : i32
      "tpu.region"() ({
        %run_scoped3A_253 = tpu.sem_alloc : memref<!tpu.dma_semaphore, #tpu.memory_space<semaphore_mem>>
        %dma_start3A_254 = arith.constant 0 : i32
        %dma_start3A_255 = arith.constant 0 : i32
        %dma_start3A_256 = tpu.memref_slice %arg9[%run_scoped3A_248, %dma_start3A_254, %dma_start3A_255] : memref<8x128x16xf32, #tpu.memory_space<vmem>> -> memref<1x128x16xf32, #tpu.memory_space<vmem>>
        %dma_start3A_257 = tpu.memref_squeeze %dma_start3A_256 : memref<1x128x16xf32, #tpu.memory_space<vmem>> -> memref<128x16xf32, #tpu.memory_space<vmem>>
        %dma_start3A_258 = arith.constant 0 : i32
        %dma_start3A_259 = tpu.memref_slice %arg8[%run_scoped3A_249, %dma_start3A_258] : memref<40x128xi32, #tpu.memory_space<vmem>> -> memref<1x128xi32, #tpu.memory_space<vmem>>
        %dma_start3A_260 = tpu.memref_squeeze %dma_start3A_259 : memref<1x128xi32, #tpu.memory_space<vmem>> -> memref<128xi32, #tpu.memory_space<vmem>>
        %dma_start3A_261 = arith.constant 0 : i32
        %dma_start3A_262 = arith.constant 0 : i32
        %dma_start3A_263 = tpu.memref_slice %arg10[%dma_start3A_261, %dma_start3A_262] : memref<102400x16xf32, #tpu.memory_space<vmem_shared>> -> memref<102400x16xf32, #tpu.memory_space<vmem_shared>>
        tpu.enqueue_indirect_dma source(%dma_start3A_257 : memref<128x16xf32, #tpu.memory_space<vmem>>) target(%dma_start3A_263 : memref<102400x16xf32, #tpu.memory_space<vmem_shared>>) offsets(%dma_start3A_260 : memref<128xi32, #tpu.memory_space<vmem>>) semaphore(%run_scoped3A_253 : memref<!tpu.dma_semaphore, #tpu.memory_space<semaphore_mem>>) {add = true}
        %dma_wait3A_264 = arith.constant 0 : i32
        %dma_wait3A_265 = arith.constant 0 : i32
        %dma_wait3A_266 = tpu.memref_slice %arg9[%run_scoped3A_248, %dma_wait3A_264, %dma_wait3A_265] : memref<8x128x16xf32, #tpu.memory_space<vmem>> -> memref<1x128x16xf32, #tpu.memory_space<vmem>>
        %dma_wait3A_267 = tpu.memref_squeeze %dma_wait3A_266 : memref<1x128x16xf32, #tpu.memory_space<vmem>> -> memref<128x16xf32, #tpu.memory_space<vmem>>
        %dma_wait3A_268 = arith.constant 0 : i32
        %dma_wait3A_269 = tpu.memref_slice %arg8[%run_scoped3A_249, %dma_wait3A_268] : memref<40x128xi32, #tpu.memory_space<vmem>> -> memref<1x128xi32, #tpu.memory_space<vmem>>
        %dma_wait3A_270 = tpu.memref_squeeze %dma_wait3A_269 : memref<1x128xi32, #tpu.memory_space<vmem>> -> memref<128xi32, #tpu.memory_space<vmem>>
        %dma_wait3A_271 = arith.constant 0 : i32
        %dma_wait3A_272 = arith.constant 0 : i32
        %dma_wait3A_273 = tpu.memref_slice %arg10[%dma_wait3A_271, %dma_wait3A_272] : memref<102400x16xf32, #tpu.memory_space<vmem_shared>> -> memref<102400x16xf32, #tpu.memory_space<vmem_shared>>
        tpu.wait_indirect_dma semaphore(%run_scoped3A_253 : memref<!tpu.dma_semaphore, #tpu.memory_space<semaphore_mem>>) src(%dma_wait3A_267 : memref<128x16xf32, #tpu.memory_space<vmem>>) dst(%dma_wait3A_273 : memref<102400x16xf32, #tpu.memory_space<vmem_shared>>)
        tpu.yield
      }) : () -> ()
      %run_scoped3A_250 = arith.constant 7 : i32
      %run_scoped3A_251 = arith.constant 39 : i32
      "tpu.region"() ({
        %run_scoped3A_253 = tpu.sem_alloc : memref<!tpu.dma_semaphore, #tpu.memory_space<semaphore_mem>>
        %dma_start3A_254 = arith.constant 0 : i32
        %dma_start3A_255 = arith.constant 0 : i32
        %dma_start3A_256 = tpu.memref_slice %arg9[%run_scoped3A_250, %dma_start3A_254, %dma_start3A_255] : memref<8x128x16xf32, #tpu.memory_space<vmem>> -> memref<1x128x16xf32, #tpu.memory_space<vmem>>
        %dma_start3A_257 = tpu.memref_squeeze %dma_start3A_256 : memref<1x128x16xf32, #tpu.memory_space<vmem>> -> memref<128x16xf32, #tpu.memory_space<vmem>>
        %dma_start3A_258 = arith.constant 0 : i32
        %dma_start3A_259 = tpu.memref_slice %arg8[%run_scoped3A_251, %dma_start3A_258] : memref<40x128xi32, #tpu.memory_space<vmem>> -> memref<1x128xi32, #tpu.memory_space<vmem>>
        %dma_start3A_260 = tpu.memref_squeeze %dma_start3A_259 : memref<1x128xi32, #tpu.memory_space<vmem>> -> memref<128xi32, #tpu.memory_space<vmem>>
        %dma_start3A_261 = arith.constant 0 : i32
        %dma_start3A_262 = arith.constant 0 : i32
        %dma_start3A_263 = tpu.memref_slice %arg10[%dma_start3A_261, %dma_start3A_262] : memref<102400x16xf32, #tpu.memory_space<vmem_shared>> -> memref<102400x16xf32, #tpu.memory_space<vmem_shared>>
        tpu.enqueue_indirect_dma source(%dma_start3A_257 : memref<128x16xf32, #tpu.memory_space<vmem>>) target(%dma_start3A_263 : memref<102400x16xf32, #tpu.memory_space<vmem_shared>>) offsets(%dma_start3A_260 : memref<128xi32, #tpu.memory_space<vmem>>) semaphore(%run_scoped3A_253 : memref<!tpu.dma_semaphore, #tpu.memory_space<semaphore_mem>>) {add = true}
        %dma_wait3A_264 = arith.constant 0 : i32
        %dma_wait3A_265 = arith.constant 0 : i32
        %dma_wait3A_266 = tpu.memref_slice %arg9[%run_scoped3A_250, %dma_wait3A_264, %dma_wait3A_265] : memref<8x128x16xf32, #tpu.memory_space<vmem>> -> memref<1x128x16xf32, #tpu.memory_space<vmem>>
        %dma_wait3A_267 = tpu.memref_squeeze %dma_wait3A_266 : memref<1x128x16xf32, #tpu.memory_space<vmem>> -> memref<128x16xf32, #tpu.memory_space<vmem>>
        %dma_wait3A_268 = arith.constant 0 : i32
        %dma_wait3A_269 = tpu.memref_slice %arg8[%run_scoped3A_251, %dma_wait3A_268] : memref<40x128xi32, #tpu.memory_space<vmem>> -> memref<1x128xi32, #tpu.memory_space<vmem>>
        %dma_wait3A_270 = tpu.memref_squeeze %dma_wait3A_269 : memref<1x128xi32, #tpu.memory_space<vmem>> -> memref<128xi32, #tpu.memory_space<vmem>>
        %dma_wait3A_271 = arith.constant 0 : i32
        %dma_wait3A_272 = arith.constant 0 : i32
        %dma_wait3A_273 = tpu.memref_slice %arg10[%dma_wait3A_271, %dma_wait3A_272] : memref<102400x16xf32, #tpu.memory_space<vmem_shared>> -> memref<102400x16xf32, #tpu.memory_space<vmem_shared>>
        tpu.wait_indirect_dma semaphore(%run_scoped3A_253 : memref<!tpu.dma_semaphore, #tpu.memory_space<semaphore_mem>>) src(%dma_wait3A_267 : memref<128x16xf32, #tpu.memory_space<vmem>>) dst(%dma_wait3A_273 : memref<102400x16xf32, #tpu.memory_space<vmem_shared>>)
        tpu.yield
      }) : () -> ()
      %scan3A_252 = arith.constant 0 : i32
      scf.yield %scan3A_252 : i32
    }
    %scan3A_8 = arith.constant 20 : i32
    %barrier3A_9 = arith.constant 0 : index
    tpu.barrier barrier_id(%barrier3A_9)
    %mul3A_10 = arith.constant 6256 : i32
    %mul3A_11 = arith.muli %arg1, %mul3A_10 : i32
    %mul3A_12 = arith.constant 100096 : i32
    %mul3A_13 = arith.muli %arg0, %mul3A_12 : i32
    %mul3A_14 = arith.constant 6256 : i32
    %mul3A_15 = arith.muli %arg1, %mul3A_14 : i32
    %add3A = arith.addi %mul3A_13, %mul3A_15 : i32
    "tpu.region"() ({
      %run_scoped3A = tpu.sem_alloc : memref<!tpu.dma_semaphore, #tpu.memory_space<semaphore_mem>>
      %dma_start3A = arith.constant 0 : i32
      %dma_start3A_16 = tpu.memref_slice %arg6[%add3A, %dma_start3A] : memref<200192x16xf32, #tpu.memory_space<hbm>> -> memref<6256x16xf32, #tpu.memory_space<hbm>>
      %dma_start3A_17 = arith.constant 0 : i32
      %dma_start3A_18 = tpu.memref_slice %arg10[%mul3A_11, %dma_start3A_17] : memref<102400x16xf32, #tpu.memory_space<vmem_shared>> -> memref<6256x16xf32, #tpu.memory_space<vmem_shared>>
      tpu.enqueue_dma source(%dma_start3A_18 : memref<6256x16xf32, #tpu.memory_space<vmem_shared>>) target(%dma_start3A_16 : memref<6256x16xf32, #tpu.memory_space<hbm>>) target_semaphore(%run_scoped3A : memref<!tpu.dma_semaphore, #tpu.memory_space<semaphore_mem>>)
      %dma_wait3A = arith.constant 0 : i32
      %dma_wait3A_19 = tpu.memref_slice %arg6[%add3A, %dma_wait3A] : memref<200192x16xf32, #tpu.memory_space<hbm>> -> memref<6256x16xf32, #tpu.memory_space<hbm>>
      %dma_wait3A_20 = arith.constant 0 : i32
      %dma_wait3A_21 = tpu.memref_slice %arg10[%mul3A_11, %dma_wait3A_20] : memref<102400x16xf32, #tpu.memory_space<vmem_shared>> -> memref<6256x16xf32, #tpu.memory_space<vmem_shared>>
      tpu.wait_dma2 semaphore(%run_scoped3A : memref<!tpu.dma_semaphore, #tpu.memory_space<semaphore_mem>>) src(%dma_wait3A_21 : memref<6256x16xf32, #tpu.memory_space<vmem_shared>>) dst(%dma_wait3A_19 : memref<6256x16xf32, #tpu.memory_space<hbm>>)
      tpu.yield
    }) : () -> ()
    return
  }
}

module attributes {stable_mosaic.version = 14 : i64} {
  func.func @_stage_a_body(%arg0: i32, %arg1: memref<4000x128xf32, #tpu.memory_space<vmem>>, %arg2: memref<4000x32xf32, #tpu.memory_space<vmem>>, %arg3: memref<128x32xf32, #tpu.memory_space<vmem>>, %arg4: memref<1x32xf32, #tpu.memory_space<vmem>>, %arg5: memref<32x32xf32, #tpu.memory_space<vmem>>, %arg6: memref<1x32xf32, #tpu.memory_space<vmem>>, %arg7: memref<32x32xf32, #tpu.memory_space<vmem>>, %arg8: memref<1x32xf32, #tpu.memory_space<vmem>>, %arg9: memref<32x128xf32, #tpu.memory_space<vmem>>, %arg10: memref<1x128xf32, #tpu.memory_space<vmem>>, %arg11: memref<32x32xf32, #tpu.memory_space<vmem>>, %arg12: memref<1x32xf32, #tpu.memory_space<vmem>>, %arg13: memref<32x32xf32, #tpu.memory_space<vmem>>, %arg14: memref<1x32xf32, #tpu.memory_space<vmem>>, %arg15: memref<32x1xf32, #tpu.memory_space<vmem>>, %arg16: memref<1x1xf32, #tpu.memory_space<vmem>>, %arg17: memref<2x4000x16xf32, #tpu.memory_space<vmem>>, %arg18: memref<1x1xf32, #tpu.memory_space<vmem>>, %arg19: memref<1x1xf32, #tpu.memory_space<vmem>>) attributes {dimension_semantics = [#tpu.dimension_semantics<arbitrary>], iteration_bounds = array<i64: 25>, scalar_prefetch = 0 : i64, scratch_operands = 0 : i64, tpu.core_type = #tpu.core_type<tc>, window_params = [{transform_indices = @transform_0, window_bounds = array<i64: 4000, 128>}, {transform_indices = @transform_1, window_bounds = array<i64: 4000, 32>}, {pipeline_mode = #tpu.pipeline_mode<synchronous>, transform_indices = @transform_2, window_bounds = array<i64: 128, 32>}, {pipeline_mode = #tpu.pipeline_mode<synchronous>, transform_indices = @transform_3, window_bounds = array<i64: 1, 32>}, {pipeline_mode = #tpu.pipeline_mode<synchronous>, transform_indices = @transform_4, window_bounds = array<i64: 32, 32>}, {pipeline_mode = #tpu.pipeline_mode<synchronous>, transform_indices = @transform_5, window_bounds = array<i64: 1, 32>}, {pipeline_mode = #tpu.pipeline_mode<synchronous>, transform_indices = @transform_6, window_bounds = array<i64: 32, 32>}, {pipeline_mode = #tpu.pipeline_mode<synchronous>, transform_indices = @transform_7, window_bounds = array<i64: 1, 32>}, {pipeline_mode = #tpu.pipeline_mode<synchronous>, transform_indices = @transform_8, window_bounds = array<i64: 32, 128>}, {pipeline_mode = #tpu.pipeline_mode<synchronous>, transform_indices = @transform_9, window_bounds = array<i64: 1, 128>}, {pipeline_mode = #tpu.pipeline_mode<synchronous>, transform_indices = @transform_10, window_bounds = array<i64: 32, 32>}, {pipeline_mode = #tpu.pipeline_mode<synchronous>, transform_indices = @transform_11, window_bounds = array<i64: 1, 32>}, {pipeline_mode = #tpu.pipeline_mode<synchronous>, transform_indices = @transform_12, window_bounds = array<i64: 32, 32>}, {pipeline_mode = #tpu.pipeline_mode<synchronous>, transform_indices = @transform_13, window_bounds = array<i64: 1, 32>}, {pipeline_mode = #tpu.pipeline_mode<synchronous>, transform_indices = @transform_14, window_bounds = array<i64: 32, 1>}, {pipeline_mode = #tpu.pipeline_mode<synchronous>, transform_indices = @transform_15, window_bounds = array<i64: 1, 1>}, {transform_indices = @transform_16, window_bounds = array<i64: 2, 4000, 16>}, {pipeline_mode = #tpu.pipeline_mode<synchronous>, transform_indices = @transform_17, window_bounds = array<i64: 1, 1>}, {pipeline_mode = #tpu.pipeline_mode<synchronous>, transform_indices = @transform_18, window_bounds = array<i64: 1, 1>}]} {
    %get3A = arith.constant 0 : index
    %get3A_0 = arith.constant 0 : index
    %get3A_1 = vector.load %arg1[%get3A, %get3A_0] : memref<4000x128xf32, #tpu.memory_space<vmem>>, vector<4000x128xf32>
    %get3A_2 = arith.constant 0 : index
    %get3A_3 = arith.constant 0 : index
    %get3A_4 = vector.load %arg3[%get3A_2, %get3A_3] : memref<128x32xf32, #tpu.memory_space<vmem>>, vector<128x32xf32>
    %dot_general3A = arith.constant dense<0.000000e+00> : vector<4000x32xf32>
    %dot_general3A_5 = tpu.matmul %get3A_1, %get3A_4, %dot_general3A {dimension_numbers = #tpu.dot_dimension_numbers<[1], [0], [0], [1], [0, 0, 1, 1], [], []>, transpose_lhs_hint = false} : vector<4000x128xf32>, vector<128x32xf32>, vector<4000x32xf32> -> vector<4000x32xf32>
    %get3A_6 = arith.constant 0 : index
    %get3A_7 = arith.constant 0 : index
    %get3A_8 = vector.load %arg4[%get3A_6, %get3A_7] : memref<1x32xf32, #tpu.memory_space<vmem>>, vector<1x32xf32>
    %add3A = vector.broadcast %get3A_8 : vector<1x32xf32> to vector<4000x32xf32>
    %add3A_9 = arith.addf %dot_general3A_5, %add3A : vector<4000x32xf32>
    %max3A = arith.constant 0.000000e+00 : f32
    %max3A_10 = vector.broadcast %max3A : f32 to vector<4000x32xf32>
    %max3A_11 = arith.maximumf %add3A_9, %max3A_10 : vector<4000x32xf32>
    %get3A_12 = arith.constant 0 : index
    %get3A_13 = arith.constant 0 : index
    %get3A_14 = vector.load %arg5[%get3A_12, %get3A_13] : memref<32x32xf32, #tpu.memory_space<vmem>>, vector<32x32xf32>
    %dot_general3A_15 = arith.constant dense<0.000000e+00> : vector<4000x32xf32>
    %dot_general3A_16 = tpu.matmul %max3A_11, %get3A_14, %dot_general3A_15 {dimension_numbers = #tpu.dot_dimension_numbers<[1], [0], [0], [1], [0, 0, 1, 1], [], []>, transpose_lhs_hint = false} : vector<4000x32xf32>, vector<32x32xf32>, vector<4000x32xf32> -> vector<4000x32xf32>
    %get3A_17 = arith.constant 0 : index
    %get3A_18 = arith.constant 0 : index
    %get3A_19 = vector.load %arg6[%get3A_17, %get3A_18] : memref<1x32xf32, #tpu.memory_space<vmem>>, vector<1x32xf32>
    %add3A_20 = vector.broadcast %get3A_19 : vector<1x32xf32> to vector<4000x32xf32>
    %add3A_21 = arith.addf %dot_general3A_16, %add3A_20 : vector<4000x32xf32>
    %max3A_22 = arith.constant 0.000000e+00 : f32
    %max3A_23 = vector.broadcast %max3A_22 : f32 to vector<4000x32xf32>
    %max3A_24 = arith.maximumf %add3A_21, %max3A_23 : vector<4000x32xf32>
    %slice3A = vector.extract_strided_slice %max3A_24 {offsets = [0, 0], sizes = [4000, 16], strides = [1, 1]} : vector<4000x32xf32> to vector<4000x16xf32>
    %swap3A = arith.constant 0 : index
    %swap3A_25 = arith.constant 0 : index
    %swap3A_26 = arith.constant 0 : index
    %swap3A_27 = vector.load %arg17[%swap3A, %swap3A_25, %swap3A_26] : memref<2x4000x16xf32, #tpu.memory_space<vmem>>, vector<1x4000x16xf32>
    %swap3A_28 = vector.shape_cast %swap3A_27 : vector<1x4000x16xf32> to vector<4000x16xf32>
    %swap3A_29 = vector.shape_cast %slice3A : vector<4000x16xf32> to vector<1x4000x16xf32>
    tpu.vector_store %arg17[%swap3A, %swap3A_25, %swap3A_26], %swap3A_29 {strides = array<i32>} : memref<2x4000x16xf32, #tpu.memory_space<vmem>>, vector<1x4000x16xf32>,
    %slice3A_30 = vector.extract_strided_slice %max3A_24 {offsets = [0, 16], sizes = [4000, 16], strides = [1, 1]} : vector<4000x32xf32> to vector<4000x16xf32>
    %swap3A_31 = arith.constant 1 : index
    %swap3A_32 = arith.constant 0 : index
    %swap3A_33 = arith.constant 0 : index
    %swap3A_34 = vector.load %arg17[%swap3A_31, %swap3A_32, %swap3A_33] : memref<2x4000x16xf32, #tpu.memory_space<vmem>>, vector<1x4000x16xf32>
    %swap3A_35 = vector.shape_cast %swap3A_34 : vector<1x4000x16xf32> to vector<4000x16xf32>
    %swap3A_36 = vector.shape_cast %slice3A_30 : vector<4000x16xf32> to vector<1x4000x16xf32>
    tpu.vector_store %arg17[%swap3A_31, %swap3A_32, %swap3A_33], %swap3A_36 {strides = array<i32>} : memref<2x4000x16xf32, #tpu.memory_space<vmem>>, vector<1x4000x16xf32>,
    %get3A_37 = arith.constant 0 : index
    %get3A_38 = arith.constant 0 : index
    %get3A_39 = vector.load %arg7[%get3A_37, %get3A_38] : memref<32x32xf32, #tpu.memory_space<vmem>>, vector<32x32xf32>
    %dot_general3A_40 = arith.constant dense<0.000000e+00> : vector<4000x32xf32>
    %dot_general3A_41 = tpu.matmul %max3A_24, %get3A_39, %dot_general3A_40 {dimension_numbers = #tpu.dot_dimension_numbers<[1], [0], [0], [1], [0, 0, 1, 1], [], []>, transpose_lhs_hint = false} : vector<4000x32xf32>, vector<32x32xf32>, vector<4000x32xf32> -> vector<4000x32xf32>
    %get3A_42 = arith.constant 0 : index
    %get3A_43 = arith.constant 0 : index
    %get3A_44 = vector.load %arg8[%get3A_42, %get3A_43] : memref<1x32xf32, #tpu.memory_space<vmem>>, vector<1x32xf32>
    %add3A_45 = vector.broadcast %get3A_44 : vector<1x32xf32> to vector<4000x32xf32>
    %add3A_46 = arith.addf %dot_general3A_41, %add3A_45 : vector<4000x32xf32>
    %max3A_47 = arith.constant 0.000000e+00 : f32
    %max3A_48 = vector.broadcast %max3A_47 : f32 to vector<4000x32xf32>
    %max3A_49 = arith.maximumf %add3A_46, %max3A_48 : vector<4000x32xf32>
    %get3A_50 = arith.constant 0 : index
    %get3A_51 = arith.constant 0 : index
    %get3A_52 = vector.load %arg9[%get3A_50, %get3A_51] : memref<32x128xf32, #tpu.memory_space<vmem>>, vector<32x128xf32>
    %dot_general3A_53 = arith.constant dense<0.000000e+00> : vector<4000x128xf32>
    %dot_general3A_54 = tpu.matmul %max3A_49, %get3A_52, %dot_general3A_53 {dimension_numbers = #tpu.dot_dimension_numbers<[1], [0], [0], [1], [0, 0, 1, 1], [], []>, transpose_lhs_hint = false} : vector<4000x32xf32>, vector<32x128xf32>, vector<4000x128xf32> -> vector<4000x128xf32>
    %get3A_55 = arith.constant 0 : index
    %get3A_56 = arith.constant 0 : index
    %get3A_57 = vector.load %arg10[%get3A_55, %get3A_56] : memref<1x128xf32, #tpu.memory_space<vmem>>, vector<1x128xf32>
    %add3A_58 = vector.broadcast %get3A_57 : vector<1x128xf32> to vector<4000x128xf32>
    %add3A_59 = arith.addf %dot_general3A_54, %add3A_58 : vector<4000x128xf32>
    %max3A_60 = arith.constant 0.000000e+00 : f32
    %max3A_61 = vector.broadcast %max3A_60 : f32 to vector<4000x128xf32>
    %max3A_62 = arith.maximumf %add3A_59, %max3A_61 : vector<4000x128xf32>
    %get3A_63 = arith.constant 0 : index
    %get3A_64 = arith.constant 0 : index
    %get3A_65 = vector.load %arg2[%get3A_63, %get3A_64] : memref<4000x32xf32, #tpu.memory_space<vmem>>, vector<4000x32xf32>
    %get3A_66 = arith.constant 0 : index
    %get3A_67 = arith.constant 0 : index
    %get3A_68 = vector.load %arg11[%get3A_66, %get3A_67] : memref<32x32xf32, #tpu.memory_space<vmem>>, vector<32x32xf32>
    %dot_general3A_69 = arith.constant dense<0.000000e+00> : vector<4000x32xf32>
    %dot_general3A_70 = tpu.matmul %get3A_65, %get3A_68, %dot_general3A_69 {dimension_numbers = #tpu.dot_dimension_numbers<[1], [0], [0], [1], [0, 0, 1, 1], [], []>, transpose_lhs_hint = false} : vector<4000x32xf32>, vector<32x32xf32>, vector<4000x32xf32> -> vector<4000x32xf32>
    %get3A_71 = arith.constant 0 : index
    %get3A_72 = arith.constant 0 : index
    %get3A_73 = vector.load %arg12[%get3A_71, %get3A_72] : memref<1x32xf32, #tpu.memory_space<vmem>>, vector<1x32xf32>
    %add3A_74 = vector.broadcast %get3A_73 : vector<1x32xf32> to vector<4000x32xf32>
    %add3A_75 = arith.addf %dot_general3A_70, %add3A_74 : vector<4000x32xf32>
    %max3A_76 = arith.constant 0.000000e+00 : f32
    %max3A_77 = vector.broadcast %max3A_76 : f32 to vector<4000x32xf32>
    %max3A_78 = arith.maximumf %add3A_75, %max3A_77 : vector<4000x32xf32>
    %get3A_79 = arith.constant 0 : index
    %get3A_80 = arith.constant 0 : index
    %get3A_81 = vector.load %arg13[%get3A_79, %get3A_80] : memref<32x32xf32, #tpu.memory_space<vmem>>, vector<32x32xf32>
    %dot_general3A_82 = arith.constant dense<0.000000e+00> : vector<4000x32xf32>
    %dot_general3A_83 = tpu.matmul %max3A_78, %get3A_81, %dot_general3A_82 {dimension_numbers = #tpu.dot_dimension_numbers<[1], [0], [0], [1], [0, 0, 1, 1], [], []>, transpose_lhs_hint = false} : vector<4000x32xf32>, vector<32x32xf32>, vector<4000x32xf32> -> vector<4000x32xf32>
    %get3A_84 = arith.constant 0 : index
    %get3A_85 = arith.constant 0 : index
    %get3A_86 = vector.load %arg14[%get3A_84, %get3A_85] : memref<1x32xf32, #tpu.memory_space<vmem>>, vector<1x32xf32>
    %add3A_87 = vector.broadcast %get3A_86 : vector<1x32xf32> to vector<4000x32xf32>
    %add3A_88 = arith.addf %dot_general3A_83, %add3A_87 : vector<4000x32xf32>
    %max3A_89 = arith.constant 0.000000e+00 : f32
    %max3A_90 = vector.broadcast %max3A_89 : f32 to vector<4000x32xf32>
    %max3A_91 = arith.maximumf %add3A_88, %max3A_90 : vector<4000x32xf32>
    %get3A_92 = arith.constant 0 : index
    %get3A_93 = arith.constant 0 : index
    %get3A_94 = vector.load %arg15[%get3A_92, %get3A_93] : memref<32x1xf32, #tpu.memory_space<vmem>>, vector<32x1xf32>
    %dot_general3A_95 = arith.constant dense<0.000000e+00> : vector<4000x1xf32>
    %dot_general3A_96 = tpu.matmul %max3A_91, %get3A_94, %dot_general3A_95 {dimension_numbers = #tpu.dot_dimension_numbers<[1], [0], [0], [1], [0, 0, 1, 1], [], []>, transpose_lhs_hint = false} : vector<4000x32xf32>, vector<32x1xf32>, vector<4000x1xf32> -> vector<4000x1xf32>
    %get3A_97 = arith.constant 0 : index
    %get3A_98 = arith.constant 0 : index
    %get3A_99 = vector.load %arg16[%get3A_97, %get3A_98] : memref<1x1xf32, #tpu.memory_space<vmem>>, vector<1x1xf32>
    %add3A_100 = vector.broadcast %get3A_99 : vector<1x1xf32> to vector<4000x1xf32>
    %add3A_101 = arith.addf %dot_general3A_96, %add3A_100 : vector<4000x1xf32>
    %eq3A = arith.constant 0 : i32
    %eq3A_102 = arith.cmpi eq, %arg0, %eq3A : i32
    %convert_element_type3A = arith.extui %eq3A_102 : i1 to i32
    %cond3A = arith.constant 0 : i32
    %cond3A_103 = arith.cmpi ne, %convert_element_type3A, %cond3A : i32
    scf.if %cond3A_103 {
      %broadcast_in_dim3A = arith.constant 0.000000e+00 : f32
      %broadcast_in_dim3A_136 = vector.broadcast %broadcast_in_dim3A : f32 to vector<1x1xf32>
      %swap3A_137 = arith.constant 0 : index
      %swap3A_138 = arith.constant 0 : index
      %swap3A_139 = vector.load %arg18[%swap3A_137, %swap3A_138] : memref<1x1xf32, #tpu.memory_space<vmem>>, vector<1x1xf32>
      tpu.vector_store %arg18[%swap3A_137, %swap3A_138], %broadcast_in_dim3A_136 {strides = array<i32>} : memref<1x1xf32, #tpu.memory_space<vmem>>, vector<1x1xf32>,
      %broadcast_in_dim3A_140 = arith.constant 0.000000e+00 : f32
      %broadcast_in_dim3A_141 = vector.broadcast %broadcast_in_dim3A_140 : f32 to vector<1x1xf32>
      %swap3A_142 = arith.constant 0 : index
      %swap3A_143 = arith.constant 0 : index
      %swap3A_144 = vector.load %arg19[%swap3A_142, %swap3A_143] : memref<1x1xf32, #tpu.memory_space<vmem>>, vector<1x1xf32>
      tpu.vector_store %arg19[%swap3A_142, %swap3A_143], %broadcast_in_dim3A_141 {strides = array<i32>} : memref<1x1xf32, #tpu.memory_space<vmem>>, vector<1x1xf32>,
    } else {
    }
    %sub3A = arith.subf %max3A_62, %get3A_1 : vector<4000x128xf32>
    %get3A_104 = arith.constant 0 : index
    %get3A_105 = arith.constant 0 : index
    %get3A_106 = vector.load %arg18[%get3A_104, %get3A_105] : memref<1x1xf32, #tpu.memory_space<vmem>>, vector<1x1xf32>
    %mul3A = arith.mulf %sub3A, %sub3A : vector<4000x128xf32>
    %reduce_sum3A = vector.shape_cast %mul3A : vector<4000x128xf32> to vector<1x4000x128xf32>
    %reduce_sum3A_107 = arith.constant dense<0.000000e+00> : vector<1xf32>
    %reduce_sum3A_108 = vector.multi_reduction <add>, %reduce_sum3A, %reduce_sum3A_107 [1, 2] : vector<1x4000x128xf32> to vector<1xf32>
    %reduce_sum3A_109 = vector.shape_cast %reduce_sum3A_108 : vector<1xf32> to vector<1x1x1xf32>
    %reduce_sum3A_110 = vector.extract %reduce_sum3A_109[0, 0, 0] : f32 from vector<1x1x1xf32>
    %add3A_111 = vector.broadcast %reduce_sum3A_110 : f32 to vector<1x1xf32>
    %add3A_112 = arith.addf %get3A_106, %add3A_111 : vector<1x1xf32>
    %swap3A_113 = arith.constant 0 : index
    %swap3A_114 = arith.constant 0 : index
    %swap3A_115 = vector.load %arg18[%swap3A_113, %swap3A_114] : memref<1x1xf32, #tpu.memory_space<vmem>>, vector<1x1xf32>
    tpu.vector_store %arg18[%swap3A_113, %swap3A_114], %add3A_112 {strides = array<i32>} : memref<1x1xf32, #tpu.memory_space<vmem>>, vector<1x1xf32>,
    %get3A_116 = arith.constant 0 : index
    %get3A_117 = arith.constant 0 : index
    %get3A_118 = vector.load %arg19[%get3A_116, %get3A_117] : memref<1x1xf32, #tpu.memory_space<vmem>>, vector<1x1xf32>
    %max3A_119 = arith.constant 0.000000e+00 : f32
    %max3A_120 = vector.broadcast %max3A_119 : f32 to vector<4000x1xf32>
    %max3A_121 = arith.maximumf %add3A_101, %max3A_120 : vector<4000x1xf32>
    %abs3A = math.absf %add3A_101 : vector<4000x1xf32>
    %neg3A = arith.constant 0.000000e+00 : f32
    %neg3A_122 = vector.broadcast %neg3A : f32 to vector<4000x1xf32>
    %neg3A_123 = arith.subf %neg3A_122, %abs3A : vector<4000x1xf32>
    %exp3A = math.exp %neg3A_123 : vector<4000x1xf32>
    %log1p3A = math.log1p %exp3A : vector<4000x1xf32>
    %add3A_124 = arith.addf %max3A_121, %log1p3A : vector<4000x1xf32>
    %sub3A_125 = arith.subf %add3A_124, %add3A_101 : vector<4000x1xf32>
    %reduce_sum3A_126 = vector.shape_cast %sub3A_125 : vector<4000x1xf32> to vector<1x4000x1xf32>
    %reduce_sum3A_127 = arith.constant dense<0.000000e+00> : vector<1xf32>
    %reduce_sum3A_128 = vector.multi_reduction <add>, %reduce_sum3A_126, %reduce_sum3A_127 [1, 2] : vector<1x4000x1xf32> to vector<1xf32>
    %reduce_sum3A_129 = vector.shape_cast %reduce_sum3A_128 : vector<1xf32> to vector<1x1x1xf32>
    %reduce_sum3A_130 = vector.extract %reduce_sum3A_129[0, 0, 0] : f32 from vector<1x1x1xf32>
    %add3A_131 = vector.broadcast %reduce_sum3A_130 : f32 to vector<1x1xf32>
    %add3A_132 = arith.addf %get3A_118, %add3A_131 : vector<1x1xf32>
    %swap3A_133 = arith.constant 0 : index
    %swap3A_134 = arith.constant 0 : index
    %swap3A_135 = vector.load %arg19[%swap3A_133, %swap3A_134] : memref<1x1xf32, #tpu.memory_space<vmem>>, vector<1x1xf32>
    tpu.vector_store %arg19[%swap3A_133, %swap3A_134], %add3A_132 {strides = array<i32>} : memref<1x1xf32, #tpu.memory_space<vmem>>, vector<1x1xf32>,
    return
  }
  func.func @transform_0(%arg0: i32) -> (i32, i32) {
    %c0_i32 = arith.constant 0 : i32
    %c0_i32_0 = arith.constant 0 : i32
    return %arg0, %c0_i32 : i32, i32
  }
  func.func @transform_1(%arg0: i32) -> (i32, i32) {
    %c0_i32 = arith.constant 0 : i32
    %c0_i32_0 = arith.constant 0 : i32
    return %arg0, %c0_i32 : i32, i32
  }
  func.func @transform_2(%arg0: i32) -> (i32, i32) {
    %c0_i32 = arith.constant 0 : i32
    %c0_i32_0 = arith.constant 0 : i32
    %c0_i32_1 = arith.constant 0 : i32
    return %c0_i32, %c0_i32_0 : i32, i32
  }
  func.func @transform_3(%arg0: i32) -> (i32, i32) {
    %c0_i32 = arith.constant 0 : i32
    %c0_i32_0 = arith.constant 0 : i32
    %c0_i32_1 = arith.constant 0 : i32
    return %c0_i32, %c0_i32_0 : i32, i32
  }
  func.func @transform_4(%arg0: i32) -> (i32, i32) {
    %c0_i32 = arith.constant 0 : i32
    %c0_i32_0 = arith.constant 0 : i32
    %c0_i32_1 = arith.constant 0 : i32
    return %c0_i32, %c0_i32_0 : i32, i32
  }
  func.func @transform_5(%arg0: i32) -> (i32, i32) {
    %c0_i32 = arith.constant 0 : i32
    %c0_i32_0 = arith.constant 0 : i32
    %c0_i32_1 = arith.constant 0 : i32
    return %c0_i32, %c0_i32_0 : i32, i32
  }
  func.func @transform_6(%arg0: i32) -> (i32, i32) {
    %c0_i32 = arith.constant 0 : i32
    %c0_i32_0 = arith.constant 0 : i32
    %c0_i32_1 = arith.constant 0 : i32
    return %c0_i32, %c0_i32_0 : i32, i32
  }
  func.func @transform_7(%arg0: i32) -> (i32, i32) {
    %c0_i32 = arith.constant 0 : i32
    %c0_i32_0 = arith.constant 0 : i32
    %c0_i32_1 = arith.constant 0 : i32
    return %c0_i32, %c0_i32_0 : i32, i32
  }
  func.func @transform_8(%arg0: i32) -> (i32, i32) {
    %c0_i32 = arith.constant 0 : i32
    %c0_i32_0 = arith.constant 0 : i32
    %c0_i32_1 = arith.constant 0 : i32
    return %c0_i32, %c0_i32_0 : i32, i32
  }
  func.func @transform_9(%arg0: i32) -> (i32, i32) {
    %c0_i32 = arith.constant 0 : i32
    %c0_i32_0 = arith.constant 0 : i32
    %c0_i32_1 = arith.constant 0 : i32
    return %c0_i32, %c0_i32_0 : i32, i32
  }
  func.func @transform_10(%arg0: i32) -> (i32, i32) {
    %c0_i32 = arith.constant 0 : i32
    %c0_i32_0 = arith.constant 0 : i32
    %c0_i32_1 = arith.constant 0 : i32
    return %c0_i32, %c0_i32_0 : i32, i32
  }
  func.func @transform_11(%arg0: i32) -> (i32, i32) {
    %c0_i32 = arith.constant 0 : i32
    %c0_i32_0 = arith.constant 0 : i32
    %c0_i32_1 = arith.constant 0 : i32
    return %c0_i32, %c0_i32_0 : i32, i32
  }
  func.func @transform_12(%arg0: i32) -> (i32, i32) {
    %c0_i32 = arith.constant 0 : i32
    %c0_i32_0 = arith.constant 0 : i32
    %c0_i32_1 = arith.constant 0 : i32
    return %c0_i32, %c0_i32_0 : i32, i32
  }
  func.func @transform_13(%arg0: i32) -> (i32, i32) {
    %c0_i32 = arith.constant 0 : i32
    %c0_i32_0 = arith.constant 0 : i32
    %c0_i32_1 = arith.constant 0 : i32
    return %c0_i32, %c0_i32_0 : i32, i32
  }
  func.func @transform_14(%arg0: i32) -> (i32, i32) {
    %c0_i32 = arith.constant 0 : i32
    %c0_i32_0 = arith.constant 0 : i32
    %c0_i32_1 = arith.constant 0 : i32
    return %c0_i32, %c0_i32_0 : i32, i32
  }
  func.func @transform_15(%arg0: i32) -> (i32, i32) {
    %c0_i32 = arith.constant 0 : i32
    %c0_i32_0 = arith.constant 0 : i32
    %c0_i32_1 = arith.constant 0 : i32
    return %c0_i32, %c0_i32_0 : i32, i32
  }
  func.func @transform_16(%arg0: i32) -> (i32, i32, i32) {
    %c0_i32 = arith.constant 0 : i32
    %c0_i32_0 = arith.constant 0 : i32
    %c0_i32_1 = arith.constant 0 : i32
    return %c0_i32, %arg0, %c0_i32_0 : i32, i32, i32
  }
  func.func @transform_17(%arg0: i32) -> (i32, i32) {
    %c0_i32 = arith.constant 0 : i32
    %c0_i32_0 = arith.constant 0 : i32
    %c0_i32_1 = arith.constant 0 : i32
    return %c0_i32, %c0_i32_0 : i32, i32
  }
  func.func @transform_18(%arg0: i32) -> (i32, i32) {
    %c0_i32 = arith.constant 0 : i32
    %c0_i32_0 = arith.constant 0 : i32
    %c0_i32_1 = arith.constant 0 : i32
    return %c0_i32, %c0_i32_0 : i32, i32
  }
}

module attributes {stable_mosaic.version = 14 : i64} {
  func.func @_gin1_body(%arg0: i32, %arg1: memref<1x4000x16xf32, #tpu.memory_space<vmem>>, %arg2: memref<1x4000x16xf32, #tpu.memory_space<vmem>>, %arg3: memref<1x4000x16xf32, #tpu.memory_space<vmem>>, %arg4: memref<1x4000x16xf32, #tpu.memory_space<vmem>>, %arg5: memref<1x1xf32, #tpu.memory_space<vmem>>, %arg6: memref<32x32xf32, #tpu.memory_space<vmem>>, %arg7: memref<1x32xf32, #tpu.memory_space<vmem>>, %arg8: memref<4000x32xf32, #tpu.memory_space<vmem>>, %arg9: memref<1x32xf32, #tpu.memory_space<vmem>>, %arg10: memref<1x32xf32, #tpu.memory_space<vmem>>) attributes {dimension_semantics = [#tpu.dimension_semantics<arbitrary>], iteration_bounds = array<i64: 25>, scalar_prefetch = 0 : i64, scratch_operands = 0 : i64, tpu.core_type = #tpu.core_type<tc>, window_params = [{transform_indices = @transform_0, window_bounds = array<i64: 1, 4000, 16>}, {transform_indices = @transform_1, window_bounds = array<i64: 1, 4000, 16>}, {transform_indices = @transform_2, window_bounds = array<i64: 1, 4000, 16>}, {transform_indices = @transform_3, window_bounds = array<i64: 1, 4000, 16>}, {pipeline_mode = #tpu.pipeline_mode<synchronous>, transform_indices = @transform_4, window_bounds = array<i64: 1, 1>}, {pipeline_mode = #tpu.pipeline_mode<synchronous>, transform_indices = @transform_5, window_bounds = array<i64: 32, 32>}, {pipeline_mode = #tpu.pipeline_mode<synchronous>, transform_indices = @transform_6, window_bounds = array<i64: 1, 32>}, {transform_indices = @transform_7, window_bounds = array<i64: 4000, 32>}, {pipeline_mode = #tpu.pipeline_mode<synchronous>, transform_indices = @transform_8, window_bounds = array<i64: 1, 32>}, {pipeline_mode = #tpu.pipeline_mode<synchronous>, transform_indices = @transform_9, window_bounds = array<i64: 1, 32>}]} {
    %get3A = arith.constant 0 : index
    %get3A_0 = arith.constant 0 : index
    %get3A_1 = vector.load %arg5[%get3A, %get3A_0] : memref<1x1xf32, #tpu.memory_space<vmem>>, vector<1x1xf32>
    %get3A_2 = vector.extract %get3A_1[0, 0] : f32 from vector<1x1xf32>
    %add3A = arith.constant 1.000000e+00 : f32
    %add3A_3 = arith.addf %add3A, %get3A_2 : f32
    %get3A_4 = arith.constant 0 : index
    %get3A_5 = arith.constant 0 : index
    %get3A_6 = arith.constant 0 : index
    %get3A_7 = vector.load %arg1[%get3A_4, %get3A_5, %get3A_6] : memref<1x4000x16xf32, #tpu.memory_space<vmem>>, vector<1x4000x16xf32>
    %get3A_8 = vector.shape_cast %get3A_7 : vector<1x4000x16xf32> to vector<4000x16xf32>
    %mul3A = vector.broadcast %add3A_3 : f32 to vector<4000x16xf32>
    %mul3A_9 = arith.mulf %mul3A, %get3A_8 : vector<4000x16xf32>
    %get3A_10 = arith.constant 0 : index
    %get3A_11 = arith.constant 0 : index
    %get3A_12 = arith.constant 0 : index
    %get3A_13 = vector.load %arg3[%get3A_10, %get3A_11, %get3A_12] : memref<1x4000x16xf32, #tpu.memory_space<vmem>>, vector<1x4000x16xf32>
    %get3A_14 = vector.shape_cast %get3A_13 : vector<1x4000x16xf32> to vector<4000x16xf32>
    %add3A_15 = arith.addf %mul3A_9, %get3A_14 : vector<4000x16xf32>
    %get3A_16 = arith.constant 0 : index
    %get3A_17 = arith.constant 0 : index
    %get3A_18 = arith.constant 0 : index
    %get3A_19 = vector.load %arg2[%get3A_16, %get3A_17, %get3A_18] : memref<1x4000x16xf32, #tpu.memory_space<vmem>>, vector<1x4000x16xf32>
    %get3A_20 = vector.shape_cast %get3A_19 : vector<1x4000x16xf32> to vector<4000x16xf32>
    %mul3A_21 = vector.broadcast %add3A_3 : f32 to vector<4000x16xf32>
    %mul3A_22 = arith.mulf %mul3A_21, %get3A_20 : vector<4000x16xf32>
    %get3A_23 = arith.constant 0 : index
    %get3A_24 = arith.constant 0 : index
    %get3A_25 = arith.constant 0 : index
    %get3A_26 = vector.load %arg4[%get3A_23, %get3A_24, %get3A_25] : memref<1x4000x16xf32, #tpu.memory_space<vmem>>, vector<1x4000x16xf32>
    %get3A_27 = vector.shape_cast %get3A_26 : vector<1x4000x16xf32> to vector<4000x16xf32>
    %add3A_28 = arith.addf %mul3A_22, %get3A_27 : vector<4000x16xf32>
    %concatenate3A = tpu.concatenate %add3A_15, %add3A_28 in 1 : vector<4000x16xf32>, vector<4000x16xf32> -> vector<4000x32xf32>
    %get3A_29 = arith.constant 0 : index
    %get3A_30 = arith.constant 0 : index
    %get3A_31 = vector.load %arg6[%get3A_29, %get3A_30] : memref<32x32xf32, #tpu.memory_space<vmem>>, vector<32x32xf32>
    %dot_general3A = arith.constant dense<0.000000e+00> : vector<4000x32xf32>
    %dot_general3A_32 = tpu.matmul %concatenate3A, %get3A_31, %dot_general3A {dimension_numbers = #tpu.dot_dimension_numbers<[1], [0], [0], [1], [0, 0, 1, 1], [], []>, transpose_lhs_hint = false} : vector<4000x32xf32>, vector<32x32xf32>, vector<4000x32xf32> -> vector<4000x32xf32>
    %get3A_33 = arith.constant 0 : index
    %get3A_34 = arith.constant 0 : index
    %get3A_35 = vector.load %arg7[%get3A_33, %get3A_34] : memref<1x32xf32, #tpu.memory_space<vmem>>, vector<1x32xf32>
    %add3A_36 = vector.broadcast %get3A_35 : vector<1x32xf32> to vector<4000x32xf32>
    %add3A_37 = arith.addf %dot_general3A_32, %add3A_36 : vector<4000x32xf32>
    %swap3A = arith.constant 0 : index
    %swap3A_38 = arith.constant 0 : index
    %swap3A_39 = vector.load %arg8[%swap3A, %swap3A_38] : memref<4000x32xf32, #tpu.memory_space<vmem>>, vector<4000x32xf32>
    tpu.vector_store %arg8[%swap3A, %swap3A_38], %add3A_37 {strides = array<i32>} : memref<4000x32xf32, #tpu.memory_space<vmem>>, vector<4000x32xf32>,
    %eq3A = arith.constant 0 : i32
    %eq3A_40 = arith.cmpi eq, %arg0, %eq3A : i32
    %convert_element_type3A = arith.extui %eq3A_40 : i1 to i32
    %cond3A = arith.constant 0 : i32
    %cond3A_41 = arith.cmpi ne, %convert_element_type3A, %cond3A : i32
    scf.if %cond3A_41 {
      %broadcast_in_dim3A_61 = arith.constant 0.000000e+00 : f32
      %broadcast_in_dim3A_62 = vector.broadcast %broadcast_in_dim3A_61 : f32 to vector<1x32xf32>
      %swap3A_63 = arith.constant 0 : index
      %swap3A_64 = arith.constant 0 : index
      %swap3A_65 = vector.load %arg9[%swap3A_63, %swap3A_64] : memref<1x32xf32, #tpu.memory_space<vmem>>, vector<1x32xf32>
      tpu.vector_store %arg9[%swap3A_63, %swap3A_64], %broadcast_in_dim3A_62 {strides = array<i32>} : memref<1x32xf32, #tpu.memory_space<vmem>>, vector<1x32xf32>,
      %broadcast_in_dim3A_66 = arith.constant 0.000000e+00 : f32
      %broadcast_in_dim3A_67 = vector.broadcast %broadcast_in_dim3A_66 : f32 to vector<1x32xf32>
      %swap3A_68 = arith.constant 0 : index
      %swap3A_69 = arith.constant 0 : index
      %swap3A_70 = vector.load %arg10[%swap3A_68, %swap3A_69] : memref<1x32xf32, #tpu.memory_space<vmem>>, vector<1x32xf32>
      tpu.vector_store %arg10[%swap3A_68, %swap3A_69], %broadcast_in_dim3A_67 {strides = array<i32>} : memref<1x32xf32, #tpu.memory_space<vmem>>, vector<1x32xf32>,
    } else {
    }
    %get3A_42 = arith.constant 0 : index
    %get3A_43 = arith.constant 0 : index
    %get3A_44 = vector.load %arg9[%get3A_42, %get3A_43] : memref<1x32xf32, #tpu.memory_space<vmem>>, vector<1x32xf32>
    %reduce_sum3A = arith.constant dense<0.000000e+00> : vector<32xf32>
    %reduce_sum3A_45 = vector.multi_reduction <add>, %add3A_37, %reduce_sum3A [0] : vector<4000x32xf32> to vector<32xf32>
    %broadcast_in_dim3A = vector.shape_cast %reduce_sum3A_45 : vector<32xf32> to vector<1x32xf32>
    %add3A_46 = arith.addf %get3A_44, %broadcast_in_dim3A : vector<1x32xf32>
    %swap3A_47 = arith.constant 0 : index
    %swap3A_48 = arith.constant 0 : index
    %swap3A_49 = vector.load %arg9[%swap3A_47, %swap3A_48] : memref<1x32xf32, #tpu.memory_space<vmem>>, vector<1x32xf32>
    tpu.vector_store %arg9[%swap3A_47, %swap3A_48], %add3A_46 {strides = array<i32>} : memref<1x32xf32, #tpu.memory_space<vmem>>, vector<1x32xf32>,
    %get3A_50 = arith.constant 0 : index
    %get3A_51 = arith.constant 0 : index
    %get3A_52 = vector.load %arg10[%get3A_50, %get3A_51] : memref<1x32xf32, #tpu.memory_space<vmem>>, vector<1x32xf32>
    %mul3A_53 = arith.mulf %add3A_37, %add3A_37 : vector<4000x32xf32>
    %reduce_sum3A_54 = arith.constant dense<0.000000e+00> : vector<32xf32>
    %reduce_sum3A_55 = vector.multi_reduction <add>, %mul3A_53, %reduce_sum3A_54 [0] : vector<4000x32xf32> to vector<32xf32>
    %broadcast_in_dim3A_56 = vector.shape_cast %reduce_sum3A_55 : vector<32xf32> to vector<1x32xf32>
    %add3A_57 = arith.addf %get3A_52, %broadcast_in_dim3A_56 : vector<1x32xf32>
    %swap3A_58 = arith.constant 0 : index
    %swap3A_59 = arith.constant 0 : index
    %swap3A_60 = vector.load %arg10[%swap3A_58, %swap3A_59] : memref<1x32xf32, #tpu.memory_space<vmem>>, vector<1x32xf32>
    tpu.vector_store %arg10[%swap3A_58, %swap3A_59], %add3A_57 {strides = array<i32>} : memref<1x32xf32, #tpu.memory_space<vmem>>, vector<1x32xf32>,
    return
  }
  func.func @transform_0(%arg0: i32) -> (i32, i32, i32) {
    %c0_i32 = arith.constant 0 : i32
    %c0_i32_0 = arith.constant 0 : i32
    %c0_i32_1 = arith.constant 0 : i32
    return %c0_i32, %arg0, %c0_i32_0 : i32, i32, i32
  }
  func.func @transform_1(%arg0: i32) -> (i32, i32, i32) {
    %c1_i32 = arith.constant 1 : i32
    %c0_i32 = arith.constant 0 : i32
    %c0_i32_0 = arith.constant 0 : i32
    return %c1_i32, %arg0, %c0_i32 : i32, i32, i32
  }
  func.func @transform_2(%arg0: i32) -> (i32, i32, i32) {
    %c0_i32 = arith.constant 0 : i32
    %c0_i32_0 = arith.constant 0 : i32
    %c0_i32_1 = arith.constant 0 : i32
    return %c0_i32, %arg0, %c0_i32_0 : i32, i32, i32
  }
  func.func @transform_3(%arg0: i32) -> (i32, i32, i32) {
    %c1_i32 = arith.constant 1 : i32
    %c0_i32 = arith.constant 0 : i32
    %c0_i32_0 = arith.constant 0 : i32
    return %c1_i32, %arg0, %c0_i32 : i32, i32, i32
  }
  func.func @transform_4(%arg0: i32) -> (i32, i32) {
    %c0_i32 = arith.constant 0 : i32
    %c0_i32_0 = arith.constant 0 : i32
    %c0_i32_1 = arith.constant 0 : i32
    return %c0_i32, %c0_i32_0 : i32, i32
  }
  func.func @transform_5(%arg0: i32) -> (i32, i32) {
    %c0_i32 = arith.constant 0 : i32
    %c0_i32_0 = arith.constant 0 : i32
    %c0_i32_1 = arith.constant 0 : i32
    return %c0_i32, %c0_i32_0 : i32, i32
  }
  func.func @transform_6(%arg0: i32) -> (i32, i32) {
    %c0_i32 = arith.constant 0 : i32
    %c0_i32_0 = arith.constant 0 : i32
    %c0_i32_1 = arith.constant 0 : i32
    return %c0_i32, %c0_i32_0 : i32, i32
  }
  func.func @transform_7(%arg0: i32) -> (i32, i32) {
    %c0_i32 = arith.constant 0 : i32
    %c0_i32_0 = arith.constant 0 : i32
    return %arg0, %c0_i32 : i32, i32
  }
  func.func @transform_8(%arg0: i32) -> (i32, i32) {
    %c0_i32 = arith.constant 0 : i32
    %c0_i32_0 = arith.constant 0 : i32
    %c0_i32_1 = arith.constant 0 : i32
    return %c0_i32, %c0_i32_0 : i32, i32
  }
  func.func @transform_9(%arg0: i32) -> (i32, i32) {
    %c0_i32 = arith.constant 0 : i32
    %c0_i32_0 = arith.constant 0 : i32
    %c0_i32_1 = arith.constant 0 : i32
    return %c0_i32, %c0_i32_0 : i32, i32
  }
}

module attributes {stable_mosaic.version = 14 : i64} {
  func.func @_gin2_body(%arg0: i32, %arg1: memref<4000x32xf32, #tpu.memory_space<vmem>>, %arg2: memref<1x32xf32, #tpu.memory_space<vmem>>, %arg3: memref<1x32xf32, #tpu.memory_space<vmem>>, %arg4: memref<1x32xf32, #tpu.memory_space<vmem>>, %arg5: memref<1x32xf32, #tpu.memory_space<vmem>>, %arg6: memref<32x32xf32, #tpu.memory_space<vmem>>, %arg7: memref<1x32xf32, #tpu.memory_space<vmem>>, %arg8: memref<2x4000x16xf32, #tpu.memory_space<vmem>>) attributes {dimension_semantics = [#tpu.dimension_semantics<arbitrary>], iteration_bounds = array<i64: 25>, scalar_prefetch = 0 : i64, scratch_operands = 0 : i64, tpu.core_type = #tpu.core_type<tc>, window_params = [{transform_indices = @transform_0, window_bounds = array<i64: 4000, 32>}, {pipeline_mode = #tpu.pipeline_mode<synchronous>, transform_indices = @transform_1, window_bounds = array<i64: 1, 32>}, {pipeline_mode = #tpu.pipeline_mode<synchronous>, transform_indices = @transform_2, window_bounds = array<i64: 1, 32>}, {pipeline_mode = #tpu.pipeline_mode<synchronous>, transform_indices = @transform_3, window_bounds = array<i64: 1, 32>}, {pipeline_mode = #tpu.pipeline_mode<synchronous>, transform_indices = @transform_4, window_bounds = array<i64: 1, 32>}, {pipeline_mode = #tpu.pipeline_mode<synchronous>, transform_indices = @transform_5, window_bounds = array<i64: 32, 32>}, {pipeline_mode = #tpu.pipeline_mode<synchronous>, transform_indices = @transform_6, window_bounds = array<i64: 1, 32>}, {transform_indices = @transform_7, window_bounds = array<i64: 2, 4000, 16>}]} {
    %get3A = arith.constant 0 : index
    %get3A_0 = arith.constant 0 : index
    %get3A_1 = vector.load %arg2[%get3A, %get3A_0] : memref<1x32xf32, #tpu.memory_space<vmem>>, vector<1x32xf32>
    %mul3A = arith.constant 9.99999974E-6 : f32
    %mul3A_2 = vector.broadcast %mul3A : f32 to vector<1x32xf32>
    %mul3A_3 = arith.mulf %get3A_1, %mul3A_2 : vector<1x32xf32>
    %get3A_4 = arith.constant 0 : index
    %get3A_5 = arith.constant 0 : index
    %get3A_6 = vector.load %arg3[%get3A_4, %get3A_5] : memref<1x32xf32, #tpu.memory_space<vmem>>, vector<1x32xf32>
    %mul3A_7 = arith.constant 9.99999974E-6 : f32
    %mul3A_8 = vector.broadcast %mul3A_7 : f32 to vector<1x32xf32>
    %mul3A_9 = arith.mulf %get3A_6, %mul3A_8 : vector<1x32xf32>
    %mul3A_10 = arith.mulf %mul3A_3, %mul3A_3 : vector<1x32xf32>
    %sub3A = arith.subf %mul3A_9, %mul3A_10 : vector<1x32xf32>
    %add3A = arith.constant 9.99999974E-6 : f32
    %add3A_11 = vector.broadcast %add3A : f32 to vector<1x32xf32>
    %add3A_12 = arith.addf %sub3A, %add3A_11 : vector<1x32xf32>
    %rsqrt3A = math.rsqrt %add3A_12 : vector<1x32xf32>
    %get3A_13 = arith.constant 0 : index
    %get3A_14 = arith.constant 0 : index
    %get3A_15 = vector.load %arg4[%get3A_13, %get3A_14] : memref<1x32xf32, #tpu.memory_space<vmem>>, vector<1x32xf32>
    %mul3A_16 = arith.mulf %rsqrt3A, %get3A_15 : vector<1x32xf32>
    %get3A_17 = arith.constant 0 : index
    %get3A_18 = arith.constant 0 : index
    %get3A_19 = vector.load %arg1[%get3A_17, %get3A_18] : memref<4000x32xf32, #tpu.memory_space<vmem>>, vector<4000x32xf32>
    %sub3A_20 = vector.broadcast %mul3A_3 : vector<1x32xf32> to vector<4000x32xf32>
    %sub3A_21 = arith.subf %get3A_19, %sub3A_20 : vector<4000x32xf32>
    %mul3A_22 = vector.broadcast %mul3A_16 : vector<1x32xf32> to vector<4000x32xf32>
    %mul3A_23 = arith.mulf %sub3A_21, %mul3A_22 : vector<4000x32xf32>
    %get3A_24 = arith.constant 0 : index
    %get3A_25 = arith.constant 0 : index
    %get3A_26 = vector.load %arg5[%get3A_24, %get3A_25] : memref<1x32xf32, #tpu.memory_space<vmem>>, vector<1x32xf32>
    %add3A_27 = vector.broadcast %get3A_26 : vector<1x32xf32> to vector<4000x32xf32>
    %add3A_28 = arith.addf %mul3A_23, %add3A_27 : vector<4000x32xf32>
    %max3A = arith.constant 0.000000e+00 : f32
    %max3A_29 = vector.broadcast %max3A : f32 to vector<4000x32xf32>
    %max3A_30 = arith.maximumf %add3A_28, %max3A_29 : vector<4000x32xf32>
    %get3A_31 = arith.constant 0 : index
    %get3A_32 = arith.constant 0 : index
    %get3A_33 = vector.load %arg6[%get3A_31, %get3A_32] : memref<32x32xf32, #tpu.memory_space<vmem>>, vector<32x32xf32>
    %dot_general3A = arith.constant dense<0.000000e+00> : vector<4000x32xf32>
    %dot_general3A_34 = tpu.matmul %max3A_30, %get3A_33, %dot_general3A {dimension_numbers = #tpu.dot_dimension_numbers<[1], [0], [0], [1], [0, 0, 1, 1], [], []>, transpose_lhs_hint = false} : vector<4000x32xf32>, vector<32x32xf32>, vector<4000x32xf32> -> vector<4000x32xf32>
    %get3A_35 = arith.constant 0 : index
    %get3A_36 = arith.constant 0 : index
    %get3A_37 = vector.load %arg7[%get3A_35, %get3A_36] : memref<1x32xf32, #tpu.memory_space<vmem>>, vector<1x32xf32>
    %add3A_38 = vector.broadcast %get3A_37 : vector<1x32xf32> to vector<4000x32xf32>
    %add3A_39 = arith.addf %dot_general3A_34, %add3A_38 : vector<4000x32xf32>
    %slice3A = vector.extract_strided_slice %add3A_39 {offsets = [0, 0], sizes = [4000, 16], strides = [1, 1]} : vector<4000x32xf32> to vector<4000x16xf32>
    %swap3A = arith.constant 0 : index
    %swap3A_40 = arith.constant 0 : index
    %swap3A_41 = arith.constant 0 : index
    %swap3A_42 = vector.load %arg8[%swap3A, %swap3A_40, %swap3A_41] : memref<2x4000x16xf32, #tpu.memory_space<vmem>>, vector<1x4000x16xf32>
    %swap3A_43 = vector.shape_cast %swap3A_42 : vector<1x4000x16xf32> to vector<4000x16xf32>
    %swap3A_44 = vector.shape_cast %slice3A : vector<4000x16xf32> to vector<1x4000x16xf32>
    tpu.vector_store %arg8[%swap3A, %swap3A_40, %swap3A_41], %swap3A_44 {strides = array<i32>} : memref<2x4000x16xf32, #tpu.memory_space<vmem>>, vector<1x4000x16xf32>,
    %slice3A_45 = vector.extract_strided_slice %add3A_39 {offsets = [0, 16], sizes = [4000, 16], strides = [1, 1]} : vector<4000x32xf32> to vector<4000x16xf32>
    %swap3A_46 = arith.constant 1 : index
    %swap3A_47 = arith.constant 0 : index
    %swap3A_48 = arith.constant 0 : index
    %swap3A_49 = vector.load %arg8[%swap3A_46, %swap3A_47, %swap3A_48] : memref<2x4000x16xf32, #tpu.memory_space<vmem>>, vector<1x4000x16xf32>
    %swap3A_50 = vector.shape_cast %swap3A_49 : vector<1x4000x16xf32> to vector<4000x16xf32>
    %swap3A_51 = vector.shape_cast %slice3A_45 : vector<4000x16xf32> to vector<1x4000x16xf32>
    tpu.vector_store %arg8[%swap3A_46, %swap3A_47, %swap3A_48], %swap3A_51 {strides = array<i32>} : memref<2x4000x16xf32, #tpu.memory_space<vmem>>, vector<1x4000x16xf32>,
    return
  }
  func.func @transform_0(%arg0: i32) -> (i32, i32) {
    %c0_i32 = arith.constant 0 : i32
    %c0_i32_0 = arith.constant 0 : i32
    return %arg0, %c0_i32 : i32, i32
  }
  func.func @transform_1(%arg0: i32) -> (i32, i32) {
    %c0_i32 = arith.constant 0 : i32
    %c0_i32_0 = arith.constant 0 : i32
    %c0_i32_1 = arith.constant 0 : i32
    return %c0_i32, %c0_i32_0 : i32, i32
  }
  func.func @transform_2(%arg0: i32) -> (i32, i32) {
    %c0_i32 = arith.constant 0 : i32
    %c0_i32_0 = arith.constant 0 : i32
    %c0_i32_1 = arith.constant 0 : i32
    return %c0_i32, %c0_i32_0 : i32, i32
  }
  func.func @transform_3(%arg0: i32) -> (i32, i32) {
    %c0_i32 = arith.constant 0 : i32
    %c0_i32_0 = arith.constant 0 : i32
    %c0_i32_1 = arith.constant 0 : i32
    return %c0_i32, %c0_i32_0 : i32, i32
  }
  func.func @transform_4(%arg0: i32) -> (i32, i32) {
    %c0_i32 = arith.constant 0 : i32
    %c0_i32_0 = arith.constant 0 : i32
    %c0_i32_1 = arith.constant 0 : i32
    return %c0_i32, %c0_i32_0 : i32, i32
  }
  func.func @transform_5(%arg0: i32) -> (i32, i32) {
    %c0_i32 = arith.constant 0 : i32
    %c0_i32_0 = arith.constant 0 : i32
    %c0_i32_1 = arith.constant 0 : i32
    return %c0_i32, %c0_i32_0 : i32, i32
  }
  func.func @transform_6(%arg0: i32) -> (i32, i32) {
    %c0_i32 = arith.constant 0 : i32
    %c0_i32_0 = arith.constant 0 : i32
    %c0_i32_1 = arith.constant 0 : i32
    return %c0_i32, %c0_i32_0 : i32, i32
  }
  func.func @transform_7(%arg0: i32) -> (i32, i32, i32) {
    %c0_i32 = arith.constant 0 : i32
    %c0_i32_0 = arith.constant 0 : i32
    %c0_i32_1 = arith.constant 0 : i32
    return %c0_i32, %arg0, %c0_i32_0 : i32, i32, i32
  }
}

module attributes {stable_mosaic.version = 14 : i64} {
  func.func @_gin2d_body(%arg0: i32, %arg1: memref<4000x32xf32, #tpu.memory_space<vmem>>, %arg2: memref<1x32xf32, #tpu.memory_space<vmem>>, %arg3: memref<1x32xf32, #tpu.memory_space<vmem>>, %arg4: memref<1x32xf32, #tpu.memory_space<vmem>>, %arg5: memref<1x32xf32, #tpu.memory_space<vmem>>, %arg6: memref<32x32xf32, #tpu.memory_space<vmem>>, %arg7: memref<1x32xf32, #tpu.memory_space<vmem>>, %arg8: memref<32x32xf32, #tpu.memory_space<vmem>>, %arg9: memref<1x32xf32, #tpu.memory_space<vmem>>, %arg10: memref<32x32xf32, #tpu.memory_space<vmem>>, %arg11: memref<1x32xf32, #tpu.memory_space<vmem>>, %arg12: memref<32x1xf32, #tpu.memory_space<vmem>>, %arg13: memref<1x1xf32, #tpu.memory_space<vmem>>, %arg14: memref<1x1xf32, #tpu.memory_space<vmem>>, %arg15: memref<1x1xf32, #tpu.memory_space<vmem>>) attributes {dimension_semantics = [#tpu.dimension_semantics<arbitrary>], iteration_bounds = array<i64: 25>, scalar_prefetch = 0 : i64, scratch_operands = 0 : i64, tpu.core_type = #tpu.core_type<tc>, window_params = [{transform_indices = @transform_0, window_bounds = array<i64: 4000, 32>}, {pipeline_mode = #tpu.pipeline_mode<synchronous>, transform_indices = @transform_1, window_bounds = array<i64: 1, 32>}, {pipeline_mode = #tpu.pipeline_mode<synchronous>, transform_indices = @transform_2, window_bounds = array<i64: 1, 32>}, {pipeline_mode = #tpu.pipeline_mode<synchronous>, transform_indices = @transform_3, window_bounds = array<i64: 1, 32>}, {pipeline_mode = #tpu.pipeline_mode<synchronous>, transform_indices = @transform_4, window_bounds = array<i64: 1, 32>}, {pipeline_mode = #tpu.pipeline_mode<synchronous>, transform_indices = @transform_5, window_bounds = array<i64: 32, 32>}, {pipeline_mode = #tpu.pipeline_mode<synchronous>, transform_indices = @transform_6, window_bounds = array<i64: 1, 32>}, {pipeline_mode = #tpu.pipeline_mode<synchronous>, transform_indices = @transform_7, window_bounds = array<i64: 32, 32>}, {pipeline_mode = #tpu.pipeline_mode<synchronous>, transform_indices = @transform_8, window_bounds = array<i64: 1, 32>}, {pipeline_mode = #tpu.pipeline_mode<synchronous>, transform_indices = @transform_9, window_bounds = array<i64: 32, 32>}, {pipeline_mode = #tpu.pipeline_mode<synchronous>, transform_indices = @transform_10, window_bounds = array<i64: 1, 32>}, {pipeline_mode = #tpu.pipeline_mode<synchronous>, transform_indices = @transform_11, window_bounds = array<i64: 32, 1>}, {pipeline_mode = #tpu.pipeline_mode<synchronous>, transform_indices = @transform_12, window_bounds = array<i64: 1, 1>}, {pipeline_mode = #tpu.pipeline_mode<synchronous>, transform_indices = @transform_13, window_bounds = array<i64: 1, 1>}, {pipeline_mode = #tpu.pipeline_mode<synchronous>, transform_indices = @transform_14, window_bounds = array<i64: 1, 1>}]} {
    %get3A = arith.constant 0 : index
    %get3A_0 = arith.constant 0 : index
    %get3A_1 = vector.load %arg2[%get3A, %get3A_0] : memref<1x32xf32, #tpu.memory_space<vmem>>, vector<1x32xf32>
    %mul3A = arith.constant 9.99999974E-6 : f32
    %mul3A_2 = vector.broadcast %mul3A : f32 to vector<1x32xf32>
    %mul3A_3 = arith.mulf %get3A_1, %mul3A_2 : vector<1x32xf32>
    %get3A_4 = arith.constant 0 : index
    %get3A_5 = arith.constant 0 : index
    %get3A_6 = vector.load %arg3[%get3A_4, %get3A_5] : memref<1x32xf32, #tpu.memory_space<vmem>>, vector<1x32xf32>
    %mul3A_7 = arith.constant 9.99999974E-6 : f32
    %mul3A_8 = vector.broadcast %mul3A_7 : f32 to vector<1x32xf32>
    %mul3A_9 = arith.mulf %get3A_6, %mul3A_8 : vector<1x32xf32>
    %mul3A_10 = arith.mulf %mul3A_3, %mul3A_3 : vector<1x32xf32>
    %sub3A = arith.subf %mul3A_9, %mul3A_10 : vector<1x32xf32>
    %add3A = arith.constant 9.99999974E-6 : f32
    %add3A_11 = vector.broadcast %add3A : f32 to vector<1x32xf32>
    %add3A_12 = arith.addf %sub3A, %add3A_11 : vector<1x32xf32>
    %rsqrt3A = math.rsqrt %add3A_12 : vector<1x32xf32>
    %get3A_13 = arith.constant 0 : index
    %get3A_14 = arith.constant 0 : index
    %get3A_15 = vector.load %arg4[%get3A_13, %get3A_14] : memref<1x32xf32, #tpu.memory_space<vmem>>, vector<1x32xf32>
    %mul3A_16 = arith.mulf %rsqrt3A, %get3A_15 : vector<1x32xf32>
    %get3A_17 = arith.constant 0 : index
    %get3A_18 = arith.constant 0 : index
    %get3A_19 = vector.load %arg1[%get3A_17, %get3A_18] : memref<4000x32xf32, #tpu.memory_space<vmem>>, vector<4000x32xf32>
    %sub3A_20 = vector.broadcast %mul3A_3 : vector<1x32xf32> to vector<4000x32xf32>
    %sub3A_21 = arith.subf %get3A_19, %sub3A_20 : vector<4000x32xf32>
    %mul3A_22 = vector.broadcast %mul3A_16 : vector<1x32xf32> to vector<4000x32xf32>
    %mul3A_23 = arith.mulf %sub3A_21, %mul3A_22 : vector<4000x32xf32>
    %get3A_24 = arith.constant 0 : index
    %get3A_25 = arith.constant 0 : index
    %get3A_26 = vector.load %arg5[%get3A_24, %get3A_25] : memref<1x32xf32, #tpu.memory_space<vmem>>, vector<1x32xf32>
    %add3A_27 = vector.broadcast %get3A_26 : vector<1x32xf32> to vector<4000x32xf32>
    %add3A_28 = arith.addf %mul3A_23, %add3A_27 : vector<4000x32xf32>
    %max3A = arith.constant 0.000000e+00 : f32
    %max3A_29 = vector.broadcast %max3A : f32 to vector<4000x32xf32>
    %max3A_30 = arith.maximumf %add3A_28, %max3A_29 : vector<4000x32xf32>
    %get3A_31 = arith.constant 0 : index
    %get3A_32 = arith.constant 0 : index
    %get3A_33 = vector.load %arg6[%get3A_31, %get3A_32] : memref<32x32xf32, #tpu.memory_space<vmem>>, vector<32x32xf32>
    %dot_general3A = arith.constant dense<0.000000e+00> : vector<4000x32xf32>
    %dot_general3A_34 = tpu.matmul %max3A_30, %get3A_33, %dot_general3A {dimension_numbers = #tpu.dot_dimension_numbers<[1], [0], [0], [1], [0, 0, 1, 1], [], []>, transpose_lhs_hint = false} : vector<4000x32xf32>, vector<32x32xf32>, vector<4000x32xf32> -> vector<4000x32xf32>
    %get3A_35 = arith.constant 0 : index
    %get3A_36 = arith.constant 0 : index
    %get3A_37 = vector.load %arg7[%get3A_35, %get3A_36] : memref<1x32xf32, #tpu.memory_space<vmem>>, vector<1x32xf32>
    %add3A_38 = vector.broadcast %get3A_37 : vector<1x32xf32> to vector<4000x32xf32>
    %add3A_39 = arith.addf %dot_general3A_34, %add3A_38 : vector<4000x32xf32>
    %get3A_40 = arith.constant 0 : index
    %get3A_41 = arith.constant 0 : index
    %get3A_42 = vector.load %arg8[%get3A_40, %get3A_41] : memref<32x32xf32, #tpu.memory_space<vmem>>, vector<32x32xf32>
    %dot_general3A_43 = arith.constant dense<0.000000e+00> : vector<4000x32xf32>
    %dot_general3A_44 = tpu.matmul %add3A_39, %get3A_42, %dot_general3A_43 {dimension_numbers = #tpu.dot_dimension_numbers<[1], [0], [0], [1], [0, 0, 1, 1], [], []>, transpose_lhs_hint = false} : vector<4000x32xf32>, vector<32x32xf32>, vector<4000x32xf32> -> vector<4000x32xf32>
    %get3A_45 = arith.constant 0 : index
    %get3A_46 = arith.constant 0 : index
    %get3A_47 = vector.load %arg9[%get3A_45, %get3A_46] : memref<1x32xf32, #tpu.memory_space<vmem>>, vector<1x32xf32>
    %add3A_48 = vector.broadcast %get3A_47 : vector<1x32xf32> to vector<4000x32xf32>
    %add3A_49 = arith.addf %dot_general3A_44, %add3A_48 : vector<4000x32xf32>
    %max3A_50 = arith.constant 0.000000e+00 : f32
    %max3A_51 = vector.broadcast %max3A_50 : f32 to vector<4000x32xf32>
    %max3A_52 = arith.maximumf %add3A_49, %max3A_51 : vector<4000x32xf32>
    %get3A_53 = arith.constant 0 : index
    %get3A_54 = arith.constant 0 : index
    %get3A_55 = vector.load %arg10[%get3A_53, %get3A_54] : memref<32x32xf32, #tpu.memory_space<vmem>>, vector<32x32xf32>
    %dot_general3A_56 = arith.constant dense<0.000000e+00> : vector<4000x32xf32>
    %dot_general3A_57 = tpu.matmul %max3A_52, %get3A_55, %dot_general3A_56 {dimension_numbers = #tpu.dot_dimension_numbers<[1], [0], [0], [1], [0, 0, 1, 1], [], []>, transpose_lhs_hint = false} : vector<4000x32xf32>, vector<32x32xf32>, vector<4000x32xf32> -> vector<4000x32xf32>
    %get3A_58 = arith.constant 0 : index
    %get3A_59 = arith.constant 0 : index
    %get3A_60 = vector.load %arg11[%get3A_58, %get3A_59] : memref<1x32xf32, #tpu.memory_space<vmem>>, vector<1x32xf32>
    %add3A_61 = vector.broadcast %get3A_60 : vector<1x32xf32> to vector<4000x32xf32>
    %add3A_62 = arith.addf %dot_general3A_57, %add3A_61 : vector<4000x32xf32>
    %max3A_63 = arith.constant 0.000000e+00 : f32
    %max3A_64 = vector.broadcast %max3A_63 : f32 to vector<4000x32xf32>
    %max3A_65 = arith.maximumf %add3A_62, %max3A_64 : vector<4000x32xf32>
    %get3A_66 = arith.constant 0 : index
    %get3A_67 = arith.constant 0 : index
    %get3A_68 = vector.load %arg12[%get3A_66, %get3A_67] : memref<32x1xf32, #tpu.memory_space<vmem>>, vector<32x1xf32>
    %dot_general3A_69 = arith.constant dense<0.000000e+00> : vector<4000x1xf32>
    %dot_general3A_70 = tpu.matmul %max3A_65, %get3A_68, %dot_general3A_69 {dimension_numbers = #tpu.dot_dimension_numbers<[1], [0], [0], [1], [0, 0, 1, 1], [], []>, transpose_lhs_hint = false} : vector<4000x32xf32>, vector<32x1xf32>, vector<4000x1xf32> -> vector<4000x1xf32>
    %get3A_71 = arith.constant 0 : index
    %get3A_72 = arith.constant 0 : index
    %get3A_73 = vector.load %arg13[%get3A_71, %get3A_72] : memref<1x1xf32, #tpu.memory_space<vmem>>, vector<1x1xf32>
    %add3A_74 = vector.broadcast %get3A_73 : vector<1x1xf32> to vector<4000x1xf32>
    %add3A_75 = arith.addf %dot_general3A_70, %add3A_74 : vector<4000x1xf32>
    %eq3A = arith.constant 0 : i32
    %eq3A_76 = arith.cmpi eq, %arg0, %eq3A : i32
    %convert_element_type3A = arith.extui %eq3A_76 : i1 to i32
    %cond3A = arith.constant 0 : i32
    %cond3A_77 = arith.cmpi ne, %convert_element_type3A, %cond3A : i32
    scf.if %cond3A_77 {
      %broadcast_in_dim3A = arith.constant 0.000000e+00 : f32
      %broadcast_in_dim3A_108 = vector.broadcast %broadcast_in_dim3A : f32 to vector<1x1xf32>
      %swap3A_109 = arith.constant 0 : index
      %swap3A_110 = arith.constant 0 : index
      %swap3A_111 = vector.load %arg14[%swap3A_109, %swap3A_110] : memref<1x1xf32, #tpu.memory_space<vmem>>, vector<1x1xf32>
      tpu.vector_store %arg14[%swap3A_109, %swap3A_110], %broadcast_in_dim3A_108 {strides = array<i32>} : memref<1x1xf32, #tpu.memory_space<vmem>>, vector<1x1xf32>,
      %broadcast_in_dim3A_112 = arith.constant 0.000000e+00 : f32
      %broadcast_in_dim3A_113 = vector.broadcast %broadcast_in_dim3A_112 : f32 to vector<1x1xf32>
      %swap3A_114 = arith.constant 0 : index
      %swap3A_115 = arith.constant 0 : index
      %swap3A_116 = vector.load %arg15[%swap3A_114, %swap3A_115] : memref<1x1xf32, #tpu.memory_space<vmem>>, vector<1x1xf32>
      tpu.vector_store %arg15[%swap3A_114, %swap3A_115], %broadcast_in_dim3A_113 {strides = array<i32>} : memref<1x1xf32, #tpu.memory_space<vmem>>, vector<1x1xf32>,
    } else {
    }
    %get3A_78 = arith.constant 0 : index
    %get3A_79 = arith.constant 0 : index
    %get3A_80 = vector.load %arg14[%get3A_78, %get3A_79] : memref<1x1xf32, #tpu.memory_space<vmem>>, vector<1x1xf32>
    %max3A_81 = arith.constant 0.000000e+00 : f32
    %max3A_82 = vector.broadcast %max3A_81 : f32 to vector<4000x1xf32>
    %max3A_83 = arith.maximumf %add3A_75, %max3A_82 : vector<4000x1xf32>
    %abs3A = math.absf %add3A_75 : vector<4000x1xf32>
    %neg3A = arith.constant 0.000000e+00 : f32
    %neg3A_84 = vector.broadcast %neg3A : f32 to vector<4000x1xf32>
    %neg3A_85 = arith.subf %neg3A_84, %abs3A : vector<4000x1xf32>
    %exp3A = math.exp %neg3A_85 : vector<4000x1xf32>
    %log1p3A = math.log1p %exp3A : vector<4000x1xf32>
    %add3A_86 = arith.addf %max3A_83, %log1p3A : vector<4000x1xf32>
    %reduce_sum3A = vector.shape_cast %add3A_86 : vector<4000x1xf32> to vector<1x4000x1xf32>
    %reduce_sum3A_87 = arith.constant dense<0.000000e+00> : vector<1xf32>
    %reduce_sum3A_88 = vector.multi_reduction <add>, %reduce_sum3A, %reduce_sum3A_87 [1, 2] : vector<1x4000x1xf32> to vector<1xf32>
    %reduce_sum3A_89 = vector.shape_cast %reduce_sum3A_88 : vector<1xf32> to vector<1x1x1xf32>
    %reduce_sum3A_90 = vector.extract %reduce_sum3A_89[0, 0, 0] : f32 from vector<1x1x1xf32>
    %add3A_91 = vector.broadcast %reduce_sum3A_90 : f32 to vector<1x1xf32>
    %add3A_92 = arith.addf %get3A_80, %add3A_91 : vector<1x1xf32>
    %swap3A = arith.constant 0 : index
    %swap3A_93 = arith.constant 0 : index
    %swap3A_94 = vector.load %arg14[%swap3A, %swap3A_93] : memref<1x1xf32, #tpu.memory_space<vmem>>, vector<1x1xf32>
    tpu.vector_store %arg14[%swap3A, %swap3A_93], %add3A_92 {strides = array<i32>} : memref<1x1xf32, #tpu.memory_space<vmem>>, vector<1x1xf32>,
    %get3A_95 = arith.constant 0 : index
    %get3A_96 = arith.constant 0 : index
    %get3A_97 = vector.load %arg15[%get3A_95, %get3A_96] : memref<1x1xf32, #tpu.memory_space<vmem>>, vector<1x1xf32>
    %reduce_sum3A_98 = vector.shape_cast %add3A_75 : vector<4000x1xf32> to vector<1x4000x1xf32>
    %reduce_sum3A_99 = arith.constant dense<0.000000e+00> : vector<1xf32>
    %reduce_sum3A_100 = vector.multi_reduction <add>, %reduce_sum3A_98, %reduce_sum3A_99 [1, 2] : vector<1x4000x1xf32> to vector<1xf32>
    %reduce_sum3A_101 = vector.shape_cast %reduce_sum3A_100 : vector<1xf32> to vector<1x1x1xf32>
    %reduce_sum3A_102 = vector.extract %reduce_sum3A_101[0, 0, 0] : f32 from vector<1x1x1xf32>
    %add3A_103 = vector.broadcast %reduce_sum3A_102 : f32 to vector<1x1xf32>
    %add3A_104 = arith.addf %get3A_97, %add3A_103 : vector<1x1xf32>
    %swap3A_105 = arith.constant 0 : index
    %swap3A_106 = arith.constant 0 : index
    %swap3A_107 = vector.load %arg15[%swap3A_105, %swap3A_106] : memref<1x1xf32, #tpu.memory_space<vmem>>, vector<1x1xf32>
    tpu.vector_store %arg15[%swap3A_105, %swap3A_106], %add3A_104 {strides = array<i32>} : memref<1x1xf32, #tpu.memory_space<vmem>>, vector<1x1xf32>,
    return
  }
  func.func @transform_0(%arg0: i32) -> (i32, i32) {
    %c0_i32 = arith.constant 0 : i32
    %c0_i32_0 = arith.constant 0 : i32
    return %arg0, %c0_i32 : i32, i32
  }
  func.func @transform_1(%arg0: i32) -> (i32, i32) {
    %c0_i32 = arith.constant 0 : i32
    %c0_i32_0 = arith.constant 0 : i32
    %c0_i32_1 = arith.constant 0 : i32
    return %c0_i32, %c0_i32_0 : i32, i32
  }
  func.func @transform_2(%arg0: i32) -> (i32, i32) {
    %c0_i32 = arith.constant 0 : i32
    %c0_i32_0 = arith.constant 0 : i32
    %c0_i32_1 = arith.constant 0 : i32
    return %c0_i32, %c0_i32_0 : i32, i32
  }
  func.func @transform_3(%arg0: i32) -> (i32, i32) {
    %c0_i32 = arith.constant 0 : i32
    %c0_i32_0 = arith.constant 0 : i32
    %c0_i32_1 = arith.constant 0 : i32
    return %c0_i32, %c0_i32_0 : i32, i32
  }
  func.func @transform_4(%arg0: i32) -> (i32, i32) {
    %c0_i32 = arith.constant 0 : i32
    %c0_i32_0 = arith.constant 0 : i32
    %c0_i32_1 = arith.constant 0 : i32
    return %c0_i32, %c0_i32_0 : i32, i32
  }
  func.func @transform_5(%arg0: i32) -> (i32, i32) {
    %c0_i32 = arith.constant 0 : i32
    %c0_i32_0 = arith.constant 0 : i32
    %c0_i32_1 = arith.constant 0 : i32
    return %c0_i32, %c0_i32_0 : i32, i32
  }
  func.func @transform_6(%arg0: i32) -> (i32, i32) {
    %c0_i32 = arith.constant 0 : i32
    %c0_i32_0 = arith.constant 0 : i32
    %c0_i32_1 = arith.constant 0 : i32
    return %c0_i32, %c0_i32_0 : i32, i32
  }
  func.func @transform_7(%arg0: i32) -> (i32, i32) {
    %c0_i32 = arith.constant 0 : i32
    %c0_i32_0 = arith.constant 0 : i32
    %c0_i32_1 = arith.constant 0 : i32
    return %c0_i32, %c0_i32_0 : i32, i32
  }
  func.func @transform_8(%arg0: i32) -> (i32, i32) {
    %c0_i32 = arith.constant 0 : i32
    %c0_i32_0 = arith.constant 0 : i32
    %c0_i32_1 = arith.constant 0 : i32
    return %c0_i32, %c0_i32_0 : i32, i32
  }
  func.func @transform_9(%arg0: i32) -> (i32, i32) {
    %c0_i32 = arith.constant 0 : i32
    %c0_i32_0 = arith.constant 0 : i32
    %c0_i32_1 = arith.constant 0 : i32
    return %c0_i32, %c0_i32_0 : i32, i32
  }
  func.func @transform_10(%arg0: i32) -> (i32, i32) {
    %c0_i32 = arith.constant 0 : i32
    %c0_i32_0 = arith.constant 0 : i32
    %c0_i32_1 = arith.constant 0 : i32
    return %c0_i32, %c0_i32_0 : i32, i32
  }
  func.func @transform_11(%arg0: i32) -> (i32, i32) {
    %c0_i32 = arith.constant 0 : i32
    %c0_i32_0 = arith.constant 0 : i32
    %c0_i32_1 = arith.constant 0 : i32
    return %c0_i32, %c0_i32_0 : i32, i32
  }
  func.func @transform_12(%arg0: i32) -> (i32, i32) {
    %c0_i32 = arith.constant 0 : i32
    %c0_i32_0 = arith.constant 0 : i32
    %c0_i32_1 = arith.constant 0 : i32
    return %c0_i32, %c0_i32_0 : i32, i32
  }
  func.func @transform_13(%arg0: i32) -> (i32, i32) {
    %c0_i32 = arith.constant 0 : i32
    %c0_i32_0 = arith.constant 0 : i32
    %c0_i32_1 = arith.constant 0 : i32
    return %c0_i32, %c0_i32_0 : i32, i32
  }
  func.func @transform_14(%arg0: i32) -> (i32, i32) {
    %c0_i32 = arith.constant 0 : i32
    %c0_i32_0 = arith.constant 0 : i32
    %c0_i32_1 = arith.constant 0 : i32
    return %c0_i32, %c0_i32_0 : i32, i32
  }
}

</mosaic_0001>

<sc_bundles>
// kernel: kernel.12.cloned.1.call-start
scs
__scs_entry_jumppad:
0x0: {  	(pc) =	sbr.rel $0x88, $3  }
0x1: {  	(tag) =	ssettag $0x0;
	lr =	simm.s32 $0x1  }
0x2: {  	[smem:$0x3F82] =	sst lr;
	_ =	strace $0xD0000000  }
0x3: {  	_ = 	snop  }
0x4: {  	_ = 	snop  }
0x5: {  	_ = 	snop  }
0x6: {  	_ = 	snop  }
0x7: {  	_ = 	snop  }
__scs_overlays_trampoline_lowered:
0x8: {  	[smem:$0x3F91] =	sst s0  }
0x9: {  	[smem:$0x3F92] =	sst s1  }
0xa: {  	[smem:$0x3F93] =	sst s2  }
0xb: {  	[smem:$0x3F94] =	sst s3  }
0xc: {  	[smem:$0x3F95] =	sst s4  }
0xd: {  	[smem:$0x3F96] =	sst s5  }
0xe: {  	[smem:$0x3F97] =	sst s6  }
0xf: {  	[smem:$0x3F98] =	sst s7  }
0x10: {  	[smem:$0x3F99] =	sst s8  }
0x11: {  	[smem:$0x3F9A] =	sst s9;
	s0 =	simm.s32 @!p0 $0x0  }
0x12: {  	s1 =	sld [smem:$0x3F80];
	s0 =	simm.s32 @p0 $0x1  }
0x13: {  	[smem:$0x3F9B] =	sst s0;
	s0 =	simm.s32 @!p1 $0x0  }
0x14: {  	s2 =	sld [smem:$0x3F7F];
	s0 =	simm.s32 @p1 $0x1  }
0x15: {  	[smem:$0x3F9C] =	sst s0;
	s0 =	simm.s32 @!p2 $0x0  }
0x16: {  	s3 =	sld [smem:$0x3FDB];
	s0 =	simm.s32 @p2 $0x1  }
0x17: {  	s4 =	simm.s32 $0x1BF5;
	[smem:$0x3F9E] =	sst s0  }
0x18: {  	s0 =	sld [smem:$0x3F81];
	_ =	swait.ge [sflag:s4], $0x0  }
0x19: {  	s7 =	sld [smem:$0x3F82]  }
0x1a: {  	s8 =	sadd.s32 $0xFFFFE003, lr  }
0x1b: {  	s9 =	sadd.s32 $0xFFFFFEF7, lr;
	s5 =	simm.s32 $0xFFFFFFFF;
	p2 =	slt.u32 s8, $0xFFFFF086  }
0x1c: {  	p1 =	slt.u32 s9, $0xF7A;
	s5 =	simm.s32 @!p2 $0x0  }
0x1d: {  	s5 =	simm.s32 @p1 $0x1;
	p0 =	seq.s32 s7, s2  }
0x1e: {  	s7 =	smul.u32 @!p0 $0xF7A, s2;
	p2 =	seq.s32 @!p0 s5, $0x0  }
0x1f: {  	s9 =	smul.u32 $0xF7A, s1;
	s8 =	simm.s32 @!p0 $0x1BF5;
	p2 =	por !p2, p0  }
0x20: {  	[sflag:s8] =	ssyncset.s32 @!p0 $0xFFFFF086;
	s6 =	sadd.s32 @!p0 s3, s7;
	s7 =	simm.s32 @!p0 $0x108  }
0x21: {  	s3 =	sadd.s32 s3, s9;
	s6 =	sadd.s32 @!p0 $0x88, s6;
	s7 =	simm.s32 @p2 $0x1082  }
0x22: {  	[simem:s7], [sflag:s8] =	dma.local @!p0 [hbm:s6], $0xF7A  }
0x23: {  	s9 =	sor.u32 $0xD0000000, s2;
	s6 =	simm.s32 $0x108;
	_ =	swait.ge @!p0 [sflag:s8], $0x0  }
0x24: {  	s3 =	sadd.s32 $0x88, s3;
	s6 =	simm.s32 @!p1 $0x1082;
	[sflag:s4] =	ssyncset.s32 $0xFFFFF086  }
0x25: {  	[simem:s6], [sflag:s4] =	dma.local [hbm:s3], $0xF7A  }
0x26: {  	[smem:$0x3F82] =	sst s1;
	(tag) =	ssettag s2;
	_ =	strace s9  }
0x27: {  	s1 =	sld [smem:$0x3F92]  }
0x28: {  	s2 =	sld [smem:$0x3F93]  }
0x29: {  	s4 =	sld [smem:$0x3F95]  }
0x2a: {  	p0 =	seq.s32 s5, $0x0;
	s5 =	sld [smem:$0x3F96]  }
0x2b: {  	s6 =	sld [smem:$0x3F97]  }
0x2c: {  	s7 =	sld [smem:$0x3F98]  }
0x2d: {  	s3 =	simm.s32 $0x108;
	s8 =	sld [smem:$0x3F99]  }
0x2e: {  	s3 =	simm.s32 @!p0 $0x1082;
	s9 =	sld [smem:$0x3F9A]  }
0x2f: {  	lr =	sadd.s32 s0, s3;
	s0 =	sld [smem:$0x3F91]  }
0x30: {  	s3 =	sld [smem:$0x3F94]  }
0x31: {  	[smem:$0x3F9D] =	sst s10  }
0x32: {  	s10 =	sld [smem:$0x3F9B];
	_ =	sdelay $0x3  }
0x33: {  	p0 =	seq.s32 s10, $0x1;
	s10 =	sld [smem:$0x3F9D];
	_ =	sdelay $0x3  }
0x34: {  	[smem:$0x3F9D] =	sst s10  }
0x35: {  	s10 =	sld [smem:$0x3F9C];
	_ =	sdelay $0x3  }
0x36: {  	p1 =	seq.s32 s10, $0x1;
	s10 =	sld [smem:$0x3F9D];
	_ =	sdelay $0x3  }
0x37: {  	[smem:$0x3F9D] =	sst s10  }
0x38: {  	s10 =	sld [smem:$0x3F9E]  }
0x39: {  	_ = 	snop;
	(pc) =	sbr.ind lr, $3  }
0x3a: {  	_ = 	snop  }
0x3b: {  	_ = 	snop  }
0x3c: {  	p2 =	seq.s32 s10, $0x1;
	s10 =	sld [smem:$0x3F9D]  }
0x3d: {  	_ =	shalt  }
0x3e: {  	_ =	shalt  }
0x3f: {  	_ =	shalt  }
0x40: {  	_ =	shalt  }
0x41: {  	_ =	shalt  }
0x42: {  	_ =	shalt  }
0x43: {  	_ =	shalt  }
0x44: {  	_ =	shalt  }
0x45: {  	_ =	shalt  }
0x46: {  	_ =	shalt  }
0x47: {  	_ =	shalt  }
0x48: {  	_ =	shalt  }
0x49: {  	_ =	shalt  }
0x4a: {  	_ =	shalt  }
0x4b: {  	_ =	shalt  }
0x4c: {  	_ =	shalt  }
0x4d: {  	_ =	shalt  }
0x4e: {  	_ =	shalt  }
0x4f: {  	_ =	shalt  }
0x50: {  	_ =	shalt  }
0x51: {  	_ =	shalt  }
0x52: {  	_ =	shalt  }
0x53: {  	_ =	shalt  }
0x54: {  	_ =	shalt  }
0x55: {  	_ =	shalt  }
0x56: {  	_ =	shalt  }
0x57: {  	_ =	shalt  }
0x58: {  	_ =	shalt  }
0x59: {  	_ =	shalt  }
0x5a: {  	_ =	shalt  }
0x5b: {  	_ =	shalt  }
0x5c: {  	_ =	shalt  }
0x5d: {  	_ =	shalt  }
0x5e: {  	_ =	shalt  }
0x5f: {  	_ =	shalt  }
0x60: {  	_ =	shalt  }
0x61: {  	_ =	shalt  }
0x62: {  	_ =	shalt  }
0x63: {  	_ =	shalt  }
0x64: {  	_ =	shalt  }
0x65: {  	_ =	shalt  }
0x66: {  	_ =	shalt  }
0x67: {  	_ =	shalt  }
0x68: {  	_ =	shalt  }
0x69: {  	_ =	shalt  }
0x6a: {  	_ =	shalt  }
0x6b: {  	_ =	shalt  }
0x6c: {  	_ =	shalt  }
0x6d: {  	_ =	shalt  }
0x6e: {  	_ =	shalt  }
0x6f: {  	_ =	shalt  }
0x70: {  	_ =	shalt  }
0x71: {  	_ =	shalt  }
0x72: {  	_ =	shalt  }
0x73: {  	_ =	shalt  }
0x74: {  	_ =	shalt  }
0x75: {  	_ =	shalt  }
0x76: {  	_ =	shalt  }
0x77: {  	_ =	shalt  }
0x78: {  	_ =	shalt  }
0x79: {  	_ =	shalt  }
0x7a: {  	_ =	shalt  }
0x7b: {  	_ =	shalt  }
0x7c: {  	_ =	shalt  }
0x7d: {  	_ =	shalt  }
0x7e: {  	_ =	shalt  }
0x7f: {  	_ =	shalt  }
0x80: {  	_ =	shalt  }
0x81: {  	_ =	shalt  }
0x82: {  	_ =	shalt  }
0x83: {  	_ =	shalt  }
0x84: {  	_ =	shalt  }
0x85: {  	_ =	shalt  }
0x86: {  	_ =	shalt  }
0x87: {  	_ =	shalt  }
.Lfunc_end0:
.L_simem_size_0:
called_computation.1_lowered:
.L_overlay_start_0:
0x88: {  	s2 =	sld [smem:$0x3FD9]  }
0x89: {  	s3 =	sld [smem:$0x3FFE];
	_ =	sdelay $0x1  }
0x8a: {  	s1 =	srdreg.scid  }
0x8b: {  	s0 =	sand.u32 $0x1, s1  }
0x8c: {  	s16 =	sshll.u32 s0, $0xA;
	s2 =	sadd.s32 s3, s2  }
0x8d: {  	s2 =	sadd.s32 s2, s16  }
0x8e: {  	[smem:$0x3FA9] =	sst s2  }
0x8f: {  	_ = 	snop  }
0x90: {  	(tm) =	ssettm $0x1  }
0x91: {  	s17 =	sld [smem:$0x3FFB];
	_ =	sdelay $0x3  }
0x92: {  	_ =	strace s17  }
0x93: {  	s2 =	sld [smem:$0x3FFC];
	_ =	sdelay $0x3  }
0x94: {  	_ =	strace s2  }
0x95: {  	s2 =	sld [smem:$0x3FFD];
	_ =	sdelay $0x3  }
0x96: {  	_ =	strace s2  }
0x97: {  	_ =	strace $0x8FFFFFFF  }
0x98: {  	s18 =	sld [smem:$0x3FDB];
	_ =	sdelay $0x1  }
0x99: {  	s19 =	simm.s32 $_scs_section_size  }
0x9a: {  	s4 =	simm.s32 $_size__tile_overlayer_lowered;
	s5 =	simm.s32 $_tile_overlayer_lowered  }
0x9b: {  	s22 =	simm.s32 $0x1BFF;
	s21 =	sshll.u32 s5, $0x1;
	s2 =	sadd.s32 s19, s18  }
0x9c: {  	s6 =	simm.s32 $0x0;
	s20 =	sshll.u32 s4, $0x1;
	s4 =	sadd.s32 s21, s2  }
0x9d: {  	[timem:s6], [sflag:s22] =	dma.local [hbm:s4], s20  }
0x9e: {  	_ =	swait.ge [sflag:s22], s20  }
0x9f: {  	s3 =	ssub.s32 $0x0, s20;
	[sflag:s22] =	ssyncset.done $0x0  }
0xa0: {  	[sflag:s22] =	ssyncadd.s32 s3;
	_ =	sdelay $0x1  }
0xa1: {  	s23 =	simm.s32 $0x1B8B  }
0xa2: {  	_ =	swait.ge [sflag:s23], $0x1  }
0xa3: {  	[sflag:s23] =	ssyncset.done $0x0  }
0xa4: {  	s25 =	simm.s32 $0x1B8E;
	s24 =	sld [smem:$0x3FFE];
	[sflag:s23] =	ssyncadd.s32 $0xFFFFFFFF  }
0xa5: {  	s26 =	simm.s32 $execute0_lowered;
	[smem:$0x3FD2] =	sst s25  }
0xa6: {  	s4 =	sshll.u32 s26, $0x1;
	_ =	strace $0x80000049;
	[dreg:$0x1] =	wrdreg $0xFFFFFFFF  }
0xa7: {  	s28 =	simm.s32 $_size_execute0_lowered;
	s2 =	sadd.s32 s2, s4;
	[dreg:$0x0] =	wrdreg $0x0  }
0xa8: {  	s4 =	sshll.u32 s28, $0x1;
	[dreg:$0x2] =	wrdreg s2  }
0xa9: {  	[dreg:$0x3] =	wrdreg s4  }
0xaa: {  	[dreg:$0x4] =	wrdreg $0xC0  }
0xab: {  	_ =	task [dreg:s6], $0x5FFFF  }
0xac: {  	[dreg:$0x1] =	wrdreg $0xFFFFFFFF  }
0xad: {  	[dreg:$0x0] =	wrdreg $0x60  }
0xae: {  	[dreg:$0x2] =	wrdreg s24  }
0xaf: {  	[dreg:$0x3] =	wrdreg $0x68000  }
0xb0: {  	[dreg:$0x4] =	wrdreg $0x9  }
0xb1: {  	_ =	task.clear_ibuf [dreg:s6], $0x5FFFF;
	_ =	strace $0x90000049  }
0xb2: {  	s29 =	simm.s32 $0x9;
	_ =	strace $0x8000004B  }
0xb3: {  	_ =	swait.ge [sflag:s29], $0x1  }
0xb4: {  	[sflag:s29] =	ssyncadd.s32 $0xFFFFFFFF  }
0xb5: {  	_ =	strace $0x9000004B  }
0xb6: {  	_ =	sfence  }
0xb7: {  	s30 =	sld [smem:$0x0];
	_ =	sdelay $0x2  }
0xb8: {  	s31 =	sshll.u32 s1, $0xD;
	s1 =	sshrl.u32 s1, $0x2  }
0xb9: {  	s3 =	sand.u32 $0x4000, s31;
	s1 =	sadd.s32 s1, s30  }
0xba: {  	s0 =	sor.u32 s3, s0;
	s1 =	sshll.u32 s1, $0x11  }
0xbb: {  	s0 =	sor.u32 s1, s0  }
0xbc: {  	s0 =	sadd.s32 $0x8F2B, s0  }
0xbd: {  	[sflag:s0] =	ssyncadd.remote.s32 $0x1  }
0xbe: {  	_ =	sfence.sel $0xFFFF  }
0xbf: {  	[dreg:$0x0] =	wrdreg $0xFFFFFFFF;
	(pc) =	sbr.abs _section_cstart, $3  }
0xc0: {  	[dreg:$0x1] =	wrdreg $0xFFFFFFFF  }
0xc1: {  	_ =	task.clear_ibuf [dreg:s6], $0x2FFFF;
	_ =	strace $0x9FFFFFFF  }
0xc2: {  	(tm) =	ssettm $0x7FFFFFFF  }
0xc3: {  	_ =	shalt  }
tec
execute0_lowered:
.L_overlay_start_1:
0x0: {  	(tag) =	ssettag $0x1  }
0x1: {  	s0 =	rddreg [dreg:$0x0]  }
0x2: {  	s1 =	rddreg [dreg:$0x1];
	s20 =	simm.s32 $0x0;
	s2 =	srdreg.scid  }
0x3: {  	s10 =	stileid.u32;
	s14 =	simm.s32 $0x2;
	s16 =	simm.s32 $0x1  }
0x4: {  	s17 =	simm.s32 $0x80;
	s18 =	simm.s32 $0x2800;
	s28 =	simm.s32 $0x5800  }
0x5: {  	s29 =	simm.s32 $0x6000;
	s12 =	simm.s32 $0x2500;
	s13 =	simm.s32 $0x2580  }
0x6: {  	s15 =	simm.s32 $0x2780;
	[smem:$0x7FF] =	sst s20;
	s7 =	smul.u32 $0x30E0, s10  }
0x7: {  	s2 =	sand.u32 $0x1, s2;
	s4 =	sadd.s32 $0x4800, s0;
	s9 =	smul.u32 $0x64000, s10  }
0x8: {  	s5 =	sadd.s32 $0x66400, s0;
	s6 =	sadd.s32 $0xCA400, s0;
	s25 =	smul.u32 $0x61C00, s10  }
0x9: {  	s11 =	sadd.s32 $0xFC400, s0;
	s24 =	sshll.u32 s10, $0x6;
	s3 =	smul.u32 $0x30E00, s2  }
0xa: {  	_ =	strace $0x8000004A;
	s8 =	ssub.s32 $0x2, s2;
	[dreg:$0x4] =	wrdreg s11  }
0xb: {  	s22 =	sor.u32 $0x1C02, s24;
	s24 =	simm.s32 $0x4800;
	s11 =	simm.s32 $0x2480  }
0xc: {  	s19 =	sshrl.u32 s8, $0x1;
	s23 =	sshrl.u32 s9, $0x2;
	s9 =	smul.u32 $0x320, s10  }
0xd: {  	s10 =	smul.u32 $0x3200, s2;
	s26 =	sshrl.u32 s25, $0x2;
	s25 =	simm.s32 $0x2600  }
0xe: {  	[dreg:$0x5] =	wrdreg s22;
	s3 =	sadd.s32 s7, s3;
	s21 =	ssub.s32 s8, s19  }
0xf: {  	s7 =	sadd.s32 s23, s1;
	s19 =	simm.s32 $0x3000;
	s23 =	simm.s32 $0x4000  }
0x10: {  	s8 =	simm.s32 $0x2680;
	s0 =	sadd.s32 s3, s0;
	s30 =	smax.u32 s21, $0x1  }
0x11: {  	s31 =	sshrl.u32 s7, $0x3;
	s0 =	sadd.s32 $0x40CA00, s0;
	[dreg:$0x7] =	wrdreg s30  }
0x12: {  	s21 =	simm.s32 $0x3800;
	[dreg:$0x6] =	wrdreg s0;
	s0 =	sadd.s32 s26, s1  }
0x13: {  	s7 =	simm.s32 $0x2400;
	[dreg:$0x8] =	wrdreg s31;
	s0 =	sshrl.u32 s0, $0x3  }
0x14: {  	s3 =	simm.s32 $0x2700;
	s26 =	simm.s32 $0x5000;
	[dreg:$0x9] =	wrdreg s0  }
.LBB2_1:
0x15: {  	[dreg:$0x3] =	wrdreg s20  }
0x16: {  	s0 =	rddreg [dreg:$0x4]  }
0x17: {  	s2 =	rddreg [dreg:$0x8]  }
0x18: {  	[spmem:s2], [sflag:s22] =	dma.local [hbm:s0], $0x3200  }
0x19: {  	_ =	swait.ge [sflag:s14], $0x3200  }
0x1a: {  	[sflag:s14] =	ssyncset.done $0x0  }
0x1b: {  	[sflag:s14] =	ssyncadd.s32 $0xFFFFCE00  }
0x1c: {  	s20 =	simm.s32 $0x0;
	[bflag:$0x0] =	sbarrier.arrive $0xFFFF  }
.LBB2_2:
0x1d: {  	s0 =	smul.u32 $0x28, s20;
	_ =	sdelay $0x1  }
0x1e: {  	s0 =	sadd.s32 s9, s0  }
0x1f: {  	s22 =	sadd.s32 s10, s0  }
0x20: {  	s22 =	sshll.u32 s22, $0x4  }
0x21: {  	s30 =	simm.s32 $0x0;
	s0 =	sshll.u32 s0, $0x4;
	s22 =	sadd.s32 s5, s22  }
0x22: {  	[tilespmem:s30], [sflag:$0x1] =	stream.linear.gather [hbm4b:s22+s30], $0x1400, $0x38;
	[tilespmem:$0x1F800] =	vst v63  }
0x23: {  	s2 =	simm.s32 $0x1400;
	s0 =	sadd.s32 s6, s0  }
0x24: {  	[tilespmem:s2], [sflag:$0x1] =	stream.linear.gather [hbm4b:s0+s30], $0x1400, $0x38;
	[tilespmem:$0x1F800] =	vst v63  }
0x25: {  	_ =	swait.ge [sflag:s16], $0x1400  }
0x26: {  	[sflag:s16] =	ssyncset.done $0x0  }
0x27: {  	[sflag:s16] =	ssyncadd.s32 $0xFFFFEC00  }
0x28: {  	_ =	swait.ge [sflag:s16], $0x1400  }
0x29: {  	[sflag:s16] =	ssyncset.done $0x0  }
0x2a: {  	[sflag:s16] =	ssyncadd.s32 $0xFFFFEC00  }
0x2b: {  	[tilespmem:s18], [sflag:$0x1] =	stream.indirect.gather [hbm4b:s4+s17], $0x10, s30, s17, $0xb8;
	[tilespmem:$0x1F800] =	vst v63  }
0x2c: {  	_ = 	snop  }
0x2d: {  	[tilespmem:s19], [sflag:$0x1] =	stream.indirect.gather [hbm4b:s4+s17], $0x10, s17, s17, $0xb8;
	[tilespmem:$0x1F800] =	vst v63  }
0x2e: {  	s2 =	simm.s32 $0x100  }
0x2f: {  	[tilespmem:s21], [sflag:$0x1] =	stream.indirect.gather [hbm4b:s4+s17], $0x10, s2, s17, $0xb8;
	[tilespmem:$0x1F800] =	vst v63  }
0x30: {  	s22 =	simm.s32 $0x180  }
0x31: {  	[tilespmem:s23], [sflag:$0x1] =	stream.indirect.gather [hbm4b:s4+s17], $0x10, s22, s17, $0xb8;
	[tilespmem:$0x1F800] =	vst v63  }
0x32: {  	_ =	swait.ge [sflag:s16], $0x800  }
0x33: {  	[sflag:s16] =	ssyncset.done $0x0  }
0x34: {  	[sflag:s16] =	ssyncadd.s32 $0xFFFFF800  }
0x35: {  	_ =	swait.ge [sflag:s16], $0x800  }
0x36: {  	[sflag:s16] =	ssyncset.done $0x0  }
0x37: {  	[sflag:s16] =	ssyncadd.s32 $0xFFFFF800  }
0x38: {  	_ =	swait.ge [sflag:s16], $0x800  }
0x39: {  	[sflag:s16] =	ssyncset.done $0x0  }
0x3a: {  	[sflag:s16] =	ssyncadd.s32 $0xFFFFF800  }
0x3b: {  	_ =	swait.ge [sflag:s16], $0x800  }
0x3c: {  	[sflag:s16] =	ssyncset.done $0x0  }
0x3d: {  	s31 =	simm.s32 $0x200;
	[sflag:s16] =	ssyncadd.s32 $0xFFFFF800  }
0x3e: {  	[tilespmem:s24], [sflag:$0x1] =	stream.indirect.gather [hbm4b:s4+s17], $0x10, s31, s17, $0xb8;
	[tilespmem:$0x1F800] =	vst v63  }
0x3f: {  	s2 =	simm.s32 $0x280  }
0x40: {  	[tilespmem:s26], [sflag:$0x1] =	stream.indirect.gather [hbm4b:s4+s17], $0x10, s2, s17, $0xb8;
	[tilespmem:$0x1F800] =	vst v63  }
0x41: {  	s22 =	simm.s32 $0x300  }
0x42: {  	[tilespmem:s28], [sflag:$0x1] =	stream.indirect.gather [hbm4b:s4+s17], $0x10, s22, s17, $0xb8;
	[tilespmem:$0x1F800] =	vst v63  }
0x43: {  	s31 =	simm.s32 $0x380  }
0x44: {  	[tilespmem:s29], [sflag:$0x1] =	stream.indirect.gather [hbm4b:s4+s17], $0x10, s31, s17, $0xb8;
	[tilespmem:$0x1F800] =	vst v63  }
0x45: {  	s2 =	simm.s32 $0x1400  }
0x46: {  	[spmem:s1] =	stream.indirect.scatter.add.f32 [tilespmem:s18], [sflag:$0x2], $0x10, s2, s17, $0xb8;
	[tilespmem:$0x1F800] =	vst v63  }
0x47: {  	_ =	swait.ge [sflag:s14], $0x800  }
0x48: {  	[sflag:s14] =	ssyncset.done $0x0  }
0x49: {  	s22 =	simm.s32 $0x1480;
	[sflag:s14] =	ssyncadd.s32 $0xFFFFF800  }
0x4a: {  	[spmem:s1] =	stream.indirect.scatter.add.f32 [tilespmem:s19], [sflag:$0x2], $0x10, s22, s17, $0xb8;
	[tilespmem:$0x1F800] =	vst v63  }
0x4b: {  	_ =	swait.ge [sflag:s14], $0x800  }
0x4c: {  	[sflag:s14] =	ssyncset.done $0x0  }
0x4d: {  	s31 =	simm.s32 $0x1500;
	[sflag:s14] =	ssyncadd.s32 $0xFFFFF800  }
0x4e: {  	[spmem:s1] =	stream.indirect.scatter.add.f32 [tilespmem:s21], [sflag:$0x2], $0x10, s31, s17, $0xb8;
	[tilespmem:$0x1F800] =	vst v63  }
0x4f: {  	_ =	swait.ge [sflag:s14], $0x800  }
0x50: {  	[sflag:s14] =	ssyncset.done $0x0  }
0x51: {  	s2 =	simm.s32 $0x1580;
	[sflag:s14] =	ssyncadd.s32 $0xFFFFF800  }
0x52: {  	[spmem:s1] =	stream.indirect.scatter.add.f32 [tilespmem:s23], [sflag:$0x2], $0x10, s2, s17, $0xb8;
	[tilespmem:$0x1F800] =	vst v63  }
0x53: {  	_ =	swait.ge [sflag:s14], $0x800  }
0x54: {  	[sflag:s14] =	ssyncset.done $0x0  }
0x55: {  	[sflag:s14] =	ssyncadd.s32 $0xFFFFF800  }
0x56: {  	_ =	swait.ge [sflag:s16], $0x800  }
0x57: {  	[sflag:s16] =	ssyncset.done $0x0  }
0x58: {  	[sflag:s16] =	ssyncadd.s32 $0xFFFFF800  }
0x59: {  	_ =	swait.ge [sflag:s16], $0x800  }
0x5a: {  	[sflag:s16] =	ssyncset.done $0x0  }
0x5b: {  	[sflag:s16] =	ssyncadd.s32 $0xFFFFF800  }
0x5c: {  	_ =	swait.ge [sflag:s16], $0x800  }
0x5d: {  	[sflag:s16] =	ssyncset.done $0x0  }
0x5e: {  	[sflag:s16] =	ssyncadd.s32 $0xFFFFF800  }
0x5f: {  	_ =	swait.ge [sflag:s16], $0x800  }
0x60: {  	[sflag:s16] =	ssyncset.done $0x0  }
0x61: {  	s22 =	simm.s32 $0x400;
	[sflag:s16] =	ssyncadd.s32 $0xFFFFF800  }
0x62: {  	[tilespmem:s18], [sflag:$0x1] =	stream.indirect.gather [hbm4b:s4+s17], $0x10, s22, s17, $0xb8;
	[tilespmem:$0x1F800] =	vst v63  }
0x63: {  	s31 =	simm.s32 $0x480  }
0x64: {  	[tilespmem:s19], [sflag:$0x1] =	stream.indirect.gather [hbm4b:s4+s17], $0x10, s31, s17, $0xb8;
	[tilespmem:$0x1F800] =	vst v63  }
0x65: {  	s2 =	simm.s32 $0x500  }
0x66: {  	[tilespmem:s21], [sflag:$0x1] =	stream.indirect.gather [hbm4b:s4+s17], $0x10, s2, s17, $0xb8;
	[tilespmem:$0x1F800] =	vst v63  }
0x67: {  	s22 =	simm.s32 $0x580  }
0x68: {  	[tilespmem:s23], [sflag:$0x1] =	stream.indirect.gather [hbm4b:s4+s17], $0x10, s22, s17, $0xb8;
	[tilespmem:$0x1F800] =	vst v63  }
0x69: {  	s31 =	simm.s32 $0x1600  }
0x6a: {  	[spmem:s1] =	stream.indirect.scatter.add.f32 [tilespmem:s24], [sflag:$0x2], $0x10, s31, s17, $0xb8;
	[tilespmem:$0x1F800] =	vst v63  }
0x6b: {  	_ =	swait.ge [sflag:s14], $0x800  }
0x6c: {  	[sflag:s14] =	ssyncset.done $0x0  }
0x6d: {  	s2 =	simm.s32 $0x1680;
	[sflag:s14] =	ssyncadd.s32 $0xFFFFF800  }
0x6e: {  	[spmem:s1] =	stream.indirect.scatter.add.f32 [tilespmem:s26], [sflag:$0x2], $0x10, s2, s17, $0xb8;
	[tilespmem:$0x1F800] =	vst v63  }
0x6f: {  	_ =	swait.ge [sflag:s14], $0x800  }
0x70: {  	[sflag:s14] =	ssyncset.done $0x0  }
0x71: {  	s22 =	simm.s32 $0x1700;
	[sflag:s14] =	ssyncadd.s32 $0xFFFFF800  }
0x72: {  	[spmem:s1] =	stream.indirect.scatter.add.f32 [tilespmem:s28], [sflag:$0x2], $0x10, s22, s17, $0xb8;
	[tilespmem:$0x1F800] =	vst v63  }
0x73: {  	_ =	swait.ge [sflag:s14], $0x800  }
0x74: {  	[sflag:s14] =	ssyncset.done $0x0  }
0x75: {  	s31 =	simm.s32 $0x1780;
	[sflag:s14] =	ssyncadd.s32 $0xFFFFF800  }
0x76: {  	[spmem:s1] =	stream.indirect.scatter.add.f32 [tilespmem:s29], [sflag:$0x2], $0x10, s31, s17, $0xb8;
	[tilespmem:$0x1F800] =	vst v63  }
0x77: {  	_ =	swait.ge [sflag:s14], $0x800  }
0x78: {  	[sflag:s14] =	ssyncset.done $0x0  }
0x79: {  	[sflag:s14] =	ssyncadd.s32 $0xFFFFF800  }
0x7a: {  	_ =	swait.ge [sflag:s16], $0x800  }
0x7b: {  	[sflag:s16] =	ssyncset.done $0x0  }
0x7c: {  	[sflag:s16] =	ssyncadd.s32 $0xFFFFF800  }
0x7d: {  	_ =	swait.ge [sflag:s16], $0x800  }
0x7e: {  	[sflag:s16] =	ssyncset.done $0x0  }
0x7f: {  	[sflag:s16] =	ssyncadd.s32 $0xFFFFF800  }
0x80: {  	_ =	swait.ge [sflag:s16], $0x800  }
0x81: {  	[sflag:s16] =	ssyncset.done $0x0  }
0x82: {  	[sflag:s16] =	ssyncadd.s32 $0xFFFFF800  }
0x83: {  	_ =	swait.ge [sflag:s16], $0x800  }
0x84: {  	s30 =	simm.s32 $0x2000;
	s22 =	simm.s32 $0x400;
	[sflag:s16] =	ssyncset.done $0x0  }
.LBB2_3:
0x85: {  	s2 =	sadd.s32 $0x200, s22  }
0x86: {  	[sflag:s16] =	ssyncadd.s32 $0xFFFFF800;
	s31 =	smov.u32 s30;
	s0 =	sadd.s32 $0x1000, s30  }
0x87: {  	[tilespmem:s24], [sflag:$0x1] =	stream.indirect.gather [hbm4b:s4+s17], $0x10, s2, s17, $0xb8;
	[tilespmem:$0x1F800] =	vst v63  }
0x88: {  	p0 =	sne.s32 s30, $0x3000;
	s2 =	sadd.s32 $0x280, s22  }
0x89: {  	[tilespmem:s26], [sflag:$0x1] =	stream.indirect.gather [hbm4b:s4+s17], $0x10, s2, s17, $0xb8;
	[tilespmem:$0x1F800] =	vst v63  }
0x8a: {  	s2 =	sadd.s32 $0x300, s22  }
0x8b: {  	[tilespmem:s28], [sflag:$0x1] =	stream.indirect.gather [hbm4b:s4+s17], $0x10, s2, s17, $0xb8;
	[tilespmem:$0x1F800] =	vst v63  }
0x8c: {  	s2 =	sadd.s32 $0x380, s22  }
0x8d: {  	[tilespmem:s29], [sflag:$0x1] =	stream.indirect.gather [hbm4b:s4+s17], $0x10, s2, s17, $0xb8;
	[tilespmem:$0x1F800] =	vst v63  }
0x8e: {  	s2 =	sadd.s32 $0x1400, s22  }
0x8f: {  	[spmem:s1] =	stream.indirect.scatter.add.f32 [tilespmem:s18], [sflag:$0x2], $0x10, s2, s17, $0xb8;
	[tilespmem:$0x1F800] =	vst v63  }
0x90: {  	_ =	swait.ge [sflag:s14], $0x800  }
0x91: {  	[sflag:s14] =	ssyncset.done $0x0  }
0x92: {  	s2 =	sadd.s32 $0x1480, s22;
	[sflag:s14] =	ssyncadd.s32 $0xFFFFF800  }
0x93: {  	[spmem:s1] =	stream.indirect.scatter.add.f32 [tilespmem:s19], [sflag:$0x2], $0x10, s2, s17, $0xb8;
	[tilespmem:$0x1F800] =	vst v63  }
0x94: {  	_ =	swait.ge [sflag:s14], $0x800  }
0x95: {  	[sflag:s14] =	ssyncset.done $0x0  }
0x96: {  	s2 =	sadd.s32 $0x1500, s22;
	[sflag:s14] =	ssyncadd.s32 $0xFFFFF800  }
0x97: {  	[spmem:s1] =	stream.indirect.scatter.add.f32 [tilespmem:s21], [sflag:$0x2], $0x10, s2, s17, $0xb8;
	[tilespmem:$0x1F800] =	vst v63  }
0x98: {  	_ =	swait.ge [sflag:s14], $0x800  }
0x99: {  	[sflag:s14] =	ssyncset.done $0x0  }
0x9a: {  	s2 =	sadd.s32 $0x1580, s22;
	[sflag:s14] =	ssyncadd.s32 $0xFFFFF800  }
0x9b: {  	[spmem:s1] =	stream.indirect.scatter.add.f32 [tilespmem:s23], [sflag:$0x2], $0x10, s2, s17, $0xb8;
	[tilespmem:$0x1F800] =	vst v63  }
0x9c: {  	_ =	swait.ge [sflag:s14], $0x800  }
0x9d: {  	[sflag:s14] =	ssyncset.done $0x0  }
0x9e: {  	[sflag:s14] =	ssyncadd.s32 $0xFFFFF800  }
0x9f: {  	_ =	swait.ge [sflag:s16], $0x800  }
0xa0: {  	[sflag:s16] =	ssyncset.done $0x0  }
0xa1: {  	[sflag:s16] =	ssyncadd.s32 $0xFFFFF800  }
0xa2: {  	_ =	swait.ge [sflag:s16], $0x800  }
0xa3: {  	[sflag:s16] =	ssyncset.done $0x0  }
0xa4: {  	[sflag:s16] =	ssyncadd.s32 $0xFFFFF800  }
0xa5: {  	_ =	swait.ge [sflag:s16], $0x800  }
0xa6: {  	[sflag:s16] =	ssyncset.done $0x0  }
0xa7: {  	[sflag:s16] =	ssyncadd.s32 $0xFFFFF800  }
0xa8: {  	_ =	swait.ge [sflag:s16], $0x800  }
0xa9: {  	[sflag:s16] =	ssyncset.done $0x0  }
0xaa: {  	s2 =	sadd.s32 $0x400, s22;
	[sflag:s16] =	ssyncadd.s32 $0xFFFFF800  }
0xab: {  	[tilespmem:s18], [sflag:$0x1] =	stream.indirect.gather [hbm4b:s4+s17], $0x10, s2, s17, $0xb8;
	[tilespmem:$0x1F800] =	vst v63  }
0xac: {  	s2 =	sadd.s32 $0x480, s22  }
0xad: {  	[tilespmem:s19], [sflag:$0x1] =	stream.indirect.gather [hbm4b:s4+s17], $0x10, s2, s17, $0xb8;
	[tilespmem:$0x1F800] =	vst v63  }
0xae: {  	s2 =	sadd.s32 $0x500, s22  }
0xaf: {  	[tilespmem:s21], [sflag:$0x1] =	stream.indirect.gather [hbm4b:s4+s17], $0x10, s2, s17, $0xb8;
	[tilespmem:$0x1F800] =	vst v63  }
0xb0: {  	s2 =	sadd.s32 $0x580, s22  }
0xb1: {  	[tilespmem:s23], [sflag:$0x1] =	stream.indirect.gather [hbm4b:s4+s17], $0x10, s2, s17, $0xb8;
	[tilespmem:$0x1F800] =	vst v63  }
0xb2: {  	s2 =	sadd.s32 $0x1600, s22  }
0xb3: {  	[spmem:s1] =	stream.indirect.scatter.add.f32 [tilespmem:s24], [sflag:$0x2], $0x10, s2, s17, $0xb8;
	[tilespmem:$0x1F800] =	vst v63  }
0xb4: {  	_ =	swait.ge [sflag:s14], $0x800  }
0xb5: {  	[sflag:s14] =	ssyncset.done $0x0  }
0xb6: {  	s2 =	sadd.s32 $0x1680, s22;
	[sflag:s14] =	ssyncadd.s32 $0xFFFFF800  }
0xb7: {  	[spmem:s1] =	stream.indirect.scatter.add.f32 [tilespmem:s26], [sflag:$0x2], $0x10, s2, s17, $0xb8;
	[tilespmem:$0x1F800] =	vst v63  }
0xb8: {  	_ =	swait.ge [sflag:s14], $0x800  }
0xb9: {  	[sflag:s14] =	ssyncset.done $0x0  }
0xba: {  	s2 =	sadd.s32 $0x1700, s22;
	[sflag:s14] =	ssyncadd.s32 $0xFFFFF800  }
0xbb: {  	[spmem:s1] =	stream.indirect.scatter.add.f32 [tilespmem:s28], [sflag:$0x2], $0x10, s2, s17, $0xb8;
	[tilespmem:$0x1F800] =	vst v63  }
0xbc: {  	_ =	swait.ge [sflag:s14], $0x800  }
0xbd: {  	[sflag:s14] =	ssyncset.done $0x0  }
0xbe: {  	s2 =	sadd.s32 $0x1780, s22;
	[sflag:s14] =	ssyncadd.s32 $0xFFFFF800  }
0xbf: {  	[spmem:s1] =	stream.indirect.scatter.add.f32 [tilespmem:s29], [sflag:$0x2], $0x10, s2, s17, $0xb8;
	[tilespmem:$0x1F800] =	vst v63  }
0xc0: {  	_ =	swait.ge [sflag:s14], $0x800  }
0xc1: {  	[sflag:s14] =	ssyncset.done $0x0  }
0xc2: {  	[sflag:s14] =	ssyncadd.s32 $0xFFFFF800  }
0xc3: {  	_ =	swait.ge [sflag:s16], $0x800  }
0xc4: {  	[sflag:s16] =	ssyncset.done $0x0  }
0xc5: {  	[sflag:s16] =	ssyncadd.s32 $0xFFFFF800  }
0xc6: {  	_ =	swait.ge [sflag:s16], $0x800  }
0xc7: {  	[sflag:s16] =	ssyncset.done $0x0  }
0xc8: {  	[sflag:s16] =	ssyncadd.s32 $0xFFFFF800  }
.Ltmp0:
0xc9: {  	_ =	swait.ge [sflag:s16], $0x800;
	(pc) =	sbr.rel @p0 .LBB2_3-.Ltmp0, $4  }
0xca: {  	[sflag:s16] =	ssyncset.done $0x0  }
0xcb: {  	[sflag:s16] =	ssyncadd.s32 $0xFFFFF800  }
0xcc: {  	_ =	swait.ge [sflag:s16], $0x800  }
0xcd: {  	s30 =	smov.u32 s0;
	s22 =	sshra.s32 s31, $0x2;
	[sflag:s16] =	ssyncset.done $0x0  }
0xce: {  	s0 =	sadd.s32 $0x200, s22;
	[sflag:s16] =	ssyncadd.s32 $0xFFFFF800  }
0xcf: {  	[tilespmem:s24], [sflag:$0x1] =	stream.indirect.gather [hbm4b:s4+s17], $0x10, s0, s17, $0xb8;
	[tilespmem:$0x1F800] =	vst v63  }
0xd0: {  	s2 =	sadd.s32 $0x280, s22  }
0xd1: {  	[tilespmem:s26], [sflag:$0x1] =	stream.indirect.gather [hbm4b:s4+s17], $0x10, s2, s17, $0xb8;
	[tilespmem:$0x1F800] =	vst v63  }
0xd2: {  	s30 =	sadd.s32 $0x300, s22  }
0xd3: {  	[tilespmem:s28], [sflag:$0x1] =	stream.indirect.gather [hbm4b:s4+s17], $0x10, s30, s17, $0xb8;
	[tilespmem:$0x1F800] =	vst v63  }
0xd4: {  	s31 =	sadd.s32 $0x380, s22  }
0xd5: {  	[tilespmem:s29], [sflag:$0x1] =	stream.indirect.gather [hbm4b:s4+s17], $0x10, s31, s17, $0xb8;
	[tilespmem:$0x1F800] =	vst v63  }
0xd6: {  	s2 =	sadd.s32 $0x1400, s22  }
0xd7: {  	[spmem:s1] =	stream.indirect.scatter.add.f32 [tilespmem:s18], [sflag:$0x2], $0x10, s2, s17, $0xb8;
	[tilespmem:$0x1F800] =	vst v63  }
0xd8: {  	_ =	swait.ge [sflag:s14], $0x800  }
0xd9: {  	[sflag:s14] =	ssyncset.done $0x0  }
0xda: {  	s30 =	sadd.s32 $0x1480, s22;
	[sflag:s14] =	ssyncadd.s32 $0xFFFFF800  }
0xdb: {  	[spmem:s1] =	stream.indirect.scatter.add.f32 [tilespmem:s19], [sflag:$0x2], $0x10, s30, s17, $0xb8;
	[tilespmem:$0x1F800] =	vst v63  }
0xdc: {  	_ =	swait.ge [sflag:s14], $0x800  }
0xdd: {  	[sflag:s14] =	ssyncset.done $0x0  }
0xde: {  	s31 =	sadd.s32 $0x1500, s22;
	[sflag:s14] =	ssyncadd.s32 $0xFFFFF800  }
0xdf: {  	[spmem:s1] =	stream.indirect.scatter.add.f32 [tilespmem:s21], [sflag:$0x2], $0x10, s31, s17, $0xb8;
	[tilespmem:$0x1F800] =	vst v63  }
0xe0: {  	_ =	swait.ge [sflag:s14], $0x800  }
0xe1: {  	[sflag:s14] =	ssyncset.done $0x0  }
0xe2: {  	s2 =	sadd.s32 $0x1580, s22;
	[sflag:s14] =	ssyncadd.s32 $0xFFFFF800  }
0xe3: {  	[spmem:s1] =	stream.indirect.scatter.add.f32 [tilespmem:s23], [sflag:$0x2], $0x10, s2, s17, $0xb8;
	[tilespmem:$0x1F800] =	vst v63  }
0xe4: {  	_ =	swait.ge [sflag:s14], $0x800  }
0xe5: {  	[sflag:s14] =	ssyncset.done $0x0  }
0xe6: {  	[sflag:s14] =	ssyncadd.s32 $0xFFFFF800  }
0xe7: {  	_ =	swait.ge [sflag:s16], $0x800  }
0xe8: {  	[sflag:s16] =	ssyncset.done $0x0  }
0xe9: {  	[sflag:s16] =	ssyncadd.s32 $0xFFFFF800  }
0xea: {  	_ =	swait.ge [sflag:s16], $0x800  }
0xeb: {  	[sflag:s16] =	ssyncset.done $0x0  }
0xec: {  	[sflag:s16] =	ssyncadd.s32 $0xFFFFF800  }
0xed: {  	_ =	swait.ge [sflag:s16], $0x800  }
0xee: {  	[sflag:s16] =	ssyncset.done $0x0  }
0xef: {  	[sflag:s16] =	ssyncadd.s32 $0xFFFFF800  }
0xf0: {  	_ =	swait.ge [sflag:s16], $0x800  }
0xf1: {  	[sflag:s16] =	ssyncset.done $0x0  }
0xf2: {  	s30 =	sadd.s32 $0x400, s22;
	[sflag:s16] =	ssyncadd.s32 $0xFFFFF800  }
0xf3: {  	[tilespmem:s18], [sflag:$0x1] =	stream.indirect.gather [hbm4b:s4+s17], $0x10, s30, s17, $0xb8;
	[tilespmem:$0x1F800] =	vst v63  }
0xf4: {  	s31 =	sadd.s32 $0x480, s22  }
0xf5: {  	[tilespmem:s19], [sflag:$0x1] =	stream.indirect.gather [hbm4b:s4+s17], $0x10, s31, s17, $0xb8;
	[tilespmem:$0x1F800] =	vst v63  }
0xf6: {  	s2 =	sadd.s32 $0x500, s22  }
0xf7: {  	[tilespmem:s21], [sflag:$0x1] =	stream.indirect.gather [hbm4b:s4+s17], $0x10, s2, s17, $0xb8;
	[tilespmem:$0x1F800] =	vst v63  }
0xf8: {  	s30 =	sadd.s32 $0x580, s22  }
0xf9: {  	[tilespmem:s23], [sflag:$0x1] =	stream.indirect.gather [hbm4b:s4+s17], $0x10, s30, s17, $0xb8;
	[tilespmem:$0x1F800] =	vst v63  }
0xfa: {  	s31 =	sadd.s32 $0x1600, s22  }
0xfb: {  	[spmem:s1] =	stream.indirect.scatter.add.f32 [tilespmem:s24], [sflag:$0x2], $0x10, s31, s17, $0xb8;
	[tilespmem:$0x1F800] =	vst v63  }
0xfc: {  	_ =	swait.ge [sflag:s14], $0x800  }
0xfd: {  	[sflag:s14] =	ssyncset.done $0x0  }
0xfe: {  	s2 =	sadd.s32 $0x1680, s22;
	[sflag:s14] =	ssyncadd.s32 $0xFFFFF800  }
0xff: {  	[spmem:s1] =	stream.indirect.scatter.add.f32 [tilespmem:s26], [sflag:$0x2], $0x10, s2, s17, $0xb8;
	[tilespmem:$0x1F800] =	vst v63  }
0x100: {  	_ =	swait.ge [sflag:s14], $0x800  }
0x101: {  	[sflag:s14] =	ssyncset.done $0x0  }
0x102: {  	s30 =	sadd.s32 $0x1700, s22;
	[sflag:s14] =	ssyncadd.s32 $0xFFFFF800  }
0x103: {  	[spmem:s1] =	stream.indirect.scatter.add.f32 [tilespmem:s28], [sflag:$0x2], $0x10, s30, s17, $0xb8;
	[tilespmem:$0x1F800] =	vst v63  }
0x104: {  	_ =	swait.ge [sflag:s14], $0x800  }
0x105: {  	[sflag:s14] =	ssyncset.done $0x0  }
0x106: {  	s31 =	sadd.s32 $0x1780, s22;
	[sflag:s14] =	ssyncadd.s32 $0xFFFFF800  }
0x107: {  	[spmem:s1] =	stream.indirect.scatter.add.f32 [tilespmem:s29], [sflag:$0x2], $0x10, s31, s17, $0xb8;
	[tilespmem:$0x1F800] =	vst v63  }
0x108: {  	_ =	swait.ge [sflag:s14], $0x800  }
0x109: {  	[sflag:s14] =	ssyncset.done $0x0  }
0x10a: {  	[sflag:s14] =	ssyncadd.s32 $0xFFFFF800  }
0x10b: {  	_ =	swait.ge [sflag:s16], $0x800  }
0x10c: {  	[sflag:s16] =	ssyncset.done $0x0  }
0x10d: {  	[sflag:s16] =	ssyncadd.s32 $0xFFFFF800  }
0x10e: {  	_ =	swait.ge [sflag:s16], $0x800  }
0x10f: {  	[sflag:s16] =	ssyncset.done $0x0  }
0x110: {  	[sflag:s16] =	ssyncadd.s32 $0xFFFFF800  }
0x111: {  	_ =	swait.ge [sflag:s16], $0x800  }
0x112: {  	[sflag:s16] =	ssyncset.done $0x0  }
0x113: {  	[sflag:s16] =	ssyncadd.s32 $0xFFFFF800  }
0x114: {  	_ =	swait.ge [sflag:s16], $0x800  }
0x115: {  	[sflag:s16] =	ssyncset.done $0x0  }
0x116: {  	s2 =	simm.s32 $0x1200;
	[sflag:s16] =	ssyncadd.s32 $0xFFFFF800  }
0x117: {  	[tilespmem:s24], [sflag:$0x1] =	stream.indirect.gather [hbm4b:s4+s17], $0x10, s2, s17, $0xb8;
	[tilespmem:$0x1F800] =	vst v63  }
0x118: {  	s22 =	simm.s32 $0x1280  }
0x119: {  	[tilespmem:s26], [sflag:$0x1] =	stream.indirect.gather [hbm4b:s4+s17], $0x10, s22, s17, $0xb8;
	[tilespmem:$0x1F800] =	vst v63  }
0x11a: {  	s30 =	simm.s32 $0x1300  }
0x11b: {  	[tilespmem:s28], [sflag:$0x1] =	stream.indirect.gather [hbm4b:s4+s17], $0x10, s30, s17, $0xb8;
	[tilespmem:$0x1F800] =	vst v63  }
0x11c: {  	s31 =	simm.s32 $0x1380  }
0x11d: {  	[tilespmem:s29], [sflag:$0x1] =	stream.indirect.gather [hbm4b:s4+s17], $0x10, s31, s17, $0xb8;
	[tilespmem:$0x1F800] =	vst v63  }
0x11e: {  	_ = 	snop  }
0x11f: {  	[spmem:s1] =	stream.indirect.scatter.add.f32 [tilespmem:s18], [sflag:$0x2], $0x10, s7, s17, $0xb8;
	[tilespmem:$0x1F800] =	vst v63  }
0x120: {  	_ =	swait.ge [sflag:s14], $0x800  }
0x121: {  	[sflag:s14] =	ssyncset.done $0x0  }
0x122: {  	[sflag:s14] =	ssyncadd.s32 $0xFFFFF800  }
0x123: {  	[spmem:s1] =	stream.indirect.scatter.add.f32 [tilespmem:s19], [sflag:$0x2], $0x10, s11, s17, $0xb8;
	[tilespmem:$0x1F800] =	vst v63  }
0x124: {  	_ =	swait.ge [sflag:s14], $0x800  }
0x125: {  	[sflag:s14] =	ssyncset.done $0x0  }
0x126: {  	[sflag:s14] =	ssyncadd.s32 $0xFFFFF800  }
0x127: {  	[spmem:s1] =	stream.indirect.scatter.add.f32 [tilespmem:s21], [sflag:$0x2], $0x10, s12, s17, $0xb8;
	[tilespmem:$0x1F800] =	vst v63  }
0x128: {  	_ =	swait.ge [sflag:s14], $0x800  }
0x129: {  	[sflag:s14] =	ssyncset.done $0x0  }
0x12a: {  	[sflag:s14] =	ssyncadd.s32 $0xFFFFF800  }
0x12b: {  	[spmem:s1] =	stream.indirect.scatter.add.f32 [tilespmem:s23], [sflag:$0x2], $0x10, s13, s17, $0xb8;
	[tilespmem:$0x1F800] =	vst v63  }
0x12c: {  	_ =	swait.ge [sflag:s14], $0x800  }
0x12d: {  	[sflag:s14] =	ssyncset.done $0x0  }
0x12e: {  	[sflag:s14] =	ssyncadd.s32 $0xFFFFF800  }
0x12f: {  	_ =	swait.ge [sflag:s16], $0x800  }
0x130: {  	[sflag:s16] =	ssyncset.done $0x0  }
0x131: {  	[sflag:s16] =	ssyncadd.s32 $0xFFFFF800  }
0x132: {  	_ =	swait.ge [sflag:s16], $0x800  }
0x133: {  	[sflag:s16] =	ssyncset.done $0x0  }
0x134: {  	[sflag:s16] =	ssyncadd.s32 $0xFFFFF800  }
0x135: {  	_ =	swait.ge [sflag:s16], $0x800  }
0x136: {  	[sflag:s16] =	ssyncset.done $0x0  }
0x137: {  	[sflag:s16] =	ssyncadd.s32 $0xFFFFF800  }
0x138: {  	_ =	swait.ge [sflag:s16], $0x800  }
0x139: {  	[sflag:s16] =	ssyncset.done $0x0  }
0x13a: {  	[sflag:s16] =	ssyncadd.s32 $0xFFFFF800  }
0x13b: {  	[spmem:s1] =	stream.indirect.scatter.add.f32 [tilespmem:s24], [sflag:$0x2], $0x10, s25, s17, $0xb8;
	[tilespmem:$0x1F800] =	vst v63  }
0x13c: {  	_ =	swait.ge [sflag:s14], $0x800  }
0x13d: {  	[sflag:s14] =	ssyncset.done $0x0  }
0x13e: {  	[sflag:s14] =	ssyncadd.s32 $0xFFFFF800  }
0x13f: {  	[spmem:s1] =	stream.indirect.scatter.add.f32 [tilespmem:s26], [sflag:$0x2], $0x10, s8, s17, $0xb8;
	[tilespmem:$0x1F800] =	vst v63  }
0x140: {  	_ =	swait.ge [sflag:s14], $0x800  }
0x141: {  	[sflag:s14] =	ssyncset.done $0x0  }
0x142: {  	[sflag:s14] =	ssyncadd.s32 $0xFFFFF800  }
0x143: {  	[spmem:s1] =	stream.indirect.scatter.add.f32 [tilespmem:s28], [sflag:$0x2], $0x10, s3, s17, $0xb8;
	[tilespmem:$0x1F800] =	vst v63  }
0x144: {  	s20 =	sadd.s32 $0x1, s20;
	_ =	swait.ge [sflag:s14], $0x800  }
0x145: {  	p0 =	sne.s32 s20, $0x14;
	[sflag:s14] =	ssyncset.done $0x0  }
.Ltmp1:
0x146: {  	[sflag:s14] =	ssyncadd.s32 $0xFFFFF800;
	(pc) =	sbr.rel @p0 .LBB2_2-.Ltmp1, $4  }
0x147: {  	[spmem:s1] =	stream.indirect.scatter.add.f32 [tilespmem:s29], [sflag:$0x2], $0x10, s15, s17, $0xb8;
	[tilespmem:$0x1F800] =	vst v63  }
0x148: {  	_ =	swait.ge [sflag:s14], $0x800  }
0x149: {  	[sflag:s14] =	ssyncset.done $0x0  }
0x14a: {  	[sflag:s14] =	ssyncadd.s32 $0xFFFFF800  }
0x14b: {  	[bflag:$0x0] =	sbarrier.arrive $0xFFFF  }
0x14c: {  	s22 =	rddreg [dreg:$0x5]  }
0x14d: {  	s0 =	rddreg [dreg:$0x6]  }
0x14e: {  	s2 =	rddreg [dreg:$0x9]  }
0x14f: {  	[hbm:s0], [sflag:s22] =	dma.local [spmem:s2], $0x30E0  }
0x150: {  	_ =	swait.ge [sflag:s14], $0x30E0  }
0x151: {  	s20 =	rddreg [dreg:$0x3]  }
0x152: {  	s31 =	rddreg [dreg:$0x7];
	s20 =	sadd.s32 $0x1, s20  }
0x153: {  	p0 =	sne.s32 s20, s31  }
.Ltmp2:
0x154: {  	_ = 	snop;
	(pc) =	sbr.rel @p0 .LBB2_1-.Ltmp2, $3  }
0x155: {  	_ =	sdelay $0x1  }
0x156: {  	[sflag:s14] =	ssyncset.done $0x0  }
0x157: {  	[sflag:s14] =	ssyncadd.s32 $0xFFFFCF20  }
0x158: {  	_ =	sfence.sel $0x180000  }
0x159: {  	[bflag:$0x0] =	sbarrier.arrive $0xFFFF  }
0x15a: {  	_ =	strace $0x9000004A  }
0x15b: {  	s0 =	stileid.u32;
	[bflag:$0x2] =	sbarrier.arrive $0xFFFF  }
0x15c: {  	p0 =	sne.s32 s0, $0x0;
	s0 =	rddreg [dreg:$0x2]  }
0x15d: {  	s0 =	sadd.s32 @!p0 $0x100000, s0  }
0x15e: {  	[sflag:s0] =	ssyncadd.tile.s32 @!p0 $0x1;
	_ =	shalt  }
.Lfunc_end2:
_tile_overlayer_lowered:
.L_overlay_start_2:
0x15f: {  	(tag) =	ssettag $0x2  }
0x160: {  	s0 =	rddreg [dreg:$0x0];
	s2 =	stileid.u32  }
0x161: {  	s1 =	rddreg [dreg:$0x1];
	p0 =	sne.s32 s2, $0x0  }
0x162: {  	s3 =	rddreg [dreg:$0x2];
	[bflag:$0x3] =	sbarrier.arrive $0xFFFF;
	s2 =	simm.s32 @!p0 $0x1C02  }
0x163: {  	[timem:s3], [sflag:s2] =	dma.local @!p0 [hbm:s0], s1  }
0x164: {  	s0 =	simm.s32 @!p0 $0x2  }
0x165: {  	_ =	swait.ge @!p0 [sflag:s0], s1  }
0x166: {  	s1 =	ssub.s32 @!p0 $0x0, s1;
	[sflag:s0] =	ssyncset.done @!p0 $0x0  }
0x167: {  	[sflag:s0] =	ssyncadd.s32 @!p0 s1  }
0x168: {  	[bflag:$0x3] =	sbarrier.arrive $0xFFFF  }
0x169: {  	_ =	shalt  }

// kernel: kernel.9.cloned.1.call-start
scs
__scs_entry_jumppad:
0x0: {  	(pc) =	sbr.rel $0x88, $3  }
0x1: {  	(tag) =	ssettag $0x0;
	lr =	simm.s32 $0x1  }
0x2: {  	[smem:$0x3F82] =	sst lr;
	_ =	strace $0xD0000000  }
0x3: {  	_ = 	snop  }
0x4: {  	_ = 	snop  }
0x5: {  	_ = 	snop  }
0x6: {  	_ = 	snop  }
0x7: {  	_ = 	snop  }
__scs_overlays_trampoline_lowered:
0x8: {  	[smem:$0x3F91] =	sst s0  }
0x9: {  	[smem:$0x3F92] =	sst s1  }
0xa: {  	[smem:$0x3F93] =	sst s2  }
0xb: {  	[smem:$0x3F94] =	sst s3  }
0xc: {  	[smem:$0x3F95] =	sst s4  }
0xd: {  	[smem:$0x3F96] =	sst s5  }
0xe: {  	[smem:$0x3F97] =	sst s6  }
0xf: {  	[smem:$0x3F98] =	sst s7  }
0x10: {  	[smem:$0x3F99] =	sst s8  }
0x11: {  	[smem:$0x3F9A] =	sst s9;
	s0 =	simm.s32 @!p0 $0x0  }
0x12: {  	s1 =	sld [smem:$0x3F80];
	s0 =	simm.s32 @p0 $0x1  }
0x13: {  	[smem:$0x3F9B] =	sst s0;
	s0 =	simm.s32 @!p1 $0x0  }
0x14: {  	s2 =	sld [smem:$0x3F7F];
	s0 =	simm.s32 @p1 $0x1  }
0x15: {  	[smem:$0x3F9C] =	sst s0;
	s0 =	simm.s32 @!p2 $0x0  }
0x16: {  	s3 =	sld [smem:$0x3FDB];
	s0 =	simm.s32 @p2 $0x1  }
0x17: {  	s4 =	simm.s32 $0x1BF5;
	[smem:$0x3F9E] =	sst s0  }
0x18: {  	s0 =	sld [smem:$0x3F81];
	_ =	swait.ge [sflag:s4], $0x0  }
0x19: {  	s7 =	sld [smem:$0x3F82]  }
0x1a: {  	s8 =	sadd.s32 $0xFFFFE003, lr  }
0x1b: {  	s9 =	sadd.s32 $0xFFFFFEF7, lr;
	s5 =	simm.s32 $0xFFFFFFFF;
	p2 =	slt.u32 s8, $0xFFFFF086  }
0x1c: {  	p1 =	slt.u32 s9, $0xF7A;
	s5 =	simm.s32 @!p2 $0x0  }
0x1d: {  	s5 =	simm.s32 @p1 $0x1;
	p0 =	seq.s32 s7, s2  }
0x1e: {  	s7 =	smul.u32 @!p0 $0xF7A, s2;
	p2 =	seq.s32 @!p0 s5, $0x0  }
0x1f: {  	s9 =	smul.u32 $0xF7A, s1;
	s8 =	simm.s32 @!p0 $0x1BF5;
	p2 =	por !p2, p0  }
0x20: {  	[sflag:s8] =	ssyncset.s32 @!p0 $0xFFFFF086;
	s6 =	sadd.s32 @!p0 s3, s7;
	s7 =	simm.s32 @!p0 $0x108  }
0x21: {  	s3 =	sadd.s32 s3, s9;
	s6 =	sadd.s32 @!p0 $0x88, s6;
	s7 =	simm.s32 @p2 $0x1082  }
0x22: {  	[simem:s7], [sflag:s8] =	dma.local @!p0 [hbm:s6], $0xF7A  }
0x23: {  	s9 =	sor.u32 $0xD0000000, s2;
	s6 =	simm.s32 $0x108;
	_ =	swait.ge @!p0 [sflag:s8], $0x0  }
0x24: {  	s3 =	sadd.s32 $0x88, s3;
	s6 =	simm.s32 @!p1 $0x1082;
	[sflag:s4] =	ssyncset.s32 $0xFFFFF086  }
0x25: {  	[simem:s6], [sflag:s4] =	dma.local [hbm:s3], $0xF7A  }
0x26: {  	[smem:$0x3F82] =	sst s1;
	(tag) =	ssettag s2;
	_ =	strace s9  }
0x27: {  	s1 =	sld [smem:$0x3F92]  }
0x28: {  	s2 =	sld [smem:$0x3F93]  }
0x29: {  	s4 =	sld [smem:$0x3F95]  }
0x2a: {  	p0 =	seq.s32 s5, $0x0;
	s5 =	sld [smem:$0x3F96]  }
0x2b: {  	s6 =	sld [smem:$0x3F97]  }
0x2c: {  	s7 =	sld [smem:$0x3F98]  }
0x2d: {  	s3 =	simm.s32 $0x108;
	s8 =	sld [smem:$0x3F99]  }
0x2e: {  	s3 =	simm.s32 @!p0 $0x1082;
	s9 =	sld [smem:$0x3F9A]  }
0x2f: {  	lr =	sadd.s32 s0, s3;
	s0 =	sld [smem:$0x3F91]  }
0x30: {  	s3 =	sld [smem:$0x3F94]  }
0x31: {  	[smem:$0x3F9D] =	sst s10  }
0x32: {  	s10 =	sld [smem:$0x3F9B];
	_ =	sdelay $0x3  }
0x33: {  	p0 =	seq.s32 s10, $0x1;
	s10 =	sld [smem:$0x3F9D];
	_ =	sdelay $0x3  }
0x34: {  	[smem:$0x3F9D] =	sst s10  }
0x35: {  	s10 =	sld [smem:$0x3F9C];
	_ =	sdelay $0x3  }
0x36: {  	p1 =	seq.s32 s10, $0x1;
	s10 =	sld [smem:$0x3F9D];
	_ =	sdelay $0x3  }
0x37: {  	[smem:$0x3F9D] =	sst s10  }
0x38: {  	s10 =	sld [smem:$0x3F9E]  }
0x39: {  	_ = 	snop;
	(pc) =	sbr.ind lr, $3  }
0x3a: {  	_ = 	snop  }
0x3b: {  	_ = 	snop  }
0x3c: {  	p2 =	seq.s32 s10, $0x1;
	s10 =	sld [smem:$0x3F9D]  }
0x3d: {  	_ =	shalt  }
0x3e: {  	_ =	shalt  }
0x3f: {  	_ =	shalt  }
0x40: {  	_ =	shalt  }
0x41: {  	_ =	shalt  }
0x42: {  	_ =	shalt  }
0x43: {  	_ =	shalt  }
0x44: {  	_ =	shalt  }
0x45: {  	_ =	shalt  }
0x46: {  	_ =	shalt  }
0x47: {  	_ =	shalt  }
0x48: {  	_ =	shalt  }
0x49: {  	_ =	shalt  }
0x4a: {  	_ =	shalt  }
0x4b: {  	_ =	shalt  }
0x4c: {  	_ =	shalt  }
0x4d: {  	_ =	shalt  }
0x4e: {  	_ =	shalt  }
0x4f: {  	_ =	shalt  }
0x50: {  	_ =	shalt  }
0x51: {  	_ =	shalt  }
0x52: {  	_ =	shalt  }
0x53: {  	_ =	shalt  }
0x54: {  	_ =	shalt  }
0x55: {  	_ =	shalt  }
0x56: {  	_ =	shalt  }
0x57: {  	_ =	shalt  }
0x58: {  	_ =	shalt  }
0x59: {  	_ =	shalt  }
0x5a: {  	_ =	shalt  }
0x5b: {  	_ =	shalt  }
0x5c: {  	_ =	shalt  }
0x5d: {  	_ =	shalt  }
0x5e: {  	_ =	shalt  }
0x5f: {  	_ =	shalt  }
0x60: {  	_ =	shalt  }
0x61: {  	_ =	shalt  }
0x62: {  	_ =	shalt  }
0x63: {  	_ =	shalt  }
0x64: {  	_ =	shalt  }
0x65: {  	_ =	shalt  }
0x66: {  	_ =	shalt  }
0x67: {  	_ =	shalt  }
0x68: {  	_ =	shalt  }
0x69: {  	_ =	shalt  }
0x6a: {  	_ =	shalt  }
0x6b: {  	_ =	shalt  }
0x6c: {  	_ =	shalt  }
0x6d: {  	_ =	shalt  }
0x6e: {  	_ =	shalt  }
0x6f: {  	_ =	shalt  }
0x70: {  	_ =	shalt  }
0x71: {  	_ =	shalt  }
0x72: {  	_ =	shalt  }
0x73: {  	_ =	shalt  }
0x74: {  	_ =	shalt  }
0x75: {  	_ =	shalt  }
0x76: {  	_ =	shalt  }
0x77: {  	_ =	shalt  }
0x78: {  	_ =	shalt  }
0x79: {  	_ =	shalt  }
0x7a: {  	_ =	shalt  }
0x7b: {  	_ =	shalt  }
0x7c: {  	_ =	shalt  }
0x7d: {  	_ =	shalt  }
0x7e: {  	_ =	shalt  }
0x7f: {  	_ =	shalt  }
0x80: {  	_ =	shalt  }
0x81: {  	_ =	shalt  }
0x82: {  	_ =	shalt  }
0x83: {  	_ =	shalt  }
0x84: {  	_ =	shalt  }
0x85: {  	_ =	shalt  }
0x86: {  	_ =	shalt  }
0x87: {  	_ =	shalt  }
.Lfunc_end0:
.L_simem_size_0:
called_computation_lowered:
.L_overlay_start_0:
0x88: {  	s2 =	sld [smem:$0x3FD9]  }
0x89: {  	s3 =	sld [smem:$0x3FFE];
	_ =	sdelay $0x1  }
0x8a: {  	s1 =	srdreg.scid  }
0x8b: {  	s0 =	sand.u32 $0x1, s1  }
0x8c: {  	s16 =	sshll.u32 s0, $0xA;
	s2 =	sadd.s32 s3, s2  }
0x8d: {  	s2 =	sadd.s32 s2, s16  }
0x8e: {  	[smem:$0x3FA9] =	sst s2  }
0x8f: {  	_ = 	snop  }
0x90: {  	(tm) =	ssettm $0x1  }
0x91: {  	s17 =	sld [smem:$0x3FFB];
	_ =	sdelay $0x3  }
0x92: {  	_ =	strace s17  }
0x93: {  	s2 =	sld [smem:$0x3FFC];
	_ =	sdelay $0x3  }
0x94: {  	_ =	strace s2  }
0x95: {  	s2 =	sld [smem:$0x3FFD];
	_ =	sdelay $0x3  }
0x96: {  	_ =	strace s2  }
0x97: {  	_ =	strace $0x8FFFFFFF  }
0x98: {  	s18 =	sld [smem:$0x3FDB];
	_ =	sdelay $0x1  }
0x99: {  	s19 =	simm.s32 $_scs_section_size  }
0x9a: {  	s4 =	simm.s32 $_size__tile_overlayer_lowered;
	s5 =	simm.s32 $_tile_overlayer_lowered  }
0x9b: {  	s22 =	simm.s32 $0x1BFF;
	s21 =	sshll.u32 s5, $0x1;
	s2 =	sadd.s32 s19, s18  }
0x9c: {  	s6 =	simm.s32 $0x0;
	s20 =	sshll.u32 s4, $0x1;
	s4 =	sadd.s32 s21, s2  }
0x9d: {  	[timem:s6], [sflag:s22] =	dma.local [hbm:s4], s20  }
0x9e: {  	_ =	swait.ge [sflag:s22], s20  }
0x9f: {  	s3 =	ssub.s32 $0x0, s20;
	[sflag:s22] =	ssyncset.done $0x0  }
0xa0: {  	[sflag:s22] =	ssyncadd.s32 s3;
	_ =	sdelay $0x1  }
0xa1: {  	s23 =	simm.s32 $0x1B8B  }
0xa2: {  	_ =	swait.ge [sflag:s23], $0x1  }
0xa3: {  	[sflag:s23] =	ssyncset.done $0x0  }
0xa4: {  	s25 =	simm.s32 $0x1B8E;
	s24 =	sld [smem:$0x3FFE];
	[sflag:s23] =	ssyncadd.s32 $0xFFFFFFFF  }
0xa5: {  	s26 =	simm.s32 $execute0_lowered;
	[smem:$0x3FD2] =	sst s25  }
0xa6: {  	s4 =	sshll.u32 s26, $0x1;
	_ =	strace $0x80000046;
	[dreg:$0x1] =	wrdreg $0xFFFFFFFF  }
0xa7: {  	s28 =	simm.s32 $_size_execute0_lowered;
	s2 =	sadd.s32 s2, s4;
	[dreg:$0x0] =	wrdreg $0x0  }
0xa8: {  	s4 =	sshll.u32 s28, $0x1;
	[dreg:$0x2] =	wrdreg s2  }
0xa9: {  	[dreg:$0x3] =	wrdreg s4  }
0xaa: {  	[dreg:$0x4] =	wrdreg $0xC0  }
0xab: {  	_ =	task [dreg:s6], $0x5FFFF  }
0xac: {  	[dreg:$0x1] =	wrdreg $0xFFFFFFFF  }
0xad: {  	[dreg:$0x0] =	wrdreg $0x60  }
0xae: {  	[dreg:$0x2] =	wrdreg s24  }
0xaf: {  	[dreg:$0x3] =	wrdreg $0x68000  }
0xb0: {  	[dreg:$0x4] =	wrdreg $0x9  }
0xb1: {  	_ =	task.clear_ibuf [dreg:s6], $0x5FFFF;
	_ =	strace $0x90000046  }
0xb2: {  	s29 =	simm.s32 $0x9;
	_ =	strace $0x80000048  }
0xb3: {  	_ =	swait.ge [sflag:s29], $0x1  }
0xb4: {  	[sflag:s29] =	ssyncadd.s32 $0xFFFFFFFF  }
0xb5: {  	_ =	strace $0x90000048  }
0xb6: {  	_ =	sfence  }
0xb7: {  	s30 =	sld [smem:$0x0];
	_ =	sdelay $0x2  }
0xb8: {  	s31 =	sshll.u32 s1, $0xD;
	s1 =	sshrl.u32 s1, $0x2  }
0xb9: {  	s3 =	sand.u32 $0x4000, s31;
	s1 =	sadd.s32 s1, s30  }
0xba: {  	s0 =	sor.u32 s3, s0;
	s1 =	sshll.u32 s1, $0x11  }
0xbb: {  	s0 =	sor.u32 s1, s0  }
0xbc: {  	s0 =	sadd.s32 $0x8F2B, s0  }
0xbd: {  	[sflag:s0] =	ssyncadd.remote.s32 $0x1  }
0xbe: {  	_ =	sfence.sel $0xFFFF  }
0xbf: {  	[dreg:$0x0] =	wrdreg $0xFFFFFFFF;
	(pc) =	sbr.abs _section_cstart, $3  }
0xc0: {  	[dreg:$0x1] =	wrdreg $0xFFFFFFFF  }
0xc1: {  	_ =	task.clear_ibuf [dreg:s6], $0x2FFFF;
	_ =	strace $0x9FFFFFFF  }
0xc2: {  	(tm) =	ssettm $0x7FFFFFFF  }
0xc3: {  	_ =	shalt  }
tec
execute0_lowered:
.L_overlay_start_1:
0x0: {  	(tag) =	ssettag $0x1  }
0x1: {  	s0 =	rddreg [dreg:$0x0]  }
0x2: {  	s1 =	rddreg [dreg:$0x1];
	s20 =	simm.s32 $0x0;
	s2 =	srdreg.scid  }
0x3: {  	s10 =	stileid.u32;
	s14 =	simm.s32 $0x2;
	s16 =	simm.s32 $0x1  }
0x4: {  	s17 =	simm.s32 $0x80;
	s18 =	simm.s32 $0x2800;
	s28 =	simm.s32 $0x5800  }
0x5: {  	s29 =	simm.s32 $0x6000;
	s12 =	simm.s32 $0x2500;
	s13 =	simm.s32 $0x2580  }
0x6: {  	s15 =	simm.s32 $0x2780;
	[smem:$0x7FF] =	sst s20;
	s7 =	smul.u32 $0x30E0, s10  }
0x7: {  	s2 =	sand.u32 $0x1, s2;
	s4 =	sadd.s32 $0x4800, s0;
	s9 =	smul.u32 $0x64000, s10  }
0x8: {  	s5 =	sadd.s32 $0x66400, s0;
	s6 =	sadd.s32 $0xCA400, s0;
	s25 =	smul.u32 $0x61C00, s10  }
0x9: {  	s11 =	sadd.s32 $0xFC400, s0;
	s24 =	sshll.u32 s10, $0x6;
	s3 =	smul.u32 $0x30E00, s2  }
0xa: {  	_ =	strace $0x80000047;
	s8 =	ssub.s32 $0x2, s2;
	[dreg:$0x4] =	wrdreg s11  }
0xb: {  	s22 =	sor.u32 $0x1C02, s24;
	s24 =	simm.s32 $0x4800;
	s11 =	simm.s32 $0x2480  }
0xc: {  	s19 =	sshrl.u32 s8, $0x1;
	s23 =	sshrl.u32 s9, $0x2;
	s9 =	smul.u32 $0x320, s10  }
0xd: {  	s10 =	smul.u32 $0x3200, s2;
	s26 =	sshrl.u32 s25, $0x2;
	s25 =	simm.s32 $0x2600  }
0xe: {  	[dreg:$0x5] =	wrdreg s22;
	s3 =	sadd.s32 s7, s3;
	s21 =	ssub.s32 s8, s19  }
0xf: {  	s7 =	sadd.s32 s23, s1;
	s19 =	simm.s32 $0x3000;
	s23 =	simm.s32 $0x4000  }
0x10: {  	s8 =	simm.s32 $0x2680;
	s0 =	sadd.s32 s3, s0;
	s30 =	smax.u32 s21, $0x1  }
0x11: {  	s31 =	sshrl.u32 s7, $0x3;
	s0 =	sadd.s32 $0xFF600, s0;
	[dreg:$0x7] =	wrdreg s30  }
0x12: {  	s21 =	simm.s32 $0x3800;
	[dreg:$0x6] =	wrdreg s0;
	s0 =	sadd.s32 s26, s1  }
0x13: {  	s7 =	simm.s32 $0x2400;
	[dreg:$0x8] =	wrdreg s31;
	s0 =	sshrl.u32 s0, $0x3  }
0x14: {  	s3 =	simm.s32 $0x2700;
	s26 =	simm.s32 $0x5000;
	[dreg:$0x9] =	wrdreg s0  }
.LBB2_1:
0x15: {  	[dreg:$0x3] =	wrdreg s20  }
0x16: {  	s0 =	rddreg [dreg:$0x4]  }
0x17: {  	s2 =	rddreg [dreg:$0x8]  }
0x18: {  	[spmem:s2], [sflag:s22] =	dma.local [hbm:s0], $0x3200  }
0x19: {  	_ =	swait.ge [sflag:s14], $0x3200  }
0x1a: {  	[sflag:s14] =	ssyncset.done $0x0  }
0x1b: {  	[sflag:s14] =	ssyncadd.s32 $0xFFFFCE00  }
0x1c: {  	s20 =	simm.s32 $0x0;
	[bflag:$0x0] =	sbarrier.arrive $0xFFFF  }
.LBB2_2:
0x1d: {  	s0 =	smul.u32 $0x28, s20;
	_ =	sdelay $0x1  }
0x1e: {  	s0 =	sadd.s32 s9, s0  }
0x1f: {  	s22 =	sadd.s32 s10, s0  }
0x20: {  	s22 =	sshll.u32 s22, $0x4  }
0x21: {  	s30 =	simm.s32 $0x0;
	s0 =	sshll.u32 s0, $0x4;
	s22 =	sadd.s32 s5, s22  }
0x22: {  	[tilespmem:s30], [sflag:$0x1] =	stream.linear.gather [hbm4b:s22+s30], $0x1400, $0x38;
	[tilespmem:$0x1F800] =	vst v63  }
0x23: {  	s2 =	simm.s32 $0x1400;
	s0 =	sadd.s32 s6, s0  }
0x24: {  	[tilespmem:s2], [sflag:$0x1] =	stream.linear.gather [hbm4b:s0+s30], $0x1400, $0x38;
	[tilespmem:$0x1F800] =	vst v63  }
0x25: {  	_ =	swait.ge [sflag:s16], $0x1400  }
0x26: {  	[sflag:s16] =	ssyncset.done $0x0  }
0x27: {  	[sflag:s16] =	ssyncadd.s32 $0xFFFFEC00  }
0x28: {  	_ =	swait.ge [sflag:s16], $0x1400  }
0x29: {  	[sflag:s16] =	ssyncset.done $0x0  }
0x2a: {  	[sflag:s16] =	ssyncadd.s32 $0xFFFFEC00  }
0x2b: {  	[tilespmem:s18], [sflag:$0x1] =	stream.indirect.gather [hbm4b:s4+s17], $0x10, s30, s17, $0xb8;
	[tilespmem:$0x1F800] =	vst v63  }
0x2c: {  	_ = 	snop  }
0x2d: {  	[tilespmem:s19], [sflag:$0x1] =	stream.indirect.gather [hbm4b:s4+s17], $0x10, s17, s17, $0xb8;
	[tilespmem:$0x1F800] =	vst v63  }
0x2e: {  	s2 =	simm.s32 $0x100  }
0x2f: {  	[tilespmem:s21], [sflag:$0x1] =	stream.indirect.gather [hbm4b:s4+s17], $0x10, s2, s17, $0xb8;
	[tilespmem:$0x1F800] =	vst v63  }
0x30: {  	s22 =	simm.s32 $0x180  }
0x31: {  	[tilespmem:s23], [sflag:$0x1] =	stream.indirect.gather [hbm4b:s4+s17], $0x10, s22, s17, $0xb8;
	[tilespmem:$0x1F800] =	vst v63  }
0x32: {  	_ =	swait.ge [sflag:s16], $0x800  }
0x33: {  	[sflag:s16] =	ssyncset.done $0x0  }
0x34: {  	[sflag:s16] =	ssyncadd.s32 $0xFFFFF800  }
0x35: {  	_ =	swait.ge [sflag:s16], $0x800  }
0x36: {  	[sflag:s16] =	ssyncset.done $0x0  }
0x37: {  	[sflag:s16] =	ssyncadd.s32 $0xFFFFF800  }
0x38: {  	_ =	swait.ge [sflag:s16], $0x800  }
0x39: {  	[sflag:s16] =	ssyncset.done $0x0  }
0x3a: {  	[sflag:s16] =	ssyncadd.s32 $0xFFFFF800  }
0x3b: {  	_ =	swait.ge [sflag:s16], $0x800  }
0x3c: {  	[sflag:s16] =	ssyncset.done $0x0  }
0x3d: {  	s31 =	simm.s32 $0x200;
	[sflag:s16] =	ssyncadd.s32 $0xFFFFF800  }
0x3e: {  	[tilespmem:s24], [sflag:$0x1] =	stream.indirect.gather [hbm4b:s4+s17], $0x10, s31, s17, $0xb8;
	[tilespmem:$0x1F800] =	vst v63  }
0x3f: {  	s2 =	simm.s32 $0x280  }
0x40: {  	[tilespmem:s26], [sflag:$0x1] =	stream.indirect.gather [hbm4b:s4+s17], $0x10, s2, s17, $0xb8;
	[tilespmem:$0x1F800] =	vst v63  }
0x41: {  	s22 =	simm.s32 $0x300  }
0x42: {  	[tilespmem:s28], [sflag:$0x1] =	stream.indirect.gather [hbm4b:s4+s17], $0x10, s22, s17, $0xb8;
	[tilespmem:$0x1F800] =	vst v63  }
0x43: {  	s31 =	simm.s32 $0x380  }
0x44: {  	[tilespmem:s29], [sflag:$0x1] =	stream.indirect.gather [hbm4b:s4+s17], $0x10, s31, s17, $0xb8;
	[tilespmem:$0x1F800] =	vst v63  }
0x45: {  	s2 =	simm.s32 $0x1400  }
0x46: {  	[spmem:s1] =	stream.indirect.scatter.add.f32 [tilespmem:s18], [sflag:$0x2], $0x10, s2, s17, $0xb8;
	[tilespmem:$0x1F800] =	vst v63  }
0x47: {  	_ =	swait.ge [sflag:s14], $0x800  }
0x48: {  	[sflag:s14] =	ssyncset.done $0x0  }
0x49: {  	s22 =	simm.s32 $0x1480;
	[sflag:s14] =	ssyncadd.s32 $0xFFFFF800  }
0x4a: {  	[spmem:s1] =	stream.indirect.scatter.add.f32 [tilespmem:s19], [sflag:$0x2], $0x10, s22, s17, $0xb8;
	[tilespmem:$0x1F800] =	vst v63  }
0x4b: {  	_ =	swait.ge [sflag:s14], $0x800  }
0x4c: {  	[sflag:s14] =	ssyncset.done $0x0  }
0x4d: {  	s31 =	simm.s32 $0x1500;
	[sflag:s14] =	ssyncadd.s32 $0xFFFFF800  }
0x4e: {  	[spmem:s1] =	stream.indirect.scatter.add.f32 [tilespmem:s21], [sflag:$0x2], $0x10, s31, s17, $0xb8;
	[tilespmem:$0x1F800] =	vst v63  }
0x4f: {  	_ =	swait.ge [sflag:s14], $0x800  }
0x50: {  	[sflag:s14] =	ssyncset.done $0x0  }
0x51: {  	s2 =	simm.s32 $0x1580;
	[sflag:s14] =	ssyncadd.s32 $0xFFFFF800  }
0x52: {  	[spmem:s1] =	stream.indirect.scatter.add.f32 [tilespmem:s23], [sflag:$0x2], $0x10, s2, s17, $0xb8;
	[tilespmem:$0x1F800] =	vst v63  }
0x53: {  	_ =	swait.ge [sflag:s14], $0x800  }
0x54: {  	[sflag:s14] =	ssyncset.done $0x0  }
0x55: {  	[sflag:s14] =	ssyncadd.s32 $0xFFFFF800  }
0x56: {  	_ =	swait.ge [sflag:s16], $0x800  }
0x57: {  	[sflag:s16] =	ssyncset.done $0x0  }
0x58: {  	[sflag:s16] =	ssyncadd.s32 $0xFFFFF800  }
0x59: {  	_ =	swait.ge [sflag:s16], $0x800  }
0x5a: {  	[sflag:s16] =	ssyncset.done $0x0  }
0x5b: {  	[sflag:s16] =	ssyncadd.s32 $0xFFFFF800  }
0x5c: {  	_ =	swait.ge [sflag:s16], $0x800  }
0x5d: {  	[sflag:s16] =	ssyncset.done $0x0  }
0x5e: {  	[sflag:s16] =	ssyncadd.s32 $0xFFFFF800  }
0x5f: {  	_ =	swait.ge [sflag:s16], $0x800  }
0x60: {  	[sflag:s16] =	ssyncset.done $0x0  }
0x61: {  	s22 =	simm.s32 $0x400;
	[sflag:s16] =	ssyncadd.s32 $0xFFFFF800  }
0x62: {  	[tilespmem:s18], [sflag:$0x1] =	stream.indirect.gather [hbm4b:s4+s17], $0x10, s22, s17, $0xb8;
	[tilespmem:$0x1F800] =	vst v63  }
0x63: {  	s31 =	simm.s32 $0x480  }
0x64: {  	[tilespmem:s19], [sflag:$0x1] =	stream.indirect.gather [hbm4b:s4+s17], $0x10, s31, s17, $0xb8;
	[tilespmem:$0x1F800] =	vst v63  }
0x65: {  	s2 =	simm.s32 $0x500  }
0x66: {  	[tilespmem:s21], [sflag:$0x1] =	stream.indirect.gather [hbm4b:s4+s17], $0x10, s2, s17, $0xb8;
	[tilespmem:$0x1F800] =	vst v63  }
0x67: {  	s22 =	simm.s32 $0x580  }
0x68: {  	[tilespmem:s23], [sflag:$0x1] =	stream.indirect.gather [hbm4b:s4+s17], $0x10, s22, s17, $0xb8;
	[tilespmem:$0x1F800] =	vst v63  }
0x69: {  	s31 =	simm.s32 $0x1600  }
0x6a: {  	[spmem:s1] =	stream.indirect.scatter.add.f32 [tilespmem:s24], [sflag:$0x2], $0x10, s31, s17, $0xb8;
	[tilespmem:$0x1F800] =	vst v63  }
0x6b: {  	_ =	swait.ge [sflag:s14], $0x800  }
0x6c: {  	[sflag:s14] =	ssyncset.done $0x0  }
0x6d: {  	s2 =	simm.s32 $0x1680;
	[sflag:s14] =	ssyncadd.s32 $0xFFFFF800  }
0x6e: {  	[spmem:s1] =	stream.indirect.scatter.add.f32 [tilespmem:s26], [sflag:$0x2], $0x10, s2, s17, $0xb8;
	[tilespmem:$0x1F800] =	vst v63  }
0x6f: {  	_ =	swait.ge [sflag:s14], $0x800  }
0x70: {  	[sflag:s14] =	ssyncset.done $0x0  }
0x71: {  	s22 =	simm.s32 $0x1700;
	[sflag:s14] =	ssyncadd.s32 $0xFFFFF800  }
0x72: {  	[spmem:s1] =	stream.indirect.scatter.add.f32 [tilespmem:s28], [sflag:$0x2], $0x10, s22, s17, $0xb8;
	[tilespmem:$0x1F800] =	vst v63  }
0x73: {  	_ =	swait.ge [sflag:s14], $0x800  }
0x74: {  	[sflag:s14] =	ssyncset.done $0x0  }
0x75: {  	s31 =	simm.s32 $0x1780;
	[sflag:s14] =	ssyncadd.s32 $0xFFFFF800  }
0x76: {  	[spmem:s1] =	stream.indirect.scatter.add.f32 [tilespmem:s29], [sflag:$0x2], $0x10, s31, s17, $0xb8;
	[tilespmem:$0x1F800] =	vst v63  }
0x77: {  	_ =	swait.ge [sflag:s14], $0x800  }
0x78: {  	[sflag:s14] =	ssyncset.done $0x0  }
0x79: {  	[sflag:s14] =	ssyncadd.s32 $0xFFFFF800  }
0x7a: {  	_ =	swait.ge [sflag:s16], $0x800  }
0x7b: {  	[sflag:s16] =	ssyncset.done $0x0  }
0x7c: {  	[sflag:s16] =	ssyncadd.s32 $0xFFFFF800  }
0x7d: {  	_ =	swait.ge [sflag:s16], $0x800  }
0x7e: {  	[sflag:s16] =	ssyncset.done $0x0  }
0x7f: {  	[sflag:s16] =	ssyncadd.s32 $0xFFFFF800  }
0x80: {  	_ =	swait.ge [sflag:s16], $0x800  }
0x81: {  	[sflag:s16] =	ssyncset.done $0x0  }
0x82: {  	[sflag:s16] =	ssyncadd.s32 $0xFFFFF800  }
0x83: {  	_ =	swait.ge [sflag:s16], $0x800  }
0x84: {  	s30 =	simm.s32 $0x2000;
	s22 =	simm.s32 $0x400;
	[sflag:s16] =	ssyncset.done $0x0  }
.LBB2_3:
0x85: {  	s2 =	sadd.s32 $0x200, s22  }
0x86: {  	[sflag:s16] =	ssyncadd.s32 $0xFFFFF800;
	s31 =	smov.u32 s30;
	s0 =	sadd.s32 $0x1000, s30  }
0x87: {  	[tilespmem:s24], [sflag:$0x1] =	stream.indirect.gather [hbm4b:s4+s17], $0x10, s2, s17, $0xb8;
	[tilespmem:$0x1F800] =	vst v63  }
0x88: {  	p0 =	sne.s32 s30, $0x3000;
	s2 =	sadd.s32 $0x280, s22  }
0x89: {  	[tilespmem:s26], [sflag:$0x1] =	stream.indirect.gather [hbm4b:s4+s17], $0x10, s2, s17, $0xb8;
	[tilespmem:$0x1F800] =	vst v63  }
0x8a: {  	s2 =	sadd.s32 $0x300, s22  }
0x8b: {  	[tilespmem:s28], [sflag:$0x1] =	stream.indirect.gather [hbm4b:s4+s17], $0x10, s2, s17, $0xb8;
	[tilespmem:$0x1F800] =	vst v63  }
0x8c: {  	s2 =	sadd.s32 $0x380, s22  }
0x8d: {  	[tilespmem:s29], [sflag:$0x1] =	stream.indirect.gather [hbm4b:s4+s17], $0x10, s2, s17, $0xb8;
	[tilespmem:$0x1F800] =	vst v63  }
0x8e: {  	s2 =	sadd.s32 $0x1400, s22  }
0x8f: {  	[spmem:s1] =	stream.indirect.scatter.add.f32 [tilespmem:s18], [sflag:$0x2], $0x10, s2, s17, $0xb8;
	[tilespmem:$0x1F800] =	vst v63  }
0x90: {  	_ =	swait.ge [sflag:s14], $0x800  }
0x91: {  	[sflag:s14] =	ssyncset.done $0x0  }
0x92: {  	s2 =	sadd.s32 $0x1480, s22;
	[sflag:s14] =	ssyncadd.s32 $0xFFFFF800  }
0x93: {  	[spmem:s1] =	stream.indirect.scatter.add.f32 [tilespmem:s19], [sflag:$0x2], $0x10, s2, s17, $0xb8;
	[tilespmem:$0x1F800] =	vst v63  }
0x94: {  	_ =	swait.ge [sflag:s14], $0x800  }
0x95: {  	[sflag:s14] =	ssyncset.done $0x0  }
0x96: {  	s2 =	sadd.s32 $0x1500, s22;
	[sflag:s14] =	ssyncadd.s32 $0xFFFFF800  }
0x97: {  	[spmem:s1] =	stream.indirect.scatter.add.f32 [tilespmem:s21], [sflag:$0x2], $0x10, s2, s17, $0xb8;
	[tilespmem:$0x1F800] =	vst v63  }
0x98: {  	_ =	swait.ge [sflag:s14], $0x800  }
0x99: {  	[sflag:s14] =	ssyncset.done $0x0  }
0x9a: {  	s2 =	sadd.s32 $0x1580, s22;
	[sflag:s14] =	ssyncadd.s32 $0xFFFFF800  }
0x9b: {  	[spmem:s1] =	stream.indirect.scatter.add.f32 [tilespmem:s23], [sflag:$0x2], $0x10, s2, s17, $0xb8;
	[tilespmem:$0x1F800] =	vst v63  }
0x9c: {  	_ =	swait.ge [sflag:s14], $0x800  }
0x9d: {  	[sflag:s14] =	ssyncset.done $0x0  }
0x9e: {  	[sflag:s14] =	ssyncadd.s32 $0xFFFFF800  }
0x9f: {  	_ =	swait.ge [sflag:s16], $0x800  }
0xa0: {  	[sflag:s16] =	ssyncset.done $0x0  }
0xa1: {  	[sflag:s16] =	ssyncadd.s32 $0xFFFFF800  }
0xa2: {  	_ =	swait.ge [sflag:s16], $0x800  }
0xa3: {  	[sflag:s16] =	ssyncset.done $0x0  }
0xa4: {  	[sflag:s16] =	ssyncadd.s32 $0xFFFFF800  }
0xa5: {  	_ =	swait.ge [sflag:s16], $0x800  }
0xa6: {  	[sflag:s16] =	ssyncset.done $0x0  }
0xa7: {  	[sflag:s16] =	ssyncadd.s32 $0xFFFFF800  }
0xa8: {  	_ =	swait.ge [sflag:s16], $0x800  }
0xa9: {  	[sflag:s16] =	ssyncset.done $0x0  }
0xaa: {  	s2 =	sadd.s32 $0x400, s22;
	[sflag:s16] =	ssyncadd.s32 $0xFFFFF800  }
0xab: {  	[tilespmem:s18], [sflag:$0x1] =	stream.indirect.gather [hbm4b:s4+s17], $0x10, s2, s17, $0xb8;
	[tilespmem:$0x1F800] =	vst v63  }
0xac: {  	s2 =	sadd.s32 $0x480, s22  }
0xad: {  	[tilespmem:s19], [sflag:$0x1] =	stream.indirect.gather [hbm4b:s4+s17], $0x10, s2, s17, $0xb8;
	[tilespmem:$0x1F800] =	vst v63  }
0xae: {  	s2 =	sadd.s32 $0x500, s22  }
0xaf: {  	[tilespmem:s21], [sflag:$0x1] =	stream.indirect.gather [hbm4b:s4+s17], $0x10, s2, s17, $0xb8;
	[tilespmem:$0x1F800] =	vst v63  }
0xb0: {  	s2 =	sadd.s32 $0x580, s22  }
0xb1: {  	[tilespmem:s23], [sflag:$0x1] =	stream.indirect.gather [hbm4b:s4+s17], $0x10, s2, s17, $0xb8;
	[tilespmem:$0x1F800] =	vst v63  }
0xb2: {  	s2 =	sadd.s32 $0x1600, s22  }
0xb3: {  	[spmem:s1] =	stream.indirect.scatter.add.f32 [tilespmem:s24], [sflag:$0x2], $0x10, s2, s17, $0xb8;
	[tilespmem:$0x1F800] =	vst v63  }
0xb4: {  	_ =	swait.ge [sflag:s14], $0x800  }
0xb5: {  	[sflag:s14] =	ssyncset.done $0x0  }
0xb6: {  	s2 =	sadd.s32 $0x1680, s22;
	[sflag:s14] =	ssyncadd.s32 $0xFFFFF800  }
0xb7: {  	[spmem:s1] =	stream.indirect.scatter.add.f32 [tilespmem:s26], [sflag:$0x2], $0x10, s2, s17, $0xb8;
	[tilespmem:$0x1F800] =	vst v63  }
0xb8: {  	_ =	swait.ge [sflag:s14], $0x800  }
0xb9: {  	[sflag:s14] =	ssyncset.done $0x0  }
0xba: {  	s2 =	sadd.s32 $0x1700, s22;
	[sflag:s14] =	ssyncadd.s32 $0xFFFFF800  }
0xbb: {  	[spmem:s1] =	stream.indirect.scatter.add.f32 [tilespmem:s28], [sflag:$0x2], $0x10, s2, s17, $0xb8;
	[tilespmem:$0x1F800] =	vst v63  }
0xbc: {  	_ =	swait.ge [sflag:s14], $0x800  }
0xbd: {  	[sflag:s14] =	ssyncset.done $0x0  }
0xbe: {  	s2 =	sadd.s32 $0x1780, s22;
	[sflag:s14] =	ssyncadd.s32 $0xFFFFF800  }
0xbf: {  	[spmem:s1] =	stream.indirect.scatter.add.f32 [tilespmem:s29], [sflag:$0x2], $0x10, s2, s17, $0xb8;
	[tilespmem:$0x1F800] =	vst v63  }
0xc0: {  	_ =	swait.ge [sflag:s14], $0x800  }
0xc1: {  	[sflag:s14] =	ssyncset.done $0x0  }
0xc2: {  	[sflag:s14] =	ssyncadd.s32 $0xFFFFF800  }
0xc3: {  	_ =	swait.ge [sflag:s16], $0x800  }
0xc4: {  	[sflag:s16] =	ssyncset.done $0x0  }
0xc5: {  	[sflag:s16] =	ssyncadd.s32 $0xFFFFF800  }
0xc6: {  	_ =	swait.ge [sflag:s16], $0x800  }
0xc7: {  	[sflag:s16] =	ssyncset.done $0x0  }
0xc8: {  	[sflag:s16] =	ssyncadd.s32 $0xFFFFF800  }
.Ltmp0:
0xc9: {  	_ =	swait.ge [sflag:s16], $0x800;
	(pc) =	sbr.rel @p0 .LBB2_3-.Ltmp0, $4  }
0xca: {  	[sflag:s16] =	ssyncset.done $0x0  }
0xcb: {  	[sflag:s16] =	ssyncadd.s32 $0xFFFFF800  }
0xcc: {  	_ =	swait.ge [sflag:s16], $0x800  }
0xcd: {  	s30 =	smov.u32 s0;
	s22 =	sshra.s32 s31, $0x2;
	[sflag:s16] =	ssyncset.done $0x0  }
0xce: {  	s0 =	sadd.s32 $0x200, s22;
	[sflag:s16] =	ssyncadd.s32 $0xFFFFF800  }
0xcf: {  	[tilespmem:s24], [sflag:$0x1] =	stream.indirect.gather [hbm4b:s4+s17], $0x10, s0, s17, $0xb8;
	[tilespmem:$0x1F800] =	vst v63  }
0xd0: {  	s2 =	sadd.s32 $0x280, s22  }
0xd1: {  	[tilespmem:s26], [sflag:$0x1] =	stream.indirect.gather [hbm4b:s4+s17], $0x10, s2, s17, $0xb8;
	[tilespmem:$0x1F800] =	vst v63  }
0xd2: {  	s30 =	sadd.s32 $0x300, s22  }
0xd3: {  	[tilespmem:s28], [sflag:$0x1] =	stream.indirect.gather [hbm4b:s4+s17], $0x10, s30, s17, $0xb8;
	[tilespmem:$0x1F800] =	vst v63  }
0xd4: {  	s31 =	sadd.s32 $0x380, s22  }
0xd5: {  	[tilespmem:s29], [sflag:$0x1] =	stream.indirect.gather [hbm4b:s4+s17], $0x10, s31, s17, $0xb8;
	[tilespmem:$0x1F800] =	vst v63  }
0xd6: {  	s2 =	sadd.s32 $0x1400, s22  }
0xd7: {  	[spmem:s1] =	stream.indirect.scatter.add.f32 [tilespmem:s18], [sflag:$0x2], $0x10, s2, s17, $0xb8;
	[tilespmem:$0x1F800] =	vst v63  }
0xd8: {  	_ =	swait.ge [sflag:s14], $0x800  }
0xd9: {  	[sflag:s14] =	ssyncset.done $0x0  }
0xda: {  	s30 =	sadd.s32 $0x1480, s22;
	[sflag:s14] =	ssyncadd.s32 $0xFFFFF800  }
0xdb: {  	[spmem:s1] =	stream.indirect.scatter.add.f32 [tilespmem:s19], [sflag:$0x2], $0x10, s30, s17, $0xb8;
	[tilespmem:$0x1F800] =	vst v63  }
0xdc: {  	_ =	swait.ge [sflag:s14], $0x800  }
0xdd: {  	[sflag:s14] =	ssyncset.done $0x0  }
0xde: {  	s31 =	sadd.s32 $0x1500, s22;
	[sflag:s14] =	ssyncadd.s32 $0xFFFFF800  }
0xdf: {  	[spmem:s1] =	stream.indirect.scatter.add.f32 [tilespmem:s21], [sflag:$0x2], $0x10, s31, s17, $0xb8;
	[tilespmem:$0x1F800] =	vst v63  }
0xe0: {  	_ =	swait.ge [sflag:s14], $0x800  }
0xe1: {  	[sflag:s14] =	ssyncset.done $0x0  }
0xe2: {  	s2 =	sadd.s32 $0x1580, s22;
	[sflag:s14] =	ssyncadd.s32 $0xFFFFF800  }
0xe3: {  	[spmem:s1] =	stream.indirect.scatter.add.f32 [tilespmem:s23], [sflag:$0x2], $0x10, s2, s17, $0xb8;
	[tilespmem:$0x1F800] =	vst v63  }
0xe4: {  	_ =	swait.ge [sflag:s14], $0x800  }
0xe5: {  	[sflag:s14] =	ssyncset.done $0x0  }
0xe6: {  	[sflag:s14] =	ssyncadd.s32 $0xFFFFF800  }
0xe7: {  	_ =	swait.ge [sflag:s16], $0x800  }
0xe8: {  	[sflag:s16] =	ssyncset.done $0x0  }
0xe9: {  	[sflag:s16] =	ssyncadd.s32 $0xFFFFF800  }
0xea: {  	_ =	swait.ge [sflag:s16], $0x800  }
0xeb: {  	[sflag:s16] =	ssyncset.done $0x0  }
0xec: {  	[sflag:s16] =	ssyncadd.s32 $0xFFFFF800  }
0xed: {  	_ =	swait.ge [sflag:s16], $0x800  }
0xee: {  	[sflag:s16] =	ssyncset.done $0x0  }
0xef: {  	[sflag:s16] =	ssyncadd.s32 $0xFFFFF800  }
0xf0: {  	_ =	swait.ge [sflag:s16], $0x800  }
0xf1: {  	[sflag:s16] =	ssyncset.done $0x0  }
0xf2: {  	s30 =	sadd.s32 $0x400, s22;
	[sflag:s16] =	ssyncadd.s32 $0xFFFFF800  }
0xf3: {  	[tilespmem:s18], [sflag:$0x1] =	stream.indirect.gather [hbm4b:s4+s17], $0x10, s30, s17, $0xb8;
	[tilespmem:$0x1F800] =	vst v63  }
0xf4: {  	s31 =	sadd.s32 $0x480, s22  }
0xf5: {  	[tilespmem:s19], [sflag:$0x1] =	stream.indirect.gather [hbm4b:s4+s17], $0x10, s31, s17, $0xb8;
	[tilespmem:$0x1F800] =	vst v63  }
0xf6: {  	s2 =	sadd.s32 $0x500, s22  }
0xf7: {  	[tilespmem:s21], [sflag:$0x1] =	stream.indirect.gather [hbm4b:s4+s17], $0x10, s2, s17, $0xb8;
	[tilespmem:$0x1F800] =	vst v63  }
0xf8: {  	s30 =	sadd.s32 $0x580, s22  }
0xf9: {  	[tilespmem:s23], [sflag:$0x1] =	stream.indirect.gather [hbm4b:s4+s17], $0x10, s30, s17, $0xb8;
	[tilespmem:$0x1F800] =	vst v63  }
0xfa: {  	s31 =	sadd.s32 $0x1600, s22  }
0xfb: {  	[spmem:s1] =	stream.indirect.scatter.add.f32 [tilespmem:s24], [sflag:$0x2], $0x10, s31, s17, $0xb8;
	[tilespmem:$0x1F800] =	vst v63  }
0xfc: {  	_ =	swait.ge [sflag:s14], $0x800  }
0xfd: {  	[sflag:s14] =	ssyncset.done $0x0  }
0xfe: {  	s2 =	sadd.s32 $0x1680, s22;
	[sflag:s14] =	ssyncadd.s32 $0xFFFFF800  }
0xff: {  	[spmem:s1] =	stream.indirect.scatter.add.f32 [tilespmem:s26], [sflag:$0x2], $0x10, s2, s17, $0xb8;
	[tilespmem:$0x1F800] =	vst v63  }
0x100: {  	_ =	swait.ge [sflag:s14], $0x800  }
0x101: {  	[sflag:s14] =	ssyncset.done $0x0  }
0x102: {  	s30 =	sadd.s32 $0x1700, s22;
	[sflag:s14] =	ssyncadd.s32 $0xFFFFF800  }
0x103: {  	[spmem:s1] =	stream.indirect.scatter.add.f32 [tilespmem:s28], [sflag:$0x2], $0x10, s30, s17, $0xb8;
	[tilespmem:$0x1F800] =	vst v63  }
0x104: {  	_ =	swait.ge [sflag:s14], $0x800  }
0x105: {  	[sflag:s14] =	ssyncset.done $0x0  }
0x106: {  	s31 =	sadd.s32 $0x1780, s22;
	[sflag:s14] =	ssyncadd.s32 $0xFFFFF800  }
0x107: {  	[spmem:s1] =	stream.indirect.scatter.add.f32 [tilespmem:s29], [sflag:$0x2], $0x10, s31, s17, $0xb8;
	[tilespmem:$0x1F800] =	vst v63  }
0x108: {  	_ =	swait.ge [sflag:s14], $0x800  }
0x109: {  	[sflag:s14] =	ssyncset.done $0x0  }
0x10a: {  	[sflag:s14] =	ssyncadd.s32 $0xFFFFF800  }
0x10b: {  	_ =	swait.ge [sflag:s16], $0x800  }
0x10c: {  	[sflag:s16] =	ssyncset.done $0x0  }
0x10d: {  	[sflag:s16] =	ssyncadd.s32 $0xFFFFF800  }
0x10e: {  	_ =	swait.ge [sflag:s16], $0x800  }
0x10f: {  	[sflag:s16] =	ssyncset.done $0x0  }
0x110: {  	[sflag:s16] =	ssyncadd.s32 $0xFFFFF800  }
0x111: {  	_ =	swait.ge [sflag:s16], $0x800  }
0x112: {  	[sflag:s16] =	ssyncset.done $0x0  }
0x113: {  	[sflag:s16] =	ssyncadd.s32 $0xFFFFF800  }
0x114: {  	_ =	swait.ge [sflag:s16], $0x800  }
0x115: {  	[sflag:s16] =	ssyncset.done $0x0  }
0x116: {  	s2 =	simm.s32 $0x1200;
	[sflag:s16] =	ssyncadd.s32 $0xFFFFF800  }
0x117: {  	[tilespmem:s24], [sflag:$0x1] =	stream.indirect.gather [hbm4b:s4+s17], $0x10, s2, s17, $0xb8;
	[tilespmem:$0x1F800] =	vst v63  }
0x118: {  	s22 =	simm.s32 $0x1280  }
0x119: {  	[tilespmem:s26], [sflag:$0x1] =	stream.indirect.gather [hbm4b:s4+s17], $0x10, s22, s17, $0xb8;
	[tilespmem:$0x1F800] =	vst v63  }
0x11a: {  	s30 =	simm.s32 $0x1300  }
0x11b: {  	[tilespmem:s28], [sflag:$0x1] =	stream.indirect.gather [hbm4b:s4+s17], $0x10, s30, s17, $0xb8;
	[tilespmem:$0x1F800] =	vst v63  }
0x11c: {  	s31 =	simm.s32 $0x1380  }
0x11d: {  	[tilespmem:s29], [sflag:$0x1] =	stream.indirect.gather [hbm4b:s4+s17], $0x10, s31, s17, $0xb8;
	[tilespmem:$0x1F800] =	vst v63  }
0x11e: {  	_ = 	snop  }
0x11f: {  	[spmem:s1] =	stream.indirect.scatter.add.f32 [tilespmem:s18], [sflag:$0x2], $0x10, s7, s17, $0xb8;
	[tilespmem:$0x1F800] =	vst v63  }
0x120: {  	_ =	swait.ge [sflag:s14], $0x800  }
0x121: {  	[sflag:s14] =	ssyncset.done $0x0  }
0x122: {  	[sflag:s14] =	ssyncadd.s32 $0xFFFFF800  }
0x123: {  	[spmem:s1] =	stream.indirect.scatter.add.f32 [tilespmem:s19], [sflag:$0x2], $0x10, s11, s17, $0xb8;
	[tilespmem:$0x1F800] =	vst v63  }
0x124: {  	_ =	swait.ge [sflag:s14], $0x800  }
0x125: {  	[sflag:s14] =	ssyncset.done $0x0  }
0x126: {  	[sflag:s14] =	ssyncadd.s32 $0xFFFFF800  }
0x127: {  	[spmem:s1] =	stream.indirect.scatter.add.f32 [tilespmem:s21], [sflag:$0x2], $0x10, s12, s17, $0xb8;
	[tilespmem:$0x1F800] =	vst v63  }
0x128: {  	_ =	swait.ge [sflag:s14], $0x800  }
0x129: {  	[sflag:s14] =	ssyncset.done $0x0  }
0x12a: {  	[sflag:s14] =	ssyncadd.s32 $0xFFFFF800  }
0x12b: {  	[spmem:s1] =	stream.indirect.scatter.add.f32 [tilespmem:s23], [sflag:$0x2], $0x10, s13, s17, $0xb8;
	[tilespmem:$0x1F800] =	vst v63  }
0x12c: {  	_ =	swait.ge [sflag:s14], $0x800  }
0x12d: {  	[sflag:s14] =	ssyncset.done $0x0  }
0x12e: {  	[sflag:s14] =	ssyncadd.s32 $0xFFFFF800  }
0x12f: {  	_ =	swait.ge [sflag:s16], $0x800  }
0x130: {  	[sflag:s16] =	ssyncset.done $0x0  }
0x131: {  	[sflag:s16] =	ssyncadd.s32 $0xFFFFF800  }
0x132: {  	_ =	swait.ge [sflag:s16], $0x800  }
0x133: {  	[sflag:s16] =	ssyncset.done $0x0  }
0x134: {  	[sflag:s16] =	ssyncadd.s32 $0xFFFFF800  }
0x135: {  	_ =	swait.ge [sflag:s16], $0x800  }
0x136: {  	[sflag:s16] =	ssyncset.done $0x0  }
0x137: {  	[sflag:s16] =	ssyncadd.s32 $0xFFFFF800  }
0x138: {  	_ =	swait.ge [sflag:s16], $0x800  }
0x139: {  	[sflag:s16] =	ssyncset.done $0x0  }
0x13a: {  	[sflag:s16] =	ssyncadd.s32 $0xFFFFF800  }
0x13b: {  	[spmem:s1] =	stream.indirect.scatter.add.f32 [tilespmem:s24], [sflag:$0x2], $0x10, s25, s17, $0xb8;
	[tilespmem:$0x1F800] =	vst v63  }
0x13c: {  	_ =	swait.ge [sflag:s14], $0x800  }
0x13d: {  	[sflag:s14] =	ssyncset.done $0x0  }
0x13e: {  	[sflag:s14] =	ssyncadd.s32 $0xFFFFF800  }
0x13f: {  	[spmem:s1] =	stream.indirect.scatter.add.f32 [tilespmem:s26], [sflag:$0x2], $0x10, s8, s17, $0xb8;
	[tilespmem:$0x1F800] =	vst v63  }
0x140: {  	_ =	swait.ge [sflag:s14], $0x800  }
0x141: {  	[sflag:s14] =	ssyncset.done $0x0  }
0x142: {  	[sflag:s14] =	ssyncadd.s32 $0xFFFFF800  }
0x143: {  	[spmem:s1] =	stream.indirect.scatter.add.f32 [tilespmem:s28], [sflag:$0x2], $0x10, s3, s17, $0xb8;
	[tilespmem:$0x1F800] =	vst v63  }
0x144: {  	s20 =	sadd.s32 $0x1, s20;
	_ =	swait.ge [sflag:s14], $0x800  }
0x145: {  	p0 =	sne.s32 s20, $0x14;
	[sflag:s14] =	ssyncset.done $0x0  }
.Ltmp1:
0x146: {  	[sflag:s14] =	ssyncadd.s32 $0xFFFFF800;
	(pc) =	sbr.rel @p0 .LBB2_2-.Ltmp1, $4  }
0x147: {  	[spmem:s1] =	stream.indirect.scatter.add.f32 [tilespmem:s29], [sflag:$0x2], $0x10, s15, s17, $0xb8;
	[tilespmem:$0x1F800] =	vst v63  }
0x148: {  	_ =	swait.ge [sflag:s14], $0x800  }
0x149: {  	[sflag:s14] =	ssyncset.done $0x0  }
0x14a: {  	[sflag:s14] =	ssyncadd.s32 $0xFFFFF800  }
0x14b: {  	[bflag:$0x0] =	sbarrier.arrive $0xFFFF  }
0x14c: {  	s22 =	rddreg [dreg:$0x5]  }
0x14d: {  	s0 =	rddreg [dreg:$0x6]  }
0x14e: {  	s2 =	rddreg [dreg:$0x9]  }
0x14f: {  	[hbm:s0], [sflag:s22] =	dma.local [spmem:s2], $0x30E0  }
0x150: {  	_ =	swait.ge [sflag:s14], $0x30E0  }
0x151: {  	s20 =	rddreg [dreg:$0x3]  }
0x152: {  	s31 =	rddreg [dreg:$0x7];
	s20 =	sadd.s32 $0x1, s20  }
0x153: {  	p0 =	sne.s32 s20, s31  }
.Ltmp2:
0x154: {  	_ = 	snop;
	(pc) =	sbr.rel @p0 .LBB2_1-.Ltmp2, $3  }
0x155: {  	_ =	sdelay $0x1  }
0x156: {  	[sflag:s14] =	ssyncset.done $0x0  }
0x157: {  	[sflag:s14] =	ssyncadd.s32 $0xFFFFCF20  }
0x158: {  	_ =	sfence.sel $0x180000  }
0x159: {  	[bflag:$0x0] =	sbarrier.arrive $0xFFFF  }
0x15a: {  	_ =	strace $0x90000047  }
0x15b: {  	s0 =	stileid.u32;
	[bflag:$0x2] =	sbarrier.arrive $0xFFFF  }
0x15c: {  	p0 =	sne.s32 s0, $0x0;
	s0 =	rddreg [dreg:$0x2]  }
0x15d: {  	s0 =	sadd.s32 @!p0 $0x100000, s0  }
0x15e: {  	[sflag:s0] =	ssyncadd.tile.s32 @!p0 $0x1;
	_ =	shalt  }
.Lfunc_end2:
_tile_overlayer_lowered:
.L_overlay_start_2:
0x15f: {  	(tag) =	ssettag $0x2  }
0x160: {  	s0 =	rddreg [dreg:$0x0];
	s2 =	stileid.u32  }
0x161: {  	s1 =	rddreg [dreg:$0x1];
	p0 =	sne.s32 s2, $0x0  }
0x162: {  	s3 =	rddreg [dreg:$0x2];
	[bflag:$0x3] =	sbarrier.arrive $0xFFFF;
	s2 =	simm.s32 @!p0 $0x1C02  }
0x163: {  	[timem:s3], [sflag:s2] =	dma.local @!p0 [hbm:s0], s1  }
0x164: {  	s0 =	simm.s32 @!p0 $0x2  }
0x165: {  	_ =	swait.ge @!p0 [sflag:s0], s1  }
0x166: {  	s1 =	ssub.s32 @!p0 $0x0, s1;
	[sflag:s0] =	ssyncset.done @!p0 $0x0  }
0x167: {  	[sflag:s0] =	ssyncadd.s32 @!p0 s1  }
0x168: {  	[bflag:$0x3] =	sbarrier.arrive $0xFFFF  }
0x169: {  	_ =	shalt  }

</sc_bundles>
